<compile_context>
chip_gen: v7x
topology: tpu7x:2x2x1
jax: 0.10.2.dev20260603
libtpu: 0.0.44.dev20260713+nightly
codegen_flags: <defaults>
</compile_context>

<pallas_src>
import functools

import jax
import jax.numpy as jnp
import numpy as np
from jax import lax
from jax.experimental import pallas as pl
from jax.experimental.pallas import tpu as pltpu
from jax.experimental.pallas import tpu_sc as plsc

ROWS = 128
VOCAB = 100000
CHUNK = 128
NCHUNK = 782
VPAD = NCHUNK * CHUNK
CMPAD = 896
RB = 8
NB = ROWS // RB
KTOP = 50
CIDCAP = 128
CIDMAX = CIDCAP - 16
W = 256
WBUF = W + 16
RPW = 4
TEMP = np.float32(0.8)
TINY = np.float32(np.finfo(np.float32).tiny)
NEGBIG = np.float32(-3e38)
PADV = np.float32(-1e30)


def _cm_kernel(x_ref, cm_ref):
    x = x_ref[...]
    pad = jnp.full((RB, VPAD - VOCAB), NEGBIG, jnp.float32)
    sp = jnp.concatenate([x, pad], axis=1)
    cm = jnp.max(sp.reshape(RB, NCHUNK, CHUNK), axis=2)
    cm_ref[...] = jnp.concatenate(
        [cm, jnp.full((RB, CMPAD - NCHUNK), NEGBIG, jnp.float32)], axis=1)


def _monotone_u32(x):
    bits = lax.bitcast_convert_type(x, jnp.uint32)
    ival = lax.bitcast_convert_type(x, jnp.int32)
    sign = lax.bitcast_convert_type(ival >> np.int32(31), jnp.uint32)
    return bits ^ (sign | np.uint32(0x80000000))


def _kth_largest(x, k):
    u = _monotone_u32(x)
    nrows = x.shape[0]

    def bit_body(t, v):
        c = v + (np.uint32(1) << (np.uint32(31) - t.astype(jnp.uint32)))
        cnt = jnp.sum((u >= c).astype(jnp.int32), axis=1, keepdims=True)
        return jnp.where(cnt >= k, c, v)

    v = lax.fori_loop(0, 32, bit_body, jnp.zeros((nrows, 1), jnp.uint32))
    neg = (v & np.uint32(0x80000000)) == 0
    bits = jnp.where(neg, ~v, v & np.uint32(0x7FFFFFFF))
    return lax.bitcast_convert_type(bits, jnp.float32)


def _sigma_kernel(cm_ref, sig_ref):
    cm = cm_ref[...]
    sig = _kth_largest(cm, KTOP)
    sig = sig - np.float32(4e-7) * jnp.abs(sig) - np.float32(1e-37)
    sig_ref[...] = jnp.broadcast_to(sig, (ROWS, 128))


_SC_MESH = plsc.VectorSubcoreMesh(core_axis_name="c", subcore_axis_name="s")


@functools.partial(
    pl.kernel,
    mesh=_SC_MESH,
    compiler_params=pltpu.CompilerParams(needs_layout_passes=False,
                                         use_tc_tiling_on_sc=False),
    out_type=[jax.ShapeDtypeStruct((ROWS, W), jnp.float32),
              jax.ShapeDtypeStruct((ROWS, W), jnp.int32)],
    scratch_types=[pltpu.VMEM((VPAD,), jnp.float32),
                   pltpu.VMEM((CMPAD,), jnp.float32),
                   pltpu.VMEM((16,), jnp.float32),
                   pltpu.VMEM((CIDCAP,), jnp.int32),
                   pltpu.VMEM((WBUF,), jnp.float32),
                   pltpu.VMEM((WBUF,), jnp.int32),
                   pltpu.SemaphoreType.DMA],
)
def _sc_compact(x_hbm, cm_hbm, sig_hbm, cval_hbm, cidx_hbm,
                rowbuf, cmv, sigv, cidv, cval, cidx, sem):
    nc = lax.axis_index("c")
    ns = lax.axis_index("s")
    wid = ns * 2 + nc
    lanes = lax.iota(jnp.int32, 16)
    zeros16i = jnp.zeros((16,), jnp.int32)
    padv16 = jnp.full((16,), PADV, jnp.float32)
    negbig16 = jnp.full((16,), NEGBIG, jnp.float32)

    for rr in range(RPW):
        r = wid * RPW + rr
        row_dma = pltpu.async_copy(x_hbm.at[r], rowbuf.at[pl.ds(0, VOCAB)],
                                   sem)
        pltpu.sync_copy(sig_hbm.at[r], sigv)
        pltpu.sync_copy(cm_hbm.at[r], cmv)
        sig = sigv[...]

        for t in range((VPAD - VOCAB) // 16):
            rowbuf[pl.ds(VOCAB + t * 16, 16)] = negbig16

        def clr(i, carry):
            cval[pl.ds(i * 16, 16)] = padv16
            cidx[pl.ds(i * 16, 16)] = zeros16i
            return carry
        lax.fori_loop(0, WBUF // 16, clr, 0)

        def body1(i, pos):
            v = cmv[pl.ds(i * 16, 16)]
            m = v >= sig
            cnt = jnp.sum(m.astype(jnp.int32))
            p = jnp.minimum(pos, CIDMAX)
            plsc.store_compressed(cidv.at[pl.ds(p, 16)], i * 16 + lanes,
                                  mask=m)
            return pos + cnt

        n_chunks = lax.fori_loop(0, CMPAD // 16, body1, 0)
        n_chunks = jnp.minimum(n_chunks, CIDMAX)

        row_dma.wait()

        def body2(j, pos):
            cid = plsc.load_gather(cidv, [zeros16i + j])
            colbase = cid * CHUNK
            for s in range(8):
                idx16 = colbase + s * 16 + lanes
                v = plsc.load_gather(rowbuf, [idx16])
                m = v >= sig
                cnt = jnp.sum(m.astype(jnp.int32))
                p = jnp.minimum(pos, W)
                plsc.store_compressed(cval.at[pl.ds(p, 16)], v, mask=m)
                plsc.store_compressed(cidx.at[pl.ds(p, 16)], idx16, mask=m)
                pos = pos + cnt
            return pos

        lax.fori_loop(0, n_chunks, body2, 0)

        pltpu.sync_copy(cval.at[pl.ds(0, W)], cval_hbm.at[r])
        pltpu.sync_copy(cidx.at[pl.ds(0, W)], cidx_hbm.at[r])


def _rotl(v, r):
    return (v << np.uint32(r)) | (v >> np.uint32(32 - r))


def _threefry_bits(flat_u32):
    k1 = np.uint32(0)
    k2 = np.uint32(42)
    ks = (k1, k2, k1 ^ k2 ^ np.uint32(0x1BD11BDA))
    rots = ((13, 15, 26, 6), (17, 29, 16, 24))
    x0 = jnp.zeros_like(flat_u32) + ks[0]
    x1 = flat_u32 + ks[1]
    for g in range(5):
        for rot in rots[g % 2]:
            x0 = x0 + x1
            x1 = _rotl(x1, rot)
            x1 = x0 ^ x1
        x0 = x0 + ks[(g + 1) % 3]
        x1 = x1 + ks[(g + 2) % 3] + np.uint32(g + 1)
    return x0 ^ x1


def _select_kernel(cval_ref, cidx_ref, tauraw_ref, m_ref, inv_ref, tok_ref):
    raw = cval_ref[...]
    vals = raw / TEMP
    cols = cidx_ref[...]
    M = jnp.max(vals, axis=1, keepdims=True)
    tau = _kth_largest(vals, KTOP)
    kept = vals >= tau
    denom = jnp.sum(jnp.where(kept, jnp.exp(vals - M), np.float32(0.0)),
                    axis=1, keepdims=True)
    tau_raw = jnp.min(jnp.where(kept, raw, np.float32(3e38)),
                      axis=1, keepdims=True)
    tauraw_ref[...] = jnp.broadcast_to(tau_raw, (ROWS, 128))
    m_ref[...] = jnp.broadcast_to(M, (ROWS, 128))
    inv_ref[...] = jnp.broadcast_to(np.float32(1.0) / denom, (ROWS, 128))

    row = jax.lax.broadcasted_iota(jnp.int32, (ROWS, W), 0)
    flat = row * VOCAB + cols
    bits = _threefry_bits(lax.bitcast_convert_type(flat, jnp.uint32))
    float_bits = (bits >> np.uint32(9)) | np.uint32(0x3F800000)
    floats = lax.bitcast_convert_type(float_bits, jnp.float32) - 1.0
    u = jnp.maximum(TINY, floats * (np.float32(1.0) - TINY) + TINY)
    g = -jnp.log(-jnp.log(u))
    z = jnp.where(kept, vals + g, NEGBIG)
    zmax = jnp.max(z, axis=1, keepdims=True)
    idx = jnp.min(jnp.where(z == zmax, cols, np.int32(2**31 - 1)),
                  axis=1, keepdims=True)
    tok_ref[...] = jnp.broadcast_to(idx, (ROWS, 128))


def _probs_kernel(x_ref, tauraw_ref, m_ref, inv_ref, probs_ref):
    x = x_ref[...]
    tau_raw = tauraw_ref[:, 0:1]
    M = m_ref[:, 0:1]
    inv = inv_ref[:, 0:1]
    probs_ref[...] = jnp.where(x >= tau_raw,
                               jnp.exp(x * np.float32(1.25) - M) * inv,
                               np.float32(0.0))


def kernel(logits, top_k):
    del top_k

    cm = pl.pallas_call(
        _cm_kernel,
        grid=(NB,),
        in_specs=[pl.BlockSpec((RB, VOCAB), lambda i: (i, 0))],
        out_specs=pl.BlockSpec((RB, CMPAD), lambda i: (i, 0)),
        out_shape=jax.ShapeDtypeStruct((ROWS, CMPAD), jnp.float32),
    )(logits)

    sig = pl.pallas_call(
        _sigma_kernel,
        out_shape=jax.ShapeDtypeStruct((ROWS, 128), jnp.float32),
    )(cm)

    cval, cidx = _sc_compact(logits, cm, sig[:, :16])

    tau_raw, m, inv, tok = pl.pallas_call(
        _select_kernel,
        out_shape=[jax.ShapeDtypeStruct((ROWS, 128), jnp.float32)] * 3
        + [jax.ShapeDtypeStruct((ROWS, 128), jnp.int32)],
    )(cval, cidx)

    probs = pl.pallas_call(
        _probs_kernel,
        grid=(NB,),
        in_specs=[pl.BlockSpec((RB, VOCAB), lambda i: (i, 0))]
        + [pl.BlockSpec((RB, 128), lambda i: (i, 0))] * 3,
        out_specs=pl.BlockSpec((RB, VOCAB), lambda i: (i, 0)),
        out_shape=jax.ShapeDtypeStruct((ROWS, VOCAB), jnp.float32),
    )(logits, tau_raw, m, inv)

    return probs, tok[:, 0]

# --- scband reference (transcript-rebuilt; emitter-appended) ---
"""Pipeline reference for scband-standard-generator-31104153158237 (READ-ONLY COPY).

The authoritative reference and input builder live on the scoring server;
editing this copy changes nothing except your own understanding.
"""

import jax, jax.numpy as jnp
import numpy as np

TEMPERATURE = 0.8

def setup_inputs(seed: int = 0) -> dict:
    key = jax.random.key(seed)
    logits = jax.random.normal(key, (128, 100000), dtype=jnp.float32)
    return {"logits": logits, "top_k": 50}


def reference(logits, top_k):
    # Faithful translation of the per-step sampling math in StandardGenerator.generate:
    #   logits = logits / temperature
    #   v, _ = torch.topk(logits, min(top_k, vocab)); logits[logits < v[:, [-1]]] = -inf
    #   probs = softmax(logits); idx_next = multinomial(probs, 1)
    scaled = logits / TEMPERATURE
    k = min(50, scaled.shape[-1])
    v, _ = jax.lax.top_k(scaled, k)
    thresh = jax.lax.dynamic_slice_in_dim(v, top_k - 1, 1, axis=1)
    # use a large negative constant instead of -inf (numerically equivalent after softmax)
    masked = jnp.where(scaled < thresh, jnp.float32(-1e9), scaled)
    probs = jax.nn.softmax(masked, axis=-1)
    # torch.multinomial(probs, 1) -> categorical sample with a fixed key for determinism
    next_token = jax.random.categorical(jax.random.key(42), masked, axis=-1)
    return probs, next_token

if __name__ == "__main__":
    import jax
    _d = setup_inputs()
    print(jax.jit(kernel)(*tuple(_d.values())))

</pallas_src>

<mosaic_0001>
#map = affine_map<(d0, d1) -> (0, 0)>
module attributes {stable_mosaic.version = 14 : i64} {
  func.func @_sc_compact(%arg0: i32, %arg1: i32, %arg2: memref<128x100000xf32, #tpu.memory_space<hbm>>, %arg3: memref<128x896xf32, #tpu.memory_space<hbm>>, %arg4: memref<128x16xf32, #tpu.memory_space<hbm>>, %arg5: memref<128x256xf32, #tpu.memory_space<hbm>>, %arg6: memref<128x256xi32, #tpu.memory_space<hbm>>, %arg7: memref<100096xf32, #tpu.memory_space<vmem>>, %arg8: memref<896xf32, #tpu.memory_space<vmem>>, %arg9: memref<16xf32, #tpu.memory_space<vmem>>, %arg10: memref<128xi32, #tpu.memory_space<vmem>>, %arg11: memref<272xf32, #tpu.memory_space<vmem>>, %arg12: memref<272xi32, #tpu.memory_space<vmem>>, %arg13: memref<!tpu.dma_semaphore, #tpu.memory_space<semaphore_mem>>) attributes {dimension_semantics = [#tpu.dimension_semantics<core_parallel>, #tpu.dimension_semantics<subcore_parallel>], iteration_bounds = array<i64: 2, 16>, scalar_prefetch = 0 : i64, scratch_operands = 7 : i64, tpu.core_type = #tpu.core_type<sc_vector_subcore>, window_params = [{transform_indices = #map}, {transform_indices = #map}, {transform_indices = #map}, {transform_indices = #map}, {transform_indices = #map}]} {
    %mul3A = arith.constant 2 : i32
    %mul3A_0 = arith.muli %arg1, %mul3A : i32
    %add3A = arith.addi %mul3A_0, %arg0 : i32
    %iota3A = tpu.iota {dimensions = array<i32: 0>} : vector<16xi32>
    %broadcast_in_dim3A = arith.constant 0 : i32
    %broadcast_in_dim3A_1 = vector.broadcast %broadcast_in_dim3A : i32 to vector<16xi32>
    %broadcast_in_dim3A_2 = arith.constant -1.000000e+30 : f32
    %broadcast_in_dim3A_3 = vector.broadcast %broadcast_in_dim3A_2 : f32 to vector<16xf32>
    %broadcast_in_dim3A_4 = arith.constant -3.000000e+38 : f32
    %broadcast_in_dim3A_5 = vector.broadcast %broadcast_in_dim3A_4 : f32 to vector<16xf32>
    %mul3A_6 = arith.constant 4 : i32
    %mul3A_7 = arith.muli %add3A, %mul3A_6 : i32
    %add3A_8 = arith.constant 0 : i32
    %add3A_9 = arith.addi %mul3A_7, %add3A_8 : i32
    %dma_start3A = arith.constant 0 : i32
    %dma_start3A_10 = tpu.memref_slice %arg7[%dma_start3A] : memref<100096xf32, #tpu.memory_space<vmem>> -> memref<100000xf32, #tpu.memory_space<vmem>>
    %dma_start3A_11 = arith.constant 0 : i32
    %dma_start3A_12 = tpu.memref_slice %arg2[%add3A_9, %dma_start3A_11] : memref<128x100000xf32, #tpu.memory_space<hbm>> -> memref<1x100000xf32, #tpu.memory_space<hbm>>
    %dma_start3A_13 = tpu.memref_squeeze %dma_start3A_12 : memref<1x100000xf32, #tpu.memory_space<hbm>> -> memref<100000xf32, #tpu.memory_space<hbm>>
    %dma_start3A_14 = arith.constant 0 : i32
    %dma_start3A_15 = tpu.memref_slice %arg7[%dma_start3A_14] : memref<100096xf32, #tpu.memory_space<vmem>> -> memref<100000xf32, #tpu.memory_space<vmem>>
    %dma_start3A_16 = arith.constant 0 : i32
    %dma_start3A_17 = tpu.memref_slice %arg2[%add3A_9, %dma_start3A_16] : memref<128x100000xf32, #tpu.memory_space<hbm>> -> memref<1x100000xf32, #tpu.memory_space<hbm>>
    %dma_start3A_18 = tpu.memref_squeeze %dma_start3A_17 : memref<1x100000xf32, #tpu.memory_space<hbm>> -> memref<100000xf32, #tpu.memory_space<hbm>>
    tpu.enqueue_dma source(%dma_start3A_18 : memref<100000xf32, #tpu.memory_space<hbm>>) target(%dma_start3A_15 : memref<100000xf32, #tpu.memory_space<vmem>>) target_semaphore(%arg13 : memref<!tpu.dma_semaphore, #tpu.memory_space<semaphore_mem>>)
    "tpu.region"() ({
      %run_scoped3A = tpu.sem_alloc : memref<!tpu.dma_semaphore, #tpu.memory_space<semaphore_mem>>
      %dma_start3A_259 = arith.constant 0 : i32
      %dma_start3A_260 = tpu.memref_slice %arg4[%add3A_9, %dma_start3A_259] : memref<128x16xf32, #tpu.memory_space<hbm>> -> memref<1x16xf32, #tpu.memory_space<hbm>>
      %dma_start3A_261 = tpu.memref_squeeze %dma_start3A_260 : memref<1x16xf32, #tpu.memory_space<hbm>> -> memref<16xf32, #tpu.memory_space<hbm>>
      %dma_start3A_262 = arith.constant 0 : i32
      %dma_start3A_263 = tpu.memref_slice %arg4[%add3A_9, %dma_start3A_262] : memref<128x16xf32, #tpu.memory_space<hbm>> -> memref<1x16xf32, #tpu.memory_space<hbm>>
      %dma_start3A_264 = tpu.memref_squeeze %dma_start3A_263 : memref<1x16xf32, #tpu.memory_space<hbm>> -> memref<16xf32, #tpu.memory_space<hbm>>
      tpu.enqueue_dma source(%dma_start3A_264 : memref<16xf32, #tpu.memory_space<hbm>>) target(%arg9 : memref<16xf32, #tpu.memory_space<vmem>>) target_semaphore(%run_scoped3A : memref<!tpu.dma_semaphore, #tpu.memory_space<semaphore_mem>>)
      %dma_wait3A_265 = arith.constant 0 : i32
      %dma_wait3A_266 = tpu.memref_slice %arg4[%add3A_9, %dma_wait3A_265] : memref<128x16xf32, #tpu.memory_space<hbm>> -> memref<1x16xf32, #tpu.memory_space<hbm>>
      %dma_wait3A_267 = tpu.memref_squeeze %dma_wait3A_266 : memref<1x16xf32, #tpu.memory_space<hbm>> -> memref<16xf32, #tpu.memory_space<hbm>>
      %dma_wait3A_268 = arith.constant 0 : i32
      %dma_wait3A_269 = tpu.memref_slice %arg4[%add3A_9, %dma_wait3A_268] : memref<128x16xf32, #tpu.memory_space<hbm>> -> memref<1x16xf32, #tpu.memory_space<hbm>>
      %dma_wait3A_270 = tpu.memref_squeeze %dma_wait3A_269 : memref<1x16xf32, #tpu.memory_space<hbm>> -> memref<16xf32, #tpu.memory_space<hbm>>
      tpu.wait_dma2 semaphore(%run_scoped3A : memref<!tpu.dma_semaphore, #tpu.memory_space<semaphore_mem>>) src(%dma_wait3A_270 : memref<16xf32, #tpu.memory_space<hbm>>) dst(%arg9 : memref<16xf32, #tpu.memory_space<vmem>>)
      tpu.yield
    }) : () -> ()
    "tpu.region"() ({
      %run_scoped3A = tpu.sem_alloc : memref<!tpu.dma_semaphore, #tpu.memory_space<semaphore_mem>>
      %dma_start3A_259 = arith.constant 0 : i32
      %dma_start3A_260 = tpu.memref_slice %arg3[%add3A_9, %dma_start3A_259] : memref<128x896xf32, #tpu.memory_space<hbm>> -> memref<1x896xf32, #tpu.memory_space<hbm>>
      %dma_start3A_261 = tpu.memref_squeeze %dma_start3A_260 : memref<1x896xf32, #tpu.memory_space<hbm>> -> memref<896xf32, #tpu.memory_space<hbm>>
      %dma_start3A_262 = arith.constant 0 : i32
      %dma_start3A_263 = tpu.memref_slice %arg3[%add3A_9, %dma_start3A_262] : memref<128x896xf32, #tpu.memory_space<hbm>> -> memref<1x896xf32, #tpu.memory_space<hbm>>
      %dma_start3A_264 = tpu.memref_squeeze %dma_start3A_263 : memref<1x896xf32, #tpu.memory_space<hbm>> -> memref<896xf32, #tpu.memory_space<hbm>>
      tpu.enqueue_dma source(%dma_start3A_264 : memref<896xf32, #tpu.memory_space<hbm>>) target(%arg8 : memref<896xf32, #tpu.memory_space<vmem>>) target_semaphore(%run_scoped3A : memref<!tpu.dma_semaphore, #tpu.memory_space<semaphore_mem>>)
      %dma_wait3A_265 = arith.constant 0 : i32
      %dma_wait3A_266 = tpu.memref_slice %arg3[%add3A_9, %dma_wait3A_265] : memref<128x896xf32, #tpu.memory_space<hbm>> -> memref<1x896xf32, #tpu.memory_space<hbm>>
      %dma_wait3A_267 = tpu.memref_squeeze %dma_wait3A_266 : memref<1x896xf32, #tpu.memory_space<hbm>> -> memref<896xf32, #tpu.memory_space<hbm>>
      %dma_wait3A_268 = arith.constant 0 : i32
      %dma_wait3A_269 = tpu.memref_slice %arg3[%add3A_9, %dma_wait3A_268] : memref<128x896xf32, #tpu.memory_space<hbm>> -> memref<1x896xf32, #tpu.memory_space<hbm>>
      %dma_wait3A_270 = tpu.memref_squeeze %dma_wait3A_269 : memref<1x896xf32, #tpu.memory_space<hbm>> -> memref<896xf32, #tpu.memory_space<hbm>>
      tpu.wait_dma2 semaphore(%run_scoped3A : memref<!tpu.dma_semaphore, #tpu.memory_space<semaphore_mem>>) src(%dma_wait3A_270 : memref<896xf32, #tpu.memory_space<hbm>>) dst(%arg8 : memref<896xf32, #tpu.memory_space<vmem>>)
      tpu.yield
    }) : () -> ()
    %get3A = arith.constant 0 : index
    %get3A_19 = tpu.vector_load %arg9[%get3A] {strides = array<i32>} : memref<16xf32, #tpu.memory_space<vmem>>, vector<16xf32>,
    %swap3A = arith.constant 100000 : index
    %swap3A_20 = tpu.vector_load %arg7[%swap3A] {strides = array<i32>} : memref<100096xf32, #tpu.memory_space<vmem>>, vector<16xf32>,
    tpu.vector_store %arg7[%swap3A], %broadcast_in_dim3A_5 {strides = array<i32>} : memref<100096xf32, #tpu.memory_space<vmem>>, vector<16xf32>,
    %swap3A_21 = arith.constant 100016 : index
    %swap3A_22 = tpu.vector_load %arg7[%swap3A_21] {strides = array<i32>} : memref<100096xf32, #tpu.memory_space<vmem>>, vector<16xf32>,
    tpu.vector_store %arg7[%swap3A_21], %broadcast_in_dim3A_5 {strides = array<i32>} : memref<100096xf32, #tpu.memory_space<vmem>>, vector<16xf32>,
    %swap3A_23 = arith.constant 100032 : index
    %swap3A_24 = tpu.vector_load %arg7[%swap3A_23] {strides = array<i32>} : memref<100096xf32, #tpu.memory_space<vmem>>, vector<16xf32>,
    tpu.vector_store %arg7[%swap3A_23], %broadcast_in_dim3A_5 {strides = array<i32>} : memref<100096xf32, #tpu.memory_space<vmem>>, vector<16xf32>,
    %swap3A_25 = arith.constant 100048 : index
    %swap3A_26 = tpu.vector_load %arg7[%swap3A_25] {strides = array<i32>} : memref<100096xf32, #tpu.memory_space<vmem>>, vector<16xf32>,
    tpu.vector_store %arg7[%swap3A_25], %broadcast_in_dim3A_5 {strides = array<i32>} : memref<100096xf32, #tpu.memory_space<vmem>>, vector<16xf32>,
    %swap3A_27 = arith.constant 100064 : index
    %swap3A_28 = tpu.vector_load %arg7[%swap3A_27] {strides = array<i32>} : memref<100096xf32, #tpu.memory_space<vmem>>, vector<16xf32>,
    tpu.vector_store %arg7[%swap3A_27], %broadcast_in_dim3A_5 {strides = array<i32>} : memref<100096xf32, #tpu.memory_space<vmem>>, vector<16xf32>,
    %swap3A_29 = arith.constant 100080 : index
    %swap3A_30 = tpu.vector_load %arg7[%swap3A_29] {strides = array<i32>} : memref<100096xf32, #tpu.memory_space<vmem>>, vector<16xf32>,
    tpu.vector_store %arg7[%swap3A_29], %broadcast_in_dim3A_5 {strides = array<i32>} : memref<100096xf32, #tpu.memory_space<vmem>>, vector<16xf32>,
    %scan3A = arith.constant 0 : i32
    %scan3A_31 = arith.constant 0 : i32
    %scan3A_32 = arith.constant 17 : i32
    %scan3A_33 = arith.addi %scan3A_31, %scan3A_32 : i32
    %scan3A_34 = arith.constant 1 : i32
    scf.for %scan3A_259 = %scan3A_31 to %scan3A_33 step %scan3A_34  : i32 {
      %mul3A_260 = arith.constant 16 : i32
      %mul3A_261 = arith.muli %scan3A_259, %mul3A_260 : i32
      %swap3A_262 = arith.index_cast %mul3A_261 : i32 to index
      %swap3A_263 = tpu.vector_load %arg11[%swap3A_262] {strides = array<i32>} : memref<272xf32, #tpu.memory_space<vmem>>, vector<16xf32>,
      tpu.vector_store %arg11[%swap3A_262], %broadcast_in_dim3A_3 {strides = array<i32>} : memref<272xf32, #tpu.memory_space<vmem>>, vector<16xf32>,
      %mul3A_264 = arith.constant 16 : i32
      %mul3A_265 = arith.muli %scan3A_259, %mul3A_264 : i32
      %swap3A_266 = arith.index_cast %mul3A_265 : i32 to index
      %swap3A_267 = tpu.vector_load %arg12[%swap3A_266] {strides = array<i32>} : memref<272xi32, #tpu.memory_space<vmem>>, vector<16xi32>,
      tpu.vector_store %arg12[%swap3A_266], %broadcast_in_dim3A_1 {strides = array<i32>} : memref<272xi32, #tpu.memory_space<vmem>>, vector<16xi32>,
    }
    %scan3A_35 = arith.constant 17 : i32
    %scan3A_36 = arith.constant 0 : i32
    %scan3A_37 = arith.constant 0 : i32
    %scan3A_38 = arith.constant 56 : i32
    %scan3A_39 = arith.addi %scan3A_37, %scan3A_38 : i32
    %scan3A_40 = arith.constant 1 : i32
    %scan3A_41 = scf.for %scan3A_259 = %scan3A_37 to %scan3A_39 step %scan3A_40 iter_args(%scan3A_260 = %scan3A_36) -> (i32)  : i32 {
      %mul3A_261 = arith.constant 16 : i32
      %mul3A_262 = arith.muli %scan3A_259, %mul3A_261 : i32
      %get3A_263 = arith.index_cast %mul3A_262 : i32 to index
      %get3A_264 = tpu.vector_load %arg8[%get3A_263] {strides = array<i32>} : memref<896xf32, #tpu.memory_space<vmem>>, vector<16xf32>,
      %ge3A = arith.cmpf oge, %get3A_264, %get3A_19 : vector<16xf32>
      %convert_element_type3A = arith.extui %ge3A : vector<16xi1> to vector<16xi32>
      %reduce_sum3A = arith.constant true
      %reduce_sum3A_265 = vector.broadcast %reduce_sum3A : i1 to vector<16xi1>
      %reduce_sum3A_266 = tpu.scan <sum>, %convert_element_type3A masked %reduce_sum3A_265 : vector<16xi32>, vector<16xi1> -> vector<16xi32>
      %reduce_sum3A_267 = vector.extract %reduce_sum3A_266[15] : i32 from vector<16xi32>
      %min3A_268 = arith.constant 112 : i32
      %min3A_269 = arith.minsi %scan3A_260, %min3A_268 : i32
      %mul3A_270 = arith.constant 16 : i32
      %mul3A_271 = arith.muli %scan3A_259, %mul3A_270 : i32
      %add3A_272 = vector.broadcast %mul3A_271 : i32 to vector<16xi32>
      %add3A_273 = arith.addi %add3A_272, %iota3A : vector<16xi32>
      %swap3A_274 = arith.index_cast %min3A_269 : i32 to index
      %swap3A_275 = tpu.vector_load %arg10[%swap3A_274] masked %ge3A {strides = array<i32>} : memref<128xi32, #tpu.memory_space<vmem>>, vector<16xi32>, vector<16xi1>
      tpu.vector_store %arg10[%swap3A_274], %add3A_273 masked %ge3A {strides = array<i32>} : memref<128xi32, #tpu.memory_space<vmem>>, vector<16xi32>, vector<16xi1>
      %add3A_276 = arith.addi %scan3A_260, %reduce_sum3A_267 : i32
      scf.yield %add3A_276 : i32
    }
    %scan3A_42 = arith.constant 56 : i32
    %min3A = arith.constant 112 : i32
    %min3A_43 = arith.minsi %scan3A_41, %min3A : i32
    %dma_wait3A = arith.constant 0 : i32
    %dma_wait3A_44 = tpu.memref_slice %arg7[%dma_wait3A] : memref<100096xf32, #tpu.memory_space<vmem>> -> memref<100000xf32, #tpu.memory_space<vmem>>
    %dma_wait3A_45 = arith.constant 0 : i32
    %dma_wait3A_46 = tpu.memref_slice %arg2[%add3A_9, %dma_wait3A_45] : memref<128x100000xf32, #tpu.memory_space<hbm>> -> memref<1x100000xf32, #tpu.memory_space<hbm>>
    %dma_wait3A_47 = tpu.memref_squeeze %dma_wait3A_46 : memref<1x100000xf32, #tpu.memory_space<hbm>> -> memref<100000xf32, #tpu.memory_space<hbm>>
    %dma_wait3A_48 = arith.constant 0 : i32
    %dma_wait3A_49 = tpu.memref_slice %arg7[%dma_wait3A_48] : memref<100096xf32, #tpu.memory_space<vmem>> -> memref<100000xf32, #tpu.memory_space<vmem>>
    %dma_wait3A_50 = arith.constant 0 : i32
    %dma_wait3A_51 = tpu.memref_slice %arg2[%add3A_9, %dma_wait3A_50] : memref<128x100000xf32, #tpu.memory_space<hbm>> -> memref<1x100000xf32, #tpu.memory_space<hbm>>
    %dma_wait3A_52 = tpu.memref_squeeze %dma_wait3A_51 : memref<1x100000xf32, #tpu.memory_space<hbm>> -> memref<100000xf32, #tpu.memory_space<hbm>>
    tpu.wait_dma2 semaphore(%arg13 : memref<!tpu.dma_semaphore, #tpu.memory_space<semaphore_mem>>) src(%dma_wait3A_52 : memref<100000xf32, #tpu.memory_space<hbm>>) dst(%dma_wait3A_49 : memref<100000xf32, #tpu.memory_space<vmem>>)
    %while3A = arith.constant 0 : i32
    %while3A_53 = arith.constant 0 : i32
    %while3A_54 = arith.subi %min3A_43, %while3A : i32
    %while3A_55 = arith.addi %while3A, %while3A_54 : i32
    %while3A_56 = arith.constant 1 : i32
    %while3A_57 = arith.divsi %while3A_54, %while3A_56 : i32
    %while3A_58 = arith.muli %while3A_57, %while3A_56 : i32
    %while3A_59 = arith.addi %while3A, %while3A_58 : i32
    %while3A_60 = arith.constant 1 : i32
    %while3A_61 = scf.for %while3A_259 = %while3A to %while3A_59 step %while3A_60 iter_args(%while3A_260 = %while3A_53) -> (i32)  : i32 {
      %add3A_261 = vector.broadcast %while3A_259 : i32 to vector<16xi32>
      %add3A_262 = arith.addi %broadcast_in_dim3A_1, %add3A_261 : vector<16xi32>
      %gather3A = tpu.vector_load_idx %arg10[%add3A_262] : memref<128xi32, #tpu.memory_space<vmem>>[vector<16xi32>], vector<16xi32>,
      %mul3A_263 = arith.constant 128 : i32
      %mul3A_264 = vector.broadcast %mul3A_263 : i32 to vector<16xi32>
      %mul3A_265 = arith.muli %gather3A, %mul3A_264 : vector<16xi32>
      %add3A_266 = arith.constant 0 : i32
      %add3A_267 = vector.broadcast %add3A_266 : i32 to vector<16xi32>
      %add3A_268 = arith.addi %mul3A_265, %add3A_267 : vector<16xi32>
      %add3A_269 = arith.addi %add3A_268, %iota3A : vector<16xi32>
      %gather3A_270 = tpu.vector_load_idx %arg7[%add3A_269] : memref<100096xf32, #tpu.memory_space<vmem>>[vector<16xi32>], vector<16xf32>,
      %ge3A = arith.cmpf oge, %gather3A_270, %get3A_19 : vector<16xf32>
      %convert_element_type3A = arith.extui %ge3A : vector<16xi1> to vector<16xi32>
      %reduce_sum3A = arith.constant true
      %reduce_sum3A_271 = vector.broadcast %reduce_sum3A : i1 to vector<16xi1>
      %reduce_sum3A_272 = tpu.scan <sum>, %convert_element_type3A masked %reduce_sum3A_271 : vector<16xi32>, vector<16xi1> -> vector<16xi32>
      %reduce_sum3A_273 = vector.extract %reduce_sum3A_272[15] : i32 from vector<16xi32>
      %min3A_274 = arith.constant 256 : i32
      %min3A_275 = arith.minsi %while3A_260, %min3A_274 : i32
      %swap3A_276 = arith.index_cast %min3A_275 : i32 to index
      %swap3A_277 = tpu.vector_load %arg11[%swap3A_276] masked %ge3A {strides = array<i32>} : memref<272xf32, #tpu.memory_space<vmem>>, vector<16xf32>, vector<16xi1>
      tpu.vector_store %arg11[%swap3A_276], %gather3A_270 masked %ge3A {strides = array<i32>} : memref<272xf32, #tpu.memory_space<vmem>>, vector<16xf32>, vector<16xi1>
      %swap3A_278 = arith.index_cast %min3A_275 : i32 to index
      %swap3A_279 = tpu.vector_load %arg12[%swap3A_278] masked %ge3A {strides = array<i32>} : memref<272xi32, #tpu.memory_space<vmem>>, vector<16xi32>, vector<16xi1>
      tpu.vector_store %arg12[%swap3A_278], %add3A_269 masked %ge3A {strides = array<i32>} : memref<272xi32, #tpu.memory_space<vmem>>, vector<16xi32>, vector<16xi1>
      %add3A_280 = arith.addi %while3A_260, %reduce_sum3A_273 : i32
      %add3A_281 = arith.constant 16 : i32
      %add3A_282 = vector.broadcast %add3A_281 : i32 to vector<16xi32>
      %add3A_283 = arith.addi %mul3A_265, %add3A_282 : vector<16xi32>
      %add3A_284 = arith.addi %add3A_283, %iota3A : vector<16xi32>
      %gather3A_285 = tpu.vector_load_idx %arg7[%add3A_284] : memref<100096xf32, #tpu.memory_space<vmem>>[vector<16xi32>], vector<16xf32>,
      %ge3A_286 = arith.cmpf oge, %gather3A_285, %get3A_19 : vector<16xf32>
      %convert_element_type3A_287 = arith.extui %ge3A_286 : vector<16xi1> to vector<16xi32>
      %reduce_sum3A_288 = arith.constant true
      %reduce_sum3A_289 = vector.broadcast %reduce_sum3A_288 : i1 to vector<16xi1>
      %reduce_sum3A_290 = tpu.scan <sum>, %convert_element_type3A_287 masked %reduce_sum3A_289 : vector<16xi32>, vector<16xi1> -> vector<16xi32>
      %reduce_sum3A_291 = vector.extract %reduce_sum3A_290[15] : i32 from vector<16xi32>
      %min3A_292 = arith.constant 256 : i32
      %min3A_293 = arith.minsi %add3A_280, %min3A_292 : i32
      %swap3A_294 = arith.index_cast %min3A_293 : i32 to index
      %swap3A_295 = tpu.vector_load %arg11[%swap3A_294] masked %ge3A_286 {strides = array<i32>} : memref<272xf32, #tpu.memory_space<vmem>>, vector<16xf32>, vector<16xi1>
      tpu.vector_store %arg11[%swap3A_294], %gather3A_285 masked %ge3A_286 {strides = array<i32>} : memref<272xf32, #tpu.memory_space<vmem>>, vector<16xf32>, vector<16xi1>
      %swap3A_296 = arith.index_cast %min3A_293 : i32 to index
      %swap3A_297 = tpu.vector_load %arg12[%swap3A_296] masked %ge3A_286 {strides = array<i32>} : memref<272xi32, #tpu.memory_space<vmem>>, vector<16xi32>, vector<16xi1>
      tpu.vector_store %arg12[%swap3A_296], %add3A_284 masked %ge3A_286 {strides = array<i32>} : memref<272xi32, #tpu.memory_space<vmem>>, vector<16xi32>, vector<16xi1>
      %add3A_298 = arith.addi %add3A_280, %reduce_sum3A_291 : i32
      %add3A_299 = arith.constant 32 : i32
      %add3A_300 = vector.broadcast %add3A_299 : i32 to vector<16xi32>
      %add3A_301 = arith.addi %mul3A_265, %add3A_300 : vector<16xi32>
      %add3A_302 = arith.addi %add3A_301, %iota3A : vector<16xi32>
      %gather3A_303 = tpu.vector_load_idx %arg7[%add3A_302] : memref<100096xf32, #tpu.memory_space<vmem>>[vector<16xi32>], vector<16xf32>,
      %ge3A_304 = arith.cmpf oge, %gather3A_303, %get3A_19 : vector<16xf32>
      %convert_element_type3A_305 = arith.extui %ge3A_304 : vector<16xi1> to vector<16xi32>
      %reduce_sum3A_306 = arith.constant true
      %reduce_sum3A_307 = vector.broadcast %reduce_sum3A_306 : i1 to vector<16xi1>
      %reduce_sum3A_308 = tpu.scan <sum>, %convert_element_type3A_305 masked %reduce_sum3A_307 : vector<16xi32>, vector<16xi1> -> vector<16xi32>
      %reduce_sum3A_309 = vector.extract %reduce_sum3A_308[15] : i32 from vector<16xi32>
      %min3A_310 = arith.constant 256 : i32
      %min3A_311 = arith.minsi %add3A_298, %min3A_310 : i32
      %swap3A_312 = arith.index_cast %min3A_311 : i32 to index
      %swap3A_313 = tpu.vector_load %arg11[%swap3A_312] masked %ge3A_304 {strides = array<i32>} : memref<272xf32, #tpu.memory_space<vmem>>, vector<16xf32>, vector<16xi1>
      tpu.vector_store %arg11[%swap3A_312], %gather3A_303 masked %ge3A_304 {strides = array<i32>} : memref<272xf32, #tpu.memory_space<vmem>>, vector<16xf32>, vector<16xi1>
      %swap3A_314 = arith.index_cast %min3A_311 : i32 to index
      %swap3A_315 = tpu.vector_load %arg12[%swap3A_314] masked %ge3A_304 {strides = array<i32>} : memref<272xi32, #tpu.memory_space<vmem>>, vector<16xi32>, vector<16xi1>
      tpu.vector_store %arg12[%swap3A_314], %add3A_302 masked %ge3A_304 {strides = array<i32>} : memref<272xi32, #tpu.memory_space<vmem>>, vector<16xi32>, vector<16xi1>
      %add3A_316 = arith.addi %add3A_298, %reduce_sum3A_309 : i32
      %add3A_317 = arith.constant 48 : i32
      %add3A_318 = vector.broadcast %add3A_317 : i32 to vector<16xi32>
      %add3A_319 = arith.addi %mul3A_265, %add3A_318 : vector<16xi32>
      %add3A_320 = arith.addi %add3A_319, %iota3A : vector<16xi32>
      %gather3A_321 = tpu.vector_load_idx %arg7[%add3A_320] : memref<100096xf32, #tpu.memory_space<vmem>>[vector<16xi32>], vector<16xf32>,
      %ge3A_322 = arith.cmpf oge, %gather3A_321, %get3A_19 : vector<16xf32>
      %convert_element_type3A_323 = arith.extui %ge3A_322 : vector<16xi1> to vector<16xi32>
      %reduce_sum3A_324 = arith.constant true
      %reduce_sum3A_325 = vector.broadcast %reduce_sum3A_324 : i1 to vector<16xi1>
      %reduce_sum3A_326 = tpu.scan <sum>, %convert_element_type3A_323 masked %reduce_sum3A_325 : vector<16xi32>, vector<16xi1> -> vector<16xi32>
      %reduce_sum3A_327 = vector.extract %reduce_sum3A_326[15] : i32 from vector<16xi32>
      %min3A_328 = arith.constant 256 : i32
      %min3A_329 = arith.minsi %add3A_316, %min3A_328 : i32
      %swap3A_330 = arith.index_cast %min3A_329 : i32 to index
      %swap3A_331 = tpu.vector_load %arg11[%swap3A_330] masked %ge3A_322 {strides = array<i32>} : memref<272xf32, #tpu.memory_space<vmem>>, vector<16xf32>, vector<16xi1>
      tpu.vector_store %arg11[%swap3A_330], %gather3A_321 masked %ge3A_322 {strides = array<i32>} : memref<272xf32, #tpu.memory_space<vmem>>, vector<16xf32>, vector<16xi1>
      %swap3A_332 = arith.index_cast %min3A_329 : i32 to index
      %swap3A_333 = tpu.vector_load %arg12[%swap3A_332] masked %ge3A_322 {strides = array<i32>} : memref<272xi32, #tpu.memory_space<vmem>>, vector<16xi32>, vector<16xi1>
      tpu.vector_store %arg12[%swap3A_332], %add3A_320 masked %ge3A_322 {strides = array<i32>} : memref<272xi32, #tpu.memory_space<vmem>>, vector<16xi32>, vector<16xi1>
      %add3A_334 = arith.addi %add3A_316, %reduce_sum3A_327 : i32
      %add3A_335 = arith.constant 64 : i32
      %add3A_336 = vector.broadcast %add3A_335 : i32 to vector<16xi32>
      %add3A_337 = arith.addi %mul3A_265, %add3A_336 : vector<16xi32>
      %add3A_338 = arith.addi %add3A_337, %iota3A : vector<16xi32>
      %gather3A_339 = tpu.vector_load_idx %arg7[%add3A_338] : memref<100096xf32, #tpu.memory_space<vmem>>[vector<16xi32>], vector<16xf32>,
      %ge3A_340 = arith.cmpf oge, %gather3A_339, %get3A_19 : vector<16xf32>
      %convert_element_type3A_341 = arith.extui %ge3A_340 : vector<16xi1> to vector<16xi32>
      %reduce_sum3A_342 = arith.constant true
      %reduce_sum3A_343 = vector.broadcast %reduce_sum3A_342 : i1 to vector<16xi1>
      %reduce_sum3A_344 = tpu.scan <sum>, %convert_element_type3A_341 masked %reduce_sum3A_343 : vector<16xi32>, vector<16xi1> -> vector<16xi32>
      %reduce_sum3A_345 = vector.extract %reduce_sum3A_344[15] : i32 from vector<16xi32>
      %min3A_346 = arith.constant 256 : i32
      %min3A_347 = arith.minsi %add3A_334, %min3A_346 : i32
      %swap3A_348 = arith.index_cast %min3A_347 : i32 to index
      %swap3A_349 = tpu.vector_load %arg11[%swap3A_348] masked %ge3A_340 {strides = array<i32>} : memref<272xf32, #tpu.memory_space<vmem>>, vector<16xf32>, vector<16xi1>
      tpu.vector_store %arg11[%swap3A_348], %gather3A_339 masked %ge3A_340 {strides = array<i32>} : memref<272xf32, #tpu.memory_space<vmem>>, vector<16xf32>, vector<16xi1>
      %swap3A_350 = arith.index_cast %min3A_347 : i32 to index
      %swap3A_351 = tpu.vector_load %arg12[%swap3A_350] masked %ge3A_340 {strides = array<i32>} : memref<272xi32, #tpu.memory_space<vmem>>, vector<16xi32>, vector<16xi1>
      tpu.vector_store %arg12[%swap3A_350], %add3A_338 masked %ge3A_340 {strides = array<i32>} : memref<272xi32, #tpu.memory_space<vmem>>, vector<16xi32>, vector<16xi1>
      %add3A_352 = arith.addi %add3A_334, %reduce_sum3A_345 : i32
      %add3A_353 = arith.constant 80 : i32
      %add3A_354 = vector.broadcast %add3A_353 : i32 to vector<16xi32>
      %add3A_355 = arith.addi %mul3A_265, %add3A_354 : vector<16xi32>
      %add3A_356 = arith.addi %add3A_355, %iota3A : vector<16xi32>
      %gather3A_357 = tpu.vector_load_idx %arg7[%add3A_356] : memref<100096xf32, #tpu.memory_space<vmem>>[vector<16xi32>], vector<16xf32>,
      %ge3A_358 = arith.cmpf oge, %gather3A_357, %get3A_19 : vector<16xf32>
      %convert_element_type3A_359 = arith.extui %ge3A_358 : vector<16xi1> to vector<16xi32>
      %reduce_sum3A_360 = arith.constant true
      %reduce_sum3A_361 = vector.broadcast %reduce_sum3A_360 : i1 to vector<16xi1>
      %reduce_sum3A_362 = tpu.scan <sum>, %convert_element_type3A_359 masked %reduce_sum3A_361 : vector<16xi32>, vector<16xi1> -> vector<16xi32>
      %reduce_sum3A_363 = vector.extract %reduce_sum3A_362[15] : i32 from vector<16xi32>
      %min3A_364 = arith.constant 256 : i32
      %min3A_365 = arith.minsi %add3A_352, %min3A_364 : i32
      %swap3A_366 = arith.index_cast %min3A_365 : i32 to index
      %swap3A_367 = tpu.vector_load %arg11[%swap3A_366] masked %ge3A_358 {strides = array<i32>} : memref<272xf32, #tpu.memory_space<vmem>>, vector<16xf32>, vector<16xi1>
      tpu.vector_store %arg11[%swap3A_366], %gather3A_357 masked %ge3A_358 {strides = array<i32>} : memref<272xf32, #tpu.memory_space<vmem>>, vector<16xf32>, vector<16xi1>
      %swap3A_368 = arith.index_cast %min3A_365 : i32 to index
      %swap3A_369 = tpu.vector_load %arg12[%swap3A_368] masked %ge3A_358 {strides = array<i32>} : memref<272xi32, #tpu.memory_space<vmem>>, vector<16xi32>, vector<16xi1>
      tpu.vector_store %arg12[%swap3A_368], %add3A_356 masked %ge3A_358 {strides = array<i32>} : memref<272xi32, #tpu.memory_space<vmem>>, vector<16xi32>, vector<16xi1>
      %add3A_370 = arith.addi %add3A_352, %reduce_sum3A_363 : i32
      %add3A_371 = arith.constant 96 : i32
      %add3A_372 = vector.broadcast %add3A_371 : i32 to vector<16xi32>
      %add3A_373 = arith.addi %mul3A_265, %add3A_372 : vector<16xi32>
      %add3A_374 = arith.addi %add3A_373, %iota3A : vector<16xi32>
      %gather3A_375 = tpu.vector_load_idx %arg7[%add3A_374] : memref<100096xf32, #tpu.memory_space<vmem>>[vector<16xi32>], vector<16xf32>,
      %ge3A_376 = arith.cmpf oge, %gather3A_375, %get3A_19 : vector<16xf32>
      %convert_element_type3A_377 = arith.extui %ge3A_376 : vector<16xi1> to vector<16xi32>
      %reduce_sum3A_378 = arith.constant true
      %reduce_sum3A_379 = vector.broadcast %reduce_sum3A_378 : i1 to vector<16xi1>
      %reduce_sum3A_380 = tpu.scan <sum>, %convert_element_type3A_377 masked %reduce_sum3A_379 : vector<16xi32>, vector<16xi1> -> vector<16xi32>
      %reduce_sum3A_381 = vector.extract %reduce_sum3A_380[15] : i32 from vector<16xi32>
      %min3A_382 = arith.constant 256 : i32
      %min3A_383 = arith.minsi %add3A_370, %min3A_382 : i32
      %swap3A_384 = arith.index_cast %min3A_383 : i32 to index
      %swap3A_385 = tpu.vector_load %arg11[%swap3A_384] masked %ge3A_376 {strides = array<i32>} : memref<272xf32, #tpu.memory_space<vmem>>, vector<16xf32>, vector<16xi1>
      tpu.vector_store %arg11[%swap3A_384], %gather3A_375 masked %ge3A_376 {strides = array<i32>} : memref<272xf32, #tpu.memory_space<vmem>>, vector<16xf32>, vector<16xi1>
      %swap3A_386 = arith.index_cast %min3A_383 : i32 to index
      %swap3A_387 = tpu.vector_load %arg12[%swap3A_386] masked %ge3A_376 {strides = array<i32>} : memref<272xi32, #tpu.memory_space<vmem>>, vector<16xi32>, vector<16xi1>
      tpu.vector_store %arg12[%swap3A_386], %add3A_374 masked %ge3A_376 {strides = array<i32>} : memref<272xi32, #tpu.memory_space<vmem>>, vector<16xi32>, vector<16xi1>
      %add3A_388 = arith.addi %add3A_370, %reduce_sum3A_381 : i32
      %add3A_389 = arith.constant 112 : i32
      %add3A_390 = vector.broadcast %add3A_389 : i32 to vector<16xi32>
      %add3A_391 = arith.addi %mul3A_265, %add3A_390 : vector<16xi32>
      %add3A_392 = arith.addi %add3A_391, %iota3A : vector<16xi32>
      %gather3A_393 = tpu.vector_load_idx %arg7[%add3A_392] : memref<100096xf32, #tpu.memory_space<vmem>>[vector<16xi32>], vector<16xf32>,
      %ge3A_394 = arith.cmpf oge, %gather3A_393, %get3A_19 : vector<16xf32>
      %convert_element_type3A_395 = arith.extui %ge3A_394 : vector<16xi1> to vector<16xi32>
      %reduce_sum3A_396 = arith.constant true
      %reduce_sum3A_397 = vector.broadcast %reduce_sum3A_396 : i1 to vector<16xi1>
      %reduce_sum3A_398 = tpu.scan <sum>, %convert_element_type3A_395 masked %reduce_sum3A_397 : vector<16xi32>, vector<16xi1> -> vector<16xi32>
      %reduce_sum3A_399 = vector.extract %reduce_sum3A_398[15] : i32 from vector<16xi32>
      %min3A_400 = arith.constant 256 : i32
      %min3A_401 = arith.minsi %add3A_388, %min3A_400 : i32
      %swap3A_402 = arith.index_cast %min3A_401 : i32 to index
      %swap3A_403 = tpu.vector_load %arg11[%swap3A_402] masked %ge3A_394 {strides = array<i32>} : memref<272xf32, #tpu.memory_space<vmem>>, vector<16xf32>, vector<16xi1>
      tpu.vector_store %arg11[%swap3A_402], %gather3A_393 masked %ge3A_394 {strides = array<i32>} : memref<272xf32, #tpu.memory_space<vmem>>, vector<16xf32>, vector<16xi1>
      %swap3A_404 = arith.index_cast %min3A_401 : i32 to index
      %swap3A_405 = tpu.vector_load %arg12[%swap3A_404] masked %ge3A_394 {strides = array<i32>} : memref<272xi32, #tpu.memory_space<vmem>>, vector<16xi32>, vector<16xi1>
      tpu.vector_store %arg12[%swap3A_404], %add3A_392 masked %ge3A_394 {strides = array<i32>} : memref<272xi32, #tpu.memory_space<vmem>>, vector<16xi32>, vector<16xi1>
      %add3A_406 = arith.addi %add3A_388, %reduce_sum3A_399 : i32
      scf.yield %add3A_406 : i32
    }
    %while3A_62 = arith.constant 1 : i32
    %while3A_63 = scf.for %while3A_259 = %while3A_59 to %while3A_55 step %while3A_62 iter_args(%while3A_260 = %while3A_61) -> (i32)  : i32 {
      %add3A_261 = vector.broadcast %while3A_259 : i32 to vector<16xi32>
      %add3A_262 = arith.addi %broadcast_in_dim3A_1, %add3A_261 : vector<16xi32>
      %gather3A = tpu.vector_load_idx %arg10[%add3A_262] : memref<128xi32, #tpu.memory_space<vmem>>[vector<16xi32>], vector<16xi32>,
      %mul3A_263 = arith.constant 128 : i32
      %mul3A_264 = vector.broadcast %mul3A_263 : i32 to vector<16xi32>
      %mul3A_265 = arith.muli %gather3A, %mul3A_264 : vector<16xi32>
      %add3A_266 = arith.constant 0 : i32
      %add3A_267 = vector.broadcast %add3A_266 : i32 to vector<16xi32>
      %add3A_268 = arith.addi %mul3A_265, %add3A_267 : vector<16xi32>
      %add3A_269 = arith.addi %add3A_268, %iota3A : vector<16xi32>
      %gather3A_270 = tpu.vector_load_idx %arg7[%add3A_269] : memref<100096xf32, #tpu.memory_space<vmem>>[vector<16xi32>], vector<16xf32>,
      %ge3A = arith.cmpf oge, %gather3A_270, %get3A_19 : vector<16xf32>
      %convert_element_type3A = arith.extui %ge3A : vector<16xi1> to vector<16xi32>
      %reduce_sum3A = arith.constant true
      %reduce_sum3A_271 = vector.broadcast %reduce_sum3A : i1 to vector<16xi1>
      %reduce_sum3A_272 = tpu.scan <sum>, %convert_element_type3A masked %reduce_sum3A_271 : vector<16xi32>, vector<16xi1> -> vector<16xi32>
      %reduce_sum3A_273 = vector.extract %reduce_sum3A_272[15] : i32 from vector<16xi32>
      %min3A_274 = arith.constant 256 : i32
      %min3A_275 = arith.minsi %while3A_260, %min3A_274 : i32
      %swap3A_276 = arith.index_cast %min3A_275 : i32 to index
      %swap3A_277 = tpu.vector_load %arg11[%swap3A_276] masked %ge3A {strides = array<i32>} : memref<272xf32, #tpu.memory_space<vmem>>, vector<16xf32>, vector<16xi1>
      tpu.vector_store %arg11[%swap3A_276], %gather3A_270 masked %ge3A {strides = array<i32>} : memref<272xf32, #tpu.memory_space<vmem>>, vector<16xf32>, vector<16xi1>
      %swap3A_278 = arith.index_cast %min3A_275 : i32 to index
      %swap3A_279 = tpu.vector_load %arg12[%swap3A_278] masked %ge3A {strides = array<i32>} : memref<272xi32, #tpu.memory_space<vmem>>, vector<16xi32>, vector<16xi1>
      tpu.vector_store %arg12[%swap3A_278], %add3A_269 masked %ge3A {strides = array<i32>} : memref<272xi32, #tpu.memory_space<vmem>>, vector<16xi32>, vector<16xi1>
      %add3A_280 = arith.addi %while3A_260, %reduce_sum3A_273 : i32
      %add3A_281 = arith.constant 16 : i32
      %add3A_282 = vector.broadcast %add3A_281 : i32 to vector<16xi32>
      %add3A_283 = arith.addi %mul3A_265, %add3A_282 : vector<16xi32>
      %add3A_284 = arith.addi %add3A_283, %iota3A : vector<16xi32>
      %gather3A_285 = tpu.vector_load_idx %arg7[%add3A_284] : memref<100096xf32, #tpu.memory_space<vmem>>[vector<16xi32>], vector<16xf32>,
      %ge3A_286 = arith.cmpf oge, %gather3A_285, %get3A_19 : vector<16xf32>
      %convert_element_type3A_287 = arith.extui %ge3A_286 : vector<16xi1> to vector<16xi32>
      %reduce_sum3A_288 = arith.constant true
      %reduce_sum3A_289 = vector.broadcast %reduce_sum3A_288 : i1 to vector<16xi1>
      %reduce_sum3A_290 = tpu.scan <sum>, %convert_element_type3A_287 masked %reduce_sum3A_289 : vector<16xi32>, vector<16xi1> -> vector<16xi32>
      %reduce_sum3A_291 = vector.extract %reduce_sum3A_290[15] : i32 from vector<16xi32>
      %min3A_292 = arith.constant 256 : i32
      %min3A_293 = arith.minsi %add3A_280, %min3A_292 : i32
      %swap3A_294 = arith.index_cast %min3A_293 : i32 to index
      %swap3A_295 = tpu.vector_load %arg11[%swap3A_294] masked %ge3A_286 {strides = array<i32>} : memref<272xf32, #tpu.memory_space<vmem>>, vector<16xf32>, vector<16xi1>
      tpu.vector_store %arg11[%swap3A_294], %gather3A_285 masked %ge3A_286 {strides = array<i32>} : memref<272xf32, #tpu.memory_space<vmem>>, vector<16xf32>, vector<16xi1>
      %swap3A_296 = arith.index_cast %min3A_293 : i32 to index
      %swap3A_297 = tpu.vector_load %arg12[%swap3A_296] masked %ge3A_286 {strides = array<i32>} : memref<272xi32, #tpu.memory_space<vmem>>, vector<16xi32>, vector<16xi1>
      tpu.vector_store %arg12[%swap3A_296], %add3A_284 masked %ge3A_286 {strides = array<i32>} : memref<272xi32, #tpu.memory_space<vmem>>, vector<16xi32>, vector<16xi1>
      %add3A_298 = arith.addi %add3A_280, %reduce_sum3A_291 : i32
      %add3A_299 = arith.constant 32 : i32
      %add3A_300 = vector.broadcast %add3A_299 : i32 to vector<16xi32>
      %add3A_301 = arith.addi %mul3A_265, %add3A_300 : vector<16xi32>
      %add3A_302 = arith.addi %add3A_301, %iota3A : vector<16xi32>
      %gather3A_303 = tpu.vector_load_idx %arg7[%add3A_302] : memref<100096xf32, #tpu.memory_space<vmem>>[vector<16xi32>], vector<16xf32>,
      %ge3A_304 = arith.cmpf oge, %gather3A_303, %get3A_19 : vector<16xf32>
      %convert_element_type3A_305 = arith.extui %ge3A_304 : vector<16xi1> to vector<16xi32>
      %reduce_sum3A_306 = arith.constant true
      %reduce_sum3A_307 = vector.broadcast %reduce_sum3A_306 : i1 to vector<16xi1>
      %reduce_sum3A_308 = tpu.scan <sum>, %convert_element_type3A_305 masked %reduce_sum3A_307 : vector<16xi32>, vector<16xi1> -> vector<16xi32>
      %reduce_sum3A_309 = vector.extract %reduce_sum3A_308[15] : i32 from vector<16xi32>
      %min3A_310 = arith.constant 256 : i32
      %min3A_311 = arith.minsi %add3A_298, %min3A_310 : i32
      %swap3A_312 = arith.index_cast %min3A_311 : i32 to index
      %swap3A_313 = tpu.vector_load %arg11[%swap3A_312] masked %ge3A_304 {strides = array<i32>} : memref<272xf32, #tpu.memory_space<vmem>>, vector<16xf32>, vector<16xi1>
      tpu.vector_store %arg11[%swap3A_312], %gather3A_303 masked %ge3A_304 {strides = array<i32>} : memref<272xf32, #tpu.memory_space<vmem>>, vector<16xf32>, vector<16xi1>
      %swap3A_314 = arith.index_cast %min3A_311 : i32 to index
      %swap3A_315 = tpu.vector_load %arg12[%swap3A_314] masked %ge3A_304 {strides = array<i32>} : memref<272xi32, #tpu.memory_space<vmem>>, vector<16xi32>, vector<16xi1>
      tpu.vector_store %arg12[%swap3A_314], %add3A_302 masked %ge3A_304 {strides = array<i32>} : memref<272xi32, #tpu.memory_space<vmem>>, vector<16xi32>, vector<16xi1>
      %add3A_316 = arith.addi %add3A_298, %reduce_sum3A_309 : i32
      %add3A_317 = arith.constant 48 : i32
      %add3A_318 = vector.broadcast %add3A_317 : i32 to vector<16xi32>
      %add3A_319 = arith.addi %mul3A_265, %add3A_318 : vector<16xi32>
      %add3A_320 = arith.addi %add3A_319, %iota3A : vector<16xi32>
      %gather3A_321 = tpu.vector_load_idx %arg7[%add3A_320] : memref<100096xf32, #tpu.memory_space<vmem>>[vector<16xi32>], vector<16xf32>,
      %ge3A_322 = arith.cmpf oge, %gather3A_321, %get3A_19 : vector<16xf32>
      %convert_element_type3A_323 = arith.extui %ge3A_322 : vector<16xi1> to vector<16xi32>
      %reduce_sum3A_324 = arith.constant true
      %reduce_sum3A_325 = vector.broadcast %reduce_sum3A_324 : i1 to vector<16xi1>
      %reduce_sum3A_326 = tpu.scan <sum>, %convert_element_type3A_323 masked %reduce_sum3A_325 : vector<16xi32>, vector<16xi1> -> vector<16xi32>
      %reduce_sum3A_327 = vector.extract %reduce_sum3A_326[15] : i32 from vector<16xi32>
      %min3A_328 = arith.constant 256 : i32
      %min3A_329 = arith.minsi %add3A_316, %min3A_328 : i32
      %swap3A_330 = arith.index_cast %min3A_329 : i32 to index
      %swap3A_331 = tpu.vector_load %arg11[%swap3A_330] masked %ge3A_322 {strides = array<i32>} : memref<272xf32, #tpu.memory_space<vmem>>, vector<16xf32>, vector<16xi1>
      tpu.vector_store %arg11[%swap3A_330], %gather3A_321 masked %ge3A_322 {strides = array<i32>} : memref<272xf32, #tpu.memory_space<vmem>>, vector<16xf32>, vector<16xi1>
      %swap3A_332 = arith.index_cast %min3A_329 : i32 to index
      %swap3A_333 = tpu.vector_load %arg12[%swap3A_332] masked %ge3A_322 {strides = array<i32>} : memref<272xi32, #tpu.memory_space<vmem>>, vector<16xi32>, vector<16xi1>
      tpu.vector_store %arg12[%swap3A_332], %add3A_320 masked %ge3A_322 {strides = array<i32>} : memref<272xi32, #tpu.memory_space<vmem>>, vector<16xi32>, vector<16xi1>
      %add3A_334 = arith.addi %add3A_316, %reduce_sum3A_327 : i32
      %add3A_335 = arith.constant 64 : i32
      %add3A_336 = vector.broadcast %add3A_335 : i32 to vector<16xi32>
      %add3A_337 = arith.addi %mul3A_265, %add3A_336 : vector<16xi32>
      %add3A_338 = arith.addi %add3A_337, %iota3A : vector<16xi32>
      %gather3A_339 = tpu.vector_load_idx %arg7[%add3A_338] : memref<100096xf32, #tpu.memory_space<vmem>>[vector<16xi32>], vector<16xf32>,
      %ge3A_340 = arith.cmpf oge, %gather3A_339, %get3A_19 : vector<16xf32>
      %convert_element_type3A_341 = arith.extui %ge3A_340 : vector<16xi1> to vector<16xi32>
      %reduce_sum3A_342 = arith.constant true
      %reduce_sum3A_343 = vector.broadcast %reduce_sum3A_342 : i1 to vector<16xi1>
      %reduce_sum3A_344 = tpu.scan <sum>, %convert_element_type3A_341 masked %reduce_sum3A_343 : vector<16xi32>, vector<16xi1> -> vector<16xi32>
      %reduce_sum3A_345 = vector.extract %reduce_sum3A_344[15] : i32 from vector<16xi32>
      %min3A_346 = arith.constant 256 : i32
      %min3A_347 = arith.minsi %add3A_334, %min3A_346 : i32
      %swap3A_348 = arith.index_cast %min3A_347 : i32 to index
      %swap3A_349 = tpu.vector_load %arg11[%swap3A_348] masked %ge3A_340 {strides = array<i32>} : memref<272xf32, #tpu.memory_space<vmem>>, vector<16xf32>, vector<16xi1>
      tpu.vector_store %arg11[%swap3A_348], %gather3A_339 masked %ge3A_340 {strides = array<i32>} : memref<272xf32, #tpu.memory_space<vmem>>, vector<16xf32>, vector<16xi1>
      %swap3A_350 = arith.index_cast %min3A_347 : i32 to index
      %swap3A_351 = tpu.vector_load %arg12[%swap3A_350] masked %ge3A_340 {strides = array<i32>} : memref<272xi32, #tpu.memory_space<vmem>>, vector<16xi32>, vector<16xi1>
      tpu.vector_store %arg12[%swap3A_350], %add3A_338 masked %ge3A_340 {strides = array<i32>} : memref<272xi32, #tpu.memory_space<vmem>>, vector<16xi32>, vector<16xi1>
      %add3A_352 = arith.addi %add3A_334, %reduce_sum3A_345 : i32
      %add3A_353 = arith.constant 80 : i32
      %add3A_354 = vector.broadcast %add3A_353 : i32 to vector<16xi32>
      %add3A_355 = arith.addi %mul3A_265, %add3A_354 : vector<16xi32>
      %add3A_356 = arith.addi %add3A_355, %iota3A : vector<16xi32>
      %gather3A_357 = tpu.vector_load_idx %arg7[%add3A_356] : memref<100096xf32, #tpu.memory_space<vmem>>[vector<16xi32>], vector<16xf32>,
      %ge3A_358 = arith.cmpf oge, %gather3A_357, %get3A_19 : vector<16xf32>
      %convert_element_type3A_359 = arith.extui %ge3A_358 : vector<16xi1> to vector<16xi32>
      %reduce_sum3A_360 = arith.constant true
      %reduce_sum3A_361 = vector.broadcast %reduce_sum3A_360 : i1 to vector<16xi1>
      %reduce_sum3A_362 = tpu.scan <sum>, %convert_element_type3A_359 masked %reduce_sum3A_361 : vector<16xi32>, vector<16xi1> -> vector<16xi32>
      %reduce_sum3A_363 = vector.extract %reduce_sum3A_362[15] : i32 from vector<16xi32>
      %min3A_364 = arith.constant 256 : i32
      %min3A_365 = arith.minsi %add3A_352, %min3A_364 : i32
      %swap3A_366 = arith.index_cast %min3A_365 : i32 to index
      %swap3A_367 = tpu.vector_load %arg11[%swap3A_366] masked %ge3A_358 {strides = array<i32>} : memref<272xf32, #tpu.memory_space<vmem>>, vector<16xf32>, vector<16xi1>
      tpu.vector_store %arg11[%swap3A_366], %gather3A_357 masked %ge3A_358 {strides = array<i32>} : memref<272xf32, #tpu.memory_space<vmem>>, vector<16xf32>, vector<16xi1>
      %swap3A_368 = arith.index_cast %min3A_365 : i32 to index
      %swap3A_369 = tpu.vector_load %arg12[%swap3A_368] masked %ge3A_358 {strides = array<i32>} : memref<272xi32, #tpu.memory_space<vmem>>, vector<16xi32>, vector<16xi1>
      tpu.vector_store %arg12[%swap3A_368], %add3A_356 masked %ge3A_358 {strides = array<i32>} : memref<272xi32, #tpu.memory_space<vmem>>, vector<16xi32>, vector<16xi1>
      %add3A_370 = arith.addi %add3A_352, %reduce_sum3A_363 : i32
      %add3A_371 = arith.constant 96 : i32
      %add3A_372 = vector.broadcast %add3A_371 : i32 to vector<16xi32>
      %add3A_373 = arith.addi %mul3A_265, %add3A_372 : vector<16xi32>
      %add3A_374 = arith.addi %add3A_373, %iota3A : vector<16xi32>
      %gather3A_375 = tpu.vector_load_idx %arg7[%add3A_374] : memref<100096xf32, #tpu.memory_space<vmem>>[vector<16xi32>], vector<16xf32>,
      %ge3A_376 = arith.cmpf oge, %gather3A_375, %get3A_19 : vector<16xf32>
      %convert_element_type3A_377 = arith.extui %ge3A_376 : vector<16xi1> to vector<16xi32>
      %reduce_sum3A_378 = arith.constant true
      %reduce_sum3A_379 = vector.broadcast %reduce_sum3A_378 : i1 to vector<16xi1>
      %reduce_sum3A_380 = tpu.scan <sum>, %convert_element_type3A_377 masked %reduce_sum3A_379 : vector<16xi32>, vector<16xi1> -> vector<16xi32>
      %reduce_sum3A_381 = vector.extract %reduce_sum3A_380[15] : i32 from vector<16xi32>
      %min3A_382 = arith.constant 256 : i32
      %min3A_383 = arith.minsi %add3A_370, %min3A_382 : i32
      %swap3A_384 = arith.index_cast %min3A_383 : i32 to index
      %swap3A_385 = tpu.vector_load %arg11[%swap3A_384] masked %ge3A_376 {strides = array<i32>} : memref<272xf32, #tpu.memory_space<vmem>>, vector<16xf32>, vector<16xi1>
      tpu.vector_store %arg11[%swap3A_384], %gather3A_375 masked %ge3A_376 {strides = array<i32>} : memref<272xf32, #tpu.memory_space<vmem>>, vector<16xf32>, vector<16xi1>
      %swap3A_386 = arith.index_cast %min3A_383 : i32 to index
      %swap3A_387 = tpu.vector_load %arg12[%swap3A_386] masked %ge3A_376 {strides = array<i32>} : memref<272xi32, #tpu.memory_space<vmem>>, vector<16xi32>, vector<16xi1>
      tpu.vector_store %arg12[%swap3A_386], %add3A_374 masked %ge3A_376 {strides = array<i32>} : memref<272xi32, #tpu.memory_space<vmem>>, vector<16xi32>, vector<16xi1>
      %add3A_388 = arith.addi %add3A_370, %reduce_sum3A_381 : i32
      %add3A_389 = arith.constant 112 : i32
      %add3A_390 = vector.broadcast %add3A_389 : i32 to vector<16xi32>
      %add3A_391 = arith.addi %mul3A_265, %add3A_390 : vector<16xi32>
      %add3A_392 = arith.addi %add3A_391, %iota3A : vector<16xi32>
      %gather3A_393 = tpu.vector_load_idx %arg7[%add3A_392] : memref<100096xf32, #tpu.memory_space<vmem>>[vector<16xi32>], vector<16xf32>,
      %ge3A_394 = arith.cmpf oge, %gather3A_393, %get3A_19 : vector<16xf32>
      %convert_element_type3A_395 = arith.extui %ge3A_394 : vector<16xi1> to vector<16xi32>
      %reduce_sum3A_396 = arith.constant true
      %reduce_sum3A_397 = vector.broadcast %reduce_sum3A_396 : i1 to vector<16xi1>
      %reduce_sum3A_398 = tpu.scan <sum>, %convert_element_type3A_395 masked %reduce_sum3A_397 : vector<16xi32>, vector<16xi1> -> vector<16xi32>
      %reduce_sum3A_399 = vector.extract %reduce_sum3A_398[15] : i32 from vector<16xi32>
      %min3A_400 = arith.constant 256 : i32
      %min3A_401 = arith.minsi %add3A_388, %min3A_400 : i32
      %swap3A_402 = arith.index_cast %min3A_401 : i32 to index
      %swap3A_403 = tpu.vector_load %arg11[%swap3A_402] masked %ge3A_394 {strides = array<i32>} : memref<272xf32, #tpu.memory_space<vmem>>, vector<16xf32>, vector<16xi1>
      tpu.vector_store %arg11[%swap3A_402], %gather3A_393 masked %ge3A_394 {strides = array<i32>} : memref<272xf32, #tpu.memory_space<vmem>>, vector<16xf32>, vector<16xi1>
      %swap3A_404 = arith.index_cast %min3A_401 : i32 to index
      %swap3A_405 = tpu.vector_load %arg12[%swap3A_404] masked %ge3A_394 {strides = array<i32>} : memref<272xi32, #tpu.memory_space<vmem>>, vector<16xi32>, vector<16xi1>
      tpu.vector_store %arg12[%swap3A_404], %add3A_392 masked %ge3A_394 {strides = array<i32>} : memref<272xi32, #tpu.memory_space<vmem>>, vector<16xi32>, vector<16xi1>
      %add3A_406 = arith.addi %add3A_388, %reduce_sum3A_399 : i32
      scf.yield %add3A_406 : i32
    }
    "tpu.region"() ({
      %run_scoped3A = tpu.sem_alloc : memref<!tpu.dma_semaphore, #tpu.memory_space<semaphore_mem>>
      %dma_start3A_259 = arith.constant 0 : i32
      %dma_start3A_260 = tpu.memref_slice %arg11[%dma_start3A_259] : memref<272xf32, #tpu.memory_space<vmem>> -> memref<256xf32, #tpu.memory_space<vmem>>
      %dma_start3A_261 = arith.constant 0 : i32
      %dma_start3A_262 = tpu.memref_slice %arg5[%add3A_9, %dma_start3A_261] : memref<128x256xf32, #tpu.memory_space<hbm>> -> memref<1x256xf32, #tpu.memory_space<hbm>>
      %dma_start3A_263 = tpu.memref_squeeze %dma_start3A_262 : memref<1x256xf32, #tpu.memory_space<hbm>> -> memref<256xf32, #tpu.memory_space<hbm>>
      %dma_start3A_264 = arith.constant 0 : i32
      %dma_start3A_265 = tpu.memref_slice %arg5[%add3A_9, %dma_start3A_264] : memref<128x256xf32, #tpu.memory_space<hbm>> -> memref<1x256xf32, #tpu.memory_space<hbm>>
      %dma_start3A_266 = tpu.memref_squeeze %dma_start3A_265 : memref<1x256xf32, #tpu.memory_space<hbm>> -> memref<256xf32, #tpu.memory_space<hbm>>
      %dma_start3A_267 = arith.constant 0 : i32
      %dma_start3A_268 = tpu.memref_slice %arg11[%dma_start3A_267] : memref<272xf32, #tpu.memory_space<vmem>> -> memref<256xf32, #tpu.memory_space<vmem>>
      tpu.enqueue_dma source(%dma_start3A_268 : memref<256xf32, #tpu.memory_space<vmem>>) target(%dma_start3A_266 : memref<256xf32, #tpu.memory_space<hbm>>) target_semaphore(%run_scoped3A : memref<!tpu.dma_semaphore, #tpu.memory_space<semaphore_mem>>)
      %dma_wait3A_269 = arith.constant 0 : i32
      %dma_wait3A_270 = tpu.memref_slice %arg11[%dma_wait3A_269] : memref<272xf32, #tpu.memory_space<vmem>> -> memref<256xf32, #tpu.memory_space<vmem>>
      %dma_wait3A_271 = arith.constant 0 : i32
      %dma_wait3A_272 = tpu.memref_slice %arg5[%add3A_9, %dma_wait3A_271] : memref<128x256xf32, #tpu.memory_space<hbm>> -> memref<1x256xf32, #tpu.memory_space<hbm>>
      %dma_wait3A_273 = tpu.memref_squeeze %dma_wait3A_272 : memref<1x256xf32, #tpu.memory_space<hbm>> -> memref<256xf32, #tpu.memory_space<hbm>>
      %dma_wait3A_274 = arith.constant 0 : i32
      %dma_wait3A_275 = tpu.memref_slice %arg5[%add3A_9, %dma_wait3A_274] : memref<128x256xf32, #tpu.memory_space<hbm>> -> memref<1x256xf32, #tpu.memory_space<hbm>>
      %dma_wait3A_276 = tpu.memref_squeeze %dma_wait3A_275 : memref<1x256xf32, #tpu.memory_space<hbm>> -> memref<256xf32, #tpu.memory_space<hbm>>
      %dma_wait3A_277 = arith.constant 0 : i32
      %dma_wait3A_278 = tpu.memref_slice %arg11[%dma_wait3A_277] : memref<272xf32, #tpu.memory_space<vmem>> -> memref<256xf32, #tpu.memory_space<vmem>>
      tpu.wait_dma2 semaphore(%run_scoped3A : memref<!tpu.dma_semaphore, #tpu.memory_space<semaphore_mem>>) src(%dma_wait3A_278 : memref<256xf32, #tpu.memory_space<vmem>>) dst(%dma_wait3A_276 : memref<256xf32, #tpu.memory_space<hbm>>)
      tpu.yield
    }) : () -> ()
    "tpu.region"() ({
      %run_scoped3A = tpu.sem_alloc : memref<!tpu.dma_semaphore, #tpu.memory_space<semaphore_mem>>
      %dma_start3A_259 = arith.constant 0 : i32
      %dma_start3A_260 = tpu.memref_slice %arg12[%dma_start3A_259] : memref<272xi32, #tpu.memory_space<vmem>> -> memref<256xi32, #tpu.memory_space<vmem>>
      %dma_start3A_261 = arith.constant 0 : i32
      %dma_start3A_262 = tpu.memref_slice %arg6[%add3A_9, %dma_start3A_261] : memref<128x256xi32, #tpu.memory_space<hbm>> -> memref<1x256xi32, #tpu.memory_space<hbm>>
      %dma_start3A_263 = tpu.memref_squeeze %dma_start3A_262 : memref<1x256xi32, #tpu.memory_space<hbm>> -> memref<256xi32, #tpu.memory_space<hbm>>
      %dma_start3A_264 = arith.constant 0 : i32
      %dma_start3A_265 = tpu.memref_slice %arg6[%add3A_9, %dma_start3A_264] : memref<128x256xi32, #tpu.memory_space<hbm>> -> memref<1x256xi32, #tpu.memory_space<hbm>>
      %dma_start3A_266 = tpu.memref_squeeze %dma_start3A_265 : memref<1x256xi32, #tpu.memory_space<hbm>> -> memref<256xi32, #tpu.memory_space<hbm>>
      %dma_start3A_267 = arith.constant 0 : i32
      %dma_start3A_268 = tpu.memref_slice %arg12[%dma_start3A_267] : memref<272xi32, #tpu.memory_space<vmem>> -> memref<256xi32, #tpu.memory_space<vmem>>
      tpu.enqueue_dma source(%dma_start3A_268 : memref<256xi32, #tpu.memory_space<vmem>>) target(%dma_start3A_266 : memref<256xi32, #tpu.memory_space<hbm>>) target_semaphore(%run_scoped3A : memref<!tpu.dma_semaphore, #tpu.memory_space<semaphore_mem>>)
      %dma_wait3A_269 = arith.constant 0 : i32
      %dma_wait3A_270 = tpu.memref_slice %arg12[%dma_wait3A_269] : memref<272xi32, #tpu.memory_space<vmem>> -> memref<256xi32, #tpu.memory_space<vmem>>
      %dma_wait3A_271 = arith.constant 0 : i32
      %dma_wait3A_272 = tpu.memref_slice %arg6[%add3A_9, %dma_wait3A_271] : memref<128x256xi32, #tpu.memory_space<hbm>> -> memref<1x256xi32, #tpu.memory_space<hbm>>
      %dma_wait3A_273 = tpu.memref_squeeze %dma_wait3A_272 : memref<1x256xi32, #tpu.memory_space<hbm>> -> memref<256xi32, #tpu.memory_space<hbm>>
      %dma_wait3A_274 = arith.constant 0 : i32
      %dma_wait3A_275 = tpu.memref_slice %arg6[%add3A_9, %dma_wait3A_274] : memref<128x256xi32, #tpu.memory_space<hbm>> -> memref<1x256xi32, #tpu.memory_space<hbm>>
      %dma_wait3A_276 = tpu.memref_squeeze %dma_wait3A_275 : memref<1x256xi32, #tpu.memory_space<hbm>> -> memref<256xi32, #tpu.memory_space<hbm>>
      %dma_wait3A_277 = arith.constant 0 : i32
      %dma_wait3A_278 = tpu.memref_slice %arg12[%dma_wait3A_277] : memref<272xi32, #tpu.memory_space<vmem>> -> memref<256xi32, #tpu.memory_space<vmem>>
      tpu.wait_dma2 semaphore(%run_scoped3A : memref<!tpu.dma_semaphore, #tpu.memory_space<semaphore_mem>>) src(%dma_wait3A_278 : memref<256xi32, #tpu.memory_space<vmem>>) dst(%dma_wait3A_276 : memref<256xi32, #tpu.memory_space<hbm>>)
      tpu.yield
    }) : () -> ()
    %mul3A_64 = arith.constant 4 : i32
    %mul3A_65 = arith.muli %add3A, %mul3A_64 : i32
    %add3A_66 = arith.constant 1 : i32
    %add3A_67 = arith.addi %mul3A_65, %add3A_66 : i32
    %dma_start3A_68 = arith.constant 0 : i32
    %dma_start3A_69 = tpu.memref_slice %arg7[%dma_start3A_68] : memref<100096xf32, #tpu.memory_space<vmem>> -> memref<100000xf32, #tpu.memory_space<vmem>>
    %dma_start3A_70 = arith.constant 0 : i32
    %dma_start3A_71 = tpu.memref_slice %arg2[%add3A_67, %dma_start3A_70] : memref<128x100000xf32, #tpu.memory_space<hbm>> -> memref<1x100000xf32, #tpu.memory_space<hbm>>
    %dma_start3A_72 = tpu.memref_squeeze %dma_start3A_71 : memref<1x100000xf32, #tpu.memory_space<hbm>> -> memref<100000xf32, #tpu.memory_space<hbm>>
    %dma_start3A_73 = arith.constant 0 : i32
    %dma_start3A_74 = tpu.memref_slice %arg7[%dma_start3A_73] : memref<100096xf32, #tpu.memory_space<vmem>> -> memref<100000xf32, #tpu.memory_space<vmem>>
    %dma_start3A_75 = arith.constant 0 : i32
    %dma_start3A_76 = tpu.memref_slice %arg2[%add3A_67, %dma_start3A_75] : memref<128x100000xf32, #tpu.memory_space<hbm>> -> memref<1x100000xf32, #tpu.memory_space<hbm>>
    %dma_start3A_77 = tpu.memref_squeeze %dma_start3A_76 : memref<1x100000xf32, #tpu.memory_space<hbm>> -> memref<100000xf32, #tpu.memory_space<hbm>>
    tpu.enqueue_dma source(%dma_start3A_77 : memref<100000xf32, #tpu.memory_space<hbm>>) target(%dma_start3A_74 : memref<100000xf32, #tpu.memory_space<vmem>>) target_semaphore(%arg13 : memref<!tpu.dma_semaphore, #tpu.memory_space<semaphore_mem>>)
    "tpu.region"() ({
      %run_scoped3A = tpu.sem_alloc : memref<!tpu.dma_semaphore, #tpu.memory_space<semaphore_mem>>
      %dma_start3A_259 = arith.constant 0 : i32
      %dma_start3A_260 = tpu.memref_slice %arg4[%add3A_67, %dma_start3A_259] : memref<128x16xf32, #tpu.memory_space<hbm>> -> memref<1x16xf32, #tpu.memory_space<hbm>>
      %dma_start3A_261 = tpu.memref_squeeze %dma_start3A_260 : memref<1x16xf32, #tpu.memory_space<hbm>> -> memref<16xf32, #tpu.memory_space<hbm>>
      %dma_start3A_262 = arith.constant 0 : i32
      %dma_start3A_263 = tpu.memref_slice %arg4[%add3A_67, %dma_start3A_262] : memref<128x16xf32, #tpu.memory_space<hbm>> -> memref<1x16xf32, #tpu.memory_space<hbm>>
      %dma_start3A_264 = tpu.memref_squeeze %dma_start3A_263 : memref<1x16xf32, #tpu.memory_space<hbm>> -> memref<16xf32, #tpu.memory_space<hbm>>
      tpu.enqueue_dma source(%dma_start3A_264 : memref<16xf32, #tpu.memory_space<hbm>>) target(%arg9 : memref<16xf32, #tpu.memory_space<vmem>>) target_semaphore(%run_scoped3A : memref<!tpu.dma_semaphore, #tpu.memory_space<semaphore_mem>>)
      %dma_wait3A_265 = arith.constant 0 : i32
      %dma_wait3A_266 = tpu.memref_slice %arg4[%add3A_67, %dma_wait3A_265] : memref<128x16xf32, #tpu.memory_space<hbm>> -> memref<1x16xf32, #tpu.memory_space<hbm>>
      %dma_wait3A_267 = tpu.memref_squeeze %dma_wait3A_266 : memref<1x16xf32, #tpu.memory_space<hbm>> -> memref<16xf32, #tpu.memory_space<hbm>>
      %dma_wait3A_268 = arith.constant 0 : i32
      %dma_wait3A_269 = tpu.memref_slice %arg4[%add3A_67, %dma_wait3A_268] : memref<128x16xf32, #tpu.memory_space<hbm>> -> memref<1x16xf32, #tpu.memory_space<hbm>>
      %dma_wait3A_270 = tpu.memref_squeeze %dma_wait3A_269 : memref<1x16xf32, #tpu.memory_space<hbm>> -> memref<16xf32, #tpu.memory_space<hbm>>
      tpu.wait_dma2 semaphore(%run_scoped3A : memref<!tpu.dma_semaphore, #tpu.memory_space<semaphore_mem>>) src(%dma_wait3A_270 : memref<16xf32, #tpu.memory_space<hbm>>) dst(%arg9 : memref<16xf32, #tpu.memory_space<vmem>>)
      tpu.yield
    }) : () -> ()
    "tpu.region"() ({
      %run_scoped3A = tpu.sem_alloc : memref<!tpu.dma_semaphore, #tpu.memory_space<semaphore_mem>>
      %dma_start3A_259 = arith.constant 0 : i32
      %dma_start3A_260 = tpu.memref_slice %arg3[%add3A_67, %dma_start3A_259] : memref<128x896xf32, #tpu.memory_space<hbm>> -> memref<1x896xf32, #tpu.memory_space<hbm>>
      %dma_start3A_261 = tpu.memref_squeeze %dma_start3A_260 : memref<1x896xf32, #tpu.memory_space<hbm>> -> memref<896xf32, #tpu.memory_space<hbm>>
      %dma_start3A_262 = arith.constant 0 : i32
      %dma_start3A_263 = tpu.memref_slice %arg3[%add3A_67, %dma_start3A_262] : memref<128x896xf32, #tpu.memory_space<hbm>> -> memref<1x896xf32, #tpu.memory_space<hbm>>
      %dma_start3A_264 = tpu.memref_squeeze %dma_start3A_263 : memref<1x896xf32, #tpu.memory_space<hbm>> -> memref<896xf32, #tpu.memory_space<hbm>>
      tpu.enqueue_dma source(%dma_start3A_264 : memref<896xf32, #tpu.memory_space<hbm>>) target(%arg8 : memref<896xf32, #tpu.memory_space<vmem>>) target_semaphore(%run_scoped3A : memref<!tpu.dma_semaphore, #tpu.memory_space<semaphore_mem>>)
      %dma_wait3A_265 = arith.constant 0 : i32
      %dma_wait3A_266 = tpu.memref_slice %arg3[%add3A_67, %dma_wait3A_265] : memref<128x896xf32, #tpu.memory_space<hbm>> -> memref<1x896xf32, #tpu.memory_space<hbm>>
      %dma_wait3A_267 = tpu.memref_squeeze %dma_wait3A_266 : memref<1x896xf32, #tpu.memory_space<hbm>> -> memref<896xf32, #tpu.memory_space<hbm>>
      %dma_wait3A_268 = arith.constant 0 : i32
      %dma_wait3A_269 = tpu.memref_slice %arg3[%add3A_67, %dma_wait3A_268] : memref<128x896xf32, #tpu.memory_space<hbm>> -> memref<1x896xf32, #tpu.memory_space<hbm>>
      %dma_wait3A_270 = tpu.memref_squeeze %dma_wait3A_269 : memref<1x896xf32, #tpu.memory_space<hbm>> -> memref<896xf32, #tpu.memory_space<hbm>>
      tpu.wait_dma2 semaphore(%run_scoped3A : memref<!tpu.dma_semaphore, #tpu.memory_space<semaphore_mem>>) src(%dma_wait3A_270 : memref<896xf32, #tpu.memory_space<hbm>>) dst(%arg8 : memref<896xf32, #tpu.memory_space<vmem>>)
      tpu.yield
    }) : () -> ()
    %get3A_78 = arith.constant 0 : index
    %get3A_79 = tpu.vector_load %arg9[%get3A_78] {strides = array<i32>} : memref<16xf32, #tpu.memory_space<vmem>>, vector<16xf32>,
    %swap3A_80 = arith.constant 100000 : index
    %swap3A_81 = tpu.vector_load %arg7[%swap3A_80] {strides = array<i32>} : memref<100096xf32, #tpu.memory_space<vmem>>, vector<16xf32>,
    tpu.vector_store %arg7[%swap3A_80], %broadcast_in_dim3A_5 {strides = array<i32>} : memref<100096xf32, #tpu.memory_space<vmem>>, vector<16xf32>,
    %swap3A_82 = arith.constant 100016 : index
    %swap3A_83 = tpu.vector_load %arg7[%swap3A_82] {strides = array<i32>} : memref<100096xf32, #tpu.memory_space<vmem>>, vector<16xf32>,
    tpu.vector_store %arg7[%swap3A_82], %broadcast_in_dim3A_5 {strides = array<i32>} : memref<100096xf32, #tpu.memory_space<vmem>>, vector<16xf32>,
    %swap3A_84 = arith.constant 100032 : index
    %swap3A_85 = tpu.vector_load %arg7[%swap3A_84] {strides = array<i32>} : memref<100096xf32, #tpu.memory_space<vmem>>, vector<16xf32>,
    tpu.vector_store %arg7[%swap3A_84], %broadcast_in_dim3A_5 {strides = array<i32>} : memref<100096xf32, #tpu.memory_space<vmem>>, vector<16xf32>,
    %swap3A_86 = arith.constant 100048 : index
    %swap3A_87 = tpu.vector_load %arg7[%swap3A_86] {strides = array<i32>} : memref<100096xf32, #tpu.memory_space<vmem>>, vector<16xf32>,
    tpu.vector_store %arg7[%swap3A_86], %broadcast_in_dim3A_5 {strides = array<i32>} : memref<100096xf32, #tpu.memory_space<vmem>>, vector<16xf32>,
    %swap3A_88 = arith.constant 100064 : index
    %swap3A_89 = tpu.vector_load %arg7[%swap3A_88] {strides = array<i32>} : memref<100096xf32, #tpu.memory_space<vmem>>, vector<16xf32>,
    tpu.vector_store %arg7[%swap3A_88], %broadcast_in_dim3A_5 {strides = array<i32>} : memref<100096xf32, #tpu.memory_space<vmem>>, vector<16xf32>,
    %swap3A_90 = arith.constant 100080 : index
    %swap3A_91 = tpu.vector_load %arg7[%swap3A_90] {strides = array<i32>} : memref<100096xf32, #tpu.memory_space<vmem>>, vector<16xf32>,
    tpu.vector_store %arg7[%swap3A_90], %broadcast_in_dim3A_5 {strides = array<i32>} : memref<100096xf32, #tpu.memory_space<vmem>>, vector<16xf32>,
    %scan3A_92 = arith.constant 0 : i32
    %scan3A_93 = arith.constant 0 : i32
    %scan3A_94 = arith.constant 17 : i32
    %scan3A_95 = arith.addi %scan3A_93, %scan3A_94 : i32
    %scan3A_96 = arith.constant 1 : i32
    scf.for %scan3A_259 = %scan3A_93 to %scan3A_95 step %scan3A_96  : i32 {
      %mul3A_260 = arith.constant 16 : i32
      %mul3A_261 = arith.muli %scan3A_259, %mul3A_260 : i32
      %swap3A_262 = arith.index_cast %mul3A_261 : i32 to index
      %swap3A_263 = tpu.vector_load %arg11[%swap3A_262] {strides = array<i32>} : memref<272xf32, #tpu.memory_space<vmem>>, vector<16xf32>,
      tpu.vector_store %arg11[%swap3A_262], %broadcast_in_dim3A_3 {strides = array<i32>} : memref<272xf32, #tpu.memory_space<vmem>>, vector<16xf32>,
      %mul3A_264 = arith.constant 16 : i32
      %mul3A_265 = arith.muli %scan3A_259, %mul3A_264 : i32
      %swap3A_266 = arith.index_cast %mul3A_265 : i32 to index
      %swap3A_267 = tpu.vector_load %arg12[%swap3A_266] {strides = array<i32>} : memref<272xi32, #tpu.memory_space<vmem>>, vector<16xi32>,
      tpu.vector_store %arg12[%swap3A_266], %broadcast_in_dim3A_1 {strides = array<i32>} : memref<272xi32, #tpu.memory_space<vmem>>, vector<16xi32>,
    }
    %scan3A_97 = arith.constant 17 : i32
    %scan3A_98 = arith.constant 0 : i32
    %scan3A_99 = arith.constant 0 : i32
    %scan3A_100 = arith.constant 56 : i32
    %scan3A_101 = arith.addi %scan3A_99, %scan3A_100 : i32
    %scan3A_102 = arith.constant 1 : i32
    %scan3A_103 = scf.for %scan3A_259 = %scan3A_99 to %scan3A_101 step %scan3A_102 iter_args(%scan3A_260 = %scan3A_98) -> (i32)  : i32 {
      %mul3A_261 = arith.constant 16 : i32
      %mul3A_262 = arith.muli %scan3A_259, %mul3A_261 : i32
      %get3A_263 = arith.index_cast %mul3A_262 : i32 to index
      %get3A_264 = tpu.vector_load %arg8[%get3A_263] {strides = array<i32>} : memref<896xf32, #tpu.memory_space<vmem>>, vector<16xf32>,
      %ge3A = arith.cmpf oge, %get3A_264, %get3A_79 : vector<16xf32>
      %convert_element_type3A = arith.extui %ge3A : vector<16xi1> to vector<16xi32>
      %reduce_sum3A = arith.constant true
      %reduce_sum3A_265 = vector.broadcast %reduce_sum3A : i1 to vector<16xi1>
      %reduce_sum3A_266 = tpu.scan <sum>, %convert_element_type3A masked %reduce_sum3A_265 : vector<16xi32>, vector<16xi1> -> vector<16xi32>
      %reduce_sum3A_267 = vector.extract %reduce_sum3A_266[15] : i32 from vector<16xi32>
      %min3A_268 = arith.constant 112 : i32
      %min3A_269 = arith.minsi %scan3A_260, %min3A_268 : i32
      %mul3A_270 = arith.constant 16 : i32
      %mul3A_271 = arith.muli %scan3A_259, %mul3A_270 : i32
      %add3A_272 = vector.broadcast %mul3A_271 : i32 to vector<16xi32>
      %add3A_273 = arith.addi %add3A_272, %iota3A : vector<16xi32>
      %swap3A_274 = arith.index_cast %min3A_269 : i32 to index
      %swap3A_275 = tpu.vector_load %arg10[%swap3A_274] masked %ge3A {strides = array<i32>} : memref<128xi32, #tpu.memory_space<vmem>>, vector<16xi32>, vector<16xi1>
      tpu.vector_store %arg10[%swap3A_274], %add3A_273 masked %ge3A {strides = array<i32>} : memref<128xi32, #tpu.memory_space<vmem>>, vector<16xi32>, vector<16xi1>
      %add3A_276 = arith.addi %scan3A_260, %reduce_sum3A_267 : i32
      scf.yield %add3A_276 : i32
    }
    %scan3A_104 = arith.constant 56 : i32
    %min3A_105 = arith.constant 112 : i32
    %min3A_106 = arith.minsi %scan3A_103, %min3A_105 : i32
    %dma_wait3A_107 = arith.constant 0 : i32
    %dma_wait3A_108 = tpu.memref_slice %arg7[%dma_wait3A_107] : memref<100096xf32, #tpu.memory_space<vmem>> -> memref<100000xf32, #tpu.memory_space<vmem>>
    %dma_wait3A_109 = arith.constant 0 : i32
    %dma_wait3A_110 = tpu.memref_slice %arg2[%add3A_67, %dma_wait3A_109] : memref<128x100000xf32, #tpu.memory_space<hbm>> -> memref<1x100000xf32, #tpu.memory_space<hbm>>
    %dma_wait3A_111 = tpu.memref_squeeze %dma_wait3A_110 : memref<1x100000xf32, #tpu.memory_space<hbm>> -> memref<100000xf32, #tpu.memory_space<hbm>>
    %dma_wait3A_112 = arith.constant 0 : i32
    %dma_wait3A_113 = tpu.memref_slice %arg7[%dma_wait3A_112] : memref<100096xf32, #tpu.memory_space<vmem>> -> memref<100000xf32, #tpu.memory_space<vmem>>
    %dma_wait3A_114 = arith.constant 0 : i32
    %dma_wait3A_115 = tpu.memref_slice %arg2[%add3A_67, %dma_wait3A_114] : memref<128x100000xf32, #tpu.memory_space<hbm>> -> memref<1x100000xf32, #tpu.memory_space<hbm>>
    %dma_wait3A_116 = tpu.memref_squeeze %dma_wait3A_115 : memref<1x100000xf32, #tpu.memory_space<hbm>> -> memref<100000xf32, #tpu.memory_space<hbm>>
    tpu.wait_dma2 semaphore(%arg13 : memref<!tpu.dma_semaphore, #tpu.memory_space<semaphore_mem>>) src(%dma_wait3A_116 : memref<100000xf32, #tpu.memory_space<hbm>>) dst(%dma_wait3A_113 : memref<100000xf32, #tpu.memory_space<vmem>>)
    %while3A_117 = arith.constant 0 : i32
    %while3A_118 = arith.constant 0 : i32
    %while3A_119 = arith.subi %min3A_106, %while3A_117 : i32
    %while3A_120 = arith.addi %while3A_117, %while3A_119 : i32
    %while3A_121 = arith.constant 1 : i32
    %while3A_122 = arith.divsi %while3A_119, %while3A_121 : i32
    %while3A_123 = arith.muli %while3A_122, %while3A_121 : i32
    %while3A_124 = arith.addi %while3A_117, %while3A_123 : i32
    %while3A_125 = arith.constant 1 : i32
    %while3A_126 = scf.for %while3A_259 = %while3A_117 to %while3A_124 step %while3A_125 iter_args(%while3A_260 = %while3A_118) -> (i32)  : i32 {
      %add3A_261 = vector.broadcast %while3A_259 : i32 to vector<16xi32>
      %add3A_262 = arith.addi %broadcast_in_dim3A_1, %add3A_261 : vector<16xi32>
      %gather3A = tpu.vector_load_idx %arg10[%add3A_262] : memref<128xi32, #tpu.memory_space<vmem>>[vector<16xi32>], vector<16xi32>,
      %mul3A_263 = arith.constant 128 : i32
      %mul3A_264 = vector.broadcast %mul3A_263 : i32 to vector<16xi32>
      %mul3A_265 = arith.muli %gather3A, %mul3A_264 : vector<16xi32>
      %add3A_266 = arith.constant 0 : i32
      %add3A_267 = vector.broadcast %add3A_266 : i32 to vector<16xi32>
      %add3A_268 = arith.addi %mul3A_265, %add3A_267 : vector<16xi32>
      %add3A_269 = arith.addi %add3A_268, %iota3A : vector<16xi32>
      %gather3A_270 = tpu.vector_load_idx %arg7[%add3A_269] : memref<100096xf32, #tpu.memory_space<vmem>>[vector<16xi32>], vector<16xf32>,
      %ge3A = arith.cmpf oge, %gather3A_270, %get3A_79 : vector<16xf32>
      %convert_element_type3A = arith.extui %ge3A : vector<16xi1> to vector<16xi32>
      %reduce_sum3A = arith.constant true
      %reduce_sum3A_271 = vector.broadcast %reduce_sum3A : i1 to vector<16xi1>
      %reduce_sum3A_272 = tpu.scan <sum>, %convert_element_type3A masked %reduce_sum3A_271 : vector<16xi32>, vector<16xi1> -> vector<16xi32>
      %reduce_sum3A_273 = vector.extract %reduce_sum3A_272[15] : i32 from vector<16xi32>
      %min3A_274 = arith.constant 256 : i32
      %min3A_275 = arith.minsi %while3A_260, %min3A_274 : i32
      %swap3A_276 = arith.index_cast %min3A_275 : i32 to index
      %swap3A_277 = tpu.vector_load %arg11[%swap3A_276] masked %ge3A {strides = array<i32>} : memref<272xf32, #tpu.memory_space<vmem>>, vector<16xf32>, vector<16xi1>
      tpu.vector_store %arg11[%swap3A_276], %gather3A_270 masked %ge3A {strides = array<i32>} : memref<272xf32, #tpu.memory_space<vmem>>, vector<16xf32>, vector<16xi1>
      %swap3A_278 = arith.index_cast %min3A_275 : i32 to index
      %swap3A_279 = tpu.vector_load %arg12[%swap3A_278] masked %ge3A {strides = array<i32>} : memref<272xi32, #tpu.memory_space<vmem>>, vector<16xi32>, vector<16xi1>
      tpu.vector_store %arg12[%swap3A_278], %add3A_269 masked %ge3A {strides = array<i32>} : memref<272xi32, #tpu.memory_space<vmem>>, vector<16xi32>, vector<16xi1>
      %add3A_280 = arith.addi %while3A_260, %reduce_sum3A_273 : i32
      %add3A_281 = arith.constant 16 : i32
      %add3A_282 = vector.broadcast %add3A_281 : i32 to vector<16xi32>
      %add3A_283 = arith.addi %mul3A_265, %add3A_282 : vector<16xi32>
      %add3A_284 = arith.addi %add3A_283, %iota3A : vector<16xi32>
      %gather3A_285 = tpu.vector_load_idx %arg7[%add3A_284] : memref<100096xf32, #tpu.memory_space<vmem>>[vector<16xi32>], vector<16xf32>,
      %ge3A_286 = arith.cmpf oge, %gather3A_285, %get3A_79 : vector<16xf32>
      %convert_element_type3A_287 = arith.extui %ge3A_286 : vector<16xi1> to vector<16xi32>
      %reduce_sum3A_288 = arith.constant true
      %reduce_sum3A_289 = vector.broadcast %reduce_sum3A_288 : i1 to vector<16xi1>
      %reduce_sum3A_290 = tpu.scan <sum>, %convert_element_type3A_287 masked %reduce_sum3A_289 : vector<16xi32>, vector<16xi1> -> vector<16xi32>
      %reduce_sum3A_291 = vector.extract %reduce_sum3A_290[15] : i32 from vector<16xi32>
      %min3A_292 = arith.constant 256 : i32
      %min3A_293 = arith.minsi %add3A_280, %min3A_292 : i32
      %swap3A_294 = arith.index_cast %min3A_293 : i32 to index
      %swap3A_295 = tpu.vector_load %arg11[%swap3A_294] masked %ge3A_286 {strides = array<i32>} : memref<272xf32, #tpu.memory_space<vmem>>, vector<16xf32>, vector<16xi1>
      tpu.vector_store %arg11[%swap3A_294], %gather3A_285 masked %ge3A_286 {strides = array<i32>} : memref<272xf32, #tpu.memory_space<vmem>>, vector<16xf32>, vector<16xi1>
      %swap3A_296 = arith.index_cast %min3A_293 : i32 to index
      %swap3A_297 = tpu.vector_load %arg12[%swap3A_296] masked %ge3A_286 {strides = array<i32>} : memref<272xi32, #tpu.memory_space<vmem>>, vector<16xi32>, vector<16xi1>
      tpu.vector_store %arg12[%swap3A_296], %add3A_284 masked %ge3A_286 {strides = array<i32>} : memref<272xi32, #tpu.memory_space<vmem>>, vector<16xi32>, vector<16xi1>
      %add3A_298 = arith.addi %add3A_280, %reduce_sum3A_291 : i32
      %add3A_299 = arith.constant 32 : i32
      %add3A_300 = vector.broadcast %add3A_299 : i32 to vector<16xi32>
      %add3A_301 = arith.addi %mul3A_265, %add3A_300 : vector<16xi32>
      %add3A_302 = arith.addi %add3A_301, %iota3A : vector<16xi32>
      %gather3A_303 = tpu.vector_load_idx %arg7[%add3A_302] : memref<100096xf32, #tpu.memory_space<vmem>>[vector<16xi32>], vector<16xf32>,
      %ge3A_304 = arith.cmpf oge, %gather3A_303, %get3A_79 : vector<16xf32>
      %convert_element_type3A_305 = arith.extui %ge3A_304 : vector<16xi1> to vector<16xi32>
      %reduce_sum3A_306 = arith.constant true
      %reduce_sum3A_307 = vector.broadcast %reduce_sum3A_306 : i1 to vector<16xi1>
      %reduce_sum3A_308 = tpu.scan <sum>, %convert_element_type3A_305 masked %reduce_sum3A_307 : vector<16xi32>, vector<16xi1> -> vector<16xi32>
      %reduce_sum3A_309 = vector.extract %reduce_sum3A_308[15] : i32 from vector<16xi32>
      %min3A_310 = arith.constant 256 : i32
      %min3A_311 = arith.minsi %add3A_298, %min3A_310 : i32
      %swap3A_312 = arith.index_cast %min3A_311 : i32 to index
      %swap3A_313 = tpu.vector_load %arg11[%swap3A_312] masked %ge3A_304 {strides = array<i32>} : memref<272xf32, #tpu.memory_space<vmem>>, vector<16xf32>, vector<16xi1>
      tpu.vector_store %arg11[%swap3A_312], %gather3A_303 masked %ge3A_304 {strides = array<i32>} : memref<272xf32, #tpu.memory_space<vmem>>, vector<16xf32>, vector<16xi1>
      %swap3A_314 = arith.index_cast %min3A_311 : i32 to index
      %swap3A_315 = tpu.vector_load %arg12[%swap3A_314] masked %ge3A_304 {strides = array<i32>} : memref<272xi32, #tpu.memory_space<vmem>>, vector<16xi32>, vector<16xi1>
      tpu.vector_store %arg12[%swap3A_314], %add3A_302 masked %ge3A_304 {strides = array<i32>} : memref<272xi32, #tpu.memory_space<vmem>>, vector<16xi32>, vector<16xi1>
      %add3A_316 = arith.addi %add3A_298, %reduce_sum3A_309 : i32
      %add3A_317 = arith.constant 48 : i32
      %add3A_318 = vector.broadcast %add3A_317 : i32 to vector<16xi32>
      %add3A_319 = arith.addi %mul3A_265, %add3A_318 : vector<16xi32>
      %add3A_320 = arith.addi %add3A_319, %iota3A : vector<16xi32>
      %gather3A_321 = tpu.vector_load_idx %arg7[%add3A_320] : memref<100096xf32, #tpu.memory_space<vmem>>[vector<16xi32>], vector<16xf32>,
      %ge3A_322 = arith.cmpf oge, %gather3A_321, %get3A_79 : vector<16xf32>
      %convert_element_type3A_323 = arith.extui %ge3A_322 : vector<16xi1> to vector<16xi32>
      %reduce_sum3A_324 = arith.constant true
      %reduce_sum3A_325 = vector.broadcast %reduce_sum3A_324 : i1 to vector<16xi1>
      %reduce_sum3A_326 = tpu.scan <sum>, %convert_element_type3A_323 masked %reduce_sum3A_325 : vector<16xi32>, vector<16xi1> -> vector<16xi32>
      %reduce_sum3A_327 = vector.extract %reduce_sum3A_326[15] : i32 from vector<16xi32>
      %min3A_328 = arith.constant 256 : i32
      %min3A_329 = arith.minsi %add3A_316, %min3A_328 : i32
      %swap3A_330 = arith.index_cast %min3A_329 : i32 to index
      %swap3A_331 = tpu.vector_load %arg11[%swap3A_330] masked %ge3A_322 {strides = array<i32>} : memref<272xf32, #tpu.memory_space<vmem>>, vector<16xf32>, vector<16xi1>
      tpu.vector_store %arg11[%swap3A_330], %gather3A_321 masked %ge3A_322 {strides = array<i32>} : memref<272xf32, #tpu.memory_space<vmem>>, vector<16xf32>, vector<16xi1>
      %swap3A_332 = arith.index_cast %min3A_329 : i32 to index
      %swap3A_333 = tpu.vector_load %arg12[%swap3A_332] masked %ge3A_322 {strides = array<i32>} : memref<272xi32, #tpu.memory_space<vmem>>, vector<16xi32>, vector<16xi1>
      tpu.vector_store %arg12[%swap3A_332], %add3A_320 masked %ge3A_322 {strides = array<i32>} : memref<272xi32, #tpu.memory_space<vmem>>, vector<16xi32>, vector<16xi1>
      %add3A_334 = arith.addi %add3A_316, %reduce_sum3A_327 : i32
      %add3A_335 = arith.constant 64 : i32
      %add3A_336 = vector.broadcast %add3A_335 : i32 to vector<16xi32>
      %add3A_337 = arith.addi %mul3A_265, %add3A_336 : vector<16xi32>
      %add3A_338 = arith.addi %add3A_337, %iota3A : vector<16xi32>
      %gather3A_339 = tpu.vector_load_idx %arg7[%add3A_338] : memref<100096xf32, #tpu.memory_space<vmem>>[vector<16xi32>], vector<16xf32>,
      %ge3A_340 = arith.cmpf oge, %gather3A_339, %get3A_79 : vector<16xf32>
      %convert_element_type3A_341 = arith.extui %ge3A_340 : vector<16xi1> to vector<16xi32>
      %reduce_sum3A_342 = arith.constant true
      %reduce_sum3A_343 = vector.broadcast %reduce_sum3A_342 : i1 to vector<16xi1>
      %reduce_sum3A_344 = tpu.scan <sum>, %convert_element_type3A_341 masked %reduce_sum3A_343 : vector<16xi32>, vector<16xi1> -> vector<16xi32>
      %reduce_sum3A_345 = vector.extract %reduce_sum3A_344[15] : i32 from vector<16xi32>
      %min3A_346 = arith.constant 256 : i32
      %min3A_347 = arith.minsi %add3A_334, %min3A_346 : i32
      %swap3A_348 = arith.index_cast %min3A_347 : i32 to index
      %swap3A_349 = tpu.vector_load %arg11[%swap3A_348] masked %ge3A_340 {strides = array<i32>} : memref<272xf32, #tpu.memory_space<vmem>>, vector<16xf32>, vector<16xi1>
      tpu.vector_store %arg11[%swap3A_348], %gather3A_339 masked %ge3A_340 {strides = array<i32>} : memref<272xf32, #tpu.memory_space<vmem>>, vector<16xf32>, vector<16xi1>
      %swap3A_350 = arith.index_cast %min3A_347 : i32 to index
      %swap3A_351 = tpu.vector_load %arg12[%swap3A_350] masked %ge3A_340 {strides = array<i32>} : memref<272xi32, #tpu.memory_space<vmem>>, vector<16xi32>, vector<16xi1>
      tpu.vector_store %arg12[%swap3A_350], %add3A_338 masked %ge3A_340 {strides = array<i32>} : memref<272xi32, #tpu.memory_space<vmem>>, vector<16xi32>, vector<16xi1>
      %add3A_352 = arith.addi %add3A_334, %reduce_sum3A_345 : i32
      %add3A_353 = arith.constant 80 : i32
      %add3A_354 = vector.broadcast %add3A_353 : i32 to vector<16xi32>
      %add3A_355 = arith.addi %mul3A_265, %add3A_354 : vector<16xi32>
      %add3A_356 = arith.addi %add3A_355, %iota3A : vector<16xi32>
      %gather3A_357 = tpu.vector_load_idx %arg7[%add3A_356] : memref<100096xf32, #tpu.memory_space<vmem>>[vector<16xi32>], vector<16xf32>,
      %ge3A_358 = arith.cmpf oge, %gather3A_357, %get3A_79 : vector<16xf32>
      %convert_element_type3A_359 = arith.extui %ge3A_358 : vector<16xi1> to vector<16xi32>
      %reduce_sum3A_360 = arith.constant true
      %reduce_sum3A_361 = vector.broadcast %reduce_sum3A_360 : i1 to vector<16xi1>
      %reduce_sum3A_362 = tpu.scan <sum>, %convert_element_type3A_359 masked %reduce_sum3A_361 : vector<16xi32>, vector<16xi1> -> vector<16xi32>
      %reduce_sum3A_363 = vector.extract %reduce_sum3A_362[15] : i32 from vector<16xi32>
      %min3A_364 = arith.constant 256 : i32
      %min3A_365 = arith.minsi %add3A_352, %min3A_364 : i32
      %swap3A_366 = arith.index_cast %min3A_365 : i32 to index
      %swap3A_367 = tpu.vector_load %arg11[%swap3A_366] masked %ge3A_358 {strides = array<i32>} : memref<272xf32, #tpu.memory_space<vmem>>, vector<16xf32>, vector<16xi1>
      tpu.vector_store %arg11[%swap3A_366], %gather3A_357 masked %ge3A_358 {strides = array<i32>} : memref<272xf32, #tpu.memory_space<vmem>>, vector<16xf32>, vector<16xi1>
      %swap3A_368 = arith.index_cast %min3A_365 : i32 to index
      %swap3A_369 = tpu.vector_load %arg12[%swap3A_368] masked %ge3A_358 {strides = array<i32>} : memref<272xi32, #tpu.memory_space<vmem>>, vector<16xi32>, vector<16xi1>
      tpu.vector_store %arg12[%swap3A_368], %add3A_356 masked %ge3A_358 {strides = array<i32>} : memref<272xi32, #tpu.memory_space<vmem>>, vector<16xi32>, vector<16xi1>
      %add3A_370 = arith.addi %add3A_352, %reduce_sum3A_363 : i32
      %add3A_371 = arith.constant 96 : i32
      %add3A_372 = vector.broadcast %add3A_371 : i32 to vector<16xi32>
      %add3A_373 = arith.addi %mul3A_265, %add3A_372 : vector<16xi32>
      %add3A_374 = arith.addi %add3A_373, %iota3A : vector<16xi32>
      %gather3A_375 = tpu.vector_load_idx %arg7[%add3A_374] : memref<100096xf32, #tpu.memory_space<vmem>>[vector<16xi32>], vector<16xf32>,
      %ge3A_376 = arith.cmpf oge, %gather3A_375, %get3A_79 : vector<16xf32>
      %convert_element_type3A_377 = arith.extui %ge3A_376 : vector<16xi1> to vector<16xi32>
      %reduce_sum3A_378 = arith.constant true
      %reduce_sum3A_379 = vector.broadcast %reduce_sum3A_378 : i1 to vector<16xi1>
      %reduce_sum3A_380 = tpu.scan <sum>, %convert_element_type3A_377 masked %reduce_sum3A_379 : vector<16xi32>, vector<16xi1> -> vector<16xi32>
      %reduce_sum3A_381 = vector.extract %reduce_sum3A_380[15] : i32 from vector<16xi32>
      %min3A_382 = arith.constant 256 : i32
      %min3A_383 = arith.minsi %add3A_370, %min3A_382 : i32
      %swap3A_384 = arith.index_cast %min3A_383 : i32 to index
      %swap3A_385 = tpu.vector_load %arg11[%swap3A_384] masked %ge3A_376 {strides = array<i32>} : memref<272xf32, #tpu.memory_space<vmem>>, vector<16xf32>, vector<16xi1>
      tpu.vector_store %arg11[%swap3A_384], %gather3A_375 masked %ge3A_376 {strides = array<i32>} : memref<272xf32, #tpu.memory_space<vmem>>, vector<16xf32>, vector<16xi1>
      %swap3A_386 = arith.index_cast %min3A_383 : i32 to index
      %swap3A_387 = tpu.vector_load %arg12[%swap3A_386] masked %ge3A_376 {strides = array<i32>} : memref<272xi32, #tpu.memory_space<vmem>>, vector<16xi32>, vector<16xi1>
      tpu.vector_store %arg12[%swap3A_386], %add3A_374 masked %ge3A_376 {strides = array<i32>} : memref<272xi32, #tpu.memory_space<vmem>>, vector<16xi32>, vector<16xi1>
      %add3A_388 = arith.addi %add3A_370, %reduce_sum3A_381 : i32
      %add3A_389 = arith.constant 112 : i32
      %add3A_390 = vector.broadcast %add3A_389 : i32 to vector<16xi32>
      %add3A_391 = arith.addi %mul3A_265, %add3A_390 : vector<16xi32>
      %add3A_392 = arith.addi %add3A_391, %iota3A : vector<16xi32>
      %gather3A_393 = tpu.vector_load_idx %arg7[%add3A_392] : memref<100096xf32, #tpu.memory_space<vmem>>[vector<16xi32>], vector<16xf32>,
      %ge3A_394 = arith.cmpf oge, %gather3A_393, %get3A_79 : vector<16xf32>
      %convert_element_type3A_395 = arith.extui %ge3A_394 : vector<16xi1> to vector<16xi32>
      %reduce_sum3A_396 = arith.constant true
      %reduce_sum3A_397 = vector.broadcast %reduce_sum3A_396 : i1 to vector<16xi1>
      %reduce_sum3A_398 = tpu.scan <sum>, %convert_element_type3A_395 masked %reduce_sum3A_397 : vector<16xi32>, vector<16xi1> -> vector<16xi32>
      %reduce_sum3A_399 = vector.extract %reduce_sum3A_398[15] : i32 from vector<16xi32>
      %min3A_400 = arith.constant 256 : i32
      %min3A_401 = arith.minsi %add3A_388, %min3A_400 : i32
      %swap3A_402 = arith.index_cast %min3A_401 : i32 to index
      %swap3A_403 = tpu.vector_load %arg11[%swap3A_402] masked %ge3A_394 {strides = array<i32>} : memref<272xf32, #tpu.memory_space<vmem>>, vector<16xf32>, vector<16xi1>
      tpu.vector_store %arg11[%swap3A_402], %gather3A_393 masked %ge3A_394 {strides = array<i32>} : memref<272xf32, #tpu.memory_space<vmem>>, vector<16xf32>, vector<16xi1>
      %swap3A_404 = arith.index_cast %min3A_401 : i32 to index
      %swap3A_405 = tpu.vector_load %arg12[%swap3A_404] masked %ge3A_394 {strides = array<i32>} : memref<272xi32, #tpu.memory_space<vmem>>, vector<16xi32>, vector<16xi1>
      tpu.vector_store %arg12[%swap3A_404], %add3A_392 masked %ge3A_394 {strides = array<i32>} : memref<272xi32, #tpu.memory_space<vmem>>, vector<16xi32>, vector<16xi1>
      %add3A_406 = arith.addi %add3A_388, %reduce_sum3A_399 : i32
      scf.yield %add3A_406 : i32
    }
    %while3A_127 = arith.constant 1 : i32
    %while3A_128 = scf.for %while3A_259 = %while3A_124 to %while3A_120 step %while3A_127 iter_args(%while3A_260 = %while3A_126) -> (i32)  : i32 {
      %add3A_261 = vector.broadcast %while3A_259 : i32 to vector<16xi32>
      %add3A_262 = arith.addi %broadcast_in_dim3A_1, %add3A_261 : vector<16xi32>
      %gather3A = tpu.vector_load_idx %arg10[%add3A_262] : memref<128xi32, #tpu.memory_space<vmem>>[vector<16xi32>], vector<16xi32>,
      %mul3A_263 = arith.constant 128 : i32
      %mul3A_264 = vector.broadcast %mul3A_263 : i32 to vector<16xi32>
      %mul3A_265 = arith.muli %gather3A, %mul3A_264 : vector<16xi32>
      %add3A_266 = arith.constant 0 : i32
      %add3A_267 = vector.broadcast %add3A_266 : i32 to vector<16xi32>
      %add3A_268 = arith.addi %mul3A_265, %add3A_267 : vector<16xi32>
      %add3A_269 = arith.addi %add3A_268, %iota3A : vector<16xi32>
      %gather3A_270 = tpu.vector_load_idx %arg7[%add3A_269] : memref<100096xf32, #tpu.memory_space<vmem>>[vector<16xi32>], vector<16xf32>,
      %ge3A = arith.cmpf oge, %gather3A_270, %get3A_79 : vector<16xf32>
      %convert_element_type3A = arith.extui %ge3A : vector<16xi1> to vector<16xi32>
      %reduce_sum3A = arith.constant true
      %reduce_sum3A_271 = vector.broadcast %reduce_sum3A : i1 to vector<16xi1>
      %reduce_sum3A_272 = tpu.scan <sum>, %convert_element_type3A masked %reduce_sum3A_271 : vector<16xi32>, vector<16xi1> -> vector<16xi32>
      %reduce_sum3A_273 = vector.extract %reduce_sum3A_272[15] : i32 from vector<16xi32>
      %min3A_274 = arith.constant 256 : i32
      %min3A_275 = arith.minsi %while3A_260, %min3A_274 : i32
      %swap3A_276 = arith.index_cast %min3A_275 : i32 to index
      %swap3A_277 = tpu.vector_load %arg11[%swap3A_276] masked %ge3A {strides = array<i32>} : memref<272xf32, #tpu.memory_space<vmem>>, vector<16xf32>, vector<16xi1>
      tpu.vector_store %arg11[%swap3A_276], %gather3A_270 masked %ge3A {strides = array<i32>} : memref<272xf32, #tpu.memory_space<vmem>>, vector<16xf32>, vector<16xi1>
      %swap3A_278 = arith.index_cast %min3A_275 : i32 to index
      %swap3A_279 = tpu.vector_load %arg12[%swap3A_278] masked %ge3A {strides = array<i32>} : memref<272xi32, #tpu.memory_space<vmem>>, vector<16xi32>, vector<16xi1>
      tpu.vector_store %arg12[%swap3A_278], %add3A_269 masked %ge3A {strides = array<i32>} : memref<272xi32, #tpu.memory_space<vmem>>, vector<16xi32>, vector<16xi1>
      %add3A_280 = arith.addi %while3A_260, %reduce_sum3A_273 : i32
      %add3A_281 = arith.constant 16 : i32
      %add3A_282 = vector.broadcast %add3A_281 : i32 to vector<16xi32>
      %add3A_283 = arith.addi %mul3A_265, %add3A_282 : vector<16xi32>
      %add3A_284 = arith.addi %add3A_283, %iota3A : vector<16xi32>
      %gather3A_285 = tpu.vector_load_idx %arg7[%add3A_284] : memref<100096xf32, #tpu.memory_space<vmem>>[vector<16xi32>], vector<16xf32>,
      %ge3A_286 = arith.cmpf oge, %gather3A_285, %get3A_79 : vector<16xf32>
      %convert_element_type3A_287 = arith.extui %ge3A_286 : vector<16xi1> to vector<16xi32>
      %reduce_sum3A_288 = arith.constant true
      %reduce_sum3A_289 = vector.broadcast %reduce_sum3A_288 : i1 to vector<16xi1>
      %reduce_sum3A_290 = tpu.scan <sum>, %convert_element_type3A_287 masked %reduce_sum3A_289 : vector<16xi32>, vector<16xi1> -> vector<16xi32>
      %reduce_sum3A_291 = vector.extract %reduce_sum3A_290[15] : i32 from vector<16xi32>
      %min3A_292 = arith.constant 256 : i32
      %min3A_293 = arith.minsi %add3A_280, %min3A_292 : i32
      %swap3A_294 = arith.index_cast %min3A_293 : i32 to index
      %swap3A_295 = tpu.vector_load %arg11[%swap3A_294] masked %ge3A_286 {strides = array<i32>} : memref<272xf32, #tpu.memory_space<vmem>>, vector<16xf32>, vector<16xi1>
      tpu.vector_store %arg11[%swap3A_294], %gather3A_285 masked %ge3A_286 {strides = array<i32>} : memref<272xf32, #tpu.memory_space<vmem>>, vector<16xf32>, vector<16xi1>
      %swap3A_296 = arith.index_cast %min3A_293 : i32 to index
      %swap3A_297 = tpu.vector_load %arg12[%swap3A_296] masked %ge3A_286 {strides = array<i32>} : memref<272xi32, #tpu.memory_space<vmem>>, vector<16xi32>, vector<16xi1>
      tpu.vector_store %arg12[%swap3A_296], %add3A_284 masked %ge3A_286 {strides = array<i32>} : memref<272xi32, #tpu.memory_space<vmem>>, vector<16xi32>, vector<16xi1>
      %add3A_298 = arith.addi %add3A_280, %reduce_sum3A_291 : i32
      %add3A_299 = arith.constant 32 : i32
      %add3A_300 = vector.broadcast %add3A_299 : i32 to vector<16xi32>
      %add3A_301 = arith.addi %mul3A_265, %add3A_300 : vector<16xi32>
      %add3A_302 = arith.addi %add3A_301, %iota3A : vector<16xi32>
      %gather3A_303 = tpu.vector_load_idx %arg7[%add3A_302] : memref<100096xf32, #tpu.memory_space<vmem>>[vector<16xi32>], vector<16xf32>,
      %ge3A_304 = arith.cmpf oge, %gather3A_303, %get3A_79 : vector<16xf32>
      %convert_element_type3A_305 = arith.extui %ge3A_304 : vector<16xi1> to vector<16xi32>
      %reduce_sum3A_306 = arith.constant true
      %reduce_sum3A_307 = vector.broadcast %reduce_sum3A_306 : i1 to vector<16xi1>
      %reduce_sum3A_308 = tpu.scan <sum>, %convert_element_type3A_305 masked %reduce_sum3A_307 : vector<16xi32>, vector<16xi1> -> vector<16xi32>
      %reduce_sum3A_309 = vector.extract %reduce_sum3A_308[15] : i32 from vector<16xi32>
      %min3A_310 = arith.constant 256 : i32
      %min3A_311 = arith.minsi %add3A_298, %min3A_310 : i32
      %swap3A_312 = arith.index_cast %min3A_311 : i32 to index
      %swap3A_313 = tpu.vector_load %arg11[%swap3A_312] masked %ge3A_304 {strides = array<i32>} : memref<272xf32, #tpu.memory_space<vmem>>, vector<16xf32>, vector<16xi1>
      tpu.vector_store %arg11[%swap3A_312], %gather3A_303 masked %ge3A_304 {strides = array<i32>} : memref<272xf32, #tpu.memory_space<vmem>>, vector<16xf32>, vector<16xi1>
      %swap3A_314 = arith.index_cast %min3A_311 : i32 to index
      %swap3A_315 = tpu.vector_load %arg12[%swap3A_314] masked %ge3A_304 {strides = array<i32>} : memref<272xi32, #tpu.memory_space<vmem>>, vector<16xi32>, vector<16xi1>
      tpu.vector_store %arg12[%swap3A_314], %add3A_302 masked %ge3A_304 {strides = array<i32>} : memref<272xi32, #tpu.memory_space<vmem>>, vector<16xi32>, vector<16xi1>
      %add3A_316 = arith.addi %add3A_298, %reduce_sum3A_309 : i32
      %add3A_317 = arith.constant 48 : i32
      %add3A_318 = vector.broadcast %add3A_317 : i32 to vector<16xi32>
      %add3A_319 = arith.addi %mul3A_265, %add3A_318 : vector<16xi32>
      %add3A_320 = arith.addi %add3A_319, %iota3A : vector<16xi32>
      %gather3A_321 = tpu.vector_load_idx %arg7[%add3A_320] : memref<100096xf32, #tpu.memory_space<vmem>>[vector<16xi32>], vector<16xf32>,
      %ge3A_322 = arith.cmpf oge, %gather3A_321, %get3A_79 : vector<16xf32>
      %convert_element_type3A_323 = arith.extui %ge3A_322 : vector<16xi1> to vector<16xi32>
      %reduce_sum3A_324 = arith.constant true
      %reduce_sum3A_325 = vector.broadcast %reduce_sum3A_324 : i1 to vector<16xi1>
      %reduce_sum3A_326 = tpu.scan <sum>, %convert_element_type3A_323 masked %reduce_sum3A_325 : vector<16xi32>, vector<16xi1> -> vector<16xi32>
      %reduce_sum3A_327 = vector.extract %reduce_sum3A_326[15] : i32 from vector<16xi32>
      %min3A_328 = arith.constant 256 : i32
      %min3A_329 = arith.minsi %add3A_316, %min3A_328 : i32
      %swap3A_330 = arith.index_cast %min3A_329 : i32 to index
      %swap3A_331 = tpu.vector_load %arg11[%swap3A_330] masked %ge3A_322 {strides = array<i32>} : memref<272xf32, #tpu.memory_space<vmem>>, vector<16xf32>, vector<16xi1>
      tpu.vector_store %arg11[%swap3A_330], %gather3A_321 masked %ge3A_322 {strides = array<i32>} : memref<272xf32, #tpu.memory_space<vmem>>, vector<16xf32>, vector<16xi1>
      %swap3A_332 = arith.index_cast %min3A_329 : i32 to index
      %swap3A_333 = tpu.vector_load %arg12[%swap3A_332] masked %ge3A_322 {strides = array<i32>} : memref<272xi32, #tpu.memory_space<vmem>>, vector<16xi32>, vector<16xi1>
      tpu.vector_store %arg12[%swap3A_332], %add3A_320 masked %ge3A_322 {strides = array<i32>} : memref<272xi32, #tpu.memory_space<vmem>>, vector<16xi32>, vector<16xi1>
      %add3A_334 = arith.addi %add3A_316, %reduce_sum3A_327 : i32
      %add3A_335 = arith.constant 64 : i32
      %add3A_336 = vector.broadcast %add3A_335 : i32 to vector<16xi32>
      %add3A_337 = arith.addi %mul3A_265, %add3A_336 : vector<16xi32>
      %add3A_338 = arith.addi %add3A_337, %iota3A : vector<16xi32>
      %gather3A_339 = tpu.vector_load_idx %arg7[%add3A_338] : memref<100096xf32, #tpu.memory_space<vmem>>[vector<16xi32>], vector<16xf32>,
      %ge3A_340 = arith.cmpf oge, %gather3A_339, %get3A_79 : vector<16xf32>
      %convert_element_type3A_341 = arith.extui %ge3A_340 : vector<16xi1> to vector<16xi32>
      %reduce_sum3A_342 = arith.constant true
      %reduce_sum3A_343 = vector.broadcast %reduce_sum3A_342 : i1 to vector<16xi1>
      %reduce_sum3A_344 = tpu.scan <sum>, %convert_element_type3A_341 masked %reduce_sum3A_343 : vector<16xi32>, vector<16xi1> -> vector<16xi32>
      %reduce_sum3A_345 = vector.extract %reduce_sum3A_344[15] : i32 from vector<16xi32>
      %min3A_346 = arith.constant 256 : i32
      %min3A_347 = arith.minsi %add3A_334, %min3A_346 : i32
      %swap3A_348 = arith.index_cast %min3A_347 : i32 to index
      %swap3A_349 = tpu.vector_load %arg11[%swap3A_348] masked %ge3A_340 {strides = array<i32>} : memref<272xf32, #tpu.memory_space<vmem>>, vector<16xf32>, vector<16xi1>
      tpu.vector_store %arg11[%swap3A_348], %gather3A_339 masked %ge3A_340 {strides = array<i32>} : memref<272xf32, #tpu.memory_space<vmem>>, vector<16xf32>, vector<16xi1>
      %swap3A_350 = arith.index_cast %min3A_347 : i32 to index
      %swap3A_351 = tpu.vector_load %arg12[%swap3A_350] masked %ge3A_340 {strides = array<i32>} : memref<272xi32, #tpu.memory_space<vmem>>, vector<16xi32>, vector<16xi1>
      tpu.vector_store %arg12[%swap3A_350], %add3A_338 masked %ge3A_340 {strides = array<i32>} : memref<272xi32, #tpu.memory_space<vmem>>, vector<16xi32>, vector<16xi1>
      %add3A_352 = arith.addi %add3A_334, %reduce_sum3A_345 : i32
      %add3A_353 = arith.constant 80 : i32
      %add3A_354 = vector.broadcast %add3A_353 : i32 to vector<16xi32>
      %add3A_355 = arith.addi %mul3A_265, %add3A_354 : vector<16xi32>
      %add3A_356 = arith.addi %add3A_355, %iota3A : vector<16xi32>
      %gather3A_357 = tpu.vector_load_idx %arg7[%add3A_356] : memref<100096xf32, #tpu.memory_space<vmem>>[vector<16xi32>], vector<16xf32>,
      %ge3A_358 = arith.cmpf oge, %gather3A_357, %get3A_79 : vector<16xf32>
      %convert_element_type3A_359 = arith.extui %ge3A_358 : vector<16xi1> to vector<16xi32>
      %reduce_sum3A_360 = arith.constant true
      %reduce_sum3A_361 = vector.broadcast %reduce_sum3A_360 : i1 to vector<16xi1>
      %reduce_sum3A_362 = tpu.scan <sum>, %convert_element_type3A_359 masked %reduce_sum3A_361 : vector<16xi32>, vector<16xi1> -> vector<16xi32>
      %reduce_sum3A_363 = vector.extract %reduce_sum3A_362[15] : i32 from vector<16xi32>
      %min3A_364 = arith.constant 256 : i32
      %min3A_365 = arith.minsi %add3A_352, %min3A_364 : i32
      %swap3A_366 = arith.index_cast %min3A_365 : i32 to index
      %swap3A_367 = tpu.vector_load %arg11[%swap3A_366] masked %ge3A_358 {strides = array<i32>} : memref<272xf32, #tpu.memory_space<vmem>>, vector<16xf32>, vector<16xi1>
      tpu.vector_store %arg11[%swap3A_366], %gather3A_357 masked %ge3A_358 {strides = array<i32>} : memref<272xf32, #tpu.memory_space<vmem>>, vector<16xf32>, vector<16xi1>
      %swap3A_368 = arith.index_cast %min3A_365 : i32 to index
      %swap3A_369 = tpu.vector_load %arg12[%swap3A_368] masked %ge3A_358 {strides = array<i32>} : memref<272xi32, #tpu.memory_space<vmem>>, vector<16xi32>, vector<16xi1>
      tpu.vector_store %arg12[%swap3A_368], %add3A_356 masked %ge3A_358 {strides = array<i32>} : memref<272xi32, #tpu.memory_space<vmem>>, vector<16xi32>, vector<16xi1>
      %add3A_370 = arith.addi %add3A_352, %reduce_sum3A_363 : i32
      %add3A_371 = arith.constant 96 : i32
      %add3A_372 = vector.broadcast %add3A_371 : i32 to vector<16xi32>
      %add3A_373 = arith.addi %mul3A_265, %add3A_372 : vector<16xi32>
      %add3A_374 = arith.addi %add3A_373, %iota3A : vector<16xi32>
      %gather3A_375 = tpu.vector_load_idx %arg7[%add3A_374] : memref<100096xf32, #tpu.memory_space<vmem>>[vector<16xi32>], vector<16xf32>,
      %ge3A_376 = arith.cmpf oge, %gather3A_375, %get3A_79 : vector<16xf32>
      %convert_element_type3A_377 = arith.extui %ge3A_376 : vector<16xi1> to vector<16xi32>
      %reduce_sum3A_378 = arith.constant true
      %reduce_sum3A_379 = vector.broadcast %reduce_sum3A_378 : i1 to vector<16xi1>
      %reduce_sum3A_380 = tpu.scan <sum>, %convert_element_type3A_377 masked %reduce_sum3A_379 : vector<16xi32>, vector<16xi1> -> vector<16xi32>
      %reduce_sum3A_381 = vector.extract %reduce_sum3A_380[15] : i32 from vector<16xi32>
      %min3A_382 = arith.constant 256 : i32
      %min3A_383 = arith.minsi %add3A_370, %min3A_382 : i32
      %swap3A_384 = arith.index_cast %min3A_383 : i32 to index
      %swap3A_385 = tpu.vector_load %arg11[%swap3A_384] masked %ge3A_376 {strides = array<i32>} : memref<272xf32, #tpu.memory_space<vmem>>, vector<16xf32>, vector<16xi1>
      tpu.vector_store %arg11[%swap3A_384], %gather3A_375 masked %ge3A_376 {strides = array<i32>} : memref<272xf32, #tpu.memory_space<vmem>>, vector<16xf32>, vector<16xi1>
      %swap3A_386 = arith.index_cast %min3A_383 : i32 to index
      %swap3A_387 = tpu.vector_load %arg12[%swap3A_386] masked %ge3A_376 {strides = array<i32>} : memref<272xi32, #tpu.memory_space<vmem>>, vector<16xi32>, vector<16xi1>
      tpu.vector_store %arg12[%swap3A_386], %add3A_374 masked %ge3A_376 {strides = array<i32>} : memref<272xi32, #tpu.memory_space<vmem>>, vector<16xi32>, vector<16xi1>
      %add3A_388 = arith.addi %add3A_370, %reduce_sum3A_381 : i32
      %add3A_389 = arith.constant 112 : i32
      %add3A_390 = vector.broadcast %add3A_389 : i32 to vector<16xi32>
      %add3A_391 = arith.addi %mul3A_265, %add3A_390 : vector<16xi32>
      %add3A_392 = arith.addi %add3A_391, %iota3A : vector<16xi32>
      %gather3A_393 = tpu.vector_load_idx %arg7[%add3A_392] : memref<100096xf32, #tpu.memory_space<vmem>>[vector<16xi32>], vector<16xf32>,
      %ge3A_394 = arith.cmpf oge, %gather3A_393, %get3A_79 : vector<16xf32>
      %convert_element_type3A_395 = arith.extui %ge3A_394 : vector<16xi1> to vector<16xi32>
      %reduce_sum3A_396 = arith.constant true
      %reduce_sum3A_397 = vector.broadcast %reduce_sum3A_396 : i1 to vector<16xi1>
      %reduce_sum3A_398 = tpu.scan <sum>, %convert_element_type3A_395 masked %reduce_sum3A_397 : vector<16xi32>, vector<16xi1> -> vector<16xi32>
      %reduce_sum3A_399 = vector.extract %reduce_sum3A_398[15] : i32 from vector<16xi32>
      %min3A_400 = arith.constant 256 : i32
      %min3A_401 = arith.minsi %add3A_388, %min3A_400 : i32
      %swap3A_402 = arith.index_cast %min3A_401 : i32 to index
      %swap3A_403 = tpu.vector_load %arg11[%swap3A_402] masked %ge3A_394 {strides = array<i32>} : memref<272xf32, #tpu.memory_space<vmem>>, vector<16xf32>, vector<16xi1>
      tpu.vector_store %arg11[%swap3A_402], %gather3A_393 masked %ge3A_394 {strides = array<i32>} : memref<272xf32, #tpu.memory_space<vmem>>, vector<16xf32>, vector<16xi1>
      %swap3A_404 = arith.index_cast %min3A_401 : i32 to index
      %swap3A_405 = tpu.vector_load %arg12[%swap3A_404] masked %ge3A_394 {strides = array<i32>} : memref<272xi32, #tpu.memory_space<vmem>>, vector<16xi32>, vector<16xi1>
      tpu.vector_store %arg12[%swap3A_404], %add3A_392 masked %ge3A_394 {strides = array<i32>} : memref<272xi32, #tpu.memory_space<vmem>>, vector<16xi32>, vector<16xi1>
      %add3A_406 = arith.addi %add3A_388, %reduce_sum3A_399 : i32
      scf.yield %add3A_406 : i32
    }
    "tpu.region"() ({
      %run_scoped3A = tpu.sem_alloc : memref<!tpu.dma_semaphore, #tpu.memory_space<semaphore_mem>>
      %dma_start3A_259 = arith.constant 0 : i32
      %dma_start3A_260 = tpu.memref_slice %arg11[%dma_start3A_259] : memref<272xf32, #tpu.memory_space<vmem>> -> memref<256xf32, #tpu.memory_space<vmem>>
      %dma_start3A_261 = arith.constant 0 : i32
      %dma_start3A_262 = tpu.memref_slice %arg5[%add3A_67, %dma_start3A_261] : memref<128x256xf32, #tpu.memory_space<hbm>> -> memref<1x256xf32, #tpu.memory_space<hbm>>
      %dma_start3A_263 = tpu.memref_squeeze %dma_start3A_262 : memref<1x256xf32, #tpu.memory_space<hbm>> -> memref<256xf32, #tpu.memory_space<hbm>>
      %dma_start3A_264 = arith.constant 0 : i32
      %dma_start3A_265 = tpu.memref_slice %arg5[%add3A_67, %dma_start3A_264] : memref<128x256xf32, #tpu.memory_space<hbm>> -> memref<1x256xf32, #tpu.memory_space<hbm>>
      %dma_start3A_266 = tpu.memref_squeeze %dma_start3A_265 : memref<1x256xf32, #tpu.memory_space<hbm>> -> memref<256xf32, #tpu.memory_space<hbm>>
      %dma_start3A_267 = arith.constant 0 : i32
      %dma_start3A_268 = tpu.memref_slice %arg11[%dma_start3A_267] : memref<272xf32, #tpu.memory_space<vmem>> -> memref<256xf32, #tpu.memory_space<vmem>>
      tpu.enqueue_dma source(%dma_start3A_268 : memref<256xf32, #tpu.memory_space<vmem>>) target(%dma_start3A_266 : memref<256xf32, #tpu.memory_space<hbm>>) target_semaphore(%run_scoped3A : memref<!tpu.dma_semaphore, #tpu.memory_space<semaphore_mem>>)
      %dma_wait3A_269 = arith.constant 0 : i32
      %dma_wait3A_270 = tpu.memref_slice %arg11[%dma_wait3A_269] : memref<272xf32, #tpu.memory_space<vmem>> -> memref<256xf32, #tpu.memory_space<vmem>>
      %dma_wait3A_271 = arith.constant 0 : i32
      %dma_wait3A_272 = tpu.memref_slice %arg5[%add3A_67, %dma_wait3A_271] : memref<128x256xf32, #tpu.memory_space<hbm>> -> memref<1x256xf32, #tpu.memory_space<hbm>>
      %dma_wait3A_273 = tpu.memref_squeeze %dma_wait3A_272 : memref<1x256xf32, #tpu.memory_space<hbm>> -> memref<256xf32, #tpu.memory_space<hbm>>
      %dma_wait3A_274 = arith.constant 0 : i32
      %dma_wait3A_275 = tpu.memref_slice %arg5[%add3A_67, %dma_wait3A_274] : memref<128x256xf32, #tpu.memory_space<hbm>> -> memref<1x256xf32, #tpu.memory_space<hbm>>
      %dma_wait3A_276 = tpu.memref_squeeze %dma_wait3A_275 : memref<1x256xf32, #tpu.memory_space<hbm>> -> memref<256xf32, #tpu.memory_space<hbm>>
      %dma_wait3A_277 = arith.constant 0 : i32
      %dma_wait3A_278 = tpu.memref_slice %arg11[%dma_wait3A_277] : memref<272xf32, #tpu.memory_space<vmem>> -> memref<256xf32, #tpu.memory_space<vmem>>
      tpu.wait_dma2 semaphore(%run_scoped3A : memref<!tpu.dma_semaphore, #tpu.memory_space<semaphore_mem>>) src(%dma_wait3A_278 : memref<256xf32, #tpu.memory_space<vmem>>) dst(%dma_wait3A_276 : memref<256xf32, #tpu.memory_space<hbm>>)
      tpu.yield
    }) : () -> ()
    "tpu.region"() ({
      %run_scoped3A = tpu.sem_alloc : memref<!tpu.dma_semaphore, #tpu.memory_space<semaphore_mem>>
      %dma_start3A_259 = arith.constant 0 : i32
      %dma_start3A_260 = tpu.memref_slice %arg12[%dma_start3A_259] : memref<272xi32, #tpu.memory_space<vmem>> -> memref<256xi32, #tpu.memory_space<vmem>>
      %dma_start3A_261 = arith.constant 0 : i32
      %dma_start3A_262 = tpu.memref_slice %arg6[%add3A_67, %dma_start3A_261] : memref<128x256xi32, #tpu.memory_space<hbm>> -> memref<1x256xi32, #tpu.memory_space<hbm>>
      %dma_start3A_263 = tpu.memref_squeeze %dma_start3A_262 : memref<1x256xi32, #tpu.memory_space<hbm>> -> memref<256xi32, #tpu.memory_space<hbm>>
      %dma_start3A_264 = arith.constant 0 : i32
      %dma_start3A_265 = tpu.memref_slice %arg6[%add3A_67, %dma_start3A_264] : memref<128x256xi32, #tpu.memory_space<hbm>> -> memref<1x256xi32, #tpu.memory_space<hbm>>
      %dma_start3A_266 = tpu.memref_squeeze %dma_start3A_265 : memref<1x256xi32, #tpu.memory_space<hbm>> -> memref<256xi32, #tpu.memory_space<hbm>>
      %dma_start3A_267 = arith.constant 0 : i32
      %dma_start3A_268 = tpu.memref_slice %arg12[%dma_start3A_267] : memref<272xi32, #tpu.memory_space<vmem>> -> memref<256xi32, #tpu.memory_space<vmem>>
      tpu.enqueue_dma source(%dma_start3A_268 : memref<256xi32, #tpu.memory_space<vmem>>) target(%dma_start3A_266 : memref<256xi32, #tpu.memory_space<hbm>>) target_semaphore(%run_scoped3A : memref<!tpu.dma_semaphore, #tpu.memory_space<semaphore_mem>>)
      %dma_wait3A_269 = arith.constant 0 : i32
      %dma_wait3A_270 = tpu.memref_slice %arg12[%dma_wait3A_269] : memref<272xi32, #tpu.memory_space<vmem>> -> memref<256xi32, #tpu.memory_space<vmem>>
      %dma_wait3A_271 = arith.constant 0 : i32
      %dma_wait3A_272 = tpu.memref_slice %arg6[%add3A_67, %dma_wait3A_271] : memref<128x256xi32, #tpu.memory_space<hbm>> -> memref<1x256xi32, #tpu.memory_space<hbm>>
      %dma_wait3A_273 = tpu.memref_squeeze %dma_wait3A_272 : memref<1x256xi32, #tpu.memory_space<hbm>> -> memref<256xi32, #tpu.memory_space<hbm>>
      %dma_wait3A_274 = arith.constant 0 : i32
      %dma_wait3A_275 = tpu.memref_slice %arg6[%add3A_67, %dma_wait3A_274] : memref<128x256xi32, #tpu.memory_space<hbm>> -> memref<1x256xi32, #tpu.memory_space<hbm>>
      %dma_wait3A_276 = tpu.memref_squeeze %dma_wait3A_275 : memref<1x256xi32, #tpu.memory_space<hbm>> -> memref<256xi32, #tpu.memory_space<hbm>>
      %dma_wait3A_277 = arith.constant 0 : i32
      %dma_wait3A_278 = tpu.memref_slice %arg12[%dma_wait3A_277] : memref<272xi32, #tpu.memory_space<vmem>> -> memref<256xi32, #tpu.memory_space<vmem>>
      tpu.wait_dma2 semaphore(%run_scoped3A : memref<!tpu.dma_semaphore, #tpu.memory_space<semaphore_mem>>) src(%dma_wait3A_278 : memref<256xi32, #tpu.memory_space<vmem>>) dst(%dma_wait3A_276 : memref<256xi32, #tpu.memory_space<hbm>>)
      tpu.yield
    }) : () -> ()
    %mul3A_129 = arith.constant 4 : i32
    %mul3A_130 = arith.muli %add3A, %mul3A_129 : i32
    %add3A_131 = arith.constant 2 : i32
    %add3A_132 = arith.addi %mul3A_130, %add3A_131 : i32
    %dma_start3A_133 = arith.constant 0 : i32
    %dma_start3A_134 = tpu.memref_slice %arg7[%dma_start3A_133] : memref<100096xf32, #tpu.memory_space<vmem>> -> memref<100000xf32, #tpu.memory_space<vmem>>
    %dma_start3A_135 = arith.constant 0 : i32
    %dma_start3A_136 = tpu.memref_slice %arg2[%add3A_132, %dma_start3A_135] : memref<128x100000xf32, #tpu.memory_space<hbm>> -> memref<1x100000xf32, #tpu.memory_space<hbm>>
    %dma_start3A_137 = tpu.memref_squeeze %dma_start3A_136 : memref<1x100000xf32, #tpu.memory_space<hbm>> -> memref<100000xf32, #tpu.memory_space<hbm>>
    %dma_start3A_138 = arith.constant 0 : i32
    %dma_start3A_139 = tpu.memref_slice %arg7[%dma_start3A_138] : memref<100096xf32, #tpu.memory_space<vmem>> -> memref<100000xf32, #tpu.memory_space<vmem>>
    %dma_start3A_140 = arith.constant 0 : i32
    %dma_start3A_141 = tpu.memref_slice %arg2[%add3A_132, %dma_start3A_140] : memref<128x100000xf32, #tpu.memory_space<hbm>> -> memref<1x100000xf32, #tpu.memory_space<hbm>>
    %dma_start3A_142 = tpu.memref_squeeze %dma_start3A_141 : memref<1x100000xf32, #tpu.memory_space<hbm>> -> memref<100000xf32, #tpu.memory_space<hbm>>
    tpu.enqueue_dma source(%dma_start3A_142 : memref<100000xf32, #tpu.memory_space<hbm>>) target(%dma_start3A_139 : memref<100000xf32, #tpu.memory_space<vmem>>) target_semaphore(%arg13 : memref<!tpu.dma_semaphore, #tpu.memory_space<semaphore_mem>>)
    "tpu.region"() ({
      %run_scoped3A = tpu.sem_alloc : memref<!tpu.dma_semaphore, #tpu.memory_space<semaphore_mem>>
      %dma_start3A_259 = arith.constant 0 : i32
      %dma_start3A_260 = tpu.memref_slice %arg4[%add3A_132, %dma_start3A_259] : memref<128x16xf32, #tpu.memory_space<hbm>> -> memref<1x16xf32, #tpu.memory_space<hbm>>
      %dma_start3A_261 = tpu.memref_squeeze %dma_start3A_260 : memref<1x16xf32, #tpu.memory_space<hbm>> -> memref<16xf32, #tpu.memory_space<hbm>>
      %dma_start3A_262 = arith.constant 0 : i32
      %dma_start3A_263 = tpu.memref_slice %arg4[%add3A_132, %dma_start3A_262] : memref<128x16xf32, #tpu.memory_space<hbm>> -> memref<1x16xf32, #tpu.memory_space<hbm>>
      %dma_start3A_264 = tpu.memref_squeeze %dma_start3A_263 : memref<1x16xf32, #tpu.memory_space<hbm>> -> memref<16xf32, #tpu.memory_space<hbm>>
      tpu.enqueue_dma source(%dma_start3A_264 : memref<16xf32, #tpu.memory_space<hbm>>) target(%arg9 : memref<16xf32, #tpu.memory_space<vmem>>) target_semaphore(%run_scoped3A : memref<!tpu.dma_semaphore, #tpu.memory_space<semaphore_mem>>)
      %dma_wait3A_265 = arith.constant 0 : i32
      %dma_wait3A_266 = tpu.memref_slice %arg4[%add3A_132, %dma_wait3A_265] : memref<128x16xf32, #tpu.memory_space<hbm>> -> memref<1x16xf32, #tpu.memory_space<hbm>>
      %dma_wait3A_267 = tpu.memref_squeeze %dma_wait3A_266 : memref<1x16xf32, #tpu.memory_space<hbm>> -> memref<16xf32, #tpu.memory_space<hbm>>
      %dma_wait3A_268 = arith.constant 0 : i32
      %dma_wait3A_269 = tpu.memref_slice %arg4[%add3A_132, %dma_wait3A_268] : memref<128x16xf32, #tpu.memory_space<hbm>> -> memref<1x16xf32, #tpu.memory_space<hbm>>
      %dma_wait3A_270 = tpu.memref_squeeze %dma_wait3A_269 : memref<1x16xf32, #tpu.memory_space<hbm>> -> memref<16xf32, #tpu.memory_space<hbm>>
      tpu.wait_dma2 semaphore(%run_scoped3A : memref<!tpu.dma_semaphore, #tpu.memory_space<semaphore_mem>>) src(%dma_wait3A_270 : memref<16xf32, #tpu.memory_space<hbm>>) dst(%arg9 : memref<16xf32, #tpu.memory_space<vmem>>)
      tpu.yield
    }) : () -> ()
    "tpu.region"() ({
      %run_scoped3A = tpu.sem_alloc : memref<!tpu.dma_semaphore, #tpu.memory_space<semaphore_mem>>
      %dma_start3A_259 = arith.constant 0 : i32
      %dma_start3A_260 = tpu.memref_slice %arg3[%add3A_132, %dma_start3A_259] : memref<128x896xf32, #tpu.memory_space<hbm>> -> memref<1x896xf32, #tpu.memory_space<hbm>>
      %dma_start3A_261 = tpu.memref_squeeze %dma_start3A_260 : memref<1x896xf32, #tpu.memory_space<hbm>> -> memref<896xf32, #tpu.memory_space<hbm>>
      %dma_start3A_262 = arith.constant 0 : i32
      %dma_start3A_263 = tpu.memref_slice %arg3[%add3A_132, %dma_start3A_262] : memref<128x896xf32, #tpu.memory_space<hbm>> -> memref<1x896xf32, #tpu.memory_space<hbm>>
      %dma_start3A_264 = tpu.memref_squeeze %dma_start3A_263 : memref<1x896xf32, #tpu.memory_space<hbm>> -> memref<896xf32, #tpu.memory_space<hbm>>
      tpu.enqueue_dma source(%dma_start3A_264 : memref<896xf32, #tpu.memory_space<hbm>>) target(%arg8 : memref<896xf32, #tpu.memory_space<vmem>>) target_semaphore(%run_scoped3A : memref<!tpu.dma_semaphore, #tpu.memory_space<semaphore_mem>>)
      %dma_wait3A_265 = arith.constant 0 : i32
      %dma_wait3A_266 = tpu.memref_slice %arg3[%add3A_132, %dma_wait3A_265] : memref<128x896xf32, #tpu.memory_space<hbm>> -> memref<1x896xf32, #tpu.memory_space<hbm>>
      %dma_wait3A_267 = tpu.memref_squeeze %dma_wait3A_266 : memref<1x896xf32, #tpu.memory_space<hbm>> -> memref<896xf32, #tpu.memory_space<hbm>>
      %dma_wait3A_268 = arith.constant 0 : i32
      %dma_wait3A_269 = tpu.memref_slice %arg3[%add3A_132, %dma_wait3A_268] : memref<128x896xf32, #tpu.memory_space<hbm>> -> memref<1x896xf32, #tpu.memory_space<hbm>>
      %dma_wait3A_270 = tpu.memref_squeeze %dma_wait3A_269 : memref<1x896xf32, #tpu.memory_space<hbm>> -> memref<896xf32, #tpu.memory_space<hbm>>
      tpu.wait_dma2 semaphore(%run_scoped3A : memref<!tpu.dma_semaphore, #tpu.memory_space<semaphore_mem>>) src(%dma_wait3A_270 : memref<896xf32, #tpu.memory_space<hbm>>) dst(%arg8 : memref<896xf32, #tpu.memory_space<vmem>>)
      tpu.yield
    }) : () -> ()
    %get3A_143 = arith.constant 0 : index
    %get3A_144 = tpu.vector_load %arg9[%get3A_143] {strides = array<i32>} : memref<16xf32, #tpu.memory_space<vmem>>, vector<16xf32>,
    %swap3A_145 = arith.constant 100000 : index
    %swap3A_146 = tpu.vector_load %arg7[%swap3A_145] {strides = array<i32>} : memref<100096xf32, #tpu.memory_space<vmem>>, vector<16xf32>,
    tpu.vector_store %arg7[%swap3A_145], %broadcast_in_dim3A_5 {strides = array<i32>} : memref<100096xf32, #tpu.memory_space<vmem>>, vector<16xf32>,
    %swap3A_147 = arith.constant 100016 : index
    %swap3A_148 = tpu.vector_load %arg7[%swap3A_147] {strides = array<i32>} : memref<100096xf32, #tpu.memory_space<vmem>>, vector<16xf32>,
    tpu.vector_store %arg7[%swap3A_147], %broadcast_in_dim3A_5 {strides = array<i32>} : memref<100096xf32, #tpu.memory_space<vmem>>, vector<16xf32>,
    %swap3A_149 = arith.constant 100032 : index
    %swap3A_150 = tpu.vector_load %arg7[%swap3A_149] {strides = array<i32>} : memref<100096xf32, #tpu.memory_space<vmem>>, vector<16xf32>,
    tpu.vector_store %arg7[%swap3A_149], %broadcast_in_dim3A_5 {strides = array<i32>} : memref<100096xf32, #tpu.memory_space<vmem>>, vector<16xf32>,
    %swap3A_151 = arith.constant 100048 : index
    %swap3A_152 = tpu.vector_load %arg7[%swap3A_151] {strides = array<i32>} : memref<100096xf32, #tpu.memory_space<vmem>>, vector<16xf32>,
    tpu.vector_store %arg7[%swap3A_151], %broadcast_in_dim3A_5 {strides = array<i32>} : memref<100096xf32, #tpu.memory_space<vmem>>, vector<16xf32>,
    %swap3A_153 = arith.constant 100064 : index
    %swap3A_154 = tpu.vector_load %arg7[%swap3A_153] {strides = array<i32>} : memref<100096xf32, #tpu.memory_space<vmem>>, vector<16xf32>,
    tpu.vector_store %arg7[%swap3A_153], %broadcast_in_dim3A_5 {strides = array<i32>} : memref<100096xf32, #tpu.memory_space<vmem>>, vector<16xf32>,
    %swap3A_155 = arith.constant 100080 : index
    %swap3A_156 = tpu.vector_load %arg7[%swap3A_155] {strides = array<i32>} : memref<100096xf32, #tpu.memory_space<vmem>>, vector<16xf32>,
    tpu.vector_store %arg7[%swap3A_155], %broadcast_in_dim3A_5 {strides = array<i32>} : memref<100096xf32, #tpu.memory_space<vmem>>, vector<16xf32>,
    %scan3A_157 = arith.constant 0 : i32
    %scan3A_158 = arith.constant 0 : i32
    %scan3A_159 = arith.constant 17 : i32
    %scan3A_160 = arith.addi %scan3A_158, %scan3A_159 : i32
    %scan3A_161 = arith.constant 1 : i32
    scf.for %scan3A_259 = %scan3A_158 to %scan3A_160 step %scan3A_161  : i32 {
      %mul3A_260 = arith.constant 16 : i32
      %mul3A_261 = arith.muli %scan3A_259, %mul3A_260 : i32
      %swap3A_262 = arith.index_cast %mul3A_261 : i32 to index
      %swap3A_263 = tpu.vector_load %arg11[%swap3A_262] {strides = array<i32>} : memref<272xf32, #tpu.memory_space<vmem>>, vector<16xf32>,
      tpu.vector_store %arg11[%swap3A_262], %broadcast_in_dim3A_3 {strides = array<i32>} : memref<272xf32, #tpu.memory_space<vmem>>, vector<16xf32>,
      %mul3A_264 = arith.constant 16 : i32
      %mul3A_265 = arith.muli %scan3A_259, %mul3A_264 : i32
      %swap3A_266 = arith.index_cast %mul3A_265 : i32 to index
      %swap3A_267 = tpu.vector_load %arg12[%swap3A_266] {strides = array<i32>} : memref<272xi32, #tpu.memory_space<vmem>>, vector<16xi32>,
      tpu.vector_store %arg12[%swap3A_266], %broadcast_in_dim3A_1 {strides = array<i32>} : memref<272xi32, #tpu.memory_space<vmem>>, vector<16xi32>,
    }
    %scan3A_162 = arith.constant 17 : i32
    %scan3A_163 = arith.constant 0 : i32
    %scan3A_164 = arith.constant 0 : i32
    %scan3A_165 = arith.constant 56 : i32
    %scan3A_166 = arith.addi %scan3A_164, %scan3A_165 : i32
    %scan3A_167 = arith.constant 1 : i32
    %scan3A_168 = scf.for %scan3A_259 = %scan3A_164 to %scan3A_166 step %scan3A_167 iter_args(%scan3A_260 = %scan3A_163) -> (i32)  : i32 {
      %mul3A_261 = arith.constant 16 : i32
      %mul3A_262 = arith.muli %scan3A_259, %mul3A_261 : i32
      %get3A_263 = arith.index_cast %mul3A_262 : i32 to index
      %get3A_264 = tpu.vector_load %arg8[%get3A_263] {strides = array<i32>} : memref<896xf32, #tpu.memory_space<vmem>>, vector<16xf32>,
      %ge3A = arith.cmpf oge, %get3A_264, %get3A_144 : vector<16xf32>
      %convert_element_type3A = arith.extui %ge3A : vector<16xi1> to vector<16xi32>
      %reduce_sum3A = arith.constant true
      %reduce_sum3A_265 = vector.broadcast %reduce_sum3A : i1 to vector<16xi1>
      %reduce_sum3A_266 = tpu.scan <sum>, %convert_element_type3A masked %reduce_sum3A_265 : vector<16xi32>, vector<16xi1> -> vector<16xi32>
      %reduce_sum3A_267 = vector.extract %reduce_sum3A_266[15] : i32 from vector<16xi32>
      %min3A_268 = arith.constant 112 : i32
      %min3A_269 = arith.minsi %scan3A_260, %min3A_268 : i32
      %mul3A_270 = arith.constant 16 : i32
      %mul3A_271 = arith.muli %scan3A_259, %mul3A_270 : i32
      %add3A_272 = vector.broadcast %mul3A_271 : i32 to vector<16xi32>
      %add3A_273 = arith.addi %add3A_272, %iota3A : vector<16xi32>
      %swap3A_274 = arith.index_cast %min3A_269 : i32 to index
      %swap3A_275 = tpu.vector_load %arg10[%swap3A_274] masked %ge3A {strides = array<i32>} : memref<128xi32, #tpu.memory_space<vmem>>, vector<16xi32>, vector<16xi1>
      tpu.vector_store %arg10[%swap3A_274], %add3A_273 masked %ge3A {strides = array<i32>} : memref<128xi32, #tpu.memory_space<vmem>>, vector<16xi32>, vector<16xi1>
      %add3A_276 = arith.addi %scan3A_260, %reduce_sum3A_267 : i32
      scf.yield %add3A_276 : i32
    }
    %scan3A_169 = arith.constant 56 : i32
    %min3A_170 = arith.constant 112 : i32
    %min3A_171 = arith.minsi %scan3A_168, %min3A_170 : i32
    %dma_wait3A_172 = arith.constant 0 : i32
    %dma_wait3A_173 = tpu.memref_slice %arg7[%dma_wait3A_172] : memref<100096xf32, #tpu.memory_space<vmem>> -> memref<100000xf32, #tpu.memory_space<vmem>>
    %dma_wait3A_174 = arith.constant 0 : i32
    %dma_wait3A_175 = tpu.memref_slice %arg2[%add3A_132, %dma_wait3A_174] : memref<128x100000xf32, #tpu.memory_space<hbm>> -> memref<1x100000xf32, #tpu.memory_space<hbm>>
    %dma_wait3A_176 = tpu.memref_squeeze %dma_wait3A_175 : memref<1x100000xf32, #tpu.memory_space<hbm>> -> memref<100000xf32, #tpu.memory_space<hbm>>
    %dma_wait3A_177 = arith.constant 0 : i32
    %dma_wait3A_178 = tpu.memref_slice %arg7[%dma_wait3A_177] : memref<100096xf32, #tpu.memory_space<vmem>> -> memref<100000xf32, #tpu.memory_space<vmem>>
    %dma_wait3A_179 = arith.constant 0 : i32
    %dma_wait3A_180 = tpu.memref_slice %arg2[%add3A_132, %dma_wait3A_179] : memref<128x100000xf32, #tpu.memory_space<hbm>> -> memref<1x100000xf32, #tpu.memory_space<hbm>>
    %dma_wait3A_181 = tpu.memref_squeeze %dma_wait3A_180 : memref<1x100000xf32, #tpu.memory_space<hbm>> -> memref<100000xf32, #tpu.memory_space<hbm>>
    tpu.wait_dma2 semaphore(%arg13 : memref<!tpu.dma_semaphore, #tpu.memory_space<semaphore_mem>>) src(%dma_wait3A_181 : memref<100000xf32, #tpu.memory_space<hbm>>) dst(%dma_wait3A_178 : memref<100000xf32, #tpu.memory_space<vmem>>)
    %while3A_182 = arith.constant 0 : i32
    %while3A_183 = arith.constant 0 : i32
    %while3A_184 = arith.subi %min3A_171, %while3A_182 : i32
    %while3A_185 = arith.addi %while3A_182, %while3A_184 : i32
    %while3A_186 = arith.constant 1 : i32
    %while3A_187 = arith.divsi %while3A_184, %while3A_186 : i32
    %while3A_188 = arith.muli %while3A_187, %while3A_186 : i32
    %while3A_189 = arith.addi %while3A_182, %while3A_188 : i32
    %while3A_190 = arith.constant 1 : i32
    %while3A_191 = scf.for %while3A_259 = %while3A_182 to %while3A_189 step %while3A_190 iter_args(%while3A_260 = %while3A_183) -> (i32)  : i32 {
      %add3A_261 = vector.broadcast %while3A_259 : i32 to vector<16xi32>
      %add3A_262 = arith.addi %broadcast_in_dim3A_1, %add3A_261 : vector<16xi32>
      %gather3A = tpu.vector_load_idx %arg10[%add3A_262] : memref<128xi32, #tpu.memory_space<vmem>>[vector<16xi32>], vector<16xi32>,
      %mul3A_263 = arith.constant 128 : i32
      %mul3A_264 = vector.broadcast %mul3A_263 : i32 to vector<16xi32>
      %mul3A_265 = arith.muli %gather3A, %mul3A_264 : vector<16xi32>
      %add3A_266 = arith.constant 0 : i32
      %add3A_267 = vector.broadcast %add3A_266 : i32 to vector<16xi32>
      %add3A_268 = arith.addi %mul3A_265, %add3A_267 : vector<16xi32>
      %add3A_269 = arith.addi %add3A_268, %iota3A : vector<16xi32>
      %gather3A_270 = tpu.vector_load_idx %arg7[%add3A_269] : memref<100096xf32, #tpu.memory_space<vmem>>[vector<16xi32>], vector<16xf32>,
      %ge3A = arith.cmpf oge, %gather3A_270, %get3A_144 : vector<16xf32>
      %convert_element_type3A = arith.extui %ge3A : vector<16xi1> to vector<16xi32>
      %reduce_sum3A = arith.constant true
      %reduce_sum3A_271 = vector.broadcast %reduce_sum3A : i1 to vector<16xi1>
      %reduce_sum3A_272 = tpu.scan <sum>, %convert_element_type3A masked %reduce_sum3A_271 : vector<16xi32>, vector<16xi1> -> vector<16xi32>
      %reduce_sum3A_273 = vector.extract %reduce_sum3A_272[15] : i32 from vector<16xi32>
      %min3A_274 = arith.constant 256 : i32
      %min3A_275 = arith.minsi %while3A_260, %min3A_274 : i32
      %swap3A_276 = arith.index_cast %min3A_275 : i32 to index
      %swap3A_277 = tpu.vector_load %arg11[%swap3A_276] masked %ge3A {strides = array<i32>} : memref<272xf32, #tpu.memory_space<vmem>>, vector<16xf32>, vector<16xi1>
      tpu.vector_store %arg11[%swap3A_276], %gather3A_270 masked %ge3A {strides = array<i32>} : memref<272xf32, #tpu.memory_space<vmem>>, vector<16xf32>, vector<16xi1>
      %swap3A_278 = arith.index_cast %min3A_275 : i32 to index
      %swap3A_279 = tpu.vector_load %arg12[%swap3A_278] masked %ge3A {strides = array<i32>} : memref<272xi32, #tpu.memory_space<vmem>>, vector<16xi32>, vector<16xi1>
      tpu.vector_store %arg12[%swap3A_278], %add3A_269 masked %ge3A {strides = array<i32>} : memref<272xi32, #tpu.memory_space<vmem>>, vector<16xi32>, vector<16xi1>
      %add3A_280 = arith.addi %while3A_260, %reduce_sum3A_273 : i32
      %add3A_281 = arith.constant 16 : i32
      %add3A_282 = vector.broadcast %add3A_281 : i32 to vector<16xi32>
      %add3A_283 = arith.addi %mul3A_265, %add3A_282 : vector<16xi32>
      %add3A_284 = arith.addi %add3A_283, %iota3A : vector<16xi32>
      %gather3A_285 = tpu.vector_load_idx %arg7[%add3A_284] : memref<100096xf32, #tpu.memory_space<vmem>>[vector<16xi32>], vector<16xf32>,
      %ge3A_286 = arith.cmpf oge, %gather3A_285, %get3A_144 : vector<16xf32>
      %convert_element_type3A_287 = arith.extui %ge3A_286 : vector<16xi1> to vector<16xi32>
      %reduce_sum3A_288 = arith.constant true
      %reduce_sum3A_289 = vector.broadcast %reduce_sum3A_288 : i1 to vector<16xi1>
      %reduce_sum3A_290 = tpu.scan <sum>, %convert_element_type3A_287 masked %reduce_sum3A_289 : vector<16xi32>, vector<16xi1> -> vector<16xi32>
      %reduce_sum3A_291 = vector.extract %reduce_sum3A_290[15] : i32 from vector<16xi32>
      %min3A_292 = arith.constant 256 : i32
      %min3A_293 = arith.minsi %add3A_280, %min3A_292 : i32
      %swap3A_294 = arith.index_cast %min3A_293 : i32 to index
      %swap3A_295 = tpu.vector_load %arg11[%swap3A_294] masked %ge3A_286 {strides = array<i32>} : memref<272xf32, #tpu.memory_space<vmem>>, vector<16xf32>, vector<16xi1>
      tpu.vector_store %arg11[%swap3A_294], %gather3A_285 masked %ge3A_286 {strides = array<i32>} : memref<272xf32, #tpu.memory_space<vmem>>, vector<16xf32>, vector<16xi1>
      %swap3A_296 = arith.index_cast %min3A_293 : i32 to index
      %swap3A_297 = tpu.vector_load %arg12[%swap3A_296] masked %ge3A_286 {strides = array<i32>} : memref<272xi32, #tpu.memory_space<vmem>>, vector<16xi32>, vector<16xi1>
      tpu.vector_store %arg12[%swap3A_296], %add3A_284 masked %ge3A_286 {strides = array<i32>} : memref<272xi32, #tpu.memory_space<vmem>>, vector<16xi32>, vector<16xi1>
      %add3A_298 = arith.addi %add3A_280, %reduce_sum3A_291 : i32
      %add3A_299 = arith.constant 32 : i32
      %add3A_300 = vector.broadcast %add3A_299 : i32 to vector<16xi32>
      %add3A_301 = arith.addi %mul3A_265, %add3A_300 : vector<16xi32>
      %add3A_302 = arith.addi %add3A_301, %iota3A : vector<16xi32>
      %gather3A_303 = tpu.vector_load_idx %arg7[%add3A_302] : memref<100096xf32, #tpu.memory_space<vmem>>[vector<16xi32>], vector<16xf32>,
      %ge3A_304 = arith.cmpf oge, %gather3A_303, %get3A_144 : vector<16xf32>
      %convert_element_type3A_305 = arith.extui %ge3A_304 : vector<16xi1> to vector<16xi32>
      %reduce_sum3A_306 = arith.constant true
      %reduce_sum3A_307 = vector.broadcast %reduce_sum3A_306 : i1 to vector<16xi1>
      %reduce_sum3A_308 = tpu.scan <sum>, %convert_element_type3A_305 masked %reduce_sum3A_307 : vector<16xi32>, vector<16xi1> -> vector<16xi32>
      %reduce_sum3A_309 = vector.extract %reduce_sum3A_308[15] : i32 from vector<16xi32>
      %min3A_310 = arith.constant 256 : i32
      %min3A_311 = arith.minsi %add3A_298, %min3A_310 : i32
      %swap3A_312 = arith.index_cast %min3A_311 : i32 to index
      %swap3A_313 = tpu.vector_load %arg11[%swap3A_312] masked %ge3A_304 {strides = array<i32>} : memref<272xf32, #tpu.memory_space<vmem>>, vector<16xf32>, vector<16xi1>
      tpu.vector_store %arg11[%swap3A_312], %gather3A_303 masked %ge3A_304 {strides = array<i32>} : memref<272xf32, #tpu.memory_space<vmem>>, vector<16xf32>, vector<16xi1>
      %swap3A_314 = arith.index_cast %min3A_311 : i32 to index
      %swap3A_315 = tpu.vector_load %arg12[%swap3A_314] masked %ge3A_304 {strides = array<i32>} : memref<272xi32, #tpu.memory_space<vmem>>, vector<16xi32>, vector<16xi1>
      tpu.vector_store %arg12[%swap3A_314], %add3A_302 masked %ge3A_304 {strides = array<i32>} : memref<272xi32, #tpu.memory_space<vmem>>, vector<16xi32>, vector<16xi1>
      %add3A_316 = arith.addi %add3A_298, %reduce_sum3A_309 : i32
      %add3A_317 = arith.constant 48 : i32
      %add3A_318 = vector.broadcast %add3A_317 : i32 to vector<16xi32>
      %add3A_319 = arith.addi %mul3A_265, %add3A_318 : vector<16xi32>
      %add3A_320 = arith.addi %add3A_319, %iota3A : vector<16xi32>
      %gather3A_321 = tpu.vector_load_idx %arg7[%add3A_320] : memref<100096xf32, #tpu.memory_space<vmem>>[vector<16xi32>], vector<16xf32>,
      %ge3A_322 = arith.cmpf oge, %gather3A_321, %get3A_144 : vector<16xf32>
      %convert_element_type3A_323 = arith.extui %ge3A_322 : vector<16xi1> to vector<16xi32>
      %reduce_sum3A_324 = arith.constant true
      %reduce_sum3A_325 = vector.broadcast %reduce_sum3A_324 : i1 to vector<16xi1>
      %reduce_sum3A_326 = tpu.scan <sum>, %convert_element_type3A_323 masked %reduce_sum3A_325 : vector<16xi32>, vector<16xi1> -> vector<16xi32>
      %reduce_sum3A_327 = vector.extract %reduce_sum3A_326[15] : i32 from vector<16xi32>
      %min3A_328 = arith.constant 256 : i32
      %min3A_329 = arith.minsi %add3A_316, %min3A_328 : i32
      %swap3A_330 = arith.index_cast %min3A_329 : i32 to index
      %swap3A_331 = tpu.vector_load %arg11[%swap3A_330] masked %ge3A_322 {strides = array<i32>} : memref<272xf32, #tpu.memory_space<vmem>>, vector<16xf32>, vector<16xi1>
      tpu.vector_store %arg11[%swap3A_330], %gather3A_321 masked %ge3A_322 {strides = array<i32>} : memref<272xf32, #tpu.memory_space<vmem>>, vector<16xf32>, vector<16xi1>
      %swap3A_332 = arith.index_cast %min3A_329 : i32 to index
      %swap3A_333 = tpu.vector_load %arg12[%swap3A_332] masked %ge3A_322 {strides = array<i32>} : memref<272xi32, #tpu.memory_space<vmem>>, vector<16xi32>, vector<16xi1>
      tpu.vector_store %arg12[%swap3A_332], %add3A_320 masked %ge3A_322 {strides = array<i32>} : memref<272xi32, #tpu.memory_space<vmem>>, vector<16xi32>, vector<16xi1>
      %add3A_334 = arith.addi %add3A_316, %reduce_sum3A_327 : i32
      %add3A_335 = arith.constant 64 : i32
      %add3A_336 = vector.broadcast %add3A_335 : i32 to vector<16xi32>
      %add3A_337 = arith.addi %mul3A_265, %add3A_336 : vector<16xi32>
      %add3A_338 = arith.addi %add3A_337, %iota3A : vector<16xi32>
      %gather3A_339 = tpu.vector_load_idx %arg7[%add3A_338] : memref<100096xf32, #tpu.memory_space<vmem>>[vector<16xi32>], vector<16xf32>,
      %ge3A_340 = arith.cmpf oge, %gather3A_339, %get3A_144 : vector<16xf32>
      %convert_element_type3A_341 = arith.extui %ge3A_340 : vector<16xi1> to vector<16xi32>
      %reduce_sum3A_342 = arith.constant true
      %reduce_sum3A_343 = vector.broadcast %reduce_sum3A_342 : i1 to vector<16xi1>
      %reduce_sum3A_344 = tpu.scan <sum>, %convert_element_type3A_341 masked %reduce_sum3A_343 : vector<16xi32>, vector<16xi1> -> vector<16xi32>
      %reduce_sum3A_345 = vector.extract %reduce_sum3A_344[15] : i32 from vector<16xi32>
      %min3A_346 = arith.constant 256 : i32
      %min3A_347 = arith.minsi %add3A_334, %min3A_346 : i32
      %swap3A_348 = arith.index_cast %min3A_347 : i32 to index
      %swap3A_349 = tpu.vector_load %arg11[%swap3A_348] masked %ge3A_340 {strides = array<i32>} : memref<272xf32, #tpu.memory_space<vmem>>, vector<16xf32>, vector<16xi1>
      tpu.vector_store %arg11[%swap3A_348], %gather3A_339 masked %ge3A_340 {strides = array<i32>} : memref<272xf32, #tpu.memory_space<vmem>>, vector<16xf32>, vector<16xi1>
      %swap3A_350 = arith.index_cast %min3A_347 : i32 to index
      %swap3A_351 = tpu.vector_load %arg12[%swap3A_350] masked %ge3A_340 {strides = array<i32>} : memref<272xi32, #tpu.memory_space<vmem>>, vector<16xi32>, vector<16xi1>
      tpu.vector_store %arg12[%swap3A_350], %add3A_338 masked %ge3A_340 {strides = array<i32>} : memref<272xi32, #tpu.memory_space<vmem>>, vector<16xi32>, vector<16xi1>
      %add3A_352 = arith.addi %add3A_334, %reduce_sum3A_345 : i32
      %add3A_353 = arith.constant 80 : i32
      %add3A_354 = vector.broadcast %add3A_353 : i32 to vector<16xi32>
      %add3A_355 = arith.addi %mul3A_265, %add3A_354 : vector<16xi32>
      %add3A_356 = arith.addi %add3A_355, %iota3A : vector<16xi32>
      %gather3A_357 = tpu.vector_load_idx %arg7[%add3A_356] : memref<100096xf32, #tpu.memory_space<vmem>>[vector<16xi32>], vector<16xf32>,
      %ge3A_358 = arith.cmpf oge, %gather3A_357, %get3A_144 : vector<16xf32>
      %convert_element_type3A_359 = arith.extui %ge3A_358 : vector<16xi1> to vector<16xi32>
      %reduce_sum3A_360 = arith.constant true
      %reduce_sum3A_361 = vector.broadcast %reduce_sum3A_360 : i1 to vector<16xi1>
      %reduce_sum3A_362 = tpu.scan <sum>, %convert_element_type3A_359 masked %reduce_sum3A_361 : vector<16xi32>, vector<16xi1> -> vector<16xi32>
      %reduce_sum3A_363 = vector.extract %reduce_sum3A_362[15] : i32 from vector<16xi32>
      %min3A_364 = arith.constant 256 : i32
      %min3A_365 = arith.minsi %add3A_352, %min3A_364 : i32
      %swap3A_366 = arith.index_cast %min3A_365 : i32 to index
      %swap3A_367 = tpu.vector_load %arg11[%swap3A_366] masked %ge3A_358 {strides = array<i32>} : memref<272xf32, #tpu.memory_space<vmem>>, vector<16xf32>, vector<16xi1>
      tpu.vector_store %arg11[%swap3A_366], %gather3A_357 masked %ge3A_358 {strides = array<i32>} : memref<272xf32, #tpu.memory_space<vmem>>, vector<16xf32>, vector<16xi1>
      %swap3A_368 = arith.index_cast %min3A_365 : i32 to index
      %swap3A_369 = tpu.vector_load %arg12[%swap3A_368] masked %ge3A_358 {strides = array<i32>} : memref<272xi32, #tpu.memory_space<vmem>>, vector<16xi32>, vector<16xi1>
      tpu.vector_store %arg12[%swap3A_368], %add3A_356 masked %ge3A_358 {strides = array<i32>} : memref<272xi32, #tpu.memory_space<vmem>>, vector<16xi32>, vector<16xi1>
      %add3A_370 = arith.addi %add3A_352, %reduce_sum3A_363 : i32
      %add3A_371 = arith.constant 96 : i32
      %add3A_372 = vector.broadcast %add3A_371 : i32 to vector<16xi32>
      %add3A_373 = arith.addi %mul3A_265, %add3A_372 : vector<16xi32>
      %add3A_374 = arith.addi %add3A_373, %iota3A : vector<16xi32>
      %gather3A_375 = tpu.vector_load_idx %arg7[%add3A_374] : memref<100096xf32, #tpu.memory_space<vmem>>[vector<16xi32>], vector<16xf32>,
      %ge3A_376 = arith.cmpf oge, %gather3A_375, %get3A_144 : vector<16xf32>
      %convert_element_type3A_377 = arith.extui %ge3A_376 : vector<16xi1> to vector<16xi32>
      %reduce_sum3A_378 = arith.constant true
      %reduce_sum3A_379 = vector.broadcast %reduce_sum3A_378 : i1 to vector<16xi1>
      %reduce_sum3A_380 = tpu.scan <sum>, %convert_element_type3A_377 masked %reduce_sum3A_379 : vector<16xi32>, vector<16xi1> -> vector<16xi32>
      %reduce_sum3A_381 = vector.extract %reduce_sum3A_380[15] : i32 from vector<16xi32>
      %min3A_382 = arith.constant 256 : i32
      %min3A_383 = arith.minsi %add3A_370, %min3A_382 : i32
      %swap3A_384 = arith.index_cast %min3A_383 : i32 to index
      %swap3A_385 = tpu.vector_load %arg11[%swap3A_384] masked %ge3A_376 {strides = array<i32>} : memref<272xf32, #tpu.memory_space<vmem>>, vector<16xf32>, vector<16xi1>
      tpu.vector_store %arg11[%swap3A_384], %gather3A_375 masked %ge3A_376 {strides = array<i32>} : memref<272xf32, #tpu.memory_space<vmem>>, vector<16xf32>, vector<16xi1>
      %swap3A_386 = arith.index_cast %min3A_383 : i32 to index
      %swap3A_387 = tpu.vector_load %arg12[%swap3A_386] masked %ge3A_376 {strides = array<i32>} : memref<272xi32, #tpu.memory_space<vmem>>, vector<16xi32>, vector<16xi1>
      tpu.vector_store %arg12[%swap3A_386], %add3A_374 masked %ge3A_376 {strides = array<i32>} : memref<272xi32, #tpu.memory_space<vmem>>, vector<16xi32>, vector<16xi1>
      %add3A_388 = arith.addi %add3A_370, %reduce_sum3A_381 : i32
      %add3A_389 = arith.constant 112 : i32
      %add3A_390 = vector.broadcast %add3A_389 : i32 to vector<16xi32>
      %add3A_391 = arith.addi %mul3A_265, %add3A_390 : vector<16xi32>
      %add3A_392 = arith.addi %add3A_391, %iota3A : vector<16xi32>
      %gather3A_393 = tpu.vector_load_idx %arg7[%add3A_392] : memref<100096xf32, #tpu.memory_space<vmem>>[vector<16xi32>], vector<16xf32>,
      %ge3A_394 = arith.cmpf oge, %gather3A_393, %get3A_144 : vector<16xf32>
      %convert_element_type3A_395 = arith.extui %ge3A_394 : vector<16xi1> to vector<16xi32>
      %reduce_sum3A_396 = arith.constant true
      %reduce_sum3A_397 = vector.broadcast %reduce_sum3A_396 : i1 to vector<16xi1>
      %reduce_sum3A_398 = tpu.scan <sum>, %convert_element_type3A_395 masked %reduce_sum3A_397 : vector<16xi32>, vector<16xi1> -> vector<16xi32>
      %reduce_sum3A_399 = vector.extract %reduce_sum3A_398[15] : i32 from vector<16xi32>
      %min3A_400 = arith.constant 256 : i32
      %min3A_401 = arith.minsi %add3A_388, %min3A_400 : i32
      %swap3A_402 = arith.index_cast %min3A_401 : i32 to index
      %swap3A_403 = tpu.vector_load %arg11[%swap3A_402] masked %ge3A_394 {strides = array<i32>} : memref<272xf32, #tpu.memory_space<vmem>>, vector<16xf32>, vector<16xi1>
      tpu.vector_store %arg11[%swap3A_402], %gather3A_393 masked %ge3A_394 {strides = array<i32>} : memref<272xf32, #tpu.memory_space<vmem>>, vector<16xf32>, vector<16xi1>
      %swap3A_404 = arith.index_cast %min3A_401 : i32 to index
      %swap3A_405 = tpu.vector_load %arg12[%swap3A_404] masked %ge3A_394 {strides = array<i32>} : memref<272xi32, #tpu.memory_space<vmem>>, vector<16xi32>, vector<16xi1>
      tpu.vector_store %arg12[%swap3A_404], %add3A_392 masked %ge3A_394 {strides = array<i32>} : memref<272xi32, #tpu.memory_space<vmem>>, vector<16xi32>, vector<16xi1>
      %add3A_406 = arith.addi %add3A_388, %reduce_sum3A_399 : i32
      scf.yield %add3A_406 : i32
    }
    %while3A_192 = arith.constant 1 : i32
    %while3A_193 = scf.for %while3A_259 = %while3A_189 to %while3A_185 step %while3A_192 iter_args(%while3A_260 = %while3A_191) -> (i32)  : i32 {
      %add3A_261 = vector.broadcast %while3A_259 : i32 to vector<16xi32>
      %add3A_262 = arith.addi %broadcast_in_dim3A_1, %add3A_261 : vector<16xi32>
      %gather3A = tpu.vector_load_idx %arg10[%add3A_262] : memref<128xi32, #tpu.memory_space<vmem>>[vector<16xi32>], vector<16xi32>,
      %mul3A_263 = arith.constant 128 : i32
      %mul3A_264 = vector.broadcast %mul3A_263 : i32 to vector<16xi32>
      %mul3A_265 = arith.muli %gather3A, %mul3A_264 : vector<16xi32>
      %add3A_266 = arith.constant 0 : i32
      %add3A_267 = vector.broadcast %add3A_266 : i32 to vector<16xi32>
      %add3A_268 = arith.addi %mul3A_265, %add3A_267 : vector<16xi32>
      %add3A_269 = arith.addi %add3A_268, %iota3A : vector<16xi32>
      %gather3A_270 = tpu.vector_load_idx %arg7[%add3A_269] : memref<100096xf32, #tpu.memory_space<vmem>>[vector<16xi32>], vector<16xf32>,
      %ge3A = arith.cmpf oge, %gather3A_270, %get3A_144 : vector<16xf32>
      %convert_element_type3A = arith.extui %ge3A : vector<16xi1> to vector<16xi32>
      %reduce_sum3A = arith.constant true
      %reduce_sum3A_271 = vector.broadcast %reduce_sum3A : i1 to vector<16xi1>
      %reduce_sum3A_272 = tpu.scan <sum>, %convert_element_type3A masked %reduce_sum3A_271 : vector<16xi32>, vector<16xi1> -> vector<16xi32>
      %reduce_sum3A_273 = vector.extract %reduce_sum3A_272[15] : i32 from vector<16xi32>
      %min3A_274 = arith.constant 256 : i32
      %min3A_275 = arith.minsi %while3A_260, %min3A_274 : i32
      %swap3A_276 = arith.index_cast %min3A_275 : i32 to index
      %swap3A_277 = tpu.vector_load %arg11[%swap3A_276] masked %ge3A {strides = array<i32>} : memref<272xf32, #tpu.memory_space<vmem>>, vector<16xf32>, vector<16xi1>
      tpu.vector_store %arg11[%swap3A_276], %gather3A_270 masked %ge3A {strides = array<i32>} : memref<272xf32, #tpu.memory_space<vmem>>, vector<16xf32>, vector<16xi1>
      %swap3A_278 = arith.index_cast %min3A_275 : i32 to index
      %swap3A_279 = tpu.vector_load %arg12[%swap3A_278] masked %ge3A {strides = array<i32>} : memref<272xi32, #tpu.memory_space<vmem>>, vector<16xi32>, vector<16xi1>
      tpu.vector_store %arg12[%swap3A_278], %add3A_269 masked %ge3A {strides = array<i32>} : memref<272xi32, #tpu.memory_space<vmem>>, vector<16xi32>, vector<16xi1>
      %add3A_280 = arith.addi %while3A_260, %reduce_sum3A_273 : i32
      %add3A_281 = arith.constant 16 : i32
      %add3A_282 = vector.broadcast %add3A_281 : i32 to vector<16xi32>
      %add3A_283 = arith.addi %mul3A_265, %add3A_282 : vector<16xi32>
      %add3A_284 = arith.addi %add3A_283, %iota3A : vector<16xi32>
      %gather3A_285 = tpu.vector_load_idx %arg7[%add3A_284] : memref<100096xf32, #tpu.memory_space<vmem>>[vector<16xi32>], vector<16xf32>,
      %ge3A_286 = arith.cmpf oge, %gather3A_285, %get3A_144 : vector<16xf32>
      %convert_element_type3A_287 = arith.extui %ge3A_286 : vector<16xi1> to vector<16xi32>
      %reduce_sum3A_288 = arith.constant true
      %reduce_sum3A_289 = vector.broadcast %reduce_sum3A_288 : i1 to vector<16xi1>
      %reduce_sum3A_290 = tpu.scan <sum>, %convert_element_type3A_287 masked %reduce_sum3A_289 : vector<16xi32>, vector<16xi1> -> vector<16xi32>
      %reduce_sum3A_291 = vector.extract %reduce_sum3A_290[15] : i32 from vector<16xi32>
      %min3A_292 = arith.constant 256 : i32
      %min3A_293 = arith.minsi %add3A_280, %min3A_292 : i32
      %swap3A_294 = arith.index_cast %min3A_293 : i32 to index
      %swap3A_295 = tpu.vector_load %arg11[%swap3A_294] masked %ge3A_286 {strides = array<i32>} : memref<272xf32, #tpu.memory_space<vmem>>, vector<16xf32>, vector<16xi1>
      tpu.vector_store %arg11[%swap3A_294], %gather3A_285 masked %ge3A_286 {strides = array<i32>} : memref<272xf32, #tpu.memory_space<vmem>>, vector<16xf32>, vector<16xi1>
      %swap3A_296 = arith.index_cast %min3A_293 : i32 to index
      %swap3A_297 = tpu.vector_load %arg12[%swap3A_296] masked %ge3A_286 {strides = array<i32>} : memref<272xi32, #tpu.memory_space<vmem>>, vector<16xi32>, vector<16xi1>
      tpu.vector_store %arg12[%swap3A_296], %add3A_284 masked %ge3A_286 {strides = array<i32>} : memref<272xi32, #tpu.memory_space<vmem>>, vector<16xi32>, vector<16xi1>
      %add3A_298 = arith.addi %add3A_280, %reduce_sum3A_291 : i32
      %add3A_299 = arith.constant 32 : i32
      %add3A_300 = vector.broadcast %add3A_299 : i32 to vector<16xi32>
      %add3A_301 = arith.addi %mul3A_265, %add3A_300 : vector<16xi32>
      %add3A_302 = arith.addi %add3A_301, %iota3A : vector<16xi32>
      %gather3A_303 = tpu.vector_load_idx %arg7[%add3A_302] : memref<100096xf32, #tpu.memory_space<vmem>>[vector<16xi32>], vector<16xf32>,
      %ge3A_304 = arith.cmpf oge, %gather3A_303, %get3A_144 : vector<16xf32>
      %convert_element_type3A_305 = arith.extui %ge3A_304 : vector<16xi1> to vector<16xi32>
      %reduce_sum3A_306 = arith.constant true
      %reduce_sum3A_307 = vector.broadcast %reduce_sum3A_306 : i1 to vector<16xi1>
      %reduce_sum3A_308 = tpu.scan <sum>, %convert_element_type3A_305 masked %reduce_sum3A_307 : vector<16xi32>, vector<16xi1> -> vector<16xi32>
      %reduce_sum3A_309 = vector.extract %reduce_sum3A_308[15] : i32 from vector<16xi32>
      %min3A_310 = arith.constant 256 : i32
      %min3A_311 = arith.minsi %add3A_298, %min3A_310 : i32
      %swap3A_312 = arith.index_cast %min3A_311 : i32 to index
      %swap3A_313 = tpu.vector_load %arg11[%swap3A_312] masked %ge3A_304 {strides = array<i32>} : memref<272xf32, #tpu.memory_space<vmem>>, vector<16xf32>, vector<16xi1>
      tpu.vector_store %arg11[%swap3A_312], %gather3A_303 masked %ge3A_304 {strides = array<i32>} : memref<272xf32, #tpu.memory_space<vmem>>, vector<16xf32>, vector<16xi1>
      %swap3A_314 = arith.index_cast %min3A_311 : i32 to index
      %swap3A_315 = tpu.vector_load %arg12[%swap3A_314] masked %ge3A_304 {strides = array<i32>} : memref<272xi32, #tpu.memory_space<vmem>>, vector<16xi32>, vector<16xi1>
      tpu.vector_store %arg12[%swap3A_314], %add3A_302 masked %ge3A_304 {strides = array<i32>} : memref<272xi32, #tpu.memory_space<vmem>>, vector<16xi32>, vector<16xi1>
      %add3A_316 = arith.addi %add3A_298, %reduce_sum3A_309 : i32
      %add3A_317 = arith.constant 48 : i32
      %add3A_318 = vector.broadcast %add3A_317 : i32 to vector<16xi32>
      %add3A_319 = arith.addi %mul3A_265, %add3A_318 : vector<16xi32>
      %add3A_320 = arith.addi %add3A_319, %iota3A : vector<16xi32>
      %gather3A_321 = tpu.vector_load_idx %arg7[%add3A_320] : memref<100096xf32, #tpu.memory_space<vmem>>[vector<16xi32>], vector<16xf32>,
      %ge3A_322 = arith.cmpf oge, %gather3A_321, %get3A_144 : vector<16xf32>
      %convert_element_type3A_323 = arith.extui %ge3A_322 : vector<16xi1> to vector<16xi32>
      %reduce_sum3A_324 = arith.constant true
      %reduce_sum3A_325 = vector.broadcast %reduce_sum3A_324 : i1 to vector<16xi1>
      %reduce_sum3A_326 = tpu.scan <sum>, %convert_element_type3A_323 masked %reduce_sum3A_325 : vector<16xi32>, vector<16xi1> -> vector<16xi32>
      %reduce_sum3A_327 = vector.extract %reduce_sum3A_326[15] : i32 from vector<16xi32>
      %min3A_328 = arith.constant 256 : i32
      %min3A_329 = arith.minsi %add3A_316, %min3A_328 : i32
      %swap3A_330 = arith.index_cast %min3A_329 : i32 to index
      %swap3A_331 = tpu.vector_load %arg11[%swap3A_330] masked %ge3A_322 {strides = array<i32>} : memref<272xf32, #tpu.memory_space<vmem>>, vector<16xf32>, vector<16xi1>
      tpu.vector_store %arg11[%swap3A_330], %gather3A_321 masked %ge3A_322 {strides = array<i32>} : memref<272xf32, #tpu.memory_space<vmem>>, vector<16xf32>, vector<16xi1>
      %swap3A_332 = arith.index_cast %min3A_329 : i32 to index
      %swap3A_333 = tpu.vector_load %arg12[%swap3A_332] masked %ge3A_322 {strides = array<i32>} : memref<272xi32, #tpu.memory_space<vmem>>, vector<16xi32>, vector<16xi1>
      tpu.vector_store %arg12[%swap3A_332], %add3A_320 masked %ge3A_322 {strides = array<i32>} : memref<272xi32, #tpu.memory_space<vmem>>, vector<16xi32>, vector<16xi1>
      %add3A_334 = arith.addi %add3A_316, %reduce_sum3A_327 : i32
      %add3A_335 = arith.constant 64 : i32
      %add3A_336 = vector.broadcast %add3A_335 : i32 to vector<16xi32>
      %add3A_337 = arith.addi %mul3A_265, %add3A_336 : vector<16xi32>
      %add3A_338 = arith.addi %add3A_337, %iota3A : vector<16xi32>
      %gather3A_339 = tpu.vector_load_idx %arg7[%add3A_338] : memref<100096xf32, #tpu.memory_space<vmem>>[vector<16xi32>], vector<16xf32>,
      %ge3A_340 = arith.cmpf oge, %gather3A_339, %get3A_144 : vector<16xf32>
      %convert_element_type3A_341 = arith.extui %ge3A_340 : vector<16xi1> to vector<16xi32>
      %reduce_sum3A_342 = arith.constant true
      %reduce_sum3A_343 = vector.broadcast %reduce_sum3A_342 : i1 to vector<16xi1>
      %reduce_sum3A_344 = tpu.scan <sum>, %convert_element_type3A_341 masked %reduce_sum3A_343 : vector<16xi32>, vector<16xi1> -> vector<16xi32>
      %reduce_sum3A_345 = vector.extract %reduce_sum3A_344[15] : i32 from vector<16xi32>
      %min3A_346 = arith.constant 256 : i32
      %min3A_347 = arith.minsi %add3A_334, %min3A_346 : i32
      %swap3A_348 = arith.index_cast %min3A_347 : i32 to index
      %swap3A_349 = tpu.vector_load %arg11[%swap3A_348] masked %ge3A_340 {strides = array<i32>} : memref<272xf32, #tpu.memory_space<vmem>>, vector<16xf32>, vector<16xi1>
      tpu.vector_store %arg11[%swap3A_348], %gather3A_339 masked %ge3A_340 {strides = array<i32>} : memref<272xf32, #tpu.memory_space<vmem>>, vector<16xf32>, vector<16xi1>
      %swap3A_350 = arith.index_cast %min3A_347 : i32 to index
      %swap3A_351 = tpu.vector_load %arg12[%swap3A_350] masked %ge3A_340 {strides = array<i32>} : memref<272xi32, #tpu.memory_space<vmem>>, vector<16xi32>, vector<16xi1>
      tpu.vector_store %arg12[%swap3A_350], %add3A_338 masked %ge3A_340 {strides = array<i32>} : memref<272xi32, #tpu.memory_space<vmem>>, vector<16xi32>, vector<16xi1>
      %add3A_352 = arith.addi %add3A_334, %reduce_sum3A_345 : i32
      %add3A_353 = arith.constant 80 : i32
      %add3A_354 = vector.broadcast %add3A_353 : i32 to vector<16xi32>
      %add3A_355 = arith.addi %mul3A_265, %add3A_354 : vector<16xi32>
      %add3A_356 = arith.addi %add3A_355, %iota3A : vector<16xi32>
      %gather3A_357 = tpu.vector_load_idx %arg7[%add3A_356] : memref<100096xf32, #tpu.memory_space<vmem>>[vector<16xi32>], vector<16xf32>,
      %ge3A_358 = arith.cmpf oge, %gather3A_357, %get3A_144 : vector<16xf32>
      %convert_element_type3A_359 = arith.extui %ge3A_358 : vector<16xi1> to vector<16xi32>
      %reduce_sum3A_360 = arith.constant true
      %reduce_sum3A_361 = vector.broadcast %reduce_sum3A_360 : i1 to vector<16xi1>
      %reduce_sum3A_362 = tpu.scan <sum>, %convert_element_type3A_359 masked %reduce_sum3A_361 : vector<16xi32>, vector<16xi1> -> vector<16xi32>
      %reduce_sum3A_363 = vector.extract %reduce_sum3A_362[15] : i32 from vector<16xi32>
      %min3A_364 = arith.constant 256 : i32
      %min3A_365 = arith.minsi %add3A_352, %min3A_364 : i32
      %swap3A_366 = arith.index_cast %min3A_365 : i32 to index
      %swap3A_367 = tpu.vector_load %arg11[%swap3A_366] masked %ge3A_358 {strides = array<i32>} : memref<272xf32, #tpu.memory_space<vmem>>, vector<16xf32>, vector<16xi1>
      tpu.vector_store %arg11[%swap3A_366], %gather3A_357 masked %ge3A_358 {strides = array<i32>} : memref<272xf32, #tpu.memory_space<vmem>>, vector<16xf32>, vector<16xi1>
      %swap3A_368 = arith.index_cast %min3A_365 : i32 to index
      %swap3A_369 = tpu.vector_load %arg12[%swap3A_368] masked %ge3A_358 {strides = array<i32>} : memref<272xi32, #tpu.memory_space<vmem>>, vector<16xi32>, vector<16xi1>
      tpu.vector_store %arg12[%swap3A_368], %add3A_356 masked %ge3A_358 {strides = array<i32>} : memref<272xi32, #tpu.memory_space<vmem>>, vector<16xi32>, vector<16xi1>
      %add3A_370 = arith.addi %add3A_352, %reduce_sum3A_363 : i32
      %add3A_371 = arith.constant 96 : i32
      %add3A_372 = vector.broadcast %add3A_371 : i32 to vector<16xi32>
      %add3A_373 = arith.addi %mul3A_265, %add3A_372 : vector<16xi32>
      %add3A_374 = arith.addi %add3A_373, %iota3A : vector<16xi32>
      %gather3A_375 = tpu.vector_load_idx %arg7[%add3A_374] : memref<100096xf32, #tpu.memory_space<vmem>>[vector<16xi32>], vector<16xf32>,
      %ge3A_376 = arith.cmpf oge, %gather3A_375, %get3A_144 : vector<16xf32>
      %convert_element_type3A_377 = arith.extui %ge3A_376 : vector<16xi1> to vector<16xi32>
      %reduce_sum3A_378 = arith.constant true
      %reduce_sum3A_379 = vector.broadcast %reduce_sum3A_378 : i1 to vector<16xi1>
      %reduce_sum3A_380 = tpu.scan <sum>, %convert_element_type3A_377 masked %reduce_sum3A_379 : vector<16xi32>, vector<16xi1> -> vector<16xi32>
      %reduce_sum3A_381 = vector.extract %reduce_sum3A_380[15] : i32 from vector<16xi32>
      %min3A_382 = arith.constant 256 : i32
      %min3A_383 = arith.minsi %add3A_370, %min3A_382 : i32
      %swap3A_384 = arith.index_cast %min3A_383 : i32 to index
      %swap3A_385 = tpu.vector_load %arg11[%swap3A_384] masked %ge3A_376 {strides = array<i32>} : memref<272xf32, #tpu.memory_space<vmem>>, vector<16xf32>, vector<16xi1>
      tpu.vector_store %arg11[%swap3A_384], %gather3A_375 masked %ge3A_376 {strides = array<i32>} : memref<272xf32, #tpu.memory_space<vmem>>, vector<16xf32>, vector<16xi1>
      %swap3A_386 = arith.index_cast %min3A_383 : i32 to index
      %swap3A_387 = tpu.vector_load %arg12[%swap3A_386] masked %ge3A_376 {strides = array<i32>} : memref<272xi32, #tpu.memory_space<vmem>>, vector<16xi32>, vector<16xi1>
      tpu.vector_store %arg12[%swap3A_386], %add3A_374 masked %ge3A_376 {strides = array<i32>} : memref<272xi32, #tpu.memory_space<vmem>>, vector<16xi32>, vector<16xi1>
      %add3A_388 = arith.addi %add3A_370, %reduce_sum3A_381 : i32
      %add3A_389 = arith.constant 112 : i32
      %add3A_390 = vector.broadcast %add3A_389 : i32 to vector<16xi32>
      %add3A_391 = arith.addi %mul3A_265, %add3A_390 : vector<16xi32>
      %add3A_392 = arith.addi %add3A_391, %iota3A : vector<16xi32>
      %gather3A_393 = tpu.vector_load_idx %arg7[%add3A_392] : memref<100096xf32, #tpu.memory_space<vmem>>[vector<16xi32>], vector<16xf32>,
      %ge3A_394 = arith.cmpf oge, %gather3A_393, %get3A_144 : vector<16xf32>
      %convert_element_type3A_395 = arith.extui %ge3A_394 : vector<16xi1> to vector<16xi32>
      %reduce_sum3A_396 = arith.constant true
      %reduce_sum3A_397 = vector.broadcast %reduce_sum3A_396 : i1 to vector<16xi1>
      %reduce_sum3A_398 = tpu.scan <sum>, %convert_element_type3A_395 masked %reduce_sum3A_397 : vector<16xi32>, vector<16xi1> -> vector<16xi32>
      %reduce_sum3A_399 = vector.extract %reduce_sum3A_398[15] : i32 from vector<16xi32>
      %min3A_400 = arith.constant 256 : i32
      %min3A_401 = arith.minsi %add3A_388, %min3A_400 : i32
      %swap3A_402 = arith.index_cast %min3A_401 : i32 to index
      %swap3A_403 = tpu.vector_load %arg11[%swap3A_402] masked %ge3A_394 {strides = array<i32>} : memref<272xf32, #tpu.memory_space<vmem>>, vector<16xf32>, vector<16xi1>
      tpu.vector_store %arg11[%swap3A_402], %gather3A_393 masked %ge3A_394 {strides = array<i32>} : memref<272xf32, #tpu.memory_space<vmem>>, vector<16xf32>, vector<16xi1>
      %swap3A_404 = arith.index_cast %min3A_401 : i32 to index
      %swap3A_405 = tpu.vector_load %arg12[%swap3A_404] masked %ge3A_394 {strides = array<i32>} : memref<272xi32, #tpu.memory_space<vmem>>, vector<16xi32>, vector<16xi1>
      tpu.vector_store %arg12[%swap3A_404], %add3A_392 masked %ge3A_394 {strides = array<i32>} : memref<272xi32, #tpu.memory_space<vmem>>, vector<16xi32>, vector<16xi1>
      %add3A_406 = arith.addi %add3A_388, %reduce_sum3A_399 : i32
      scf.yield %add3A_406 : i32
    }
    "tpu.region"() ({
      %run_scoped3A = tpu.sem_alloc : memref<!tpu.dma_semaphore, #tpu.memory_space<semaphore_mem>>
      %dma_start3A_259 = arith.constant 0 : i32
      %dma_start3A_260 = tpu.memref_slice %arg11[%dma_start3A_259] : memref<272xf32, #tpu.memory_space<vmem>> -> memref<256xf32, #tpu.memory_space<vmem>>
      %dma_start3A_261 = arith.constant 0 : i32
      %dma_start3A_262 = tpu.memref_slice %arg5[%add3A_132, %dma_start3A_261] : memref<128x256xf32, #tpu.memory_space<hbm>> -> memref<1x256xf32, #tpu.memory_space<hbm>>
      %dma_start3A_263 = tpu.memref_squeeze %dma_start3A_262 : memref<1x256xf32, #tpu.memory_space<hbm>> -> memref<256xf32, #tpu.memory_space<hbm>>
      %dma_start3A_264 = arith.constant 0 : i32
      %dma_start3A_265 = tpu.memref_slice %arg5[%add3A_132, %dma_start3A_264] : memref<128x256xf32, #tpu.memory_space<hbm>> -> memref<1x256xf32, #tpu.memory_space<hbm>>
      %dma_start3A_266 = tpu.memref_squeeze %dma_start3A_265 : memref<1x256xf32, #tpu.memory_space<hbm>> -> memref<256xf32, #tpu.memory_space<hbm>>
      %dma_start3A_267 = arith.constant 0 : i32
      %dma_start3A_268 = tpu.memref_slice %arg11[%dma_start3A_267] : memref<272xf32, #tpu.memory_space<vmem>> -> memref<256xf32, #tpu.memory_space<vmem>>
      tpu.enqueue_dma source(%dma_start3A_268 : memref<256xf32, #tpu.memory_space<vmem>>) target(%dma_start3A_266 : memref<256xf32, #tpu.memory_space<hbm>>) target_semaphore(%run_scoped3A : memref<!tpu.dma_semaphore, #tpu.memory_space<semaphore_mem>>)
      %dma_wait3A_269 = arith.constant 0 : i32
      %dma_wait3A_270 = tpu.memref_slice %arg11[%dma_wait3A_269] : memref<272xf32, #tpu.memory_space<vmem>> -> memref<256xf32, #tpu.memory_space<vmem>>
      %dma_wait3A_271 = arith.constant 0 : i32
      %dma_wait3A_272 = tpu.memref_slice %arg5[%add3A_132, %dma_wait3A_271] : memref<128x256xf32, #tpu.memory_space<hbm>> -> memref<1x256xf32, #tpu.memory_space<hbm>>
      %dma_wait3A_273 = tpu.memref_squeeze %dma_wait3A_272 : memref<1x256xf32, #tpu.memory_space<hbm>> -> memref<256xf32, #tpu.memory_space<hbm>>
      %dma_wait3A_274 = arith.constant 0 : i32
      %dma_wait3A_275 = tpu.memref_slice %arg5[%add3A_132, %dma_wait3A_274] : memref<128x256xf32, #tpu.memory_space<hbm>> -> memref<1x256xf32, #tpu.memory_space<hbm>>
      %dma_wait3A_276 = tpu.memref_squeeze %dma_wait3A_275 : memref<1x256xf32, #tpu.memory_space<hbm>> -> memref<256xf32, #tpu.memory_space<hbm>>
      %dma_wait3A_277 = arith.constant 0 : i32
      %dma_wait3A_278 = tpu.memref_slice %arg11[%dma_wait3A_277] : memref<272xf32, #tpu.memory_space<vmem>> -> memref<256xf32, #tpu.memory_space<vmem>>
      tpu.wait_dma2 semaphore(%run_scoped3A : memref<!tpu.dma_semaphore, #tpu.memory_space<semaphore_mem>>) src(%dma_wait3A_278 : memref<256xf32, #tpu.memory_space<vmem>>) dst(%dma_wait3A_276 : memref<256xf32, #tpu.memory_space<hbm>>)
      tpu.yield
    }) : () -> ()
    "tpu.region"() ({
      %run_scoped3A = tpu.sem_alloc : memref<!tpu.dma_semaphore, #tpu.memory_space<semaphore_mem>>
      %dma_start3A_259 = arith.constant 0 : i32
      %dma_start3A_260 = tpu.memref_slice %arg12[%dma_start3A_259] : memref<272xi32, #tpu.memory_space<vmem>> -> memref<256xi32, #tpu.memory_space<vmem>>
      %dma_start3A_261 = arith.constant 0 : i32
      %dma_start3A_262 = tpu.memref_slice %arg6[%add3A_132, %dma_start3A_261] : memref<128x256xi32, #tpu.memory_space<hbm>> -> memref<1x256xi32, #tpu.memory_space<hbm>>
      %dma_start3A_263 = tpu.memref_squeeze %dma_start3A_262 : memref<1x256xi32, #tpu.memory_space<hbm>> -> memref<256xi32, #tpu.memory_space<hbm>>
      %dma_start3A_264 = arith.constant 0 : i32
      %dma_start3A_265 = tpu.memref_slice %arg6[%add3A_132, %dma_start3A_264] : memref<128x256xi32, #tpu.memory_space<hbm>> -> memref<1x256xi32, #tpu.memory_space<hbm>>
      %dma_start3A_266 = tpu.memref_squeeze %dma_start3A_265 : memref<1x256xi32, #tpu.memory_space<hbm>> -> memref<256xi32, #tpu.memory_space<hbm>>
      %dma_start3A_267 = arith.constant 0 : i32
      %dma_start3A_268 = tpu.memref_slice %arg12[%dma_start3A_267] : memref<272xi32, #tpu.memory_space<vmem>> -> memref<256xi32, #tpu.memory_space<vmem>>
      tpu.enqueue_dma source(%dma_start3A_268 : memref<256xi32, #tpu.memory_space<vmem>>) target(%dma_start3A_266 : memref<256xi32, #tpu.memory_space<hbm>>) target_semaphore(%run_scoped3A : memref<!tpu.dma_semaphore, #tpu.memory_space<semaphore_mem>>)
      %dma_wait3A_269 = arith.constant 0 : i32
      %dma_wait3A_270 = tpu.memref_slice %arg12[%dma_wait3A_269] : memref<272xi32, #tpu.memory_space<vmem>> -> memref<256xi32, #tpu.memory_space<vmem>>
      %dma_wait3A_271 = arith.constant 0 : i32
      %dma_wait3A_272 = tpu.memref_slice %arg6[%add3A_132, %dma_wait3A_271] : memref<128x256xi32, #tpu.memory_space<hbm>> -> memref<1x256xi32, #tpu.memory_space<hbm>>
      %dma_wait3A_273 = tpu.memref_squeeze %dma_wait3A_272 : memref<1x256xi32, #tpu.memory_space<hbm>> -> memref<256xi32, #tpu.memory_space<hbm>>
      %dma_wait3A_274 = arith.constant 0 : i32
      %dma_wait3A_275 = tpu.memref_slice %arg6[%add3A_132, %dma_wait3A_274] : memref<128x256xi32, #tpu.memory_space<hbm>> -> memref<1x256xi32, #tpu.memory_space<hbm>>
      %dma_wait3A_276 = tpu.memref_squeeze %dma_wait3A_275 : memref<1x256xi32, #tpu.memory_space<hbm>> -> memref<256xi32, #tpu.memory_space<hbm>>
      %dma_wait3A_277 = arith.constant 0 : i32
      %dma_wait3A_278 = tpu.memref_slice %arg12[%dma_wait3A_277] : memref<272xi32, #tpu.memory_space<vmem>> -> memref<256xi32, #tpu.memory_space<vmem>>
      tpu.wait_dma2 semaphore(%run_scoped3A : memref<!tpu.dma_semaphore, #tpu.memory_space<semaphore_mem>>) src(%dma_wait3A_278 : memref<256xi32, #tpu.memory_space<vmem>>) dst(%dma_wait3A_276 : memref<256xi32, #tpu.memory_space<hbm>>)
      tpu.yield
    }) : () -> ()
    %mul3A_194 = arith.constant 4 : i32
    %mul3A_195 = arith.muli %add3A, %mul3A_194 : i32
    %add3A_196 = arith.constant 3 : i32
    %add3A_197 = arith.addi %mul3A_195, %add3A_196 : i32
    %dma_start3A_198 = arith.constant 0 : i32
    %dma_start3A_199 = tpu.memref_slice %arg7[%dma_start3A_198] : memref<100096xf32, #tpu.memory_space<vmem>> -> memref<100000xf32, #tpu.memory_space<vmem>>
    %dma_start3A_200 = arith.constant 0 : i32
    %dma_start3A_201 = tpu.memref_slice %arg2[%add3A_197, %dma_start3A_200] : memref<128x100000xf32, #tpu.memory_space<hbm>> -> memref<1x100000xf32, #tpu.memory_space<hbm>>
    %dma_start3A_202 = tpu.memref_squeeze %dma_start3A_201 : memref<1x100000xf32, #tpu.memory_space<hbm>> -> memref<100000xf32, #tpu.memory_space<hbm>>
    %dma_start3A_203 = arith.constant 0 : i32
    %dma_start3A_204 = tpu.memref_slice %arg7[%dma_start3A_203] : memref<100096xf32, #tpu.memory_space<vmem>> -> memref<100000xf32, #tpu.memory_space<vmem>>
    %dma_start3A_205 = arith.constant 0 : i32
    %dma_start3A_206 = tpu.memref_slice %arg2[%add3A_197, %dma_start3A_205] : memref<128x100000xf32, #tpu.memory_space<hbm>> -> memref<1x100000xf32, #tpu.memory_space<hbm>>
    %dma_start3A_207 = tpu.memref_squeeze %dma_start3A_206 : memref<1x100000xf32, #tpu.memory_space<hbm>> -> memref<100000xf32, #tpu.memory_space<hbm>>
    tpu.enqueue_dma source(%dma_start3A_207 : memref<100000xf32, #tpu.memory_space<hbm>>) target(%dma_start3A_204 : memref<100000xf32, #tpu.memory_space<vmem>>) target_semaphore(%arg13 : memref<!tpu.dma_semaphore, #tpu.memory_space<semaphore_mem>>)
    "tpu.region"() ({
      %run_scoped3A = tpu.sem_alloc : memref<!tpu.dma_semaphore, #tpu.memory_space<semaphore_mem>>
      %dma_start3A_259 = arith.constant 0 : i32
      %dma_start3A_260 = tpu.memref_slice %arg4[%add3A_197, %dma_start3A_259] : memref<128x16xf32, #tpu.memory_space<hbm>> -> memref<1x16xf32, #tpu.memory_space<hbm>>
      %dma_start3A_261 = tpu.memref_squeeze %dma_start3A_260 : memref<1x16xf32, #tpu.memory_space<hbm>> -> memref<16xf32, #tpu.memory_space<hbm>>
      %dma_start3A_262 = arith.constant 0 : i32
      %dma_start3A_263 = tpu.memref_slice %arg4[%add3A_197, %dma_start3A_262] : memref<128x16xf32, #tpu.memory_space<hbm>> -> memref<1x16xf32, #tpu.memory_space<hbm>>
      %dma_start3A_264 = tpu.memref_squeeze %dma_start3A_263 : memref<1x16xf32, #tpu.memory_space<hbm>> -> memref<16xf32, #tpu.memory_space<hbm>>
      tpu.enqueue_dma source(%dma_start3A_264 : memref<16xf32, #tpu.memory_space<hbm>>) target(%arg9 : memref<16xf32, #tpu.memory_space<vmem>>) target_semaphore(%run_scoped3A : memref<!tpu.dma_semaphore, #tpu.memory_space<semaphore_mem>>)
      %dma_wait3A_265 = arith.constant 0 : i32
      %dma_wait3A_266 = tpu.memref_slice %arg4[%add3A_197, %dma_wait3A_265] : memref<128x16xf32, #tpu.memory_space<hbm>> -> memref<1x16xf32, #tpu.memory_space<hbm>>
      %dma_wait3A_267 = tpu.memref_squeeze %dma_wait3A_266 : memref<1x16xf32, #tpu.memory_space<hbm>> -> memref<16xf32, #tpu.memory_space<hbm>>
      %dma_wait3A_268 = arith.constant 0 : i32
      %dma_wait3A_269 = tpu.memref_slice %arg4[%add3A_197, %dma_wait3A_268] : memref<128x16xf32, #tpu.memory_space<hbm>> -> memref<1x16xf32, #tpu.memory_space<hbm>>
      %dma_wait3A_270 = tpu.memref_squeeze %dma_wait3A_269 : memref<1x16xf32, #tpu.memory_space<hbm>> -> memref<16xf32, #tpu.memory_space<hbm>>
      tpu.wait_dma2 semaphore(%run_scoped3A : memref<!tpu.dma_semaphore, #tpu.memory_space<semaphore_mem>>) src(%dma_wait3A_270 : memref<16xf32, #tpu.memory_space<hbm>>) dst(%arg9 : memref<16xf32, #tpu.memory_space<vmem>>)
      tpu.yield
    }) : () -> ()
    "tpu.region"() ({
      %run_scoped3A = tpu.sem_alloc : memref<!tpu.dma_semaphore, #tpu.memory_space<semaphore_mem>>
      %dma_start3A_259 = arith.constant 0 : i32
      %dma_start3A_260 = tpu.memref_slice %arg3[%add3A_197, %dma_start3A_259] : memref<128x896xf32, #tpu.memory_space<hbm>> -> memref<1x896xf32, #tpu.memory_space<hbm>>
      %dma_start3A_261 = tpu.memref_squeeze %dma_start3A_260 : memref<1x896xf32, #tpu.memory_space<hbm>> -> memref<896xf32, #tpu.memory_space<hbm>>
      %dma_start3A_262 = arith.constant 0 : i32
      %dma_start3A_263 = tpu.memref_slice %arg3[%add3A_197, %dma_start3A_262] : memref<128x896xf32, #tpu.memory_space<hbm>> -> memref<1x896xf32, #tpu.memory_space<hbm>>
      %dma_start3A_264 = tpu.memref_squeeze %dma_start3A_263 : memref<1x896xf32, #tpu.memory_space<hbm>> -> memref<896xf32, #tpu.memory_space<hbm>>
      tpu.enqueue_dma source(%dma_start3A_264 : memref<896xf32, #tpu.memory_space<hbm>>) target(%arg8 : memref<896xf32, #tpu.memory_space<vmem>>) target_semaphore(%run_scoped3A : memref<!tpu.dma_semaphore, #tpu.memory_space<semaphore_mem>>)
      %dma_wait3A_265 = arith.constant 0 : i32
      %dma_wait3A_266 = tpu.memref_slice %arg3[%add3A_197, %dma_wait3A_265] : memref<128x896xf32, #tpu.memory_space<hbm>> -> memref<1x896xf32, #tpu.memory_space<hbm>>
      %dma_wait3A_267 = tpu.memref_squeeze %dma_wait3A_266 : memref<1x896xf32, #tpu.memory_space<hbm>> -> memref<896xf32, #tpu.memory_space<hbm>>
      %dma_wait3A_268 = arith.constant 0 : i32
      %dma_wait3A_269 = tpu.memref_slice %arg3[%add3A_197, %dma_wait3A_268] : memref<128x896xf32, #tpu.memory_space<hbm>> -> memref<1x896xf32, #tpu.memory_space<hbm>>
      %dma_wait3A_270 = tpu.memref_squeeze %dma_wait3A_269 : memref<1x896xf32, #tpu.memory_space<hbm>> -> memref<896xf32, #tpu.memory_space<hbm>>
      tpu.wait_dma2 semaphore(%run_scoped3A : memref<!tpu.dma_semaphore, #tpu.memory_space<semaphore_mem>>) src(%dma_wait3A_270 : memref<896xf32, #tpu.memory_space<hbm>>) dst(%arg8 : memref<896xf32, #tpu.memory_space<vmem>>)
      tpu.yield
    }) : () -> ()
    %get3A_208 = arith.constant 0 : index
    %get3A_209 = tpu.vector_load %arg9[%get3A_208] {strides = array<i32>} : memref<16xf32, #tpu.memory_space<vmem>>, vector<16xf32>,
    %swap3A_210 = arith.constant 100000 : index
    %swap3A_211 = tpu.vector_load %arg7[%swap3A_210] {strides = array<i32>} : memref<100096xf32, #tpu.memory_space<vmem>>, vector<16xf32>,
    tpu.vector_store %arg7[%swap3A_210], %broadcast_in_dim3A_5 {strides = array<i32>} : memref<100096xf32, #tpu.memory_space<vmem>>, vector<16xf32>,
    %swap3A_212 = arith.constant 100016 : index
    %swap3A_213 = tpu.vector_load %arg7[%swap3A_212] {strides = array<i32>} : memref<100096xf32, #tpu.memory_space<vmem>>, vector<16xf32>,
    tpu.vector_store %arg7[%swap3A_212], %broadcast_in_dim3A_5 {strides = array<i32>} : memref<100096xf32, #tpu.memory_space<vmem>>, vector<16xf32>,
    %swap3A_214 = arith.constant 100032 : index
    %swap3A_215 = tpu.vector_load %arg7[%swap3A_214] {strides = array<i32>} : memref<100096xf32, #tpu.memory_space<vmem>>, vector<16xf32>,
    tpu.vector_store %arg7[%swap3A_214], %broadcast_in_dim3A_5 {strides = array<i32>} : memref<100096xf32, #tpu.memory_space<vmem>>, vector<16xf32>,
    %swap3A_216 = arith.constant 100048 : index
    %swap3A_217 = tpu.vector_load %arg7[%swap3A_216] {strides = array<i32>} : memref<100096xf32, #tpu.memory_space<vmem>>, vector<16xf32>,
    tpu.vector_store %arg7[%swap3A_216], %broadcast_in_dim3A_5 {strides = array<i32>} : memref<100096xf32, #tpu.memory_space<vmem>>, vector<16xf32>,
    %swap3A_218 = arith.constant 100064 : index
    %swap3A_219 = tpu.vector_load %arg7[%swap3A_218] {strides = array<i32>} : memref<100096xf32, #tpu.memory_space<vmem>>, vector<16xf32>,
    tpu.vector_store %arg7[%swap3A_218], %broadcast_in_dim3A_5 {strides = array<i32>} : memref<100096xf32, #tpu.memory_space<vmem>>, vector<16xf32>,
    %swap3A_220 = arith.constant 100080 : index
    %swap3A_221 = tpu.vector_load %arg7[%swap3A_220] {strides = array<i32>} : memref<100096xf32, #tpu.memory_space<vmem>>, vector<16xf32>,
    tpu.vector_store %arg7[%swap3A_220], %broadcast_in_dim3A_5 {strides = array<i32>} : memref<100096xf32, #tpu.memory_space<vmem>>, vector<16xf32>,
    %scan3A_222 = arith.constant 0 : i32
    %scan3A_223 = arith.constant 0 : i32
    %scan3A_224 = arith.constant 17 : i32
    %scan3A_225 = arith.addi %scan3A_223, %scan3A_224 : i32
    %scan3A_226 = arith.constant 1 : i32
    scf.for %scan3A_259 = %scan3A_223 to %scan3A_225 step %scan3A_226  : i32 {
      %mul3A_260 = arith.constant 16 : i32
      %mul3A_261 = arith.muli %scan3A_259, %mul3A_260 : i32
      %swap3A_262 = arith.index_cast %mul3A_261 : i32 to index
      %swap3A_263 = tpu.vector_load %arg11[%swap3A_262] {strides = array<i32>} : memref<272xf32, #tpu.memory_space<vmem>>, vector<16xf32>,
      tpu.vector_store %arg11[%swap3A_262], %broadcast_in_dim3A_3 {strides = array<i32>} : memref<272xf32, #tpu.memory_space<vmem>>, vector<16xf32>,
      %mul3A_264 = arith.constant 16 : i32
      %mul3A_265 = arith.muli %scan3A_259, %mul3A_264 : i32
      %swap3A_266 = arith.index_cast %mul3A_265 : i32 to index
      %swap3A_267 = tpu.vector_load %arg12[%swap3A_266] {strides = array<i32>} : memref<272xi32, #tpu.memory_space<vmem>>, vector<16xi32>,
      tpu.vector_store %arg12[%swap3A_266], %broadcast_in_dim3A_1 {strides = array<i32>} : memref<272xi32, #tpu.memory_space<vmem>>, vector<16xi32>,
    }
    %scan3A_227 = arith.constant 17 : i32
    %scan3A_228 = arith.constant 0 : i32
    %scan3A_229 = arith.constant 0 : i32
    %scan3A_230 = arith.constant 56 : i32
    %scan3A_231 = arith.addi %scan3A_229, %scan3A_230 : i32
    %scan3A_232 = arith.constant 1 : i32
    %scan3A_233 = scf.for %scan3A_259 = %scan3A_229 to %scan3A_231 step %scan3A_232 iter_args(%scan3A_260 = %scan3A_228) -> (i32)  : i32 {
      %mul3A_261 = arith.constant 16 : i32
      %mul3A_262 = arith.muli %scan3A_259, %mul3A_261 : i32
      %get3A_263 = arith.index_cast %mul3A_262 : i32 to index
      %get3A_264 = tpu.vector_load %arg8[%get3A_263] {strides = array<i32>} : memref<896xf32, #tpu.memory_space<vmem>>, vector<16xf32>,
      %ge3A = arith.cmpf oge, %get3A_264, %get3A_209 : vector<16xf32>
      %convert_element_type3A = arith.extui %ge3A : vector<16xi1> to vector<16xi32>
      %reduce_sum3A = arith.constant true
      %reduce_sum3A_265 = vector.broadcast %reduce_sum3A : i1 to vector<16xi1>
      %reduce_sum3A_266 = tpu.scan <sum>, %convert_element_type3A masked %reduce_sum3A_265 : vector<16xi32>, vector<16xi1> -> vector<16xi32>
      %reduce_sum3A_267 = vector.extract %reduce_sum3A_266[15] : i32 from vector<16xi32>
      %min3A_268 = arith.constant 112 : i32
      %min3A_269 = arith.minsi %scan3A_260, %min3A_268 : i32
      %mul3A_270 = arith.constant 16 : i32
      %mul3A_271 = arith.muli %scan3A_259, %mul3A_270 : i32
      %add3A_272 = vector.broadcast %mul3A_271 : i32 to vector<16xi32>
      %add3A_273 = arith.addi %add3A_272, %iota3A : vector<16xi32>
      %swap3A_274 = arith.index_cast %min3A_269 : i32 to index
      %swap3A_275 = tpu.vector_load %arg10[%swap3A_274] masked %ge3A {strides = array<i32>} : memref<128xi32, #tpu.memory_space<vmem>>, vector<16xi32>, vector<16xi1>
      tpu.vector_store %arg10[%swap3A_274], %add3A_273 masked %ge3A {strides = array<i32>} : memref<128xi32, #tpu.memory_space<vmem>>, vector<16xi32>, vector<16xi1>
      %add3A_276 = arith.addi %scan3A_260, %reduce_sum3A_267 : i32
      scf.yield %add3A_276 : i32
    }
    %scan3A_234 = arith.constant 56 : i32
    %min3A_235 = arith.constant 112 : i32
    %min3A_236 = arith.minsi %scan3A_233, %min3A_235 : i32
    %dma_wait3A_237 = arith.constant 0 : i32
    %dma_wait3A_238 = tpu.memref_slice %arg7[%dma_wait3A_237] : memref<100096xf32, #tpu.memory_space<vmem>> -> memref<100000xf32, #tpu.memory_space<vmem>>
    %dma_wait3A_239 = arith.constant 0 : i32
    %dma_wait3A_240 = tpu.memref_slice %arg2[%add3A_197, %dma_wait3A_239] : memref<128x100000xf32, #tpu.memory_space<hbm>> -> memref<1x100000xf32, #tpu.memory_space<hbm>>
    %dma_wait3A_241 = tpu.memref_squeeze %dma_wait3A_240 : memref<1x100000xf32, #tpu.memory_space<hbm>> -> memref<100000xf32, #tpu.memory_space<hbm>>
    %dma_wait3A_242 = arith.constant 0 : i32
    %dma_wait3A_243 = tpu.memref_slice %arg7[%dma_wait3A_242] : memref<100096xf32, #tpu.memory_space<vmem>> -> memref<100000xf32, #tpu.memory_space<vmem>>
    %dma_wait3A_244 = arith.constant 0 : i32
    %dma_wait3A_245 = tpu.memref_slice %arg2[%add3A_197, %dma_wait3A_244] : memref<128x100000xf32, #tpu.memory_space<hbm>> -> memref<1x100000xf32, #tpu.memory_space<hbm>>
    %dma_wait3A_246 = tpu.memref_squeeze %dma_wait3A_245 : memref<1x100000xf32, #tpu.memory_space<hbm>> -> memref<100000xf32, #tpu.memory_space<hbm>>
    tpu.wait_dma2 semaphore(%arg13 : memref<!tpu.dma_semaphore, #tpu.memory_space<semaphore_mem>>) src(%dma_wait3A_246 : memref<100000xf32, #tpu.memory_space<hbm>>) dst(%dma_wait3A_243 : memref<100000xf32, #tpu.memory_space<vmem>>)
    %while3A_247 = arith.constant 0 : i32
    %while3A_248 = arith.constant 0 : i32
    %while3A_249 = arith.subi %min3A_236, %while3A_247 : i32
    %while3A_250 = arith.addi %while3A_247, %while3A_249 : i32
    %while3A_251 = arith.constant 1 : i32
    %while3A_252 = arith.divsi %while3A_249, %while3A_251 : i32
    %while3A_253 = arith.muli %while3A_252, %while3A_251 : i32
    %while3A_254 = arith.addi %while3A_247, %while3A_253 : i32
    %while3A_255 = arith.constant 1 : i32
    %while3A_256 = scf.for %while3A_259 = %while3A_247 to %while3A_254 step %while3A_255 iter_args(%while3A_260 = %while3A_248) -> (i32)  : i32 {
      %add3A_261 = vector.broadcast %while3A_259 : i32 to vector<16xi32>
      %add3A_262 = arith.addi %broadcast_in_dim3A_1, %add3A_261 : vector<16xi32>
      %gather3A = tpu.vector_load_idx %arg10[%add3A_262] : memref<128xi32, #tpu.memory_space<vmem>>[vector<16xi32>], vector<16xi32>,
      %mul3A_263 = arith.constant 128 : i32
      %mul3A_264 = vector.broadcast %mul3A_263 : i32 to vector<16xi32>
      %mul3A_265 = arith.muli %gather3A, %mul3A_264 : vector<16xi32>
      %add3A_266 = arith.constant 0 : i32
      %add3A_267 = vector.broadcast %add3A_266 : i32 to vector<16xi32>
      %add3A_268 = arith.addi %mul3A_265, %add3A_267 : vector<16xi32>
      %add3A_269 = arith.addi %add3A_268, %iota3A : vector<16xi32>
      %gather3A_270 = tpu.vector_load_idx %arg7[%add3A_269] : memref<100096xf32, #tpu.memory_space<vmem>>[vector<16xi32>], vector<16xf32>,
      %ge3A = arith.cmpf oge, %gather3A_270, %get3A_209 : vector<16xf32>
      %convert_element_type3A = arith.extui %ge3A : vector<16xi1> to vector<16xi32>
      %reduce_sum3A = arith.constant true
      %reduce_sum3A_271 = vector.broadcast %reduce_sum3A : i1 to vector<16xi1>
      %reduce_sum3A_272 = tpu.scan <sum>, %convert_element_type3A masked %reduce_sum3A_271 : vector<16xi32>, vector<16xi1> -> vector<16xi32>
      %reduce_sum3A_273 = vector.extract %reduce_sum3A_272[15] : i32 from vector<16xi32>
      %min3A_274 = arith.constant 256 : i32
      %min3A_275 = arith.minsi %while3A_260, %min3A_274 : i32
      %swap3A_276 = arith.index_cast %min3A_275 : i32 to index
      %swap3A_277 = tpu.vector_load %arg11[%swap3A_276] masked %ge3A {strides = array<i32>} : memref<272xf32, #tpu.memory_space<vmem>>, vector<16xf32>, vector<16xi1>
      tpu.vector_store %arg11[%swap3A_276], %gather3A_270 masked %ge3A {strides = array<i32>} : memref<272xf32, #tpu.memory_space<vmem>>, vector<16xf32>, vector<16xi1>
      %swap3A_278 = arith.index_cast %min3A_275 : i32 to index
      %swap3A_279 = tpu.vector_load %arg12[%swap3A_278] masked %ge3A {strides = array<i32>} : memref<272xi32, #tpu.memory_space<vmem>>, vector<16xi32>, vector<16xi1>
      tpu.vector_store %arg12[%swap3A_278], %add3A_269 masked %ge3A {strides = array<i32>} : memref<272xi32, #tpu.memory_space<vmem>>, vector<16xi32>, vector<16xi1>
      %add3A_280 = arith.addi %while3A_260, %reduce_sum3A_273 : i32
      %add3A_281 = arith.constant 16 : i32
      %add3A_282 = vector.broadcast %add3A_281 : i32 to vector<16xi32>
      %add3A_283 = arith.addi %mul3A_265, %add3A_282 : vector<16xi32>
      %add3A_284 = arith.addi %add3A_283, %iota3A : vector<16xi32>
      %gather3A_285 = tpu.vector_load_idx %arg7[%add3A_284] : memref<100096xf32, #tpu.memory_space<vmem>>[vector<16xi32>], vector<16xf32>,
      %ge3A_286 = arith.cmpf oge, %gather3A_285, %get3A_209 : vector<16xf32>
      %convert_element_type3A_287 = arith.extui %ge3A_286 : vector<16xi1> to vector<16xi32>
      %reduce_sum3A_288 = arith.constant true
      %reduce_sum3A_289 = vector.broadcast %reduce_sum3A_288 : i1 to vector<16xi1>
      %reduce_sum3A_290 = tpu.scan <sum>, %convert_element_type3A_287 masked %reduce_sum3A_289 : vector<16xi32>, vector<16xi1> -> vector<16xi32>
      %reduce_sum3A_291 = vector.extract %reduce_sum3A_290[15] : i32 from vector<16xi32>
      %min3A_292 = arith.constant 256 : i32
      %min3A_293 = arith.minsi %add3A_280, %min3A_292 : i32
      %swap3A_294 = arith.index_cast %min3A_293 : i32 to index
      %swap3A_295 = tpu.vector_load %arg11[%swap3A_294] masked %ge3A_286 {strides = array<i32>} : memref<272xf32, #tpu.memory_space<vmem>>, vector<16xf32>, vector<16xi1>
      tpu.vector_store %arg11[%swap3A_294], %gather3A_285 masked %ge3A_286 {strides = array<i32>} : memref<272xf32, #tpu.memory_space<vmem>>, vector<16xf32>, vector<16xi1>
      %swap3A_296 = arith.index_cast %min3A_293 : i32 to index
      %swap3A_297 = tpu.vector_load %arg12[%swap3A_296] masked %ge3A_286 {strides = array<i32>} : memref<272xi32, #tpu.memory_space<vmem>>, vector<16xi32>, vector<16xi1>
      tpu.vector_store %arg12[%swap3A_296], %add3A_284 masked %ge3A_286 {strides = array<i32>} : memref<272xi32, #tpu.memory_space<vmem>>, vector<16xi32>, vector<16xi1>
      %add3A_298 = arith.addi %add3A_280, %reduce_sum3A_291 : i32
      %add3A_299 = arith.constant 32 : i32
      %add3A_300 = vector.broadcast %add3A_299 : i32 to vector<16xi32>
      %add3A_301 = arith.addi %mul3A_265, %add3A_300 : vector<16xi32>
      %add3A_302 = arith.addi %add3A_301, %iota3A : vector<16xi32>
      %gather3A_303 = tpu.vector_load_idx %arg7[%add3A_302] : memref<100096xf32, #tpu.memory_space<vmem>>[vector<16xi32>], vector<16xf32>,
      %ge3A_304 = arith.cmpf oge, %gather3A_303, %get3A_209 : vector<16xf32>
      %convert_element_type3A_305 = arith.extui %ge3A_304 : vector<16xi1> to vector<16xi32>
      %reduce_sum3A_306 = arith.constant true
      %reduce_sum3A_307 = vector.broadcast %reduce_sum3A_306 : i1 to vector<16xi1>
      %reduce_sum3A_308 = tpu.scan <sum>, %convert_element_type3A_305 masked %reduce_sum3A_307 : vector<16xi32>, vector<16xi1> -> vector<16xi32>
      %reduce_sum3A_309 = vector.extract %reduce_sum3A_308[15] : i32 from vector<16xi32>
      %min3A_310 = arith.constant 256 : i32
      %min3A_311 = arith.minsi %add3A_298, %min3A_310 : i32
      %swap3A_312 = arith.index_cast %min3A_311 : i32 to index
      %swap3A_313 = tpu.vector_load %arg11[%swap3A_312] masked %ge3A_304 {strides = array<i32>} : memref<272xf32, #tpu.memory_space<vmem>>, vector<16xf32>, vector<16xi1>
      tpu.vector_store %arg11[%swap3A_312], %gather3A_303 masked %ge3A_304 {strides = array<i32>} : memref<272xf32, #tpu.memory_space<vmem>>, vector<16xf32>, vector<16xi1>
      %swap3A_314 = arith.index_cast %min3A_311 : i32 to index
      %swap3A_315 = tpu.vector_load %arg12[%swap3A_314] masked %ge3A_304 {strides = array<i32>} : memref<272xi32, #tpu.memory_space<vmem>>, vector<16xi32>, vector<16xi1>
      tpu.vector_store %arg12[%swap3A_314], %add3A_302 masked %ge3A_304 {strides = array<i32>} : memref<272xi32, #tpu.memory_space<vmem>>, vector<16xi32>, vector<16xi1>
      %add3A_316 = arith.addi %add3A_298, %reduce_sum3A_309 : i32
      %add3A_317 = arith.constant 48 : i32
      %add3A_318 = vector.broadcast %add3A_317 : i32 to vector<16xi32>
      %add3A_319 = arith.addi %mul3A_265, %add3A_318 : vector<16xi32>
      %add3A_320 = arith.addi %add3A_319, %iota3A : vector<16xi32>
      %gather3A_321 = tpu.vector_load_idx %arg7[%add3A_320] : memref<100096xf32, #tpu.memory_space<vmem>>[vector<16xi32>], vector<16xf32>,
      %ge3A_322 = arith.cmpf oge, %gather3A_321, %get3A_209 : vector<16xf32>
      %convert_element_type3A_323 = arith.extui %ge3A_322 : vector<16xi1> to vector<16xi32>
      %reduce_sum3A_324 = arith.constant true
      %reduce_sum3A_325 = vector.broadcast %reduce_sum3A_324 : i1 to vector<16xi1>
      %reduce_sum3A_326 = tpu.scan <sum>, %convert_element_type3A_323 masked %reduce_sum3A_325 : vector<16xi32>, vector<16xi1> -> vector<16xi32>
      %reduce_sum3A_327 = vector.extract %reduce_sum3A_326[15] : i32 from vector<16xi32>
      %min3A_328 = arith.constant 256 : i32
      %min3A_329 = arith.minsi %add3A_316, %min3A_328 : i32
      %swap3A_330 = arith.index_cast %min3A_329 : i32 to index
      %swap3A_331 = tpu.vector_load %arg11[%swap3A_330] masked %ge3A_322 {strides = array<i32>} : memref<272xf32, #tpu.memory_space<vmem>>, vector<16xf32>, vector<16xi1>
      tpu.vector_store %arg11[%swap3A_330], %gather3A_321 masked %ge3A_322 {strides = array<i32>} : memref<272xf32, #tpu.memory_space<vmem>>, vector<16xf32>, vector<16xi1>
      %swap3A_332 = arith.index_cast %min3A_329 : i32 to index
      %swap3A_333 = tpu.vector_load %arg12[%swap3A_332] masked %ge3A_322 {strides = array<i32>} : memref<272xi32, #tpu.memory_space<vmem>>, vector<16xi32>, vector<16xi1>
      tpu.vector_store %arg12[%swap3A_332], %add3A_320 masked %ge3A_322 {strides = array<i32>} : memref<272xi32, #tpu.memory_space<vmem>>, vector<16xi32>, vector<16xi1>
      %add3A_334 = arith.addi %add3A_316, %reduce_sum3A_327 : i32
      %add3A_335 = arith.constant 64 : i32
      %add3A_336 = vector.broadcast %add3A_335 : i32 to vector<16xi32>
      %add3A_337 = arith.addi %mul3A_265, %add3A_336 : vector<16xi32>
      %add3A_338 = arith.addi %add3A_337, %iota3A : vector<16xi32>
      %gather3A_339 = tpu.vector_load_idx %arg7[%add3A_338] : memref<100096xf32, #tpu.memory_space<vmem>>[vector<16xi32>], vector<16xf32>,
      %ge3A_340 = arith.cmpf oge, %gather3A_339, %get3A_209 : vector<16xf32>
      %convert_element_type3A_341 = arith.extui %ge3A_340 : vector<16xi1> to vector<16xi32>
      %reduce_sum3A_342 = arith.constant true
      %reduce_sum3A_343 = vector.broadcast %reduce_sum3A_342 : i1 to vector<16xi1>
      %reduce_sum3A_344 = tpu.scan <sum>, %convert_element_type3A_341 masked %reduce_sum3A_343 : vector<16xi32>, vector<16xi1> -> vector<16xi32>
      %reduce_sum3A_345 = vector.extract %reduce_sum3A_344[15] : i32 from vector<16xi32>
      %min3A_346 = arith.constant 256 : i32
      %min3A_347 = arith.minsi %add3A_334, %min3A_346 : i32
      %swap3A_348 = arith.index_cast %min3A_347 : i32 to index
      %swap3A_349 = tpu.vector_load %arg11[%swap3A_348] masked %ge3A_340 {strides = array<i32>} : memref<272xf32, #tpu.memory_space<vmem>>, vector<16xf32>, vector<16xi1>
      tpu.vector_store %arg11[%swap3A_348], %gather3A_339 masked %ge3A_340 {strides = array<i32>} : memref<272xf32, #tpu.memory_space<vmem>>, vector<16xf32>, vector<16xi1>
      %swap3A_350 = arith.index_cast %min3A_347 : i32 to index
      %swap3A_351 = tpu.vector_load %arg12[%swap3A_350] masked %ge3A_340 {strides = array<i32>} : memref<272xi32, #tpu.memory_space<vmem>>, vector<16xi32>, vector<16xi1>
      tpu.vector_store %arg12[%swap3A_350], %add3A_338 masked %ge3A_340 {strides = array<i32>} : memref<272xi32, #tpu.memory_space<vmem>>, vector<16xi32>, vector<16xi1>
      %add3A_352 = arith.addi %add3A_334, %reduce_sum3A_345 : i32
      %add3A_353 = arith.constant 80 : i32
      %add3A_354 = vector.broadcast %add3A_353 : i32 to vector<16xi32>
      %add3A_355 = arith.addi %mul3A_265, %add3A_354 : vector<16xi32>
      %add3A_356 = arith.addi %add3A_355, %iota3A : vector<16xi32>
      %gather3A_357 = tpu.vector_load_idx %arg7[%add3A_356] : memref<100096xf32, #tpu.memory_space<vmem>>[vector<16xi32>], vector<16xf32>,
      %ge3A_358 = arith.cmpf oge, %gather3A_357, %get3A_209 : vector<16xf32>
      %convert_element_type3A_359 = arith.extui %ge3A_358 : vector<16xi1> to vector<16xi32>
      %reduce_sum3A_360 = arith.constant true
      %reduce_sum3A_361 = vector.broadcast %reduce_sum3A_360 : i1 to vector<16xi1>
      %reduce_sum3A_362 = tpu.scan <sum>, %convert_element_type3A_359 masked %reduce_sum3A_361 : vector<16xi32>, vector<16xi1> -> vector<16xi32>
      %reduce_sum3A_363 = vector.extract %reduce_sum3A_362[15] : i32 from vector<16xi32>
      %min3A_364 = arith.constant 256 : i32
      %min3A_365 = arith.minsi %add3A_352, %min3A_364 : i32
      %swap3A_366 = arith.index_cast %min3A_365 : i32 to index
      %swap3A_367 = tpu.vector_load %arg11[%swap3A_366] masked %ge3A_358 {strides = array<i32>} : memref<272xf32, #tpu.memory_space<vmem>>, vector<16xf32>, vector<16xi1>
      tpu.vector_store %arg11[%swap3A_366], %gather3A_357 masked %ge3A_358 {strides = array<i32>} : memref<272xf32, #tpu.memory_space<vmem>>, vector<16xf32>, vector<16xi1>
      %swap3A_368 = arith.index_cast %min3A_365 : i32 to index
      %swap3A_369 = tpu.vector_load %arg12[%swap3A_368] masked %ge3A_358 {strides = array<i32>} : memref<272xi32, #tpu.memory_space<vmem>>, vector<16xi32>, vector<16xi1>
      tpu.vector_store %arg12[%swap3A_368], %add3A_356 masked %ge3A_358 {strides = array<i32>} : memref<272xi32, #tpu.memory_space<vmem>>, vector<16xi32>, vector<16xi1>
      %add3A_370 = arith.addi %add3A_352, %reduce_sum3A_363 : i32
      %add3A_371 = arith.constant 96 : i32
      %add3A_372 = vector.broadcast %add3A_371 : i32 to vector<16xi32>
      %add3A_373 = arith.addi %mul3A_265, %add3A_372 : vector<16xi32>
      %add3A_374 = arith.addi %add3A_373, %iota3A : vector<16xi32>
      %gather3A_375 = tpu.vector_load_idx %arg7[%add3A_374] : memref<100096xf32, #tpu.memory_space<vmem>>[vector<16xi32>], vector<16xf32>,
      %ge3A_376 = arith.cmpf oge, %gather3A_375, %get3A_209 : vector<16xf32>
      %convert_element_type3A_377 = arith.extui %ge3A_376 : vector<16xi1> to vector<16xi32>
      %reduce_sum3A_378 = arith.constant true
      %reduce_sum3A_379 = vector.broadcast %reduce_sum3A_378 : i1 to vector<16xi1>
      %reduce_sum3A_380 = tpu.scan <sum>, %convert_element_type3A_377 masked %reduce_sum3A_379 : vector<16xi32>, vector<16xi1> -> vector<16xi32>
      %reduce_sum3A_381 = vector.extract %reduce_sum3A_380[15] : i32 from vector<16xi32>
      %min3A_382 = arith.constant 256 : i32
      %min3A_383 = arith.minsi %add3A_370, %min3A_382 : i32
      %swap3A_384 = arith.index_cast %min3A_383 : i32 to index
      %swap3A_385 = tpu.vector_load %arg11[%swap3A_384] masked %ge3A_376 {strides = array<i32>} : memref<272xf32, #tpu.memory_space<vmem>>, vector<16xf32>, vector<16xi1>
      tpu.vector_store %arg11[%swap3A_384], %gather3A_375 masked %ge3A_376 {strides = array<i32>} : memref<272xf32, #tpu.memory_space<vmem>>, vector<16xf32>, vector<16xi1>
      %swap3A_386 = arith.index_cast %min3A_383 : i32 to index
      %swap3A_387 = tpu.vector_load %arg12[%swap3A_386] masked %ge3A_376 {strides = array<i32>} : memref<272xi32, #tpu.memory_space<vmem>>, vector<16xi32>, vector<16xi1>
      tpu.vector_store %arg12[%swap3A_386], %add3A_374 masked %ge3A_376 {strides = array<i32>} : memref<272xi32, #tpu.memory_space<vmem>>, vector<16xi32>, vector<16xi1>
      %add3A_388 = arith.addi %add3A_370, %reduce_sum3A_381 : i32
      %add3A_389 = arith.constant 112 : i32
      %add3A_390 = vector.broadcast %add3A_389 : i32 to vector<16xi32>
      %add3A_391 = arith.addi %mul3A_265, %add3A_390 : vector<16xi32>
      %add3A_392 = arith.addi %add3A_391, %iota3A : vector<16xi32>
      %gather3A_393 = tpu.vector_load_idx %arg7[%add3A_392] : memref<100096xf32, #tpu.memory_space<vmem>>[vector<16xi32>], vector<16xf32>,
      %ge3A_394 = arith.cmpf oge, %gather3A_393, %get3A_209 : vector<16xf32>
      %convert_element_type3A_395 = arith.extui %ge3A_394 : vector<16xi1> to vector<16xi32>
      %reduce_sum3A_396 = arith.constant true
      %reduce_sum3A_397 = vector.broadcast %reduce_sum3A_396 : i1 to vector<16xi1>
      %reduce_sum3A_398 = tpu.scan <sum>, %convert_element_type3A_395 masked %reduce_sum3A_397 : vector<16xi32>, vector<16xi1> -> vector<16xi32>
      %reduce_sum3A_399 = vector.extract %reduce_sum3A_398[15] : i32 from vector<16xi32>
      %min3A_400 = arith.constant 256 : i32
      %min3A_401 = arith.minsi %add3A_388, %min3A_400 : i32
      %swap3A_402 = arith.index_cast %min3A_401 : i32 to index
      %swap3A_403 = tpu.vector_load %arg11[%swap3A_402] masked %ge3A_394 {strides = array<i32>} : memref<272xf32, #tpu.memory_space<vmem>>, vector<16xf32>, vector<16xi1>
      tpu.vector_store %arg11[%swap3A_402], %gather3A_393 masked %ge3A_394 {strides = array<i32>} : memref<272xf32, #tpu.memory_space<vmem>>, vector<16xf32>, vector<16xi1>
      %swap3A_404 = arith.index_cast %min3A_401 : i32 to index
      %swap3A_405 = tpu.vector_load %arg12[%swap3A_404] masked %ge3A_394 {strides = array<i32>} : memref<272xi32, #tpu.memory_space<vmem>>, vector<16xi32>, vector<16xi1>
      tpu.vector_store %arg12[%swap3A_404], %add3A_392 masked %ge3A_394 {strides = array<i32>} : memref<272xi32, #tpu.memory_space<vmem>>, vector<16xi32>, vector<16xi1>
      %add3A_406 = arith.addi %add3A_388, %reduce_sum3A_399 : i32
      scf.yield %add3A_406 : i32
    }
    %while3A_257 = arith.constant 1 : i32
    %while3A_258 = scf.for %while3A_259 = %while3A_254 to %while3A_250 step %while3A_257 iter_args(%while3A_260 = %while3A_256) -> (i32)  : i32 {
      %add3A_261 = vector.broadcast %while3A_259 : i32 to vector<16xi32>
      %add3A_262 = arith.addi %broadcast_in_dim3A_1, %add3A_261 : vector<16xi32>
      %gather3A = tpu.vector_load_idx %arg10[%add3A_262] : memref<128xi32, #tpu.memory_space<vmem>>[vector<16xi32>], vector<16xi32>,
      %mul3A_263 = arith.constant 128 : i32
      %mul3A_264 = vector.broadcast %mul3A_263 : i32 to vector<16xi32>
      %mul3A_265 = arith.muli %gather3A, %mul3A_264 : vector<16xi32>
      %add3A_266 = arith.constant 0 : i32
      %add3A_267 = vector.broadcast %add3A_266 : i32 to vector<16xi32>
      %add3A_268 = arith.addi %mul3A_265, %add3A_267 : vector<16xi32>
      %add3A_269 = arith.addi %add3A_268, %iota3A : vector<16xi32>
      %gather3A_270 = tpu.vector_load_idx %arg7[%add3A_269] : memref<100096xf32, #tpu.memory_space<vmem>>[vector<16xi32>], vector<16xf32>,
      %ge3A = arith.cmpf oge, %gather3A_270, %get3A_209 : vector<16xf32>
      %convert_element_type3A = arith.extui %ge3A : vector<16xi1> to vector<16xi32>
      %reduce_sum3A = arith.constant true
      %reduce_sum3A_271 = vector.broadcast %reduce_sum3A : i1 to vector<16xi1>
      %reduce_sum3A_272 = tpu.scan <sum>, %convert_element_type3A masked %reduce_sum3A_271 : vector<16xi32>, vector<16xi1> -> vector<16xi32>
      %reduce_sum3A_273 = vector.extract %reduce_sum3A_272[15] : i32 from vector<16xi32>
      %min3A_274 = arith.constant 256 : i32
      %min3A_275 = arith.minsi %while3A_260, %min3A_274 : i32
      %swap3A_276 = arith.index_cast %min3A_275 : i32 to index
      %swap3A_277 = tpu.vector_load %arg11[%swap3A_276] masked %ge3A {strides = array<i32>} : memref<272xf32, #tpu.memory_space<vmem>>, vector<16xf32>, vector<16xi1>
      tpu.vector_store %arg11[%swap3A_276], %gather3A_270 masked %ge3A {strides = array<i32>} : memref<272xf32, #tpu.memory_space<vmem>>, vector<16xf32>, vector<16xi1>
      %swap3A_278 = arith.index_cast %min3A_275 : i32 to index
      %swap3A_279 = tpu.vector_load %arg12[%swap3A_278] masked %ge3A {strides = array<i32>} : memref<272xi32, #tpu.memory_space<vmem>>, vector<16xi32>, vector<16xi1>
      tpu.vector_store %arg12[%swap3A_278], %add3A_269 masked %ge3A {strides = array<i32>} : memref<272xi32, #tpu.memory_space<vmem>>, vector<16xi32>, vector<16xi1>
      %add3A_280 = arith.addi %while3A_260, %reduce_sum3A_273 : i32
      %add3A_281 = arith.constant 16 : i32
      %add3A_282 = vector.broadcast %add3A_281 : i32 to vector<16xi32>
      %add3A_283 = arith.addi %mul3A_265, %add3A_282 : vector<16xi32>
      %add3A_284 = arith.addi %add3A_283, %iota3A : vector<16xi32>
      %gather3A_285 = tpu.vector_load_idx %arg7[%add3A_284] : memref<100096xf32, #tpu.memory_space<vmem>>[vector<16xi32>], vector<16xf32>,
      %ge3A_286 = arith.cmpf oge, %gather3A_285, %get3A_209 : vector<16xf32>
      %convert_element_type3A_287 = arith.extui %ge3A_286 : vector<16xi1> to vector<16xi32>
      %reduce_sum3A_288 = arith.constant true
      %reduce_sum3A_289 = vector.broadcast %reduce_sum3A_288 : i1 to vector<16xi1>
      %reduce_sum3A_290 = tpu.scan <sum>, %convert_element_type3A_287 masked %reduce_sum3A_289 : vector<16xi32>, vector<16xi1> -> vector<16xi32>
      %reduce_sum3A_291 = vector.extract %reduce_sum3A_290[15] : i32 from vector<16xi32>
      %min3A_292 = arith.constant 256 : i32
      %min3A_293 = arith.minsi %add3A_280, %min3A_292 : i32
      %swap3A_294 = arith.index_cast %min3A_293 : i32 to index
      %swap3A_295 = tpu.vector_load %arg11[%swap3A_294] masked %ge3A_286 {strides = array<i32>} : memref<272xf32, #tpu.memory_space<vmem>>, vector<16xf32>, vector<16xi1>
      tpu.vector_store %arg11[%swap3A_294], %gather3A_285 masked %ge3A_286 {strides = array<i32>} : memref<272xf32, #tpu.memory_space<vmem>>, vector<16xf32>, vector<16xi1>
      %swap3A_296 = arith.index_cast %min3A_293 : i32 to index
      %swap3A_297 = tpu.vector_load %arg12[%swap3A_296] masked %ge3A_286 {strides = array<i32>} : memref<272xi32, #tpu.memory_space<vmem>>, vector<16xi32>, vector<16xi1>
      tpu.vector_store %arg12[%swap3A_296], %add3A_284 masked %ge3A_286 {strides = array<i32>} : memref<272xi32, #tpu.memory_space<vmem>>, vector<16xi32>, vector<16xi1>
      %add3A_298 = arith.addi %add3A_280, %reduce_sum3A_291 : i32
      %add3A_299 = arith.constant 32 : i32
      %add3A_300 = vector.broadcast %add3A_299 : i32 to vector<16xi32>
      %add3A_301 = arith.addi %mul3A_265, %add3A_300 : vector<16xi32>
      %add3A_302 = arith.addi %add3A_301, %iota3A : vector<16xi32>
      %gather3A_303 = tpu.vector_load_idx %arg7[%add3A_302] : memref<100096xf32, #tpu.memory_space<vmem>>[vector<16xi32>], vector<16xf32>,
      %ge3A_304 = arith.cmpf oge, %gather3A_303, %get3A_209 : vector<16xf32>
      %convert_element_type3A_305 = arith.extui %ge3A_304 : vector<16xi1> to vector<16xi32>
      %reduce_sum3A_306 = arith.constant true
      %reduce_sum3A_307 = vector.broadcast %reduce_sum3A_306 : i1 to vector<16xi1>
      %reduce_sum3A_308 = tpu.scan <sum>, %convert_element_type3A_305 masked %reduce_sum3A_307 : vector<16xi32>, vector<16xi1> -> vector<16xi32>
      %reduce_sum3A_309 = vector.extract %reduce_sum3A_308[15] : i32 from vector<16xi32>
      %min3A_310 = arith.constant 256 : i32
      %min3A_311 = arith.minsi %add3A_298, %min3A_310 : i32
      %swap3A_312 = arith.index_cast %min3A_311 : i32 to index
      %swap3A_313 = tpu.vector_load %arg11[%swap3A_312] masked %ge3A_304 {strides = array<i32>} : memref<272xf32, #tpu.memory_space<vmem>>, vector<16xf32>, vector<16xi1>
      tpu.vector_store %arg11[%swap3A_312], %gather3A_303 masked %ge3A_304 {strides = array<i32>} : memref<272xf32, #tpu.memory_space<vmem>>, vector<16xf32>, vector<16xi1>
      %swap3A_314 = arith.index_cast %min3A_311 : i32 to index
      %swap3A_315 = tpu.vector_load %arg12[%swap3A_314] masked %ge3A_304 {strides = array<i32>} : memref<272xi32, #tpu.memory_space<vmem>>, vector<16xi32>, vector<16xi1>
      tpu.vector_store %arg12[%swap3A_314], %add3A_302 masked %ge3A_304 {strides = array<i32>} : memref<272xi32, #tpu.memory_space<vmem>>, vector<16xi32>, vector<16xi1>
      %add3A_316 = arith.addi %add3A_298, %reduce_sum3A_309 : i32
      %add3A_317 = arith.constant 48 : i32
      %add3A_318 = vector.broadcast %add3A_317 : i32 to vector<16xi32>
      %add3A_319 = arith.addi %mul3A_265, %add3A_318 : vector<16xi32>
      %add3A_320 = arith.addi %add3A_319, %iota3A : vector<16xi32>
      %gather3A_321 = tpu.vector_load_idx %arg7[%add3A_320] : memref<100096xf32, #tpu.memory_space<vmem>>[vector<16xi32>], vector<16xf32>,
      %ge3A_322 = arith.cmpf oge, %gather3A_321, %get3A_209 : vector<16xf32>
      %convert_element_type3A_323 = arith.extui %ge3A_322 : vector<16xi1> to vector<16xi32>
      %reduce_sum3A_324 = arith.constant true
      %reduce_sum3A_325 = vector.broadcast %reduce_sum3A_324 : i1 to vector<16xi1>
      %reduce_sum3A_326 = tpu.scan <sum>, %convert_element_type3A_323 masked %reduce_sum3A_325 : vector<16xi32>, vector<16xi1> -> vector<16xi32>
      %reduce_sum3A_327 = vector.extract %reduce_sum3A_326[15] : i32 from vector<16xi32>
      %min3A_328 = arith.constant 256 : i32
      %min3A_329 = arith.minsi %add3A_316, %min3A_328 : i32
      %swap3A_330 = arith.index_cast %min3A_329 : i32 to index
      %swap3A_331 = tpu.vector_load %arg11[%swap3A_330] masked %ge3A_322 {strides = array<i32>} : memref<272xf32, #tpu.memory_space<vmem>>, vector<16xf32>, vector<16xi1>
      tpu.vector_store %arg11[%swap3A_330], %gather3A_321 masked %ge3A_322 {strides = array<i32>} : memref<272xf32, #tpu.memory_space<vmem>>, vector<16xf32>, vector<16xi1>
      %swap3A_332 = arith.index_cast %min3A_329 : i32 to index
      %swap3A_333 = tpu.vector_load %arg12[%swap3A_332] masked %ge3A_322 {strides = array<i32>} : memref<272xi32, #tpu.memory_space<vmem>>, vector<16xi32>, vector<16xi1>
      tpu.vector_store %arg12[%swap3A_332], %add3A_320 masked %ge3A_322 {strides = array<i32>} : memref<272xi32, #tpu.memory_space<vmem>>, vector<16xi32>, vector<16xi1>
      %add3A_334 = arith.addi %add3A_316, %reduce_sum3A_327 : i32
      %add3A_335 = arith.constant 64 : i32
      %add3A_336 = vector.broadcast %add3A_335 : i32 to vector<16xi32>
      %add3A_337 = arith.addi %mul3A_265, %add3A_336 : vector<16xi32>
      %add3A_338 = arith.addi %add3A_337, %iota3A : vector<16xi32>
      %gather3A_339 = tpu.vector_load_idx %arg7[%add3A_338] : memref<100096xf32, #tpu.memory_space<vmem>>[vector<16xi32>], vector<16xf32>,
      %ge3A_340 = arith.cmpf oge, %gather3A_339, %get3A_209 : vector<16xf32>
      %convert_element_type3A_341 = arith.extui %ge3A_340 : vector<16xi1> to vector<16xi32>
      %reduce_sum3A_342 = arith.constant true
      %reduce_sum3A_343 = vector.broadcast %reduce_sum3A_342 : i1 to vector<16xi1>
      %reduce_sum3A_344 = tpu.scan <sum>, %convert_element_type3A_341 masked %reduce_sum3A_343 : vector<16xi32>, vector<16xi1> -> vector<16xi32>
      %reduce_sum3A_345 = vector.extract %reduce_sum3A_344[15] : i32 from vector<16xi32>
      %min3A_346 = arith.constant 256 : i32
      %min3A_347 = arith.minsi %add3A_334, %min3A_346 : i32
      %swap3A_348 = arith.index_cast %min3A_347 : i32 to index
      %swap3A_349 = tpu.vector_load %arg11[%swap3A_348] masked %ge3A_340 {strides = array<i32>} : memref<272xf32, #tpu.memory_space<vmem>>, vector<16xf32>, vector<16xi1>
      tpu.vector_store %arg11[%swap3A_348], %gather3A_339 masked %ge3A_340 {strides = array<i32>} : memref<272xf32, #tpu.memory_space<vmem>>, vector<16xf32>, vector<16xi1>
      %swap3A_350 = arith.index_cast %min3A_347 : i32 to index
      %swap3A_351 = tpu.vector_load %arg12[%swap3A_350] masked %ge3A_340 {strides = array<i32>} : memref<272xi32, #tpu.memory_space<vmem>>, vector<16xi32>, vector<16xi1>
      tpu.vector_store %arg12[%swap3A_350], %add3A_338 masked %ge3A_340 {strides = array<i32>} : memref<272xi32, #tpu.memory_space<vmem>>, vector<16xi32>, vector<16xi1>
      %add3A_352 = arith.addi %add3A_334, %reduce_sum3A_345 : i32
      %add3A_353 = arith.constant 80 : i32
      %add3A_354 = vector.broadcast %add3A_353 : i32 to vector<16xi32>
      %add3A_355 = arith.addi %mul3A_265, %add3A_354 : vector<16xi32>
      %add3A_356 = arith.addi %add3A_355, %iota3A : vector<16xi32>
      %gather3A_357 = tpu.vector_load_idx %arg7[%add3A_356] : memref<100096xf32, #tpu.memory_space<vmem>>[vector<16xi32>], vector<16xf32>,
      %ge3A_358 = arith.cmpf oge, %gather3A_357, %get3A_209 : vector<16xf32>
      %convert_element_type3A_359 = arith.extui %ge3A_358 : vector<16xi1> to vector<16xi32>
      %reduce_sum3A_360 = arith.constant true
      %reduce_sum3A_361 = vector.broadcast %reduce_sum3A_360 : i1 to vector<16xi1>
      %reduce_sum3A_362 = tpu.scan <sum>, %convert_element_type3A_359 masked %reduce_sum3A_361 : vector<16xi32>, vector<16xi1> -> vector<16xi32>
      %reduce_sum3A_363 = vector.extract %reduce_sum3A_362[15] : i32 from vector<16xi32>
      %min3A_364 = arith.constant 256 : i32
      %min3A_365 = arith.minsi %add3A_352, %min3A_364 : i32
      %swap3A_366 = arith.index_cast %min3A_365 : i32 to index
      %swap3A_367 = tpu.vector_load %arg11[%swap3A_366] masked %ge3A_358 {strides = array<i32>} : memref<272xf32, #tpu.memory_space<vmem>>, vector<16xf32>, vector<16xi1>
      tpu.vector_store %arg11[%swap3A_366], %gather3A_357 masked %ge3A_358 {strides = array<i32>} : memref<272xf32, #tpu.memory_space<vmem>>, vector<16xf32>, vector<16xi1>
      %swap3A_368 = arith.index_cast %min3A_365 : i32 to index
      %swap3A_369 = tpu.vector_load %arg12[%swap3A_368] masked %ge3A_358 {strides = array<i32>} : memref<272xi32, #tpu.memory_space<vmem>>, vector<16xi32>, vector<16xi1>
      tpu.vector_store %arg12[%swap3A_368], %add3A_356 masked %ge3A_358 {strides = array<i32>} : memref<272xi32, #tpu.memory_space<vmem>>, vector<16xi32>, vector<16xi1>
      %add3A_370 = arith.addi %add3A_352, %reduce_sum3A_363 : i32
      %add3A_371 = arith.constant 96 : i32
      %add3A_372 = vector.broadcast %add3A_371 : i32 to vector<16xi32>
      %add3A_373 = arith.addi %mul3A_265, %add3A_372 : vector<16xi32>
      %add3A_374 = arith.addi %add3A_373, %iota3A : vector<16xi32>
      %gather3A_375 = tpu.vector_load_idx %arg7[%add3A_374] : memref<100096xf32, #tpu.memory_space<vmem>>[vector<16xi32>], vector<16xf32>,
      %ge3A_376 = arith.cmpf oge, %gather3A_375, %get3A_209 : vector<16xf32>
      %convert_element_type3A_377 = arith.extui %ge3A_376 : vector<16xi1> to vector<16xi32>
      %reduce_sum3A_378 = arith.constant true
      %reduce_sum3A_379 = vector.broadcast %reduce_sum3A_378 : i1 to vector<16xi1>
      %reduce_sum3A_380 = tpu.scan <sum>, %convert_element_type3A_377 masked %reduce_sum3A_379 : vector<16xi32>, vector<16xi1> -> vector<16xi32>
      %reduce_sum3A_381 = vector.extract %reduce_sum3A_380[15] : i32 from vector<16xi32>
      %min3A_382 = arith.constant 256 : i32
      %min3A_383 = arith.minsi %add3A_370, %min3A_382 : i32
      %swap3A_384 = arith.index_cast %min3A_383 : i32 to index
      %swap3A_385 = tpu.vector_load %arg11[%swap3A_384] masked %ge3A_376 {strides = array<i32>} : memref<272xf32, #tpu.memory_space<vmem>>, vector<16xf32>, vector<16xi1>
      tpu.vector_store %arg11[%swap3A_384], %gather3A_375 masked %ge3A_376 {strides = array<i32>} : memref<272xf32, #tpu.memory_space<vmem>>, vector<16xf32>, vector<16xi1>
      %swap3A_386 = arith.index_cast %min3A_383 : i32 to index
      %swap3A_387 = tpu.vector_load %arg12[%swap3A_386] masked %ge3A_376 {strides = array<i32>} : memref<272xi32, #tpu.memory_space<vmem>>, vector<16xi32>, vector<16xi1>
      tpu.vector_store %arg12[%swap3A_386], %add3A_374 masked %ge3A_376 {strides = array<i32>} : memref<272xi32, #tpu.memory_space<vmem>>, vector<16xi32>, vector<16xi1>
      %add3A_388 = arith.addi %add3A_370, %reduce_sum3A_381 : i32
      %add3A_389 = arith.constant 112 : i32
      %add3A_390 = vector.broadcast %add3A_389 : i32 to vector<16xi32>
      %add3A_391 = arith.addi %mul3A_265, %add3A_390 : vector<16xi32>
      %add3A_392 = arith.addi %add3A_391, %iota3A : vector<16xi32>
      %gather3A_393 = tpu.vector_load_idx %arg7[%add3A_392] : memref<100096xf32, #tpu.memory_space<vmem>>[vector<16xi32>], vector<16xf32>,
      %ge3A_394 = arith.cmpf oge, %gather3A_393, %get3A_209 : vector<16xf32>
      %convert_element_type3A_395 = arith.extui %ge3A_394 : vector<16xi1> to vector<16xi32>
      %reduce_sum3A_396 = arith.constant true
      %reduce_sum3A_397 = vector.broadcast %reduce_sum3A_396 : i1 to vector<16xi1>
      %reduce_sum3A_398 = tpu.scan <sum>, %convert_element_type3A_395 masked %reduce_sum3A_397 : vector<16xi32>, vector<16xi1> -> vector<16xi32>
      %reduce_sum3A_399 = vector.extract %reduce_sum3A_398[15] : i32 from vector<16xi32>
      %min3A_400 = arith.constant 256 : i32
      %min3A_401 = arith.minsi %add3A_388, %min3A_400 : i32
      %swap3A_402 = arith.index_cast %min3A_401 : i32 to index
      %swap3A_403 = tpu.vector_load %arg11[%swap3A_402] masked %ge3A_394 {strides = array<i32>} : memref<272xf32, #tpu.memory_space<vmem>>, vector<16xf32>, vector<16xi1>
      tpu.vector_store %arg11[%swap3A_402], %gather3A_393 masked %ge3A_394 {strides = array<i32>} : memref<272xf32, #tpu.memory_space<vmem>>, vector<16xf32>, vector<16xi1>
      %swap3A_404 = arith.index_cast %min3A_401 : i32 to index
      %swap3A_405 = tpu.vector_load %arg12[%swap3A_404] masked %ge3A_394 {strides = array<i32>} : memref<272xi32, #tpu.memory_space<vmem>>, vector<16xi32>, vector<16xi1>
      tpu.vector_store %arg12[%swap3A_404], %add3A_392 masked %ge3A_394 {strides = array<i32>} : memref<272xi32, #tpu.memory_space<vmem>>, vector<16xi32>, vector<16xi1>
      %add3A_406 = arith.addi %add3A_388, %reduce_sum3A_399 : i32
      scf.yield %add3A_406 : i32
    }
    "tpu.region"() ({
      %run_scoped3A = tpu.sem_alloc : memref<!tpu.dma_semaphore, #tpu.memory_space<semaphore_mem>>
      %dma_start3A_259 = arith.constant 0 : i32
      %dma_start3A_260 = tpu.memref_slice %arg11[%dma_start3A_259] : memref<272xf32, #tpu.memory_space<vmem>> -> memref<256xf32, #tpu.memory_space<vmem>>
      %dma_start3A_261 = arith.constant 0 : i32
      %dma_start3A_262 = tpu.memref_slice %arg5[%add3A_197, %dma_start3A_261] : memref<128x256xf32, #tpu.memory_space<hbm>> -> memref<1x256xf32, #tpu.memory_space<hbm>>
      %dma_start3A_263 = tpu.memref_squeeze %dma_start3A_262 : memref<1x256xf32, #tpu.memory_space<hbm>> -> memref<256xf32, #tpu.memory_space<hbm>>
      %dma_start3A_264 = arith.constant 0 : i32
      %dma_start3A_265 = tpu.memref_slice %arg5[%add3A_197, %dma_start3A_264] : memref<128x256xf32, #tpu.memory_space<hbm>> -> memref<1x256xf32, #tpu.memory_space<hbm>>
      %dma_start3A_266 = tpu.memref_squeeze %dma_start3A_265 : memref<1x256xf32, #tpu.memory_space<hbm>> -> memref<256xf32, #tpu.memory_space<hbm>>
      %dma_start3A_267 = arith.constant 0 : i32
      %dma_start3A_268 = tpu.memref_slice %arg11[%dma_start3A_267] : memref<272xf32, #tpu.memory_space<vmem>> -> memref<256xf32, #tpu.memory_space<vmem>>
      tpu.enqueue_dma source(%dma_start3A_268 : memref<256xf32, #tpu.memory_space<vmem>>) target(%dma_start3A_266 : memref<256xf32, #tpu.memory_space<hbm>>) target_semaphore(%run_scoped3A : memref<!tpu.dma_semaphore, #tpu.memory_space<semaphore_mem>>)
      %dma_wait3A_269 = arith.constant 0 : i32
      %dma_wait3A_270 = tpu.memref_slice %arg11[%dma_wait3A_269] : memref<272xf32, #tpu.memory_space<vmem>> -> memref<256xf32, #tpu.memory_space<vmem>>
      %dma_wait3A_271 = arith.constant 0 : i32
      %dma_wait3A_272 = tpu.memref_slice %arg5[%add3A_197, %dma_wait3A_271] : memref<128x256xf32, #tpu.memory_space<hbm>> -> memref<1x256xf32, #tpu.memory_space<hbm>>
      %dma_wait3A_273 = tpu.memref_squeeze %dma_wait3A_272 : memref<1x256xf32, #tpu.memory_space<hbm>> -> memref<256xf32, #tpu.memory_space<hbm>>
      %dma_wait3A_274 = arith.constant 0 : i32
      %dma_wait3A_275 = tpu.memref_slice %arg5[%add3A_197, %dma_wait3A_274] : memref<128x256xf32, #tpu.memory_space<hbm>> -> memref<1x256xf32, #tpu.memory_space<hbm>>
      %dma_wait3A_276 = tpu.memref_squeeze %dma_wait3A_275 : memref<1x256xf32, #tpu.memory_space<hbm>> -> memref<256xf32, #tpu.memory_space<hbm>>
      %dma_wait3A_277 = arith.constant 0 : i32
      %dma_wait3A_278 = tpu.memref_slice %arg11[%dma_wait3A_277] : memref<272xf32, #tpu.memory_space<vmem>> -> memref<256xf32, #tpu.memory_space<vmem>>
      tpu.wait_dma2 semaphore(%run_scoped3A : memref<!tpu.dma_semaphore, #tpu.memory_space<semaphore_mem>>) src(%dma_wait3A_278 : memref<256xf32, #tpu.memory_space<vmem>>) dst(%dma_wait3A_276 : memref<256xf32, #tpu.memory_space<hbm>>)
      tpu.yield
    }) : () -> ()
    "tpu.region"() ({
      %run_scoped3A = tpu.sem_alloc : memref<!tpu.dma_semaphore, #tpu.memory_space<semaphore_mem>>
      %dma_start3A_259 = arith.constant 0 : i32
      %dma_start3A_260 = tpu.memref_slice %arg12[%dma_start3A_259] : memref<272xi32, #tpu.memory_space<vmem>> -> memref<256xi32, #tpu.memory_space<vmem>>
      %dma_start3A_261 = arith.constant 0 : i32
      %dma_start3A_262 = tpu.memref_slice %arg6[%add3A_197, %dma_start3A_261] : memref<128x256xi32, #tpu.memory_space<hbm>> -> memref<1x256xi32, #tpu.memory_space<hbm>>
      %dma_start3A_263 = tpu.memref_squeeze %dma_start3A_262 : memref<1x256xi32, #tpu.memory_space<hbm>> -> memref<256xi32, #tpu.memory_space<hbm>>
      %dma_start3A_264 = arith.constant 0 : i32
      %dma_start3A_265 = tpu.memref_slice %arg6[%add3A_197, %dma_start3A_264] : memref<128x256xi32, #tpu.memory_space<hbm>> -> memref<1x256xi32, #tpu.memory_space<hbm>>
      %dma_start3A_266 = tpu.memref_squeeze %dma_start3A_265 : memref<1x256xi32, #tpu.memory_space<hbm>> -> memref<256xi32, #tpu.memory_space<hbm>>
      %dma_start3A_267 = arith.constant 0 : i32
      %dma_start3A_268 = tpu.memref_slice %arg12[%dma_start3A_267] : memref<272xi32, #tpu.memory_space<vmem>> -> memref<256xi32, #tpu.memory_space<vmem>>
      tpu.enqueue_dma source(%dma_start3A_268 : memref<256xi32, #tpu.memory_space<vmem>>) target(%dma_start3A_266 : memref<256xi32, #tpu.memory_space<hbm>>) target_semaphore(%run_scoped3A : memref<!tpu.dma_semaphore, #tpu.memory_space<semaphore_mem>>)
      %dma_wait3A_269 = arith.constant 0 : i32
      %dma_wait3A_270 = tpu.memref_slice %arg12[%dma_wait3A_269] : memref<272xi32, #tpu.memory_space<vmem>> -> memref<256xi32, #tpu.memory_space<vmem>>
      %dma_wait3A_271 = arith.constant 0 : i32
      %dma_wait3A_272 = tpu.memref_slice %arg6[%add3A_197, %dma_wait3A_271] : memref<128x256xi32, #tpu.memory_space<hbm>> -> memref<1x256xi32, #tpu.memory_space<hbm>>
      %dma_wait3A_273 = tpu.memref_squeeze %dma_wait3A_272 : memref<1x256xi32, #tpu.memory_space<hbm>> -> memref<256xi32, #tpu.memory_space<hbm>>
      %dma_wait3A_274 = arith.constant 0 : i32
      %dma_wait3A_275 = tpu.memref_slice %arg6[%add3A_197, %dma_wait3A_274] : memref<128x256xi32, #tpu.memory_space<hbm>> -> memref<1x256xi32, #tpu.memory_space<hbm>>
      %dma_wait3A_276 = tpu.memref_squeeze %dma_wait3A_275 : memref<1x256xi32, #tpu.memory_space<hbm>> -> memref<256xi32, #tpu.memory_space<hbm>>
      %dma_wait3A_277 = arith.constant 0 : i32
      %dma_wait3A_278 = tpu.memref_slice %arg12[%dma_wait3A_277] : memref<272xi32, #tpu.memory_space<vmem>> -> memref<256xi32, #tpu.memory_space<vmem>>
      tpu.wait_dma2 semaphore(%run_scoped3A : memref<!tpu.dma_semaphore, #tpu.memory_space<semaphore_mem>>) src(%dma_wait3A_278 : memref<256xi32, #tpu.memory_space<vmem>>) dst(%dma_wait3A_276 : memref<256xi32, #tpu.memory_space<hbm>>)
      tpu.yield
    }) : () -> ()
    return
  }
}

module attributes {stable_mosaic.version = 14 : i64} {
  func.func @_sigma_kernel(%arg0: memref<128x896xf32, #tpu.memory_space<vmem>>, %arg1: memref<128x128xf32, #tpu.memory_space<vmem>>) attributes {dimension_semantics = [], scalar_prefetch = 0 : i64, scratch_operands = 0 : i64, tpu.core_type = #tpu.core_type<tc>} {
    %get3A = arith.constant 0 : index
    %get3A_0 = arith.constant 0 : index
    %get3A_1 = vector.load %arg0[%get3A, %get3A_0] : memref<128x896xf32, #tpu.memory_space<vmem>>, vector<128x896xf32>
    %bitcast_convert_type3A = tpu.bitcast %get3A_1 : vector<128x896xf32> -> vector<128x896xi32>
    %bitcast_convert_type3A_2 = tpu.bitcast %get3A_1 : vector<128x896xf32> -> vector<128x896xi32>
    %shift_right_arithmetic3A = arith.constant 31 : i32
    %shift_right_arithmetic3A_3 = vector.broadcast %shift_right_arithmetic3A : i32 to vector<128x896xi32>
    %shift_right_arithmetic3A_4 = arith.shrsi %bitcast_convert_type3A_2, %shift_right_arithmetic3A_3 : vector<128x896xi32>
    %bitcast_convert_type3A_5 = tpu.bitcast %shift_right_arithmetic3A_4 : vector<128x896xi32> -> vector<128x896xi32>
    %or3A = arith.constant -2147483648 : i32
    %or3A_6 = vector.broadcast %or3A : i32 to vector<128x896xi32>
    %or3A_7 = arith.ori %bitcast_convert_type3A_5, %or3A_6 : vector<128x896xi32>
    %xor3A = arith.xori %bitcast_convert_type3A, %or3A_7 : vector<128x896xi32>
    %broadcast_in_dim3A = arith.constant 0 : i32
    %broadcast_in_dim3A_8 = vector.broadcast %broadcast_in_dim3A : i32 to vector<128x1xi32>
    %scan3A = arith.constant 0 : i32
    %scan3A_9 = arith.constant 32 : i32
    %scan3A_10 = arith.addi %scan3A, %scan3A_9 : i32
    %scan3A_11 = arith.constant 1 : i32
    %scan3A_12 = scf.for %scan3A_32 = %scan3A to %scan3A_10 step %scan3A_11 iter_args(%scan3A_33 = %broadcast_in_dim3A_8) -> (vector<128x1xi32>)  : i32 {
      %sub3A_34 = arith.constant 31 : i32
      %sub3A_35 = arith.subi %sub3A_34, %scan3A_32 : i32
      %shift_left3A = arith.constant 1 : i32
      %shift_left3A_36 = arith.shli %shift_left3A, %sub3A_35 : i32
      %add3A = vector.broadcast %shift_left3A_36 : i32 to vector<128x1xi32>
      %add3A_37 = arith.addi %scan3A_33, %add3A : vector<128x1xi32>
      %ge3A = vector.broadcast %add3A_37 : vector<128x1xi32> to vector<128x896xi32>
      %ge3A_38 = arith.cmpi uge, %xor3A, %ge3A : vector<128x896xi32>
      %convert_element_type3A = arith.extui %ge3A_38 : vector<128x896xi1> to vector<128x896xi32>
      %reduce_sum3A = arith.constant dense<0> : vector<128xi32>
      %reduce_sum3A_39 = vector.multi_reduction <add>, %convert_element_type3A, %reduce_sum3A [1] : vector<128x896xi32> to vector<128xi32>
      %broadcast_in_dim3A_40 = vector.shape_cast %reduce_sum3A_39 : vector<128xi32> to vector<128x1xi32>
      %ge3A_41 = arith.constant 50 : i32
      %ge3A_42 = vector.broadcast %ge3A_41 : i32 to vector<128x1xi32>
      %ge3A_43 = arith.cmpi sge, %broadcast_in_dim3A_40, %ge3A_42 : vector<128x1xi32>
      %select_n3A_44 = arith.select %ge3A_43, %add3A_37, %scan3A_33 : vector<128x1xi1>, vector<128x1xi32>
      scf.yield %select_n3A_44 : vector<128x1xi32>
    }
    %scan3A_13 = arith.constant 32 : i32
    %and3A = arith.constant -2147483648 : i32
    %and3A_14 = vector.broadcast %and3A : i32 to vector<128x1xi32>
    %and3A_15 = arith.andi %scan3A_12, %and3A_14 : vector<128x1xi32>
    %eq3A = arith.constant 0 : i32
    %eq3A_16 = vector.broadcast %eq3A : i32 to vector<128x1xi32>
    %eq3A_17 = arith.cmpi eq, %and3A_15, %eq3A_16 : vector<128x1xi32>
    %not3A = arith.constant dense<-1> : vector<128x1xi32>
    %not3A_18 = arith.xori %scan3A_12, %not3A : vector<128x1xi32>
    %and3A_19 = arith.constant 2147483647 : i32
    %and3A_20 = vector.broadcast %and3A_19 : i32 to vector<128x1xi32>
    %and3A_21 = arith.andi %scan3A_12, %and3A_20 : vector<128x1xi32>
    %select_n3A = arith.select %eq3A_17, %not3A_18, %and3A_21 : vector<128x1xi1>, vector<128x1xi32>
    %bitcast_convert_type3A_22 = tpu.bitcast %select_n3A : vector<128x1xi32> -> vector<128x1xf32>
    %abs3A = math.absf %bitcast_convert_type3A_22 : vector<128x1xf32>
    %mul3A = arith.constant 4.000000e-07 : f32
    %mul3A_23 = vector.broadcast %mul3A : f32 to vector<128x1xf32>
    %mul3A_24 = arith.mulf %mul3A_23, %abs3A : vector<128x1xf32>
    %sub3A = arith.subf %bitcast_convert_type3A_22, %mul3A_24 : vector<128x1xf32>
    %sub3A_25 = arith.constant 9.99999991E-38 : f32
    %sub3A_26 = vector.broadcast %sub3A_25 : f32 to vector<128x1xf32>
    %sub3A_27 = arith.subf %sub3A, %sub3A_26 : vector<128x1xf32>
    %broadcast_in_dim3A_28 = vector.shape_cast %sub3A_27 : vector<128x1xf32> to vector<128x1xf32>
    %broadcast_in_dim3A_29 = vector.broadcast %broadcast_in_dim3A_28 : vector<128x1xf32> to vector<128x128xf32>
    %swap3A = arith.constant 0 : index
    %swap3A_30 = arith.constant 0 : index
    %swap3A_31 = vector.load %arg1[%swap3A, %swap3A_30] : memref<128x128xf32, #tpu.memory_space<vmem>>, vector<128x128xf32>
    tpu.vector_store %arg1[%swap3A, %swap3A_30], %broadcast_in_dim3A_29 {strides = array<i32>} : memref<128x128xf32, #tpu.memory_space<vmem>>, vector<128x128xf32>,
    return
  }
}

module attributes {stable_mosaic.version = 14 : i64} {
  func.func @_cm_kernel(%arg0: i32, %arg1: memref<8x100000xf32, #tpu.memory_space<vmem>>, %arg2: memref<8x896xf32, #tpu.memory_space<vmem>>) attributes {dimension_semantics = [#tpu.dimension_semantics<arbitrary>], iteration_bounds = array<i64: 16>, scalar_prefetch = 0 : i64, scratch_operands = 0 : i64, tpu.core_type = #tpu.core_type<tc>, window_params = [{transform_indices = @transform_0, window_bounds = array<i64: 8, 100000>}, {transform_indices = @transform_1, window_bounds = array<i64: 8, 896>}]} {
    %get3A = arith.constant 0 : index
    %get3A_0 = arith.constant 0 : index
    %get3A_1 = vector.load %arg1[%get3A, %get3A_0] : memref<8x100000xf32, #tpu.memory_space<vmem>>, vector<8x100000xf32>
    %broadcast_in_dim3A = arith.constant -3.000000e+38 : f32
    %broadcast_in_dim3A_2 = vector.broadcast %broadcast_in_dim3A : f32 to vector<8x96xf32>
    %concatenate3A = tpu.concatenate %get3A_1, %broadcast_in_dim3A_2 in 1 : vector<8x100000xf32>, vector<8x96xf32> -> vector<8x100096xf32>
    %reshape3A = vector.shape_cast %concatenate3A : vector<8x100096xf32> to vector<8x782x128xf32>
    %reduce_max3A = arith.constant dense<0xFF800000> : vector<8x782xf32>
    %reduce_max3A_3 = vector.multi_reduction <maximumf>, %reshape3A, %reduce_max3A [2] : vector<8x782x128xf32> to vector<8x782xf32>
    %broadcast_in_dim3A_4 = arith.constant -3.000000e+38 : f32
    %broadcast_in_dim3A_5 = vector.broadcast %broadcast_in_dim3A_4 : f32 to vector<8x114xf32>
    %concatenate3A_6 = tpu.concatenate %reduce_max3A_3, %broadcast_in_dim3A_5 in 1 : vector<8x782xf32>, vector<8x114xf32> -> vector<8x896xf32>
    %swap3A = arith.constant 0 : index
    %swap3A_7 = arith.constant 0 : index
    %swap3A_8 = vector.load %arg2[%swap3A, %swap3A_7] : memref<8x896xf32, #tpu.memory_space<vmem>>, vector<8x896xf32>
    tpu.vector_store %arg2[%swap3A, %swap3A_7], %concatenate3A_6 {strides = array<i32>} : memref<8x896xf32, #tpu.memory_space<vmem>>, vector<8x896xf32>,
    return
  }
  func.func @transform_0(%arg0: i32) -> (i32, i32) {
    %c0_i32 = arith.constant 0 : i32
    %c0_i32_0 = arith.constant 0 : i32
    return %arg0, %c0_i32 : i32, i32
  }
  func.func @transform_1(%arg0: i32) -> (i32, i32) {
    %c0_i32 = arith.constant 0 : i32
    %c0_i32_0 = arith.constant 0 : i32
    return %arg0, %c0_i32 : i32, i32
  }
}

module attributes {stable_mosaic.version = 14 : i64} {
  func.func @_probs_kernel(%arg0: i32, %arg1: memref<8x100000xf32, #tpu.memory_space<vmem>>, %arg2: memref<8x128xf32, #tpu.memory_space<vmem>>, %arg3: memref<8x128xf32, #tpu.memory_space<vmem>>, %arg4: memref<8x128xf32, #tpu.memory_space<vmem>>, %arg5: memref<8x100000xf32, #tpu.memory_space<vmem>>) attributes {dimension_semantics = [#tpu.dimension_semantics<arbitrary>], iteration_bounds = array<i64: 16>, scalar_prefetch = 0 : i64, scratch_operands = 0 : i64, tpu.core_type = #tpu.core_type<tc>, window_params = [{transform_indices = @transform_0, window_bounds = array<i64: 8, 100000>}, {transform_indices = @transform_1, window_bounds = array<i64: 8, 128>}, {transform_indices = @transform_2, window_bounds = array<i64: 8, 128>}, {transform_indices = @transform_3, window_bounds = array<i64: 8, 128>}, {transform_indices = @transform_4, window_bounds = array<i64: 8, 100000>}]} {
    %get3A = arith.constant 0 : index
    %get3A_0 = arith.constant 0 : index
    %get3A_1 = vector.load %arg1[%get3A, %get3A_0] : memref<8x100000xf32, #tpu.memory_space<vmem>>, vector<8x100000xf32>
    %get3A_2 = arith.constant 0 : index
    %get3A_3 = arith.constant 0 : index
    %get3A_4 = vector.load %arg2[%get3A_2, %get3A_3] : memref<8x128xf32, #tpu.memory_space<vmem>>, vector<8x1xf32>
    %get3A_5 = arith.constant 0 : index
    %get3A_6 = arith.constant 0 : index
    %get3A_7 = vector.load %arg3[%get3A_5, %get3A_6] : memref<8x128xf32, #tpu.memory_space<vmem>>, vector<8x1xf32>
    %get3A_8 = arith.constant 0 : index
    %get3A_9 = arith.constant 0 : index
    %get3A_10 = vector.load %arg4[%get3A_8, %get3A_9] : memref<8x128xf32, #tpu.memory_space<vmem>>, vector<8x1xf32>
    %ge3A = vector.broadcast %get3A_4 : vector<8x1xf32> to vector<8x100000xf32>
    %ge3A_11 = arith.cmpf oge, %get3A_1, %ge3A : vector<8x100000xf32>
    %mul3A = arith.constant 1.250000e+00 : f32
    %mul3A_12 = vector.broadcast %mul3A : f32 to vector<8x100000xf32>
    %mul3A_13 = arith.mulf %get3A_1, %mul3A_12 : vector<8x100000xf32>
    %sub3A = vector.broadcast %get3A_7 : vector<8x1xf32> to vector<8x100000xf32>
    %sub3A_14 = arith.subf %mul3A_13, %sub3A : vector<8x100000xf32>
    %exp3A = math.exp %sub3A_14 : vector<8x100000xf32>
    %mul3A_15 = vector.broadcast %get3A_10 : vector<8x1xf32> to vector<8x100000xf32>
    %mul3A_16 = arith.mulf %exp3A, %mul3A_15 : vector<8x100000xf32>
    %jit3A = arith.constant 0.000000e+00 : f32
    %broadcast_in_dim3A = vector.broadcast %jit3A : f32 to vector<8x100000xf32>
    %select_n3A = arith.select %ge3A_11, %mul3A_16, %broadcast_in_dim3A : vector<8x100000xi1>, vector<8x100000xf32>
    %swap3A = arith.constant 0 : index
    %swap3A_17 = arith.constant 0 : index
    %swap3A_18 = vector.load %arg5[%swap3A, %swap3A_17] : memref<8x100000xf32, #tpu.memory_space<vmem>>, vector<8x100000xf32>
    tpu.vector_store %arg5[%swap3A, %swap3A_17], %select_n3A {strides = array<i32>} : memref<8x100000xf32, #tpu.memory_space<vmem>>, vector<8x100000xf32>,
    return
  }
  func.func @transform_0(%arg0: i32) -> (i32, i32) {
    %c0_i32 = arith.constant 0 : i32
    %c0_i32_0 = arith.constant 0 : i32
    return %arg0, %c0_i32 : i32, i32
  }
  func.func @transform_1(%arg0: i32) -> (i32, i32) {
    %c0_i32 = arith.constant 0 : i32
    %c0_i32_0 = arith.constant 0 : i32
    return %arg0, %c0_i32 : i32, i32
  }
  func.func @transform_2(%arg0: i32) -> (i32, i32) {
    %c0_i32 = arith.constant 0 : i32
    %c0_i32_0 = arith.constant 0 : i32
    return %arg0, %c0_i32 : i32, i32
  }
  func.func @transform_3(%arg0: i32) -> (i32, i32) {
    %c0_i32 = arith.constant 0 : i32
    %c0_i32_0 = arith.constant 0 : i32
    return %arg0, %c0_i32 : i32, i32
  }
  func.func @transform_4(%arg0: i32) -> (i32, i32) {
    %c0_i32 = arith.constant 0 : i32
    %c0_i32_0 = arith.constant 0 : i32
    return %arg0, %c0_i32 : i32, i32
  }
}

module attributes {stable_mosaic.version = 14 : i64} {
  func.func @_select_kernel(%arg0: memref<128x256xf32, #tpu.memory_space<vmem>>, %arg1: memref<128x256xi32, #tpu.memory_space<vmem>>, %arg2: memref<128x128xf32, #tpu.memory_space<vmem>>, %arg3: memref<128x128xf32, #tpu.memory_space<vmem>>, %arg4: memref<128x128xf32, #tpu.memory_space<vmem>>, %arg5: memref<128x128xi32, #tpu.memory_space<vmem>>) attributes {dimension_semantics = [], scalar_prefetch = 0 : i64, scratch_operands = 0 : i64, tpu.core_type = #tpu.core_type<tc>} {
    %get3A = arith.constant 0 : index
    %get3A_0 = arith.constant 0 : index
    %get3A_1 = vector.load %arg0[%get3A, %get3A_0] : memref<128x256xf32, #tpu.memory_space<vmem>>, vector<128x256xf32>
    %div3A = arith.constant 8.000000e-01 : f32
    %div3A_2 = vector.broadcast %div3A : f32 to vector<128x256xf32>
    %div3A_3 = arith.divf %get3A_1, %div3A_2 : vector<128x256xf32>
    %get3A_4 = arith.constant 0 : index
    %get3A_5 = arith.constant 0 : index
    %get3A_6 = vector.load %arg1[%get3A_4, %get3A_5] : memref<128x256xi32, #tpu.memory_space<vmem>>, vector<128x256xi32>
    %reduce_max3A = arith.constant dense<0xFF800000> : vector<128xf32>
    %reduce_max3A_7 = vector.multi_reduction <maximumf>, %div3A_3, %reduce_max3A [1] : vector<128x256xf32> to vector<128xf32>
    %broadcast_in_dim3A = vector.shape_cast %reduce_max3A_7 : vector<128xf32> to vector<128x1xf32>
    %bitcast_convert_type3A = tpu.bitcast %div3A_3 : vector<128x256xf32> -> vector<128x256xi32>
    %bitcast_convert_type3A_8 = tpu.bitcast %div3A_3 : vector<128x256xf32> -> vector<128x256xi32>
    %shift_right_arithmetic3A = arith.constant 31 : i32
    %shift_right_arithmetic3A_9 = vector.broadcast %shift_right_arithmetic3A : i32 to vector<128x256xi32>
    %shift_right_arithmetic3A_10 = arith.shrsi %bitcast_convert_type3A_8, %shift_right_arithmetic3A_9 : vector<128x256xi32>
    %bitcast_convert_type3A_11 = tpu.bitcast %shift_right_arithmetic3A_10 : vector<128x256xi32> -> vector<128x256xi32>
    %or3A = arith.constant -2147483648 : i32
    %or3A_12 = vector.broadcast %or3A : i32 to vector<128x256xi32>
    %or3A_13 = arith.ori %bitcast_convert_type3A_11, %or3A_12 : vector<128x256xi32>
    %xor3A = arith.xori %bitcast_convert_type3A, %or3A_13 : vector<128x256xi32>
    %broadcast_in_dim3A_14 = arith.constant 0 : i32
    %broadcast_in_dim3A_15 = vector.broadcast %broadcast_in_dim3A_14 : i32 to vector<128x1xi32>
    %scan3A = arith.constant 0 : i32
    %scan3A_16 = arith.constant 32 : i32
    %scan3A_17 = arith.addi %scan3A, %scan3A_16 : i32
    %scan3A_18 = arith.constant 1 : i32
    %scan3A_19 = scf.for %scan3A_337 = %scan3A to %scan3A_17 step %scan3A_18 iter_args(%scan3A_338 = %broadcast_in_dim3A_15) -> (vector<128x1xi32>)  : i32 {
      %sub3A_339 = arith.constant 31 : i32
      %sub3A_340 = arith.subi %sub3A_339, %scan3A_337 : i32
      %shift_left3A_341 = arith.constant 1 : i32
      %shift_left3A_342 = arith.shli %shift_left3A_341, %sub3A_340 : i32
      %add3A_343 = vector.broadcast %shift_left3A_342 : i32 to vector<128x1xi32>
      %add3A_344 = arith.addi %scan3A_338, %add3A_343 : vector<128x1xi32>
      %ge3A_345 = vector.broadcast %add3A_344 : vector<128x1xi32> to vector<128x256xi32>
      %ge3A_346 = arith.cmpi uge, %xor3A, %ge3A_345 : vector<128x256xi32>
      %convert_element_type3A = arith.extui %ge3A_346 : vector<128x256xi1> to vector<128x256xi32>
      %reduce_sum3A_347 = arith.constant dense<0> : vector<128xi32>
      %reduce_sum3A_348 = vector.multi_reduction <add>, %convert_element_type3A, %reduce_sum3A_347 [1] : vector<128x256xi32> to vector<128xi32>
      %broadcast_in_dim3A_349 = vector.shape_cast %reduce_sum3A_348 : vector<128xi32> to vector<128x1xi32>
      %ge3A_350 = arith.constant 50 : i32
      %ge3A_351 = vector.broadcast %ge3A_350 : i32 to vector<128x1xi32>
      %ge3A_352 = arith.cmpi sge, %broadcast_in_dim3A_349, %ge3A_351 : vector<128x1xi32>
      %select_n3A_353 = arith.select %ge3A_352, %add3A_344, %scan3A_338 : vector<128x1xi1>, vector<128x1xi32>
      scf.yield %select_n3A_353 : vector<128x1xi32>
    }
    %scan3A_20 = arith.constant 32 : i32
    %and3A = arith.constant -2147483648 : i32
    %and3A_21 = vector.broadcast %and3A : i32 to vector<128x1xi32>
    %and3A_22 = arith.andi %scan3A_19, %and3A_21 : vector<128x1xi32>
    %eq3A = arith.constant 0 : i32
    %eq3A_23 = vector.broadcast %eq3A : i32 to vector<128x1xi32>
    %eq3A_24 = arith.cmpi eq, %and3A_22, %eq3A_23 : vector<128x1xi32>
    %not3A = arith.constant dense<-1> : vector<128x1xi32>
    %not3A_25 = arith.xori %scan3A_19, %not3A : vector<128x1xi32>
    %and3A_26 = arith.constant 2147483647 : i32
    %and3A_27 = vector.broadcast %and3A_26 : i32 to vector<128x1xi32>
    %and3A_28 = arith.andi %scan3A_19, %and3A_27 : vector<128x1xi32>
    %select_n3A = arith.select %eq3A_24, %not3A_25, %and3A_28 : vector<128x1xi1>, vector<128x1xi32>
    %bitcast_convert_type3A_29 = tpu.bitcast %select_n3A : vector<128x1xi32> -> vector<128x1xf32>
    %ge3A = vector.broadcast %bitcast_convert_type3A_29 : vector<128x1xf32> to vector<128x256xf32>
    %ge3A_30 = arith.cmpf oge, %div3A_3, %ge3A : vector<128x256xf32>
    %sub3A = vector.broadcast %broadcast_in_dim3A : vector<128x1xf32> to vector<128x256xf32>
    %sub3A_31 = arith.subf %div3A_3, %sub3A : vector<128x256xf32>
    %exp3A = math.exp %sub3A_31 : vector<128x256xf32>
    %jit3A = arith.constant 0.000000e+00 : f32
    %broadcast_in_dim3A_32 = vector.broadcast %jit3A : f32 to vector<128x256xf32>
    %select_n3A_33 = arith.select %ge3A_30, %exp3A, %broadcast_in_dim3A_32 : vector<128x256xi1>, vector<128x256xf32>
    %reduce_sum3A = arith.constant dense<0.000000e+00> : vector<128xf32>
    %reduce_sum3A_34 = vector.multi_reduction <add>, %select_n3A_33, %reduce_sum3A [1] : vector<128x256xf32> to vector<128xf32>
    %broadcast_in_dim3A_35 = vector.shape_cast %reduce_sum3A_34 : vector<128xf32> to vector<128x1xf32>
    %jit3A_36 = arith.constant 3.000000e+38 : f32
    %broadcast_in_dim3A_37 = vector.broadcast %jit3A_36 : f32 to vector<128x256xf32>
    %select_n3A_38 = arith.select %ge3A_30, %get3A_1, %broadcast_in_dim3A_37 : vector<128x256xi1>, vector<128x256xf32>
    %reduce_min3A = arith.constant dense<0x7F800000> : vector<128xf32>
    %reduce_min3A_39 = vector.multi_reduction <minimumf>, %select_n3A_38, %reduce_min3A [1] : vector<128x256xf32> to vector<128xf32>
    %broadcast_in_dim3A_40 = vector.shape_cast %reduce_min3A_39 : vector<128xf32> to vector<128x1xf32>
    %broadcast_in_dim3A_41 = vector.shape_cast %broadcast_in_dim3A_40 : vector<128x1xf32> to vector<128x1xf32>
    %broadcast_in_dim3A_42 = vector.broadcast %broadcast_in_dim3A_41 : vector<128x1xf32> to vector<128x128xf32>
    %swap3A = arith.constant 0 : index
    %swap3A_43 = arith.constant 0 : index
    %swap3A_44 = vector.load %arg2[%swap3A, %swap3A_43] : memref<128x128xf32, #tpu.memory_space<vmem>>, vector<128x128xf32>
    tpu.vector_store %arg2[%swap3A, %swap3A_43], %broadcast_in_dim3A_42 {strides = array<i32>} : memref<128x128xf32, #tpu.memory_space<vmem>>, vector<128x128xf32>,
    %broadcast_in_dim3A_45 = vector.shape_cast %broadcast_in_dim3A : vector<128x1xf32> to vector<128x1xf32>
    %broadcast_in_dim3A_46 = vector.broadcast %broadcast_in_dim3A_45 : vector<128x1xf32> to vector<128x128xf32>
    %swap3A_47 = arith.constant 0 : index
    %swap3A_48 = arith.constant 0 : index
    %swap3A_49 = vector.load %arg3[%swap3A_47, %swap3A_48] : memref<128x128xf32, #tpu.memory_space<vmem>>, vector<128x128xf32>
    tpu.vector_store %arg3[%swap3A_47, %swap3A_48], %broadcast_in_dim3A_46 {strides = array<i32>} : memref<128x128xf32, #tpu.memory_space<vmem>>, vector<128x128xf32>,
    %div3A_50 = arith.constant 1.000000e+00 : f32
    %div3A_51 = vector.broadcast %div3A_50 : f32 to vector<128x1xf32>
    %div3A_52 = arith.divf %div3A_51, %broadcast_in_dim3A_35 : vector<128x1xf32>
    %broadcast_in_dim3A_53 = vector.shape_cast %div3A_52 : vector<128x1xf32> to vector<128x1xf32>
    %broadcast_in_dim3A_54 = vector.broadcast %broadcast_in_dim3A_53 : vector<128x1xf32> to vector<128x128xf32>
    %swap3A_55 = arith.constant 0 : index
    %swap3A_56 = arith.constant 0 : index
    %swap3A_57 = vector.load %arg4[%swap3A_55, %swap3A_56] : memref<128x128xf32, #tpu.memory_space<vmem>>, vector<128x128xf32>
    tpu.vector_store %arg4[%swap3A_55, %swap3A_56], %broadcast_in_dim3A_54 {strides = array<i32>} : memref<128x128xf32, #tpu.memory_space<vmem>>, vector<128x128xf32>,
    %iota3A = tpu.iota {dimensions = array<i32: 0>} : vector<128x256xi32>
    %mul3A = arith.constant 100000 : i32
    %mul3A_58 = vector.broadcast %mul3A : i32 to vector<128x256xi32>
    %mul3A_59 = arith.muli %iota3A, %mul3A_58 : vector<128x256xi32>
    %add3A = arith.addi %mul3A_59, %get3A_6 : vector<128x256xi32>
    %bitcast_convert_type3A_60 = tpu.bitcast %add3A : vector<128x256xi32> -> vector<128x256xi32>
    %broadcast_in_dim3A_61 = arith.constant 0 : i32
    %broadcast_in_dim3A_62 = vector.broadcast %broadcast_in_dim3A_61 : i32 to vector<128x256xi32>
    %add3A_63 = arith.constant 0 : i32
    %add3A_64 = vector.broadcast %add3A_63 : i32 to vector<128x256xi32>
    %add3A_65 = arith.addi %broadcast_in_dim3A_62, %add3A_64 : vector<128x256xi32>
    %add3A_66 = arith.constant 42 : i32
    %add3A_67 = vector.broadcast %add3A_66 : i32 to vector<128x256xi32>
    %add3A_68 = arith.addi %bitcast_convert_type3A_60, %add3A_67 : vector<128x256xi32>
    %add3A_69 = arith.addi %add3A_65, %add3A_68 : vector<128x256xi32>
    %shift_left3A = arith.constant 13 : i32
    %shift_left3A_70 = vector.broadcast %shift_left3A : i32 to vector<128x256xi32>
    %shift_left3A_71 = arith.shli %add3A_68, %shift_left3A_70 : vector<128x256xi32>
    %shift_right_logical3A = arith.constant 19 : i32
    %shift_right_logical3A_72 = vector.broadcast %shift_right_logical3A : i32 to vector<128x256xi32>
    %shift_right_logical3A_73 = arith.shrui %add3A_68, %shift_right_logical3A_72 : vector<128x256xi32>
    %or3A_74 = arith.ori %shift_left3A_71, %shift_right_logical3A_73 : vector<128x256xi32>
    %xor3A_75 = arith.xori %add3A_69, %or3A_74 : vector<128x256xi32>
    %add3A_76 = arith.addi %add3A_69, %xor3A_75 : vector<128x256xi32>
    %shift_left3A_77 = arith.constant 15 : i32
    %shift_left3A_78 = vector.broadcast %shift_left3A_77 : i32 to vector<128x256xi32>
    %shift_left3A_79 = arith.shli %xor3A_75, %shift_left3A_78 : vector<128x256xi32>
    %shift_right_logical3A_80 = arith.constant 17 : i32
    %shift_right_logical3A_81 = vector.broadcast %shift_right_logical3A_80 : i32 to vector<128x256xi32>
    %shift_right_logical3A_82 = arith.shrui %xor3A_75, %shift_right_logical3A_81 : vector<128x256xi32>
    %or3A_83 = arith.ori %shift_left3A_79, %shift_right_logical3A_82 : vector<128x256xi32>
    %xor3A_84 = arith.xori %add3A_76, %or3A_83 : vector<128x256xi32>
    %add3A_85 = arith.addi %add3A_76, %xor3A_84 : vector<128x256xi32>
    %shift_left3A_86 = arith.constant 26 : i32
    %shift_left3A_87 = vector.broadcast %shift_left3A_86 : i32 to vector<128x256xi32>
    %shift_left3A_88 = arith.shli %xor3A_84, %shift_left3A_87 : vector<128x256xi32>
    %shift_right_logical3A_89 = arith.constant 6 : i32
    %shift_right_logical3A_90 = vector.broadcast %shift_right_logical3A_89 : i32 to vector<128x256xi32>
    %shift_right_logical3A_91 = arith.shrui %xor3A_84, %shift_right_logical3A_90 : vector<128x256xi32>
    %or3A_92 = arith.ori %shift_left3A_88, %shift_right_logical3A_91 : vector<128x256xi32>
    %xor3A_93 = arith.xori %add3A_85, %or3A_92 : vector<128x256xi32>
    %add3A_94 = arith.addi %add3A_85, %xor3A_93 : vector<128x256xi32>
    %shift_left3A_95 = arith.constant 6 : i32
    %shift_left3A_96 = vector.broadcast %shift_left3A_95 : i32 to vector<128x256xi32>
    %shift_left3A_97 = arith.shli %xor3A_93, %shift_left3A_96 : vector<128x256xi32>
    %shift_right_logical3A_98 = arith.constant 26 : i32
    %shift_right_logical3A_99 = vector.broadcast %shift_right_logical3A_98 : i32 to vector<128x256xi32>
    %shift_right_logical3A_100 = arith.shrui %xor3A_93, %shift_right_logical3A_99 : vector<128x256xi32>
    %or3A_101 = arith.ori %shift_left3A_97, %shift_right_logical3A_100 : vector<128x256xi32>
    %xor3A_102 = arith.xori %add3A_94, %or3A_101 : vector<128x256xi32>
    %add3A_103 = arith.constant 42 : i32
    %add3A_104 = vector.broadcast %add3A_103 : i32 to vector<128x256xi32>
    %add3A_105 = arith.addi %add3A_94, %add3A_104 : vector<128x256xi32>
    %add3A_106 = arith.constant 466689008 : i32
    %add3A_107 = vector.broadcast %add3A_106 : i32 to vector<128x256xi32>
    %add3A_108 = arith.addi %xor3A_102, %add3A_107 : vector<128x256xi32>
    %add3A_109 = arith.constant 1 : i32
    %add3A_110 = vector.broadcast %add3A_109 : i32 to vector<128x256xi32>
    %add3A_111 = arith.addi %add3A_108, %add3A_110 : vector<128x256xi32>
    %add3A_112 = arith.addi %add3A_105, %add3A_111 : vector<128x256xi32>
    %shift_left3A_113 = arith.constant 17 : i32
    %shift_left3A_114 = vector.broadcast %shift_left3A_113 : i32 to vector<128x256xi32>
    %shift_left3A_115 = arith.shli %add3A_111, %shift_left3A_114 : vector<128x256xi32>
    %shift_right_logical3A_116 = arith.constant 15 : i32
    %shift_right_logical3A_117 = vector.broadcast %shift_right_logical3A_116 : i32 to vector<128x256xi32>
    %shift_right_logical3A_118 = arith.shrui %add3A_111, %shift_right_logical3A_117 : vector<128x256xi32>
    %or3A_119 = arith.ori %shift_left3A_115, %shift_right_logical3A_118 : vector<128x256xi32>
    %xor3A_120 = arith.xori %add3A_112, %or3A_119 : vector<128x256xi32>
    %add3A_121 = arith.addi %add3A_112, %xor3A_120 : vector<128x256xi32>
    %shift_left3A_122 = arith.constant 29 : i32
    %shift_left3A_123 = vector.broadcast %shift_left3A_122 : i32 to vector<128x256xi32>
    %shift_left3A_124 = arith.shli %xor3A_120, %shift_left3A_123 : vector<128x256xi32>
    %shift_right_logical3A_125 = arith.constant 3 : i32
    %shift_right_logical3A_126 = vector.broadcast %shift_right_logical3A_125 : i32 to vector<128x256xi32>
    %shift_right_logical3A_127 = arith.shrui %xor3A_120, %shift_right_logical3A_126 : vector<128x256xi32>
    %or3A_128 = arith.ori %shift_left3A_124, %shift_right_logical3A_127 : vector<128x256xi32>
    %xor3A_129 = arith.xori %add3A_121, %or3A_128 : vector<128x256xi32>
    %add3A_130 = arith.addi %add3A_121, %xor3A_129 : vector<128x256xi32>
    %shift_left3A_131 = arith.constant 16 : i32
    %shift_left3A_132 = vector.broadcast %shift_left3A_131 : i32 to vector<128x256xi32>
    %shift_left3A_133 = arith.shli %xor3A_129, %shift_left3A_132 : vector<128x256xi32>
    %shift_right_logical3A_134 = arith.constant 16 : i32
    %shift_right_logical3A_135 = vector.broadcast %shift_right_logical3A_134 : i32 to vector<128x256xi32>
    %shift_right_logical3A_136 = arith.shrui %xor3A_129, %shift_right_logical3A_135 : vector<128x256xi32>
    %or3A_137 = arith.ori %shift_left3A_133, %shift_right_logical3A_136 : vector<128x256xi32>
    %xor3A_138 = arith.xori %add3A_130, %or3A_137 : vector<128x256xi32>
    %add3A_139 = arith.addi %add3A_130, %xor3A_138 : vector<128x256xi32>
    %shift_left3A_140 = arith.constant 24 : i32
    %shift_left3A_141 = vector.broadcast %shift_left3A_140 : i32 to vector<128x256xi32>
    %shift_left3A_142 = arith.shli %xor3A_138, %shift_left3A_141 : vector<128x256xi32>
    %shift_right_logical3A_143 = arith.constant 8 : i32
    %shift_right_logical3A_144 = vector.broadcast %shift_right_logical3A_143 : i32 to vector<128x256xi32>
    %shift_right_logical3A_145 = arith.shrui %xor3A_138, %shift_right_logical3A_144 : vector<128x256xi32>
    %or3A_146 = arith.ori %shift_left3A_142, %shift_right_logical3A_145 : vector<128x256xi32>
    %xor3A_147 = arith.xori %add3A_139, %or3A_146 : vector<128x256xi32>
    %add3A_148 = arith.constant 466689008 : i32
    %add3A_149 = vector.broadcast %add3A_148 : i32 to vector<128x256xi32>
    %add3A_150 = arith.addi %add3A_139, %add3A_149 : vector<128x256xi32>
    %add3A_151 = arith.constant 0 : i32
    %add3A_152 = vector.broadcast %add3A_151 : i32 to vector<128x256xi32>
    %add3A_153 = arith.addi %xor3A_147, %add3A_152 : vector<128x256xi32>
    %add3A_154 = arith.constant 2 : i32
    %add3A_155 = vector.broadcast %add3A_154 : i32 to vector<128x256xi32>
    %add3A_156 = arith.addi %add3A_153, %add3A_155 : vector<128x256xi32>
    %add3A_157 = arith.addi %add3A_150, %add3A_156 : vector<128x256xi32>
    %shift_left3A_158 = arith.constant 13 : i32
    %shift_left3A_159 = vector.broadcast %shift_left3A_158 : i32 to vector<128x256xi32>
    %shift_left3A_160 = arith.shli %add3A_156, %shift_left3A_159 : vector<128x256xi32>
    %shift_right_logical3A_161 = arith.constant 19 : i32
    %shift_right_logical3A_162 = vector.broadcast %shift_right_logical3A_161 : i32 to vector<128x256xi32>
    %shift_right_logical3A_163 = arith.shrui %add3A_156, %shift_right_logical3A_162 : vector<128x256xi32>
    %or3A_164 = arith.ori %shift_left3A_160, %shift_right_logical3A_163 : vector<128x256xi32>
    %xor3A_165 = arith.xori %add3A_157, %or3A_164 : vector<128x256xi32>
    %add3A_166 = arith.addi %add3A_157, %xor3A_165 : vector<128x256xi32>
    %shift_left3A_167 = arith.constant 15 : i32
    %shift_left3A_168 = vector.broadcast %shift_left3A_167 : i32 to vector<128x256xi32>
    %shift_left3A_169 = arith.shli %xor3A_165, %shift_left3A_168 : vector<128x256xi32>
    %shift_right_logical3A_170 = arith.constant 17 : i32
    %shift_right_logical3A_171 = vector.broadcast %shift_right_logical3A_170 : i32 to vector<128x256xi32>
    %shift_right_logical3A_172 = arith.shrui %xor3A_165, %shift_right_logical3A_171 : vector<128x256xi32>
    %or3A_173 = arith.ori %shift_left3A_169, %shift_right_logical3A_172 : vector<128x256xi32>
    %xor3A_174 = arith.xori %add3A_166, %or3A_173 : vector<128x256xi32>
    %add3A_175 = arith.addi %add3A_166, %xor3A_174 : vector<128x256xi32>
    %shift_left3A_176 = arith.constant 26 : i32
    %shift_left3A_177 = vector.broadcast %shift_left3A_176 : i32 to vector<128x256xi32>
    %shift_left3A_178 = arith.shli %xor3A_174, %shift_left3A_177 : vector<128x256xi32>
    %shift_right_logical3A_179 = arith.constant 6 : i32
    %shift_right_logical3A_180 = vector.broadcast %shift_right_logical3A_179 : i32 to vector<128x256xi32>
    %shift_right_logical3A_181 = arith.shrui %xor3A_174, %shift_right_logical3A_180 : vector<128x256xi32>
    %or3A_182 = arith.ori %shift_left3A_178, %shift_right_logical3A_181 : vector<128x256xi32>
    %xor3A_183 = arith.xori %add3A_175, %or3A_182 : vector<128x256xi32>
    %add3A_184 = arith.addi %add3A_175, %xor3A_183 : vector<128x256xi32>
    %shift_left3A_185 = arith.constant 6 : i32
    %shift_left3A_186 = vector.broadcast %shift_left3A_185 : i32 to vector<128x256xi32>
    %shift_left3A_187 = arith.shli %xor3A_183, %shift_left3A_186 : vector<128x256xi32>
    %shift_right_logical3A_188 = arith.constant 26 : i32
    %shift_right_logical3A_189 = vector.broadcast %shift_right_logical3A_188 : i32 to vector<128x256xi32>
    %shift_right_logical3A_190 = arith.shrui %xor3A_183, %shift_right_logical3A_189 : vector<128x256xi32>
    %or3A_191 = arith.ori %shift_left3A_187, %shift_right_logical3A_190 : vector<128x256xi32>
    %xor3A_192 = arith.xori %add3A_184, %or3A_191 : vector<128x256xi32>
    %add3A_193 = arith.constant 0 : i32
    %add3A_194 = vector.broadcast %add3A_193 : i32 to vector<128x256xi32>
    %add3A_195 = arith.addi %add3A_184, %add3A_194 : vector<128x256xi32>
    %add3A_196 = arith.constant 42 : i32
    %add3A_197 = vector.broadcast %add3A_196 : i32 to vector<128x256xi32>
    %add3A_198 = arith.addi %xor3A_192, %add3A_197 : vector<128x256xi32>
    %add3A_199 = arith.constant 3 : i32
    %add3A_200 = vector.broadcast %add3A_199 : i32 to vector<128x256xi32>
    %add3A_201 = arith.addi %add3A_198, %add3A_200 : vector<128x256xi32>
    %add3A_202 = arith.addi %add3A_195, %add3A_201 : vector<128x256xi32>
    %shift_left3A_203 = arith.constant 17 : i32
    %shift_left3A_204 = vector.broadcast %shift_left3A_203 : i32 to vector<128x256xi32>
    %shift_left3A_205 = arith.shli %add3A_201, %shift_left3A_204 : vector<128x256xi32>
    %shift_right_logical3A_206 = arith.constant 15 : i32
    %shift_right_logical3A_207 = vector.broadcast %shift_right_logical3A_206 : i32 to vector<128x256xi32>
    %shift_right_logical3A_208 = arith.shrui %add3A_201, %shift_right_logical3A_207 : vector<128x256xi32>
    %or3A_209 = arith.ori %shift_left3A_205, %shift_right_logical3A_208 : vector<128x256xi32>
    %xor3A_210 = arith.xori %add3A_202, %or3A_209 : vector<128x256xi32>
    %add3A_211 = arith.addi %add3A_202, %xor3A_210 : vector<128x256xi32>
    %shift_left3A_212 = arith.constant 29 : i32
    %shift_left3A_213 = vector.broadcast %shift_left3A_212 : i32 to vector<128x256xi32>
    %shift_left3A_214 = arith.shli %xor3A_210, %shift_left3A_213 : vector<128x256xi32>
    %shift_right_logical3A_215 = arith.constant 3 : i32
    %shift_right_logical3A_216 = vector.broadcast %shift_right_logical3A_215 : i32 to vector<128x256xi32>
    %shift_right_logical3A_217 = arith.shrui %xor3A_210, %shift_right_logical3A_216 : vector<128x256xi32>
    %or3A_218 = arith.ori %shift_left3A_214, %shift_right_logical3A_217 : vector<128x256xi32>
    %xor3A_219 = arith.xori %add3A_211, %or3A_218 : vector<128x256xi32>
    %add3A_220 = arith.addi %add3A_211, %xor3A_219 : vector<128x256xi32>
    %shift_left3A_221 = arith.constant 16 : i32
    %shift_left3A_222 = vector.broadcast %shift_left3A_221 : i32 to vector<128x256xi32>
    %shift_left3A_223 = arith.shli %xor3A_219, %shift_left3A_222 : vector<128x256xi32>
    %shift_right_logical3A_224 = arith.constant 16 : i32
    %shift_right_logical3A_225 = vector.broadcast %shift_right_logical3A_224 : i32 to vector<128x256xi32>
    %shift_right_logical3A_226 = arith.shrui %xor3A_219, %shift_right_logical3A_225 : vector<128x256xi32>
    %or3A_227 = arith.ori %shift_left3A_223, %shift_right_logical3A_226 : vector<128x256xi32>
    %xor3A_228 = arith.xori %add3A_220, %or3A_227 : vector<128x256xi32>
    %add3A_229 = arith.addi %add3A_220, %xor3A_228 : vector<128x256xi32>
    %shift_left3A_230 = arith.constant 24 : i32
    %shift_left3A_231 = vector.broadcast %shift_left3A_230 : i32 to vector<128x256xi32>
    %shift_left3A_232 = arith.shli %xor3A_228, %shift_left3A_231 : vector<128x256xi32>
    %shift_right_logical3A_233 = arith.constant 8 : i32
    %shift_right_logical3A_234 = vector.broadcast %shift_right_logical3A_233 : i32 to vector<128x256xi32>
    %shift_right_logical3A_235 = arith.shrui %xor3A_228, %shift_right_logical3A_234 : vector<128x256xi32>
    %or3A_236 = arith.ori %shift_left3A_232, %shift_right_logical3A_235 : vector<128x256xi32>
    %xor3A_237 = arith.xori %add3A_229, %or3A_236 : vector<128x256xi32>
    %add3A_238 = arith.constant 42 : i32
    %add3A_239 = vector.broadcast %add3A_238 : i32 to vector<128x256xi32>
    %add3A_240 = arith.addi %add3A_229, %add3A_239 : vector<128x256xi32>
    %add3A_241 = arith.constant 466689008 : i32
    %add3A_242 = vector.broadcast %add3A_241 : i32 to vector<128x256xi32>
    %add3A_243 = arith.addi %xor3A_237, %add3A_242 : vector<128x256xi32>
    %add3A_244 = arith.constant 4 : i32
    %add3A_245 = vector.broadcast %add3A_244 : i32 to vector<128x256xi32>
    %add3A_246 = arith.addi %add3A_243, %add3A_245 : vector<128x256xi32>
    %add3A_247 = arith.addi %add3A_240, %add3A_246 : vector<128x256xi32>
    %shift_left3A_248 = arith.constant 13 : i32
    %shift_left3A_249 = vector.broadcast %shift_left3A_248 : i32 to vector<128x256xi32>
    %shift_left3A_250 = arith.shli %add3A_246, %shift_left3A_249 : vector<128x256xi32>
    %shift_right_logical3A_251 = arith.constant 19 : i32
    %shift_right_logical3A_252 = vector.broadcast %shift_right_logical3A_251 : i32 to vector<128x256xi32>
    %shift_right_logical3A_253 = arith.shrui %add3A_246, %shift_right_logical3A_252 : vector<128x256xi32>
    %or3A_254 = arith.ori %shift_left3A_250, %shift_right_logical3A_253 : vector<128x256xi32>
    %xor3A_255 = arith.xori %add3A_247, %or3A_254 : vector<128x256xi32>
    %add3A_256 = arith.addi %add3A_247, %xor3A_255 : vector<128x256xi32>
    %shift_left3A_257 = arith.constant 15 : i32
    %shift_left3A_258 = vector.broadcast %shift_left3A_257 : i32 to vector<128x256xi32>
    %shift_left3A_259 = arith.shli %xor3A_255, %shift_left3A_258 : vector<128x256xi32>
    %shift_right_logical3A_260 = arith.constant 17 : i32
    %shift_right_logical3A_261 = vector.broadcast %shift_right_logical3A_260 : i32 to vector<128x256xi32>
    %shift_right_logical3A_262 = arith.shrui %xor3A_255, %shift_right_logical3A_261 : vector<128x256xi32>
    %or3A_263 = arith.ori %shift_left3A_259, %shift_right_logical3A_262 : vector<128x256xi32>
    %xor3A_264 = arith.xori %add3A_256, %or3A_263 : vector<128x256xi32>
    %add3A_265 = arith.addi %add3A_256, %xor3A_264 : vector<128x256xi32>
    %shift_left3A_266 = arith.constant 26 : i32
    %shift_left3A_267 = vector.broadcast %shift_left3A_266 : i32 to vector<128x256xi32>
    %shift_left3A_268 = arith.shli %xor3A_264, %shift_left3A_267 : vector<128x256xi32>
    %shift_right_logical3A_269 = arith.constant 6 : i32
    %shift_right_logical3A_270 = vector.broadcast %shift_right_logical3A_269 : i32 to vector<128x256xi32>
    %shift_right_logical3A_271 = arith.shrui %xor3A_264, %shift_right_logical3A_270 : vector<128x256xi32>
    %or3A_272 = arith.ori %shift_left3A_268, %shift_right_logical3A_271 : vector<128x256xi32>
    %xor3A_273 = arith.xori %add3A_265, %or3A_272 : vector<128x256xi32>
    %add3A_274 = arith.addi %add3A_265, %xor3A_273 : vector<128x256xi32>
    %shift_left3A_275 = arith.constant 6 : i32
    %shift_left3A_276 = vector.broadcast %shift_left3A_275 : i32 to vector<128x256xi32>
    %shift_left3A_277 = arith.shli %xor3A_273, %shift_left3A_276 : vector<128x256xi32>
    %shift_right_logical3A_278 = arith.constant 26 : i32
    %shift_right_logical3A_279 = vector.broadcast %shift_right_logical3A_278 : i32 to vector<128x256xi32>
    %shift_right_logical3A_280 = arith.shrui %xor3A_273, %shift_right_logical3A_279 : vector<128x256xi32>
    %or3A_281 = arith.ori %shift_left3A_277, %shift_right_logical3A_280 : vector<128x256xi32>
    %xor3A_282 = arith.xori %add3A_274, %or3A_281 : vector<128x256xi32>
    %add3A_283 = arith.constant 466689008 : i32
    %add3A_284 = vector.broadcast %add3A_283 : i32 to vector<128x256xi32>
    %add3A_285 = arith.addi %add3A_274, %add3A_284 : vector<128x256xi32>
    %add3A_286 = arith.constant 0 : i32
    %add3A_287 = vector.broadcast %add3A_286 : i32 to vector<128x256xi32>
    %add3A_288 = arith.addi %xor3A_282, %add3A_287 : vector<128x256xi32>
    %add3A_289 = arith.constant 5 : i32
    %add3A_290 = vector.broadcast %add3A_289 : i32 to vector<128x256xi32>
    %add3A_291 = arith.addi %add3A_288, %add3A_290 : vector<128x256xi32>
    %xor3A_292 = arith.xori %add3A_285, %add3A_291 : vector<128x256xi32>
    %shift_right_logical3A_293 = arith.constant 9 : i32
    %shift_right_logical3A_294 = vector.broadcast %shift_right_logical3A_293 : i32 to vector<128x256xi32>
    %shift_right_logical3A_295 = arith.shrui %xor3A_292, %shift_right_logical3A_294 : vector<128x256xi32>
    %or3A_296 = arith.constant 1065353216 : i32
    %or3A_297 = vector.broadcast %or3A_296 : i32 to vector<128x256xi32>
    %or3A_298 = arith.ori %shift_right_logical3A_295, %or3A_297 : vector<128x256xi32>
    %bitcast_convert_type3A_299 = tpu.bitcast %or3A_298 : vector<128x256xi32> -> vector<128x256xf32>
    %sub3A_300 = arith.constant 1.000000e+00 : f32
    %sub3A_301 = vector.broadcast %sub3A_300 : f32 to vector<128x256xf32>
    %sub3A_302 = arith.subf %bitcast_convert_type3A_299, %sub3A_301 : vector<128x256xf32>
    %mul3A_303 = arith.constant 1.000000e+00 : f32
    %mul3A_304 = vector.broadcast %mul3A_303 : f32 to vector<128x256xf32>
    %mul3A_305 = arith.mulf %sub3A_302, %mul3A_304 : vector<128x256xf32>
    %add3A_306 = arith.constant 1.17549435E-38 : f32
    %add3A_307 = vector.broadcast %add3A_306 : f32 to vector<128x256xf32>
    %add3A_308 = arith.addf %mul3A_305, %add3A_307 : vector<128x256xf32>
    %max3A = arith.constant 1.17549435E-38 : f32
    %max3A_309 = vector.broadcast %max3A : f32 to vector<128x256xf32>
    %max3A_310 = arith.maximumf %max3A_309, %add3A_308 : vector<128x256xf32>
    %log3A = math.log %max3A_310 : vector<128x256xf32>
    %neg3A = arith.constant 0.000000e+00 : f32
    %neg3A_311 = vector.broadcast %neg3A : f32 to vector<128x256xf32>
    %neg3A_312 = arith.subf %neg3A_311, %log3A : vector<128x256xf32>
    %log3A_313 = math.log %neg3A_312 : vector<128x256xf32>
    %neg3A_314 = arith.constant 0.000000e+00 : f32
    %neg3A_315 = vector.broadcast %neg3A_314 : f32 to vector<128x256xf32>
    %neg3A_316 = arith.subf %neg3A_315, %log3A_313 : vector<128x256xf32>
    %add3A_317 = arith.addf %div3A_3, %neg3A_316 : vector<128x256xf32>
    %jit3A_318 = arith.constant -3.000000e+38 : f32
    %broadcast_in_dim3A_319 = vector.broadcast %jit3A_318 : f32 to vector<128x256xf32>
    %select_n3A_320 = arith.select %ge3A_30, %add3A_317, %broadcast_in_dim3A_319 : vector<128x256xi1>, vector<128x256xf32>
    %reduce_max3A_321 = arith.constant dense<0xFF800000> : vector<128xf32>
    %reduce_max3A_322 = vector.multi_reduction <maximumf>, %select_n3A_320, %reduce_max3A_321 [1] : vector<128x256xf32> to vector<128xf32>
    %broadcast_in_dim3A_323 = vector.shape_cast %reduce_max3A_322 : vector<128xf32> to vector<128x1xf32>
    %eq3A_324 = vector.broadcast %broadcast_in_dim3A_323 : vector<128x1xf32> to vector<128x256xf32>
    %eq3A_325 = arith.cmpf oeq, %select_n3A_320, %eq3A_324 : vector<128x256xf32>
    %jit3A_326 = arith.constant 2147483647 : i32
    %broadcast_in_dim3A_327 = vector.broadcast %jit3A_326 : i32 to vector<128x256xi32>
    %select_n3A_328 = arith.select %eq3A_325, %get3A_6, %broadcast_in_dim3A_327 : vector<128x256xi1>, vector<128x256xi32>
    %reduce_min3A_329 = arith.constant dense<2147483647> : vector<128xi32>
    %reduce_min3A_330 = vector.multi_reduction <minsi>, %select_n3A_328, %reduce_min3A_329 [1] : vector<128x256xi32> to vector<128xi32>
    %broadcast_in_dim3A_331 = vector.shape_cast %reduce_min3A_330 : vector<128xi32> to vector<128x1xi32>
    %broadcast_in_dim3A_332 = vector.shape_cast %broadcast_in_dim3A_331 : vector<128x1xi32> to vector<128x1xi32>
    %broadcast_in_dim3A_333 = vector.broadcast %broadcast_in_dim3A_332 : vector<128x1xi32> to vector<128x128xi32>
    %swap3A_334 = arith.constant 0 : index
    %swap3A_335 = arith.constant 0 : index
    %swap3A_336 = vector.load %arg5[%swap3A_334, %swap3A_335] : memref<128x128xi32, #tpu.memory_space<vmem>>, vector<128x128xi32>
    tpu.vector_store %arg5[%swap3A_334, %swap3A_335], %broadcast_in_dim3A_333 {strides = array<i32>} : memref<128x128xi32, #tpu.memory_space<vmem>>, vector<128x128xi32>,
    return
  }
}

</mosaic_0001>

<sc_bundles>
// kernel: kernel.7.cloned.1.call-start
scs
__scs_entry_jumppad:
0x0: {  	(pc) =	sbr.rel $0x88, $3  }
0x1: {  	(tag) =	ssettag $0x0;
	lr =	simm.s32 $0x1  }
0x2: {  	[smem:$0x3FA0] =	sst lr;
	_ =	strace $0xD0000000  }
0x3: {  	_ = 	snop  }
0x4: {  	_ = 	snop  }
0x5: {  	_ = 	snop  }
0x6: {  	_ = 	snop  }
0x7: {  	_ = 	snop  }
__scs_overlays_trampoline_lowered:
0x8: {  	[smem:$0x3FAF] =	sst s0  }
0x9: {  	[smem:$0x3FB0] =	sst s1  }
0xa: {  	[smem:$0x3FB1] =	sst s2  }
0xb: {  	[smem:$0x3FB2] =	sst s3  }
0xc: {  	[smem:$0x3FB3] =	sst s4  }
0xd: {  	[smem:$0x3FB4] =	sst s5  }
0xe: {  	[smem:$0x3FB5] =	sst s6  }
0xf: {  	[smem:$0x3FB6] =	sst s7  }
0x10: {  	[smem:$0x3FB7] =	sst s8  }
0x11: {  	[smem:$0x3FB8] =	sst s9;
	s0 =	simm.s32 @!p0 $0x0  }
0x12: {  	s1 =	sld [smem:$0x3F9E];
	s0 =	simm.s32 @p0 $0x1  }
0x13: {  	[smem:$0x3FB9] =	sst s0;
	s0 =	simm.s32 @!p1 $0x0  }
0x14: {  	s2 =	sld [smem:$0x3F9D];
	s0 =	simm.s32 @p1 $0x1  }
0x15: {  	[smem:$0x3FBA] =	sst s0;
	s0 =	simm.s32 @!p2 $0x0  }
0x16: {  	s3 =	sld [smem:$0x3FDB];
	s0 =	simm.s32 @p2 $0x1  }
0x17: {  	s4 =	simm.s32 $0x1BF5;
	[smem:$0x3FBC] =	sst s0  }
0x18: {  	s0 =	sld [smem:$0x3F9F];
	_ =	swait.ge [sflag:s4], $0x0  }
0x19: {  	s7 =	sld [smem:$0x3FA0]  }
0x1a: {  	s8 =	sadd.s32 $0xFFFFE003, lr  }
0x1b: {  	s9 =	sadd.s32 $0xFFFFFEF7, lr;
	s5 =	simm.s32 $0xFFFFFFFF;
	p2 =	slt.u32 s8, $0xFFFFF086  }
0x1c: {  	p1 =	slt.u32 s9, $0xF7A;
	s5 =	simm.s32 @!p2 $0x0  }
0x1d: {  	s5 =	simm.s32 @p1 $0x1;
	p0 =	seq.s32 s7, s2  }
0x1e: {  	s7 =	smul.u32 @!p0 $0xF7A, s2;
	p2 =	seq.s32 @!p0 s5, $0x0  }
0x1f: {  	s9 =	smul.u32 $0xF7A, s1;
	s8 =	simm.s32 @!p0 $0x1BF5;
	p2 =	por !p2, p0  }
0x20: {  	[sflag:s8] =	ssyncset.s32 @!p0 $0xFFFFF086;
	s6 =	sadd.s32 @!p0 s3, s7;
	s7 =	simm.s32 @!p0 $0x108  }
0x21: {  	s3 =	sadd.s32 s3, s9;
	s6 =	sadd.s32 @!p0 $0x88, s6;
	s7 =	simm.s32 @p2 $0x1082  }
0x22: {  	[simem:s7], [sflag:s8] =	dma.local @!p0 [hbm:s6], $0xF7A  }
0x23: {  	s9 =	sor.u32 $0xD0000000, s2;
	s6 =	simm.s32 $0x108;
	_ =	swait.ge @!p0 [sflag:s8], $0x0  }
0x24: {  	s3 =	sadd.s32 $0x88, s3;
	s6 =	simm.s32 @!p1 $0x1082;
	[sflag:s4] =	ssyncset.s32 $0xFFFFF086  }
0x25: {  	[simem:s6], [sflag:s4] =	dma.local [hbm:s3], $0xF7A  }
0x26: {  	[smem:$0x3FA0] =	sst s1;
	(tag) =	ssettag s2;
	_ =	strace s9  }
0x27: {  	s1 =	sld [smem:$0x3FB0]  }
0x28: {  	s2 =	sld [smem:$0x3FB1]  }
0x29: {  	s4 =	sld [smem:$0x3FB3]  }
0x2a: {  	p0 =	seq.s32 s5, $0x0;
	s5 =	sld [smem:$0x3FB4]  }
0x2b: {  	s6 =	sld [smem:$0x3FB5]  }
0x2c: {  	s7 =	sld [smem:$0x3FB6]  }
0x2d: {  	s3 =	simm.s32 $0x108;
	s8 =	sld [smem:$0x3FB7]  }
0x2e: {  	s3 =	simm.s32 @!p0 $0x1082;
	s9 =	sld [smem:$0x3FB8]  }
0x2f: {  	lr =	sadd.s32 s0, s3;
	s0 =	sld [smem:$0x3FAF]  }
0x30: {  	s3 =	sld [smem:$0x3FB2]  }
0x31: {  	[smem:$0x3FBB] =	sst s10  }
0x32: {  	s10 =	sld [smem:$0x3FB9];
	_ =	sdelay $0x3  }
0x33: {  	p0 =	seq.s32 s10, $0x1;
	s10 =	sld [smem:$0x3FBB];
	_ =	sdelay $0x3  }
0x34: {  	[smem:$0x3FBB] =	sst s10  }
0x35: {  	s10 =	sld [smem:$0x3FBA];
	_ =	sdelay $0x3  }
0x36: {  	p1 =	seq.s32 s10, $0x1;
	s10 =	sld [smem:$0x3FBB];
	_ =	sdelay $0x3  }
0x37: {  	[smem:$0x3FBB] =	sst s10  }
0x38: {  	s10 =	sld [smem:$0x3FBC]  }
0x39: {  	_ = 	snop;
	(pc) =	sbr.ind lr, $3  }
0x3a: {  	_ = 	snop  }
0x3b: {  	_ = 	snop  }
0x3c: {  	p2 =	seq.s32 s10, $0x1;
	s10 =	sld [smem:$0x3FBB]  }
0x3d: {  	_ =	shalt  }
0x3e: {  	_ =	shalt  }
0x3f: {  	_ =	shalt  }
0x40: {  	_ =	shalt  }
0x41: {  	_ =	shalt  }
0x42: {  	_ =	shalt  }
0x43: {  	_ =	shalt  }
0x44: {  	_ =	shalt  }
0x45: {  	_ =	shalt  }
0x46: {  	_ =	shalt  }
0x47: {  	_ =	shalt  }
0x48: {  	_ =	shalt  }
0x49: {  	_ =	shalt  }
0x4a: {  	_ =	shalt  }
0x4b: {  	_ =	shalt  }
0x4c: {  	_ =	shalt  }
0x4d: {  	_ =	shalt  }
0x4e: {  	_ =	shalt  }
0x4f: {  	_ =	shalt  }
0x50: {  	_ =	shalt  }
0x51: {  	_ =	shalt  }
0x52: {  	_ =	shalt  }
0x53: {  	_ =	shalt  }
0x54: {  	_ =	shalt  }
0x55: {  	_ =	shalt  }
0x56: {  	_ =	shalt  }
0x57: {  	_ =	shalt  }
0x58: {  	_ =	shalt  }
0x59: {  	_ =	shalt  }
0x5a: {  	_ =	shalt  }
0x5b: {  	_ =	shalt  }
0x5c: {  	_ =	shalt  }
0x5d: {  	_ =	shalt  }
0x5e: {  	_ =	shalt  }
0x5f: {  	_ =	shalt  }
0x60: {  	_ =	shalt  }
0x61: {  	_ =	shalt  }
0x62: {  	_ =	shalt  }
0x63: {  	_ =	shalt  }
0x64: {  	_ =	shalt  }
0x65: {  	_ =	shalt  }
0x66: {  	_ =	shalt  }
0x67: {  	_ =	shalt  }
0x68: {  	_ =	shalt  }
0x69: {  	_ =	shalt  }
0x6a: {  	_ =	shalt  }
0x6b: {  	_ =	shalt  }
0x6c: {  	_ =	shalt  }
0x6d: {  	_ =	shalt  }
0x6e: {  	_ =	shalt  }
0x6f: {  	_ =	shalt  }
0x70: {  	_ =	shalt  }
0x71: {  	_ =	shalt  }
0x72: {  	_ =	shalt  }
0x73: {  	_ =	shalt  }
0x74: {  	_ =	shalt  }
0x75: {  	_ =	shalt  }
0x76: {  	_ =	shalt  }
0x77: {  	_ =	shalt  }
0x78: {  	_ =	shalt  }
0x79: {  	_ =	shalt  }
0x7a: {  	_ =	shalt  }
0x7b: {  	_ =	shalt  }
0x7c: {  	_ =	shalt  }
0x7d: {  	_ =	shalt  }
0x7e: {  	_ =	shalt  }
0x7f: {  	_ =	shalt  }
0x80: {  	_ =	shalt  }
0x81: {  	_ =	shalt  }
0x82: {  	_ =	shalt  }
0x83: {  	_ =	shalt  }
0x84: {  	_ =	shalt  }
0x85: {  	_ =	shalt  }
0x86: {  	_ =	shalt  }
0x87: {  	_ =	shalt  }
.Lfunc_end0:
.L_simem_size_0:
called_computation_lowered:
.L_overlay_start_0:
0x88: {  	s2 =	sld [smem:$0x3FD9]  }
0x89: {  	s3 =	sld [smem:$0x3FFE];
	_ =	sdelay $0x1  }
0x8a: {  	s1 =	srdreg.scid  }
0x8b: {  	s0 =	sand.u32 $0x1, s1  }
0x8c: {  	s14 =	sshll.u32 s0, $0xA;
	s2 =	sadd.s32 s3, s2  }
0x8d: {  	s2 =	sadd.s32 s2, s14  }
0x8e: {  	[smem:$0x3FC7] =	sst s2  }
0x8f: {  	_ = 	snop  }
0x90: {  	s2 =	sld [smem:$0x3FD0];
	_ =	sdelay $0x2  }
0x91: {  	s15 =	simm.s32 $0xA;
	s4 =	simm.s32 $0x10  }
0x92: {  	[smem:s4], [sflag:s15] =	dma.local [hbm:s2], $0x1  }
0x93: {  	_ =	swait.eq [sflag:s15], $0x1  }
0x94: {  	[sflag:s15] =	ssyncset.done $0x0  }
0x95: {  	[sflag:s15] =	ssyncadd.s32 $0xFFFFFFFF  }
0x96: {  	s16 =	sld [smem:$0x10];
	(tm) =	ssettm $0x1  }
0x97: {  	s17 =	sld [smem:$0x3FFB];
	_ =	sdelay $0x3  }
0x98: {  	_ =	strace s17  }
0x99: {  	s3 =	sld [smem:$0x3FFC];
	_ =	sdelay $0x3  }
0x9a: {  	_ =	strace s3  }
0x9b: {  	s3 =	sld [smem:$0x3FFD];
	_ =	sdelay $0x3  }
0x9c: {  	_ =	strace s3  }
0x9d: {  	_ =	strace $0x8FFFFFFF  }
0x9e: {  	s18 =	sld [smem:$0x3FDB];
	_ =	sdelay $0x1  }
0x9f: {  	s19 =	simm.s32 $_scs_section_size  }
0xa0: {  	s5 =	simm.s32 $_size__tile_overlayer_lowered;
	s6 =	simm.s32 $_tile_overlayer_lowered  }
0xa1: {  	s22 =	simm.s32 $0x1BFF;
	s21 =	sshll.u32 s6, $0x1;
	s3 =	sadd.s32 s19, s18  }
0xa2: {  	s7 =	simm.s32 $0x0;
	s20 =	sshll.u32 s5, $0x1;
	s5 =	sadd.s32 s21, s3  }
0xa3: {  	[timem:s7], [sflag:s22] =	dma.local [hbm:s5], s20  }
0xa4: {  	_ =	swait.ge [sflag:s22], s20  }
0xa5: {  	s4 =	ssub.s32 $0x0, s20;
	[sflag:s22] =	ssyncset.done $0x0  }
0xa6: {  	[sflag:s22] =	ssyncadd.s32 s4;
	_ =	sdelay $0x1  }
0xa7: {  	s23 =	simm.s32 $0x1B8B  }
0xa8: {  	_ =	swait.ge [sflag:s23], $0x1  }
0xa9: {  	[sflag:s23] =	ssyncset.done $0x0  }
0xaa: {  	s25 =	simm.s32 $0x1B8E;
	s24 =	sld [smem:$0x3FFE];
	[sflag:s23] =	ssyncadd.s32 $0xFFFFFFFF  }
0xab: {  	s26 =	simm.s32 $execute0_lowered;
	[smem:$0x3FD2] =	sst s25  }
0xac: {  	s5 =	sshll.u32 s26, $0x1;
	_ =	strace $0x80000046;
	[dreg:$0x1] =	wrdreg $0xFFFFFFFF  }
0xad: {  	s28 =	simm.s32 $_size_execute0_lowered;
	s3 =	sadd.s32 s3, s5;
	[dreg:$0x0] =	wrdreg $0x0  }
0xae: {  	s5 =	sshll.u32 s28, $0x1;
	[dreg:$0x2] =	wrdreg s3  }
0xaf: {  	[dreg:$0x3] =	wrdreg s5  }
0xb0: {  	[dreg:$0x4] =	wrdreg $0xC0  }
0xb1: {  	_ =	task [dreg:s7], $0x5FFFF  }
0xb2: {  	[dreg:$0x1] =	wrdreg $0xFFFFFFFF  }
0xb3: {  	[dreg:$0x0] =	wrdreg $0x60  }
0xb4: {  	[dreg:$0x2] =	wrdreg s16  }
0xb5: {  	[dreg:$0x3] =	wrdreg s24  }
0xb6: {  	[dreg:$0x4] =	wrdreg $0x9  }
0xb7: {  	_ =	task.clear_ibuf [dreg:s7], $0x5FFFF;
	_ =	strace $0x90000046  }
0xb8: {  	s29 =	simm.s32 $0x9;
	_ =	strace $0x80000048  }
0xb9: {  	_ =	swait.ge [sflag:s29], $0x1  }
0xba: {  	[sflag:s29] =	ssyncadd.s32 $0xFFFFFFFF  }
0xbb: {  	_ =	strace $0x90000048  }
0xbc: {  	_ =	sfence  }
0xbd: {  	s30 =	sld [smem:$0x0];
	_ =	sdelay $0x2  }
0xbe: {  	s31 =	sshll.u32 s1, $0xD;
	s1 =	sshrl.u32 s1, $0x2  }
0xbf: {  	s3 =	sand.u32 $0x4000, s31;
	s1 =	sadd.s32 s1, s30  }
0xc0: {  	s0 =	sor.u32 s3, s0;
	s1 =	sshll.u32 s1, $0x11  }
0xc1: {  	s0 =	sor.u32 s1, s0  }
0xc2: {  	s0 =	sadd.s32 $0x8F2B, s0  }
0xc3: {  	[sflag:s0] =	ssyncadd.remote.s32 $0x1  }
0xc4: {  	_ =	sfence.sel $0xFFFF  }
0xc5: {  	[dreg:$0x0] =	wrdreg $0xFFFFFFFF;
	(pc) =	sbr.abs _section_cstart, $3  }
0xc6: {  	[dreg:$0x1] =	wrdreg $0xFFFFFFFF  }
0xc7: {  	_ =	task.clear_ibuf [dreg:s7], $0x2FFFF;
	_ =	strace $0x9FFFFFFF  }
0xc8: {  	(tm) =	ssettm $0x7FFFFFFF  }
0xc9: {  	_ =	shalt  }
tec
execute0_lowered:
.L_overlay_start_1:
0x0: {  	(tag) =	ssettag $0x1  }
0x1: {  	s0 =	rddreg [dreg:$0x0]  }
0x2: {  	s1 =	rddreg [dreg:$0x1];
	s3 =	srdreg.scid;
	s2 =	simm.s32 $0x0  }
0x3: {  	s4 =	stileid.u32;
	s28 =	simm.s32 $0x18A90;
	s29 =	simm.s32 $0x18B10  }
0x4: {  	s30 =	simm.s32 $0x18C20;
	s31 =	simm.s32 $0x0;
	s3 =	sand.u32 $0x1, s3  }
0x5: {  	[smem:$0x7FF] =	sst s2;
	s4 =	sshll.u32 s4, $0x3;
	s17 =	sadd.s32 $0x18AE00, s1  }
0x6: {  	s21 =	sadd.s32 $0x18B000, s1;
	s5 =	sshll.u32 s3, $0x2;
	_ =	strace $0x80000047  }
0x7: {  	s3 =	ssub.s32 $0x2, s3;
	s4 =	sor.u32 s5, s4;
	s5 =	sadd.s32 $0x187600, s1  }
0x8: {  	s7 =	sshrl.u32 s3, $0x1;
	s1 =	sadd.s32 $0x18C000, s1;
	s6 =	smul.u32 $0x30D4, s4  }
0x9: {  	s3 =	ssub.s32 s3, s7;
	s20 =	smul.u32 $0x70, s4;
	s10 =	sor.u32 $0x1, s4  }
0xa: {  	s19 =	sshll.u32 s4, $0x1;
	s8 =	sshll.u32 s4, $0x5;
	s9 =	smul.u32 $0x30D4, s10  }
0xb: {  	s16 =	sor.u32 $0x2, s4;
	s4 =	sor.u32 $0x3, s4;
	s11 =	smul.u32 $0x70, s10  }
0xc: {  	s23 =	sadd.s32 s21, s8;
	s7 =	sadd.s32 s1, s8;
	s13 =	smul.u32 $0x30D4, s16  }
0xd: {  	s24 =	sshll.u32 s10, $0x1;
	s12 =	sshll.u32 s10, $0x5;
	s15 =	smul.u32 $0x70, s16  }
0xe: {  	s14 =	sshll.u32 s16, $0x1;
	s18 =	smul.u32 $0x30D4, s4;
	s25 =	sshll.u32 s4, $0x1  }
0xf: {  	s26 =	sshll.u32 s4, $0x5;
	s6 =	sadd.s32 s0, s6;
	s22 =	sadd.s32 s5, s20  }
0x10: {  	[dreg:$0x6] =	wrdreg s23;
	s14 =	sadd.s32 s17, s14;
	s20 =	smul.u32 $0x70, s4  }
0x11: {  	s23 =	smax.u32 s3, $0x1;
	[dreg:$0x3] =	wrdreg s6;
	s6 =	sadd.s32 s17, s19  }
0x12: {  	[dreg:$0x5] =	wrdreg s22;
	s8 =	sadd.s32 s0, s9;
	s9 =	sadd.s32 s17, s24  }
0x13: {  	s10 =	sadd.s32 s5, s11;
	s11 =	sadd.s32 s21, s12;
	s12 =	sadd.s32 s1, s12  }
.Ltmp0:
0x14: {  	s13 =	sadd.s32 s0, s13;
	s15 =	sadd.s32 s5, s15;
	(pc) =	sbr.rel .LBB2_1-.Ltmp0, $4  }
0x15: {  	v0 =	vimm.f32 $-3.000000010e+38;
	v1 =	vlaneseq.u32;
	s19 =	sshll.u32 s16, $0x5;
	s16 =	sadd.s32 s0, s18;
	s17 =	sadd.s32 s17, s25  }
0x16: {  	v2 =	vimm.f32 $-1.000000020e+30;
	v3 =	vimm.s32 $0x0;
	v4 =	vor.u32 $0x10, v1;
	s22 =	sadd.s32 s1, s26;
	s24 =	simm.s32 $0x18A80;
	s25 =	simm.s32 $0x2  }
0x17: {  	v5 =	vor.u32 $0x20, v1;
	v6 =	vor.u32 $0x30, v1;
	v7 =	vor.u32 $0x40, v1;
	[dreg:$0x4] =	wrdreg s6;
	s18 =	sadd.s32 s21, s19;
	s19 =	sadd.s32 s1, s19  }
0x18: {  	v8 =	vor.u32 $0x50, v1;
	v9 =	vor.u32 $0x60, v1;
	v10 =	vor.u32 $0x70, v1;
	s20 =	sadd.s32 s5, s20;
	s21 =	sadd.s32 s21, s26;
	s26 =	simm.s32 $0x1  }
.LBB2_29:
0x19: {  	_ = 	snop  }
.LBB2_32:
0x1a: {  	v12 =	vshll.u32 v12, $0x7  }
0x1b: {  	v13 =	vor.u32 v1, v12;
	_ =	sdelay $0x4  }
0x1c: {  	v14 =	vld.idx.msk [tilespmem:v13+s2+$0x0], $0xffff;
	_ =	sdelay $0x1  }
0x1d: {  	s1 =	sadd.s32 @p0 s4, s5  }
0x1e: {  	s0 =	smov.u32 @p0 s1;
	v15 =	vor.u32 v4, v12  }
0x1f: {  	p0 =	slt.s32 s0, $0x100;
	s1 =	smov.u32 s0  }
0x20: {  	s1 =	simm.s32 @!p0 $0x100;
	vm0 =	vge.f32 v14, v11  }
0x21: {  	v16 =	vsel vm0, $0x1, v3;
	[tilespmem:s1+$0x18B10] =	vst.msk vm0, v14  }
0x22: {  	[tilespmem:s1+$0x18C20] =	vst.msk vm0, v13;
	(xrf0) =	vadd.scan.msk.s32 $0xffff, v16  }
0x23: {  	v13 =	vld.idx.msk [tilespmem:v15+s2+$0x0], $0xffff;
	_ =	sdelay $0x4  }
0x24: {  	v50, _, _ =	vpop (xrf0);
	vm9 =	vge.f32 v13, v11  }
0x25: {  	(v2sf) =	vpush v50, $0xF;
	v51 =	vsel vm9, $0x1, v3  }
0x26: {  	(xrf0) =	vadd.scan.msk.s32 $0xffff, v51;
	_ =	sdelay $0x5  }
0x27: {  	v14, _, _ =	vpop (xrf0)  }
0x28: {  	(v2sf) =	vpush v14, $0xF;
	_ =	sdelay $0x6  }
0x29: {  	s3 =	spop (v2sf)  }
0x2a: {  	v52 =	vor.u32 v5, v12;
	s0 =	sadd.s32 s0, s3  }
0x2b: {  	p0 =	slt.s32 s0, $0x100;
	s1 =	smov.u32 s0  }
0x2c: {  	s1 =	simm.s32 @!p0 $0x100  }
0x2d: {  	[tilespmem:s1+$0x18B10] =	vst.msk vm9, v13  }
0x2e: {  	[tilespmem:s1+$0x18C20] =	vst.msk vm9, v15  }
0x2f: {  	v13 =	vld.idx.msk [tilespmem:v52+s2+$0x0], $0xffff;
	_ =	sdelay $0x1  }
0x30: {  	s4 =	spop (v2sf)  }
0x31: {  	v53 =	vor.u32 v6, v12;
	s0 =	sadd.s32 s0, s4  }
0x32: {  	p0 =	slt.s32 s0, $0x100;
	s1 =	smov.u32 s0  }
0x33: {  	vm10 =	vge.f32 v13, v11;
	s1 =	simm.s32 @!p0 $0x100  }
0x34: {  	v54 =	vsel vm10, $0x1, v3;
	[tilespmem:s1+$0x18B10] =	vst.msk vm10, v13  }
0x35: {  	[tilespmem:s1+$0x18C20] =	vst.msk vm10, v52;
	(xrf0) =	vadd.scan.msk.s32 $0xffff, v54  }
0x36: {  	v13 =	vld.idx.msk [tilespmem:v53+s2+$0x0], $0xffff;
	_ =	sdelay $0x4  }
0x37: {  	v55, _, _ =	vpop (xrf0);
	vm11 =	vge.f32 v13, v11  }
0x38: {  	(v2sf) =	vpush v55, $0xF;
	v56 =	vsel vm11, $0x1, v3  }
0x39: {  	(xrf0) =	vadd.scan.msk.s32 $0xffff, v56;
	_ =	sdelay $0x5  }
0x3a: {  	v14, _, _ =	vpop (xrf0)  }
0x3b: {  	(v2sf) =	vpush v14, $0xF;
	_ =	sdelay $0x6  }
0x3c: {  	s5 =	spop (v2sf)  }
0x3d: {  	v57 =	vor.u32 v7, v12;
	s0 =	sadd.s32 s0, s5  }
0x3e: {  	p0 =	slt.s32 s0, $0x100;
	s1 =	smov.u32 s0  }
0x3f: {  	s1 =	simm.s32 @!p0 $0x100  }
0x40: {  	[tilespmem:s1+$0x18B10] =	vst.msk vm11, v13  }
0x41: {  	[tilespmem:s1+$0x18C20] =	vst.msk vm11, v53  }
0x42: {  	v13 =	vld.idx.msk [tilespmem:v57+s2+$0x0], $0xffff;
	_ =	sdelay $0x1  }
0x43: {  	s6 =	spop (v2sf)  }
0x44: {  	v58 =	vor.u32 v8, v12;
	s0 =	sadd.s32 s0, s6  }
0x45: {  	p0 =	slt.s32 s0, $0x100;
	s1 =	smov.u32 s0  }
0x46: {  	vm12 =	vge.f32 v13, v11;
	s1 =	simm.s32 @!p0 $0x100  }
0x47: {  	v59 =	vsel vm12, $0x1, v3;
	[tilespmem:s1+$0x18B10] =	vst.msk vm12, v13  }
0x48: {  	[tilespmem:s1+$0x18C20] =	vst.msk vm12, v57;
	(xrf0) =	vadd.scan.msk.s32 $0xffff, v59  }
0x49: {  	v13 =	vld.idx.msk [tilespmem:v58+s2+$0x0], $0xffff;
	_ =	sdelay $0x4  }
0x4a: {  	v60, _, _ =	vpop (xrf0);
	vm13 =	vge.f32 v13, v11  }
0x4b: {  	(v2sf) =	vpush v60, $0xF;
	v61 =	vsel vm13, $0x1, v3  }
0x4c: {  	(xrf0) =	vadd.scan.msk.s32 $0xffff, v61;
	_ =	sdelay $0x5  }
0x4d: {  	v14, _, _ =	vpop (xrf0)  }
0x4e: {  	(v2sf) =	vpush v14, $0xF;
	_ =	sdelay $0x6  }
0x4f: {  	s3 =	spop (v2sf)  }
0x50: {  	v62 =	vor.u32 v9, v12;
	s0 =	sadd.s32 s0, s3  }
0x51: {  	p0 =	slt.s32 s0, $0x100;
	s1 =	smov.u32 s0  }
0x52: {  	s1 =	simm.s32 @!p0 $0x100  }
0x53: {  	[tilespmem:s1+$0x18B10] =	vst.msk vm13, v13  }
0x54: {  	[tilespmem:s1+$0x18C20] =	vst.msk vm13, v58  }
0x55: {  	v13 =	vld.idx.msk [tilespmem:v62+s2+$0x0], $0xffff;
	_ =	sdelay $0x1  }
0x56: {  	s4 =	spop (v2sf)  }
0x57: {  	v12 =	vor.u32 v10, v12;
	s0 =	sadd.s32 s0, s4  }
0x58: {  	p0 =	slt.s32 s0, $0x100;
	s1 =	smov.u32 s0  }
0x59: {  	vm14 =	vge.f32 v13, v11;
	s1 =	simm.s32 @!p0 $0x100  }
0x5a: {  	[tilespmem:s1+$0x18B10] =	vst.msk vm14, v13  }
0x5b: {  	[tilespmem:s1+$0x18C20] =	vst.msk vm14, v62  }
0x5c: {  	v13 =	vld.idx.msk [tilespmem:v12+s2+$0x0], $0xffff;
	_ =	sdelay $0x1  }
0x5d: {  	v63 =	vsel vm14, $0x1, v3  }
0x5e: {  	(xrf0) =	vadd.scan.msk.s32 $0xffff, v63;
	_ =	sdelay $0x1  }
0x5f: {  	vm15 =	vge.f32 v13, v11  }
0x60: {  	v11 =	vsel vm15, $0x1, v3;
	_ =	sdelay $0x1  }
0x61: {  	(xrf0) =	vadd.scan.msk.s32 $0xffff, v11  }
0x62: {  	v11, _, _ =	vpop (xrf0)  }
0x63: {  	(v2sf) =	vpush v11, $0xF;
	_ =	sdelay $0x3  }
0x64: {  	v11, _, _ =	vpop (xrf0)  }
0x65: {  	(v2sf) =	vpush v11, $0xF;
	_ =	sdelay $0x9  }
0x66: {  	s5 =	spop (v2sf)  }
0x67: {  	s0 =	sadd.s32 s0, s5  }
0x68: {  	p0 =	slt.s32 s0, $0x100  }
0x69: {  	s0 =	simm.s32 @!p0 $0x100  }
0x6a: {  	[tilespmem:s0+$0x18B10] =	vst.msk vm15, v13  }
0x6b: {  	s6 =	spop (v2sf);
	[tilespmem:s0+$0x18C20] =	vst.msk vm15, v12  }
.LBB2_33:
0x6c: {  	[hbm4b:s21+s2] =	stream.linear.scatter [tilespmem:s29], [sflag:$0x2], $0x100, $0x38;
	[tilespmem:$0x18D30] =	vst v63  }
0x6d: {  	s31 =	sadd.s32 $0x1, s31;
	_ =	swait.ge [sflag:s25], $0x100  }
0x6e: {  	p0 =	sne.s32 s31, s23;
	[sflag:s25] =	ssyncset.done $0x0  }
.Ltmp1:
0x6f: {  	[sflag:s25] =	ssyncadd.s32 $0xFFFFFF00;
	(pc) =	sbr.rel @!p0 .LBB2_34-.Ltmp1, $4  }
0x70: {  	[hbm4b:s22+s2] =	stream.linear.scatter [tilespmem:s30], [sflag:$0x2], $0x100, $0x38;
	[tilespmem:$0x18D30] =	vst v63  }
0x71: {  	_ =	swait.ge [sflag:s25], $0x100  }
0x72: {  	[sflag:s25] =	ssyncset.done $0x0  }
0x73: {  	[sflag:s25] =	ssyncadd.s32 $0xFFFFFF00  }
.LBB2_1:
0x74: {  	s0 =	rddreg [dreg:$0x3]  }
0x75: {  	[tilespmem:s2], [sflag:$0x1] =	stream.linear.gather [hbm4b:s0+s2], $0x186A0, $0x38;
	[tilespmem:$0x18D30] =	vst v63  }
0x76: {  	s5 =	rddreg [dreg:$0x4]  }
0x77: {  	[tilespmem:s24], [sflag:$0x2] =	stream.linear.gather [hbm4b:s5+s2], $0x10, $0x38;
	[tilespmem:$0x18D30] =	vst v63  }
0x78: {  	_ =	swait.ge [sflag:s25], $0x10  }
0x79: {  	[sflag:s25] =	ssyncset.done $0x0  }
0x7a: {  	s6 =	simm.s32 $0x18700;
	s1 =	rddreg [dreg:$0x5];
	[sflag:s25] =	ssyncadd.s32 $0xFFFFFFF0  }
0x7b: {  	[tilespmem:s6], [sflag:$0x2] =	stream.linear.gather [hbm4b:s1+s2], $0x380, $0x38;
	[tilespmem:$0x18D30] =	vst v63  }
0x7c: {  	_ =	swait.ge [sflag:s25], $0x380  }
0x7d: {  	[sflag:s25] =	ssyncset.done $0x0  }
0x7e: {  	[sflag:s25] =	ssyncadd.s32 $0xFFFFFC80  }
0x7f: {  	[tilespmem:$0x186A0] =	vst v0  }
0x80: {  	[tilespmem:$0x186B0] =	vst v0  }
0x81: {  	[tilespmem:$0x186C0] =	vst v0  }
0x82: {  	[tilespmem:$0x186D0] =	vst v0  }
0x83: {  	[tilespmem:$0x186E0] =	vst v0  }
0x84: {  	[tilespmem:$0x186F0] =	vst v0  }
0x85: {  	[tilespmem:$0x18B10] =	vst v2  }
0x86: {  	[tilespmem:$0x18C20] =	vst v3  }
0x87: {  	[tilespmem:$0x18B20] =	vst v2  }
0x88: {  	[tilespmem:$0x18C30] =	vst v3  }
0x89: {  	[tilespmem:$0x18B30] =	vst v2  }
0x8a: {  	[tilespmem:$0x18C40] =	vst v3  }
0x8b: {  	[tilespmem:$0x18B40] =	vst v2  }
0x8c: {  	[tilespmem:$0x18C50] =	vst v3  }
0x8d: {  	[tilespmem:$0x18B50] =	vst v2  }
0x8e: {  	[tilespmem:$0x18C60] =	vst v3  }
0x8f: {  	[tilespmem:$0x18B60] =	vst v2  }
0x90: {  	[tilespmem:$0x18C70] =	vst v3  }
0x91: {  	[tilespmem:$0x18B70] =	vst v2  }
0x92: {  	[tilespmem:$0x18C80] =	vst v3  }
0x93: {  	[tilespmem:$0x18B80] =	vst v2  }
0x94: {  	[tilespmem:$0x18C90] =	vst v3  }
0x95: {  	[tilespmem:$0x18B90] =	vst v2  }
0x96: {  	[tilespmem:$0x18CA0] =	vst v3  }
0x97: {  	[tilespmem:$0x18BA0] =	vst v2  }
0x98: {  	[tilespmem:$0x18CB0] =	vst v3  }
0x99: {  	[tilespmem:$0x18BB0] =	vst v2  }
0x9a: {  	[tilespmem:$0x18CC0] =	vst v3  }
0x9b: {  	[tilespmem:$0x18BC0] =	vst v2  }
0x9c: {  	[tilespmem:$0x18CD0] =	vst v3  }
0x9d: {  	[tilespmem:$0x18BD0] =	vst v2  }
0x9e: {  	[tilespmem:$0x18CE0] =	vst v3  }
0x9f: {  	[tilespmem:$0x18BE0] =	vst v2  }
0xa0: {  	[tilespmem:$0x18CF0] =	vst v3  }
0xa1: {  	[tilespmem:$0x18BF0] =	vst v2  }
0xa2: {  	[tilespmem:$0x18D00] =	vst v3  }
0xa3: {  	[tilespmem:$0x18C00] =	vst v2  }
0xa4: {  	[tilespmem:$0x18D10] =	vst v3  }
0xa5: {  	[tilespmem:$0x18C10] =	vst v2  }
0xa6: {  	v11 =	vld [tilespmem:$0x18A80];
	[tilespmem:$0x18D20] =	vst v3  }
0xa7: {  	v12 =	vld [tilespmem:s6+$0x0];
	_ =	sdelay $0x4  }
0xa8: {  	vm0 =	vge.f32 v12, v11  }
0xa9: {  	v12 =	vsel vm0, $0x1, v3  }
0xaa: {  	(xrf0) =	vadd.scan.msk.s32 $0xffff, v12;
	_ =	sdelay $0x2  }
0xab: {  	v12 =	vor.u32 s2, v1  }
0xac: {  	p0 =	por $0x1, $0x1;
	s0 =	simm.s32 $0x0  }
0xad: {  	s0 =	simm.s32 @!p0 $0x70  }
0xae: {  	[tilespmem:s0+$0x18A90] =	vst.msk vm0, v12;
	v12, _, _ =	vpop (xrf0)  }
0xaf: {  	(v2sf) =	vpush v12, $0xF;
	_ =	sdelay $0x1  }
0xb0: {  	s3 =	simm.s32 $0x18710  }
0xb1: {  	s4 =	simm.s32 $0x20;
	s1 =	simm.s32 $0x0;
	s0 =	simm.s32 $0x10;
	v12 =	vld [tilespmem:s3+$0x0]  }
.LBB2_2:
0xb2: {  	p0 =	sne.s32 s4, $0x370;
	_ =	sdelay $0x3  }
0xb3: {  	vm0 =	vge.f32 v12, v11  }
0xb4: {  	v12 =	vsel vm0, $0x1, v3  }
0xb5: {  	(xrf0) =	vadd.scan.msk.s32 $0xffff, v12;
	_ =	sdelay $0x4  }
0xb6: {  	s5 =	spop (v2sf)  }
.Ltmp2:
0xb7: {  	v12, _, _ =	vpop (xrf0);
	s1 =	sadd.s32 s1, s5;
	(pc) =	sbr.rel @p0 .LBB2_2-.Ltmp2, $4  }
0xb8: {  	p1 =	slt.s32 s1, $0x70;
	(v2sf) =	vpush v12, $0xF;
	s5 =	smov.u32 s1  }
0xb9: {  	v12 =	vor.u32 s0, v1;
	s0 =	smov.u32 s4;
	s5 =	simm.s32 @!p1 $0x70  }
0xba: {  	s3 =	sadd.s32 $0x10, s3;
	[tilespmem:s5+$0x18A90] =	vst.msk vm0, v12  }
0xbb: {  	s4 =	sadd.s32 $0x10, s4;
	v12 =	vld [tilespmem:s3+$0x0]  }
0xbc: {  	_ =	sdelay $0x3  }
0xbd: {  	vm0 =	vge.f32 v12, v11  }
0xbe: {  	v12 =	vsel vm0, $0x1, v3  }
0xbf: {  	(xrf0) =	vadd.scan.msk.s32 $0xffff, v12;
	_ =	sdelay $0x5  }
0xc0: {  	v12, _, _ =	vpop (xrf0)  }
0xc1: {  	(v2sf) =	vpush v12, $0xF;
	_ =	sdelay $0xd  }
0xc2: {  	s3 =	spop (v2sf)  }
0xc3: {  	s1 =	sadd.s32 s1, s3;
	s6 =	spop (v2sf)  }
0xc4: {  	p0 =	slt.s32 s1, $0x70;
	s3 =	smov.u32 s1;
	s1 =	sadd.s32 s1, s6  }
0xc5: {  	s3 =	simm.s32 @!p0 $0x70;
	p0 =	slt.s32 s1, $0x1  }
.Ltmp3:
0xc6: {  	v63 =	vor.u32 s0, v1;
	(pc) =	sbr.rel @p0 .LBB2_9-.Ltmp3, $4  }
0xc7: {  	[tilespmem:s3+$0x18A90] =	vst.msk vm0, v63  }
0xc8: {  	_ =	swait.ge [sflag:s26], $0x186A0  }
0xc9: {  	[sflag:s26] =	ssyncset.done $0x0  }
0xca: {  	[sflag:s26] =	ssyncadd.s32 $0xFFFE7960  }
0xcb: {  	s0 =	simm.s32 $0x0;
	s1 =	smin.u32 s1, $0x70  }
0xcc: {  	v12 =	vmov s0;
	p1 =	sne.s32 s1, $0x1  }
.Ltmp4:
0xcd: {  	_ = 	snop;
	(pc) =	sbr.rel @!p1 .LBB2_5-.Ltmp4, $2  }
0xce: {  	_ =	sdelay $0x2  }
0xcf: {  	s3 =	simm.s32 $0x1;
	p0 =	por $0x0, $0x0;
	v12 =	vld.idx.msk [tilespmem:v12+s28+$0x0], $0xffff  }
0xd0: {  	_ =	sdelay $0x3  }
0xd1: {  	v12 =	vshll.u32 v12, $0x7  }
0xd2: {  	v13 =	vor.u32 v1, v12;
	_ =	sdelay $0x4  }
0xd3: {  	v14 =	vld.idx.msk [tilespmem:v13+s2+$0x0], $0xffff;
	_ =	sdelay $0x2  }
0xd4: {  	v15 =	vor.u32 v4, v12  }
0xd5: {  	p0 =	por $0x1, $0x1;
	s4 =	simm.s32 $0x0  }
0xd6: {  	s4 =	simm.s32 @!p0 $0x100;
	vm0 =	vge.f32 v14, v11  }
0xd7: {  	v16 =	vsel vm0, $0x1, v3;
	[tilespmem:s4+$0x18B10] =	vst.msk vm0, v14  }
0xd8: {  	[tilespmem:s4+$0x18C20] =	vst.msk vm0, v13;
	(xrf0) =	vadd.scan.msk.s32 $0xffff, v16  }
0xd9: {  	v13 =	vld.idx.msk [tilespmem:v15+s2+$0x0], $0xffff;
	_ =	sdelay $0x4  }
0xda: {  	v14, _, _ =	vpop (xrf0);
	vm9 =	vge.f32 v13, v11  }
0xdb: {  	(v2sf) =	vpush v14, $0xF;
	v14 =	vsel vm9, $0x1, v3  }
0xdc: {  	(xrf0) =	vadd.scan.msk.s32 $0xffff, v14;
	_ =	sdelay $0x5  }
0xdd: {  	v14, _, _ =	vpop (xrf0)  }
0xde: {  	(v2sf) =	vpush v14, $0xF;
	_ =	sdelay $0x6  }
0xdf: {  	s5 =	spop (v2sf)  }
0xe0: {  	v14 =	vor.u32 v5, v12;
	s4 =	sadd.s32 $0x0, s5  }
0xe1: {  	p0 =	slt.s32 s4, $0x100;
	s5 =	smov.u32 s4  }
0xe2: {  	s5 =	simm.s32 @!p0 $0x100  }
0xe3: {  	[tilespmem:s5+$0x18B10] =	vst.msk vm9, v13  }
0xe4: {  	[tilespmem:s5+$0x18C20] =	vst.msk vm9, v15  }
0xe5: {  	v13 =	vld.idx.msk [tilespmem:v14+s2+$0x0], $0xffff;
	_ =	sdelay $0x1  }
0xe6: {  	s6 =	spop (v2sf)  }
0xe7: {  	v15 =	vor.u32 v6, v12;
	s4 =	sadd.s32 s4, s6  }
0xe8: {  	p0 =	slt.s32 s4, $0x100;
	s5 =	smov.u32 s4  }
0xe9: {  	vm10 =	vge.f32 v13, v11;
	s5 =	simm.s32 @!p0 $0x100  }
0xea: {  	v62 =	vsel vm10, $0x1, v3;
	[tilespmem:s5+$0x18B10] =	vst.msk vm10, v13  }
0xeb: {  	[tilespmem:s5+$0x18C20] =	vst.msk vm10, v14;
	(xrf0) =	vadd.scan.msk.s32 $0xffff, v62  }
0xec: {  	v13 =	vld.idx.msk [tilespmem:v15+s2+$0x0], $0xffff;
	_ =	sdelay $0x4  }
0xed: {  	v14, _, _ =	vpop (xrf0);
	vm11 =	vge.f32 v13, v11  }
0xee: {  	(v2sf) =	vpush v14, $0xF;
	v14 =	vsel vm11, $0x1, v3  }
0xef: {  	(xrf0) =	vadd.scan.msk.s32 $0xffff, v14;
	_ =	sdelay $0x5  }
0xf0: {  	v14, _, _ =	vpop (xrf0)  }
0xf1: {  	(v2sf) =	vpush v14, $0xF;
	_ =	sdelay $0x6  }
0xf2: {  	s6 =	spop (v2sf)  }
0xf3: {  	v14 =	vor.u32 v7, v12;
	s4 =	sadd.s32 s4, s6  }
0xf4: {  	p0 =	slt.s32 s4, $0x100;
	s5 =	smov.u32 s4  }
0xf5: {  	s5 =	simm.s32 @!p0 $0x100  }
0xf6: {  	[tilespmem:s5+$0x18B10] =	vst.msk vm11, v13  }
0xf7: {  	[tilespmem:s5+$0x18C20] =	vst.msk vm11, v15  }
0xf8: {  	v13 =	vld.idx.msk [tilespmem:v14+s2+$0x0], $0xffff;
	_ =	sdelay $0x1  }
0xf9: {  	s6 =	spop (v2sf)  }
0xfa: {  	v15 =	vor.u32 v8, v12;
	s4 =	sadd.s32 s4, s6  }
0xfb: {  	p0 =	slt.s32 s4, $0x100;
	s5 =	smov.u32 s4  }
0xfc: {  	vm12 =	vge.f32 v13, v11;
	s5 =	simm.s32 @!p0 $0x100  }
0xfd: {  	v63 =	vsel vm12, $0x1, v3;
	[tilespmem:s5+$0x18B10] =	vst.msk vm12, v13  }
0xfe: {  	[tilespmem:s5+$0x18C20] =	vst.msk vm12, v14;
	(xrf0) =	vadd.scan.msk.s32 $0xffff, v63  }
0xff: {  	v13 =	vld.idx.msk [tilespmem:v15+s2+$0x0], $0xffff;
	_ =	sdelay $0x4  }
0x100: {  	v14, _, _ =	vpop (xrf0);
	vm13 =	vge.f32 v13, v11  }
0x101: {  	(v2sf) =	vpush v14, $0xF;
	v14 =	vsel vm13, $0x1, v3  }
0x102: {  	(xrf0) =	vadd.scan.msk.s32 $0xffff, v14;
	_ =	sdelay $0x5  }
0x103: {  	v14, _, _ =	vpop (xrf0)  }
0x104: {  	(v2sf) =	vpush v14, $0xF;
	_ =	sdelay $0x6  }
0x105: {  	s6 =	spop (v2sf)  }
0x106: {  	v14 =	vor.u32 v9, v12;
	s4 =	sadd.s32 s4, s6  }
0x107: {  	p0 =	slt.s32 s4, $0x100;
	s5 =	smov.u32 s4  }
0x108: {  	s5 =	simm.s32 @!p0 $0x100  }
0x109: {  	[tilespmem:s5+$0x18B10] =	vst.msk vm13, v13  }
0x10a: {  	[tilespmem:s5+$0x18C20] =	vst.msk vm13, v15  }
0x10b: {  	v13 =	vld.idx.msk [tilespmem:v14+s2+$0x0], $0xffff;
	_ =	sdelay $0x1  }
0x10c: {  	s6 =	spop (v2sf)  }
0x10d: {  	v12 =	vor.u32 v10, v12;
	s4 =	sadd.s32 s4, s6  }
0x10e: {  	p0 =	slt.s32 s4, $0x100;
	s5 =	smov.u32 s4  }
0x10f: {  	vm14 =	vge.f32 v13, v11;
	s5 =	simm.s32 @!p0 $0x100  }
0x110: {  	[tilespmem:s5+$0x18B10] =	vst.msk vm14, v13;
	v13 =	vsel vm14, $0x1, v3  }
0x111: {  	[tilespmem:s5+$0x18C20] =	vst.msk vm14, v14;
	(xrf0) =	vadd.scan.msk.s32 $0xffff, v13  }
0x112: {  	v14 =	vld.idx.msk [tilespmem:v12+s2+$0x0], $0xffff;
	_ =	sdelay $0x4  }
0x113: {  	vm15 =	vge.f32 v14, v11;
	v15, _, _ =	vpop (xrf0)  }
0x114: {  	v13 =	vsel vm15, $0x1, v3;
	(v2sf) =	vpush v15, $0xF  }
0x115: {  	(xrf0) =	vadd.scan.msk.s32 $0xffff, v13;
	_ =	sdelay $0x5  }
0x116: {  	v13, _, _ =	vpop (xrf0)  }
0x117: {  	(v2sf) =	vpush v13, $0xF;
	_ =	sdelay $0x6  }
0x118: {  	s6 =	spop (v2sf)  }
0x119: {  	v13 =	vmov s3;
	s4 =	sadd.s32 s4, s6  }
0x11a: {  	p0 =	slt.s32 s4, $0x100;
	s3 =	smov.u32 s4  }
0x11b: {  	p1 =	sne.s32 s1, $0x2;
	s3 =	simm.s32 @!p0 $0x100  }
.Ltmp5:
0x11c: {  	[tilespmem:s3+$0x18B10] =	vst.msk vm15, v14;
	(pc) =	sbr.rel @!p1 .LBB2_8-.Ltmp5, $3  }
0x11d: {  	[tilespmem:s3+$0x18C20] =	vst.msk vm15, v12  }
0x11e: {  	v12 =	vld.idx.msk [tilespmem:v13+s28+$0x0], $0xffff;
	_ =	sdelay $0x1  }
0x11f: {  	p0 =	por $0x1, $0x1;
	s3 =	simm.s32 $0x2;
	s5 =	spop (v2sf)  }
.LBB2_7:
0x120: {  	s6 =	sadd.s32 s4, s5;
	s4 =	smov.u32 s3;
	s3 =	sadd.s32 $0x1, s3  }
0x121: {  	p1 =	sne.s32 s1, s3;
	p2 =	slt.s32 s6, $0x100  }
0x122: {  	v12 =	vshll.u32 v12, $0x7  }
0x123: {  	v13 =	vor.u32 v1, v12;
	_ =	sdelay $0x4  }
0x124: {  	v14 =	vld.idx.msk [tilespmem:v13+s2+$0x0], $0xffff;
	_ =	sdelay $0x3  }
0x125: {  	v15 =	vor.u32 v4, v12  }
0x126: {  	s5 =	smov.u32 s6  }
0x127: {  	s5 =	simm.s32 @!p2 $0x100;
	vm0 =	vge.f32 v14, v11  }
0x128: {  	v16 =	vsel vm0, $0x1, v3;
	[tilespmem:s5+$0x18B10] =	vst.msk vm0, v14  }
0x129: {  	[tilespmem:s5+$0x18C20] =	vst.msk vm0, v13;
	(xrf0) =	vadd.scan.msk.s32 $0xffff, v16  }
0x12a: {  	v13 =	vld.idx.msk [tilespmem:v15+s2+$0x0], $0xffff;
	_ =	sdelay $0x4  }
0x12b: {  	v14, _, _ =	vpop (xrf0)  }
0x12c: {  	vm0 =	vge.f32 v13, v11;
	(v2sf) =	vpush v14, $0xF  }
0x12d: {  	v14 =	vsel vm0, $0x1, v3  }
0x12e: {  	(xrf0) =	vadd.scan.msk.s32 $0xffff, v14;
	_ =	sdelay $0x5  }
0x12f: {  	v14, _, _ =	vpop (xrf0)  }
0x130: {  	(v2sf) =	vpush v14, $0xF;
	_ =	sdelay $0x5  }
0x131: {  	s5 =	spop (v2sf)  }
0x132: {  	v14 =	vor.u32 v5, v12;
	s5 =	sadd.s32 s6, s5  }
0x133: {  	p2 =	slt.s32 s5, $0x100;
	s6 =	smov.u32 s5  }
0x134: {  	s6 =	simm.s32 @!p2 $0x100  }
0x135: {  	[tilespmem:s6+$0x18B10] =	vst.msk vm0, v13  }
0x136: {  	[tilespmem:s6+$0x18C20] =	vst.msk vm0, v15  }
0x137: {  	v13 =	vld.idx.msk [tilespmem:v14+s2+$0x0], $0xffff;
	_ =	sdelay $0x2  }
0x138: {  	s6 =	spop (v2sf)  }
0x139: {  	v15 =	vor.u32 v6, v12;
	s5 =	sadd.s32 s5, s6  }
0x13a: {  	p2 =	slt.s32 s5, $0x100;
	s6 =	smov.u32 s5  }
0x13b: {  	vm0 =	vge.f32 v13, v11;
	s6 =	simm.s32 @!p2 $0x100  }
0x13c: {  	v16 =	vsel vm0, $0x1, v3;
	[tilespmem:s6+$0x18B10] =	vst.msk vm0, v13  }
0x13d: {  	[tilespmem:s6+$0x18C20] =	vst.msk vm0, v14;
	(xrf0) =	vadd.scan.msk.s32 $0xffff, v16  }
0x13e: {  	v13 =	vld.idx.msk [tilespmem:v15+s2+$0x0], $0xffff;
	_ =	sdelay $0x4  }
0x13f: {  	v14, _, _ =	vpop (xrf0)  }
0x140: {  	vm0 =	vge.f32 v13, v11;
	(v2sf) =	vpush v14, $0xF  }
0x141: {  	v14 =	vsel vm0, $0x1, v3  }
0x142: {  	(xrf0) =	vadd.scan.msk.s32 $0xffff, v14;
	_ =	sdelay $0x5  }
0x143: {  	v14, _, _ =	vpop (xrf0)  }
0x144: {  	(v2sf) =	vpush v14, $0xF;
	_ =	sdelay $0x5  }
0x145: {  	s6 =	spop (v2sf)  }
0x146: {  	v14 =	vor.u32 v7, v12;
	s5 =	sadd.s32 s5, s6  }
0x147: {  	p2 =	slt.s32 s5, $0x100;
	s6 =	smov.u32 s5  }
0x148: {  	s6 =	simm.s32 @!p2 $0x100  }
0x149: {  	[tilespmem:s6+$0x18B10] =	vst.msk vm0, v13  }
0x14a: {  	[tilespmem:s6+$0x18C20] =	vst.msk vm0, v15  }
0x14b: {  	v13 =	vld.idx.msk [tilespmem:v14+s2+$0x0], $0xffff;
	_ =	sdelay $0x2  }
0x14c: {  	s6 =	spop (v2sf)  }
0x14d: {  	v15 =	vor.u32 v8, v12;
	s5 =	sadd.s32 s5, s6  }
0x14e: {  	p2 =	slt.s32 s5, $0x100;
	s6 =	smov.u32 s5  }
0x14f: {  	vm0 =	vge.f32 v13, v11;
	s6 =	simm.s32 @!p2 $0x100  }
0x150: {  	v16 =	vsel vm0, $0x1, v3;
	[tilespmem:s6+$0x18B10] =	vst.msk vm0, v13  }
0x151: {  	[tilespmem:s6+$0x18C20] =	vst.msk vm0, v14;
	(xrf0) =	vadd.scan.msk.s32 $0xffff, v16  }
0x152: {  	v13 =	vld.idx.msk [tilespmem:v15+s2+$0x0], $0xffff;
	_ =	sdelay $0x4  }
0x153: {  	v14, _, _ =	vpop (xrf0)  }
0x154: {  	vm0 =	vge.f32 v13, v11;
	(v2sf) =	vpush v14, $0xF  }
0x155: {  	v14 =	vsel vm0, $0x1, v3  }
0x156: {  	(xrf0) =	vadd.scan.msk.s32 $0xffff, v14;
	_ =	sdelay $0x5  }
0x157: {  	v14, _, _ =	vpop (xrf0)  }
0x158: {  	(v2sf) =	vpush v14, $0xF;
	_ =	sdelay $0x5  }
0x159: {  	s6 =	spop (v2sf)  }
0x15a: {  	v14 =	vor.u32 v9, v12;
	s5 =	sadd.s32 s5, s6  }
0x15b: {  	p2 =	slt.s32 s5, $0x100;
	s6 =	smov.u32 s5  }
0x15c: {  	s6 =	simm.s32 @!p2 $0x100  }
0x15d: {  	[tilespmem:s6+$0x18B10] =	vst.msk vm0, v13  }
0x15e: {  	[tilespmem:s6+$0x18C20] =	vst.msk vm0, v15  }
0x15f: {  	v13 =	vld.idx.msk [tilespmem:v14+s2+$0x0], $0xffff;
	_ =	sdelay $0x2  }
0x160: {  	s6 =	spop (v2sf)  }
0x161: {  	v12 =	vor.u32 v10, v12;
	s5 =	sadd.s32 s5, s6  }
0x162: {  	p2 =	slt.s32 s5, $0x100;
	s6 =	smov.u32 s5  }
0x163: {  	vm0 =	vge.f32 v13, v11;
	s6 =	simm.s32 @!p2 $0x100  }
0x164: {  	v15 =	vsel vm0, $0x1, v3;
	[tilespmem:s6+$0x18B10] =	vst.msk vm0, v13  }
0x165: {  	[tilespmem:s6+$0x18C20] =	vst.msk vm0, v14;
	(xrf0) =	vadd.scan.msk.s32 $0xffff, v15  }
0x166: {  	v13 =	vld.idx.msk [tilespmem:v12+s2+$0x0], $0xffff;
	_ =	sdelay $0x4  }
0x167: {  	v14, _, _ =	vpop (xrf0)  }
0x168: {  	vm0 =	vge.f32 v13, v11;
	(v2sf) =	vpush v14, $0xF  }
0x169: {  	v14 =	vsel vm0, $0x1, v3  }
0x16a: {  	(xrf0) =	vadd.scan.msk.s32 $0xffff, v14;
	_ =	sdelay $0x5  }
0x16b: {  	v14, _, _ =	vpop (xrf0)  }
0x16c: {  	(v2sf) =	vpush v14, $0xF;
	_ =	sdelay $0x5  }
0x16d: {  	s6 =	spop (v2sf)  }
0x16e: {  	v14 =	vmov s4;
	s4 =	sadd.s32 s5, s6  }
0x16f: {  	p2 =	slt.s32 s4, $0x100;
	s5 =	smov.u32 s4  }
0x170: {  	s5 =	simm.s32 @!p2 $0x100  }
0x171: {  	[tilespmem:s5+$0x18B10] =	vst.msk vm0, v13  }
.Ltmp6:
0x172: {  	[tilespmem:s5+$0x18C20] =	vst.msk vm0, v12;
	(pc) =	sbr.rel @p1 .LBB2_7-.Ltmp6, $2  }
0x173: {  	v12 =	vld.idx.msk [tilespmem:v14+s28+$0x0], $0xffff;
	_ =	sdelay $0x2  }
0x174: {  	s5 =	spop (v2sf)  }
.LBB2_8:
0x175: {  	_ =	sdelay $0x1  }
0x176: {  	v12 =	vshll.u32 v12, $0x7  }
0x177: {  	v13 =	vor.u32 v1, v12;
	_ =	sdelay $0x4  }
0x178: {  	v14 =	vld.idx.msk [tilespmem:v13+s2+$0x0], $0xffff;
	_ =	sdelay $0x1  }
0x179: {  	s1 =	sadd.s32 @p0 s4, s5  }
0x17a: {  	s0 =	smov.u32 @p0 s1;
	v15 =	vor.u32 v4, v12  }
0x17b: {  	p0 =	slt.s32 s0, $0x100;
	s1 =	smov.u32 s0  }
0x17c: {  	s1 =	simm.s32 @!p0 $0x100;
	vm0 =	vge.f32 v14, v11  }
0x17d: {  	v16 =	vsel vm0, $0x1, v3;
	[tilespmem:s1+$0x18B10] =	vst.msk vm0, v14  }
0x17e: {  	[tilespmem:s1+$0x18C20] =	vst.msk vm0, v13;
	(xrf0) =	vadd.scan.msk.s32 $0xffff, v16  }
0x17f: {  	v13 =	vld.idx.msk [tilespmem:v15+s2+$0x0], $0xffff;
	_ =	sdelay $0x4  }
0x180: {  	v50, _, _ =	vpop (xrf0);
	vm9 =	vge.f32 v13, v11  }
0x181: {  	(v2sf) =	vpush v50, $0xF;
	v51 =	vsel vm9, $0x1, v3  }
0x182: {  	(xrf0) =	vadd.scan.msk.s32 $0xffff, v51;
	_ =	sdelay $0x5  }
0x183: {  	v14, _, _ =	vpop (xrf0)  }
0x184: {  	(v2sf) =	vpush v14, $0xF;
	_ =	sdelay $0x6  }
0x185: {  	s3 =	spop (v2sf)  }
0x186: {  	v52 =	vor.u32 v5, v12;
	s0 =	sadd.s32 s0, s3  }
0x187: {  	p0 =	slt.s32 s0, $0x100;
	s1 =	smov.u32 s0  }
0x188: {  	s1 =	simm.s32 @!p0 $0x100  }
0x189: {  	[tilespmem:s1+$0x18B10] =	vst.msk vm9, v13  }
0x18a: {  	[tilespmem:s1+$0x18C20] =	vst.msk vm9, v15  }
0x18b: {  	v13 =	vld.idx.msk [tilespmem:v52+s2+$0x0], $0xffff;
	_ =	sdelay $0x1  }
0x18c: {  	s4 =	spop (v2sf)  }
0x18d: {  	v53 =	vor.u32 v6, v12;
	s0 =	sadd.s32 s0, s4  }
0x18e: {  	p0 =	slt.s32 s0, $0x100;
	s1 =	smov.u32 s0  }
0x18f: {  	vm10 =	vge.f32 v13, v11;
	s1 =	simm.s32 @!p0 $0x100  }
0x190: {  	v54 =	vsel vm10, $0x1, v3;
	[tilespmem:s1+$0x18B10] =	vst.msk vm10, v13  }
0x191: {  	[tilespmem:s1+$0x18C20] =	vst.msk vm10, v52;
	(xrf0) =	vadd.scan.msk.s32 $0xffff, v54  }
0x192: {  	v13 =	vld.idx.msk [tilespmem:v53+s2+$0x0], $0xffff;
	_ =	sdelay $0x4  }
0x193: {  	v55, _, _ =	vpop (xrf0);
	vm11 =	vge.f32 v13, v11  }
0x194: {  	(v2sf) =	vpush v55, $0xF;
	v56 =	vsel vm11, $0x1, v3  }
0x195: {  	(xrf0) =	vadd.scan.msk.s32 $0xffff, v56;
	_ =	sdelay $0x5  }
0x196: {  	v14, _, _ =	vpop (xrf0)  }
0x197: {  	(v2sf) =	vpush v14, $0xF;
	_ =	sdelay $0x6  }
0x198: {  	s5 =	spop (v2sf)  }
0x199: {  	v57 =	vor.u32 v7, v12;
	s0 =	sadd.s32 s0, s5  }
0x19a: {  	p0 =	slt.s32 s0, $0x100;
	s1 =	smov.u32 s0  }
0x19b: {  	s1 =	simm.s32 @!p0 $0x100  }
0x19c: {  	[tilespmem:s1+$0x18B10] =	vst.msk vm11, v13  }
0x19d: {  	[tilespmem:s1+$0x18C20] =	vst.msk vm11, v53  }
0x19e: {  	v13 =	vld.idx.msk [tilespmem:v57+s2+$0x0], $0xffff;
	_ =	sdelay $0x1  }
0x19f: {  	s6 =	spop (v2sf)  }
0x1a0: {  	v58 =	vor.u32 v8, v12;
	s0 =	sadd.s32 s0, s6  }
0x1a1: {  	p0 =	slt.s32 s0, $0x100;
	s1 =	smov.u32 s0  }
0x1a2: {  	vm12 =	vge.f32 v13, v11;
	s1 =	simm.s32 @!p0 $0x100  }
0x1a3: {  	v59 =	vsel vm12, $0x1, v3;
	[tilespmem:s1+$0x18B10] =	vst.msk vm12, v13  }
0x1a4: {  	[tilespmem:s1+$0x18C20] =	vst.msk vm12, v57;
	(xrf0) =	vadd.scan.msk.s32 $0xffff, v59  }
0x1a5: {  	v13 =	vld.idx.msk [tilespmem:v58+s2+$0x0], $0xffff;
	_ =	sdelay $0x4  }
0x1a6: {  	v60, _, _ =	vpop (xrf0);
	vm13 =	vge.f32 v13, v11  }
0x1a7: {  	(v2sf) =	vpush v60, $0xF;
	v61 =	vsel vm13, $0x1, v3  }
0x1a8: {  	(xrf0) =	vadd.scan.msk.s32 $0xffff, v61;
	_ =	sdelay $0x5  }
0x1a9: {  	v14, _, _ =	vpop (xrf0)  }
0x1aa: {  	(v2sf) =	vpush v14, $0xF;
	_ =	sdelay $0x6  }
0x1ab: {  	s3 =	spop (v2sf)  }
0x1ac: {  	v62 =	vor.u32 v9, v12;
	s0 =	sadd.s32 s0, s3  }
0x1ad: {  	p0 =	slt.s32 s0, $0x100;
	s1 =	smov.u32 s0  }
0x1ae: {  	s1 =	simm.s32 @!p0 $0x100  }
0x1af: {  	[tilespmem:s1+$0x18B10] =	vst.msk vm13, v13  }
0x1b0: {  	[tilespmem:s1+$0x18C20] =	vst.msk vm13, v58  }
0x1b1: {  	v13 =	vld.idx.msk [tilespmem:v62+s2+$0x0], $0xffff;
	_ =	sdelay $0x1  }
0x1b2: {  	s4 =	spop (v2sf)  }
0x1b3: {  	v12 =	vor.u32 v10, v12;
	s0 =	sadd.s32 s0, s4  }
0x1b4: {  	p0 =	slt.s32 s0, $0x100;
	s1 =	smov.u32 s0  }
0x1b5: {  	vm14 =	vge.f32 v13, v11;
	s1 =	simm.s32 @!p0 $0x100  }
0x1b6: {  	[tilespmem:s1+$0x18B10] =	vst.msk vm14, v13  }
0x1b7: {  	[tilespmem:s1+$0x18C20] =	vst.msk vm14, v62  }
0x1b8: {  	v13 =	vld.idx.msk [tilespmem:v12+s2+$0x0], $0xffff;
	_ =	sdelay $0x1  }
0x1b9: {  	v63 =	vsel vm14, $0x1, v3  }
0x1ba: {  	(xrf0) =	vadd.scan.msk.s32 $0xffff, v63;
	_ =	sdelay $0x1  }
0x1bb: {  	vm15 =	vge.f32 v13, v11  }
0x1bc: {  	v11 =	vsel vm15, $0x1, v3;
	_ =	sdelay $0x1  }
0x1bd: {  	(xrf0) =	vadd.scan.msk.s32 $0xffff, v11  }
0x1be: {  	v11, _, _ =	vpop (xrf0)  }
0x1bf: {  	(v2sf) =	vpush v11, $0xF;
	_ =	sdelay $0x3  }
0x1c0: {  	v11, _, _ =	vpop (xrf0)  }
0x1c1: {  	(v2sf) =	vpush v11, $0xF;
	_ =	sdelay $0x9  }
0x1c2: {  	s5 =	spop (v2sf)  }
0x1c3: {  	s0 =	sadd.s32 s0, s5  }
0x1c4: {  	p0 =	slt.s32 s0, $0x100  }
0x1c5: {  	s0 =	simm.s32 @!p0 $0x100  }
0x1c6: {  	[tilespmem:s0+$0x18B10] =	vst.msk vm15, v13  }
0x1c7: {  	s6 =	spop (v2sf);
	[tilespmem:s0+$0x18C20] =	vst.msk vm15, v12  }
.LBB2_9:
0x1c8: {  	s0 =	simm.s32 $0x0;
	s1 =	rddreg [dreg:$0x6]  }
0x1c9: {  	[hbm4b:s1+s0] =	stream.linear.scatter [tilespmem:s29], [sflag:$0x2], $0x100, $0x38;
	[tilespmem:$0x18D30] =	vst v63  }
0x1ca: {  	_ =	swait.ge [sflag:s25], $0x100  }
0x1cb: {  	[sflag:s25] =	ssyncset.done $0x0  }
0x1cc: {  	[sflag:s25] =	ssyncadd.s32 $0xFFFFFF00  }
0x1cd: {  	[hbm4b:s7+s0] =	stream.linear.scatter [tilespmem:s30], [sflag:$0x2], $0x100, $0x38;
	[tilespmem:$0x18D30] =	vst v63  }
0x1ce: {  	_ =	swait.ge [sflag:s25], $0x100  }
0x1cf: {  	[sflag:s25] =	ssyncset.done $0x0  }
0x1d0: {  	[sflag:s25] =	ssyncadd.s32 $0xFFFFFF00  }
0x1d1: {  	[tilespmem:s0], [sflag:$0x1] =	stream.linear.gather [hbm4b:s8+s0], $0x186A0, $0x38;
	[tilespmem:$0x18D30] =	vst v63  }
0x1d2: {  	_ = 	snop  }
0x1d3: {  	[tilespmem:s24], [sflag:$0x2] =	stream.linear.gather [hbm4b:s9+s0], $0x10, $0x38;
	[tilespmem:$0x18D30] =	vst v63  }
0x1d4: {  	_ =	swait.ge [sflag:s25], $0x10  }
0x1d5: {  	[sflag:s25] =	ssyncset.done $0x0  }
0x1d6: {  	s6 =	simm.s32 $0x18700;
	[sflag:s25] =	ssyncadd.s32 $0xFFFFFFF0  }
0x1d7: {  	[tilespmem:s6], [sflag:$0x2] =	stream.linear.gather [hbm4b:s10+s0], $0x380, $0x38;
	[tilespmem:$0x18D30] =	vst v63  }
0x1d8: {  	_ =	swait.ge [sflag:s25], $0x380  }
0x1d9: {  	[sflag:s25] =	ssyncset.done $0x0  }
0x1da: {  	[sflag:s25] =	ssyncadd.s32 $0xFFFFFC80  }
0x1db: {  	[tilespmem:$0x186A0] =	vst v0  }
0x1dc: {  	[tilespmem:$0x186B0] =	vst v0  }
0x1dd: {  	[tilespmem:$0x186C0] =	vst v0  }
0x1de: {  	[tilespmem:$0x186D0] =	vst v0  }
0x1df: {  	[tilespmem:$0x186E0] =	vst v0  }
0x1e0: {  	[tilespmem:$0x186F0] =	vst v0  }
0x1e1: {  	[tilespmem:$0x18B10] =	vst v2  }
0x1e2: {  	[tilespmem:$0x18C20] =	vst v3  }
0x1e3: {  	[tilespmem:$0x18B20] =	vst v2  }
0x1e4: {  	[tilespmem:$0x18C30] =	vst v3  }
0x1e5: {  	[tilespmem:$0x18B30] =	vst v2  }
0x1e6: {  	[tilespmem:$0x18C40] =	vst v3  }
0x1e7: {  	[tilespmem:$0x18B40] =	vst v2  }
0x1e8: {  	[tilespmem:$0x18C50] =	vst v3  }
0x1e9: {  	[tilespmem:$0x18B50] =	vst v2  }
0x1ea: {  	[tilespmem:$0x18C60] =	vst v3  }
0x1eb: {  	[tilespmem:$0x18B60] =	vst v2  }
0x1ec: {  	[tilespmem:$0x18C70] =	vst v3  }
0x1ed: {  	[tilespmem:$0x18B70] =	vst v2  }
0x1ee: {  	[tilespmem:$0x18C80] =	vst v3  }
0x1ef: {  	[tilespmem:$0x18B80] =	vst v2  }
0x1f0: {  	[tilespmem:$0x18C90] =	vst v3  }
0x1f1: {  	[tilespmem:$0x18B90] =	vst v2  }
0x1f2: {  	[tilespmem:$0x18CA0] =	vst v3  }
0x1f3: {  	[tilespmem:$0x18BA0] =	vst v2  }
0x1f4: {  	[tilespmem:$0x18CB0] =	vst v3  }
0x1f5: {  	[tilespmem:$0x18BB0] =	vst v2  }
0x1f6: {  	[tilespmem:$0x18CC0] =	vst v3  }
0x1f7: {  	[tilespmem:$0x18BC0] =	vst v2  }
0x1f8: {  	[tilespmem:$0x18CD0] =	vst v3  }
0x1f9: {  	[tilespmem:$0x18BD0] =	vst v2  }
0x1fa: {  	[tilespmem:$0x18CE0] =	vst v3  }
0x1fb: {  	[tilespmem:$0x18BE0] =	vst v2  }
0x1fc: {  	[tilespmem:$0x18CF0] =	vst v3  }
0x1fd: {  	[tilespmem:$0x18BF0] =	vst v2  }
0x1fe: {  	[tilespmem:$0x18D00] =	vst v3  }
0x1ff: {  	[tilespmem:$0x18C00] =	vst v2  }
0x200: {  	[tilespmem:$0x18D10] =	vst v3  }
0x201: {  	[tilespmem:$0x18C10] =	vst v2  }
0x202: {  	v11 =	vld [tilespmem:$0x18A80];
	[tilespmem:$0x18D20] =	vst v3  }
0x203: {  	v12 =	vld [tilespmem:s6+$0x0];
	_ =	sdelay $0x4  }
0x204: {  	vm0 =	vge.f32 v12, v11  }
0x205: {  	v12 =	vsel vm0, $0x1, v3  }
0x206: {  	(xrf0) =	vadd.scan.msk.s32 $0xffff, v12;
	_ =	sdelay $0x2  }
0x207: {  	v12 =	vor.u32 s0, v1  }
0x208: {  	p0 =	por $0x1, $0x1;
	s1 =	simm.s32 $0x0  }
0x209: {  	s1 =	simm.s32 @!p0 $0x70  }
0x20a: {  	[tilespmem:s1+$0x18A90] =	vst.msk vm0, v12;
	v12, _, _ =	vpop (xrf0)  }
0x20b: {  	(v2sf) =	vpush v12, $0xF;
	_ =	sdelay $0x1  }
0x20c: {  	s3 =	simm.s32 $0x18710  }
0x20d: {  	s4 =	simm.s32 $0x20;
	s1 =	simm.s32 $0x10;
	v12 =	vld [tilespmem:s3+$0x0]  }
.LBB2_10:
0x20e: {  	p0 =	sne.s32 s4, $0x370;
	_ =	sdelay $0x3  }
0x20f: {  	vm0 =	vge.f32 v12, v11  }
0x210: {  	v12 =	vsel vm0, $0x1, v3  }
0x211: {  	(xrf0) =	vadd.scan.msk.s32 $0xffff, v12;
	_ =	sdelay $0x4  }
0x212: {  	s5 =	spop (v2sf)  }
.Ltmp7:
0x213: {  	v12, _, _ =	vpop (xrf0);
	s0 =	sadd.s32 s0, s5;
	(pc) =	sbr.rel @p0 .LBB2_10-.Ltmp7, $4  }
0x214: {  	p1 =	slt.s32 s0, $0x70;
	(v2sf) =	vpush v12, $0xF;
	s5 =	smov.u32 s0  }
0x215: {  	v12 =	vor.u32 s1, v1;
	s1 =	smov.u32 s4;
	s5 =	simm.s32 @!p1 $0x70  }
0x216: {  	s3 =	sadd.s32 $0x10, s3;
	[tilespmem:s5+$0x18A90] =	vst.msk vm0, v12  }
0x217: {  	s4 =	sadd.s32 $0x10, s4;
	v12 =	vld [tilespmem:s3+$0x0]  }
0x218: {  	_ =	sdelay $0x3  }
0x219: {  	vm0 =	vge.f32 v12, v11  }
0x21a: {  	v12 =	vsel vm0, $0x1, v3  }
0x21b: {  	(xrf0) =	vadd.scan.msk.s32 $0xffff, v12;
	_ =	sdelay $0x5  }
0x21c: {  	v12, _, _ =	vpop (xrf0)  }
0x21d: {  	(v2sf) =	vpush v12, $0xF;
	_ =	sdelay $0xd  }
0x21e: {  	s3 =	spop (v2sf)  }
0x21f: {  	s0 =	sadd.s32 s0, s3;
	s6 =	spop (v2sf)  }
0x220: {  	v63 =	vor.u32 s1, v1;
	p0 =	slt.s32 s0, $0x70;
	s3 =	smov.u32 s0;
	s1 =	sadd.s32 s0, s6  }
0x221: {  	s3 =	simm.s32 @!p0 $0x70;
	p0 =	slt.s32 s1, $0x1  }
.Ltmp8:
0x222: {  	_ = 	snop;
	(pc) =	sbr.rel @p0 .LBB2_17-.Ltmp8, $4  }
0x223: {  	[tilespmem:s3+$0x18A90] =	vst.msk vm0, v63  }
0x224: {  	_ =	swait.ge [sflag:s26], $0x186A0  }
0x225: {  	[sflag:s26] =	ssyncset.done $0x0  }
0x226: {  	[sflag:s26] =	ssyncadd.s32 $0xFFFE7960  }
0x227: {  	s0 =	simm.s32 $0x0;
	s1 =	smin.u32 s1, $0x70  }
0x228: {  	v12 =	vmov s0;
	p1 =	sne.s32 s1, $0x1  }
.Ltmp9:
0x229: {  	_ = 	snop;
	(pc) =	sbr.rel @!p1 .LBB2_13-.Ltmp9, $2  }
0x22a: {  	_ =	sdelay $0x2  }
0x22b: {  	s3 =	simm.s32 $0x1;
	p0 =	por $0x0, $0x0;
	v12 =	vld.idx.msk [tilespmem:v12+s28+$0x0], $0xffff  }
0x22c: {  	_ =	sdelay $0x3  }
0x22d: {  	v12 =	vshll.u32 v12, $0x7  }
0x22e: {  	v13 =	vor.u32 v1, v12;
	_ =	sdelay $0x4  }
0x22f: {  	v14 =	vld.idx.msk [tilespmem:v13+s2+$0x0], $0xffff;
	_ =	sdelay $0x2  }
0x230: {  	v15 =	vor.u32 v4, v12  }
0x231: {  	p0 =	por $0x1, $0x1;
	s4 =	simm.s32 $0x0  }
0x232: {  	s4 =	simm.s32 @!p0 $0x100;
	vm0 =	vge.f32 v14, v11  }
0x233: {  	v16 =	vsel vm0, $0x1, v3;
	[tilespmem:s4+$0x18B10] =	vst.msk vm0, v14  }
0x234: {  	[tilespmem:s4+$0x18C20] =	vst.msk vm0, v13;
	(xrf0) =	vadd.scan.msk.s32 $0xffff, v16  }
0x235: {  	v13 =	vld.idx.msk [tilespmem:v15+s2+$0x0], $0xffff;
	_ =	sdelay $0x4  }
0x236: {  	v14, _, _ =	vpop (xrf0);
	vm9 =	vge.f32 v13, v11  }
0x237: {  	(v2sf) =	vpush v14, $0xF;
	v14 =	vsel vm9, $0x1, v3  }
0x238: {  	(xrf0) =	vadd.scan.msk.s32 $0xffff, v14;
	_ =	sdelay $0x5  }
0x239: {  	v14, _, _ =	vpop (xrf0)  }
0x23a: {  	(v2sf) =	vpush v14, $0xF;
	_ =	sdelay $0x6  }
0x23b: {  	s5 =	spop (v2sf)  }
0x23c: {  	v14 =	vor.u32 v5, v12;
	s4 =	sadd.s32 $0x0, s5  }
0x23d: {  	p0 =	slt.s32 s4, $0x100;
	s5 =	smov.u32 s4  }
0x23e: {  	s5 =	simm.s32 @!p0 $0x100  }
0x23f: {  	[tilespmem:s5+$0x18B10] =	vst.msk vm9, v13  }
0x240: {  	[tilespmem:s5+$0x18C20] =	vst.msk vm9, v15  }
0x241: {  	v13 =	vld.idx.msk [tilespmem:v14+s2+$0x0], $0xffff;
	_ =	sdelay $0x1  }
0x242: {  	s6 =	spop (v2sf)  }
0x243: {  	v15 =	vor.u32 v6, v12;
	s4 =	sadd.s32 s4, s6  }
0x244: {  	p0 =	slt.s32 s4, $0x100;
	s5 =	smov.u32 s4  }
0x245: {  	vm10 =	vge.f32 v13, v11;
	s5 =	simm.s32 @!p0 $0x100  }
0x246: {  	v62 =	vsel vm10, $0x1, v3;
	[tilespmem:s5+$0x18B10] =	vst.msk vm10, v13  }
0x247: {  	[tilespmem:s5+$0x18C20] =	vst.msk vm10, v14;
	(xrf0) =	vadd.scan.msk.s32 $0xffff, v62  }
0x248: {  	v13 =	vld.idx.msk [tilespmem:v15+s2+$0x0], $0xffff;
	_ =	sdelay $0x4  }
0x249: {  	v14, _, _ =	vpop (xrf0);
	vm11 =	vge.f32 v13, v11  }
0x24a: {  	(v2sf) =	vpush v14, $0xF;
	v14 =	vsel vm11, $0x1, v3  }
0x24b: {  	(xrf0) =	vadd.scan.msk.s32 $0xffff, v14;
	_ =	sdelay $0x5  }
0x24c: {  	v14, _, _ =	vpop (xrf0)  }
0x24d: {  	(v2sf) =	vpush v14, $0xF;
	_ =	sdelay $0x6  }
0x24e: {  	s6 =	spop (v2sf)  }
0x24f: {  	v14 =	vor.u32 v7, v12;
	s4 =	sadd.s32 s4, s6  }
0x250: {  	p0 =	slt.s32 s4, $0x100;
	s5 =	smov.u32 s4  }
0x251: {  	s5 =	simm.s32 @!p0 $0x100  }
0x252: {  	[tilespmem:s5+$0x18B10] =	vst.msk vm11, v13  }
0x253: {  	[tilespmem:s5+$0x18C20] =	vst.msk vm11, v15  }
0x254: {  	v13 =	vld.idx.msk [tilespmem:v14+s2+$0x0], $0xffff;
	_ =	sdelay $0x1  }
0x255: {  	s6 =	spop (v2sf)  }
0x256: {  	v15 =	vor.u32 v8, v12;
	s4 =	sadd.s32 s4, s6  }
0x257: {  	p0 =	slt.s32 s4, $0x100;
	s5 =	smov.u32 s4  }
0x258: {  	vm12 =	vge.f32 v13, v11;
	s5 =	simm.s32 @!p0 $0x100  }
0x259: {  	v63 =	vsel vm12, $0x1, v3;
	[tilespmem:s5+$0x18B10] =	vst.msk vm12, v13  }
0x25a: {  	[tilespmem:s5+$0x18C20] =	vst.msk vm12, v14;
	(xrf0) =	vadd.scan.msk.s32 $0xffff, v63  }
0x25b: {  	v13 =	vld.idx.msk [tilespmem:v15+s2+$0x0], $0xffff;
	_ =	sdelay $0x4  }
0x25c: {  	v14, _, _ =	vpop (xrf0);
	vm13 =	vge.f32 v13, v11  }
0x25d: {  	(v2sf) =	vpush v14, $0xF;
	v14 =	vsel vm13, $0x1, v3  }
0x25e: {  	(xrf0) =	vadd.scan.msk.s32 $0xffff, v14;
	_ =	sdelay $0x5  }
0x25f: {  	v14, _, _ =	vpop (xrf0)  }
0x260: {  	(v2sf) =	vpush v14, $0xF;
	_ =	sdelay $0x6  }
0x261: {  	s6 =	spop (v2sf)  }
0x262: {  	v14 =	vor.u32 v9, v12;
	s4 =	sadd.s32 s4, s6  }
0x263: {  	p0 =	slt.s32 s4, $0x100;
	s5 =	smov.u32 s4  }
0x264: {  	s5 =	simm.s32 @!p0 $0x100  }
0x265: {  	[tilespmem:s5+$0x18B10] =	vst.msk vm13, v13  }
0x266: {  	[tilespmem:s5+$0x18C20] =	vst.msk vm13, v15  }
0x267: {  	v13 =	vld.idx.msk [tilespmem:v14+s2+$0x0], $0xffff;
	_ =	sdelay $0x1  }
0x268: {  	s6 =	spop (v2sf)  }
0x269: {  	v12 =	vor.u32 v10, v12;
	s4 =	sadd.s32 s4, s6  }
0x26a: {  	p0 =	slt.s32 s4, $0x100;
	s5 =	smov.u32 s4  }
0x26b: {  	vm14 =	vge.f32 v13, v11;
	s5 =	simm.s32 @!p0 $0x100  }
0x26c: {  	[tilespmem:s5+$0x18B10] =	vst.msk vm14, v13;
	v13 =	vsel vm14, $0x1, v3  }
0x26d: {  	[tilespmem:s5+$0x18C20] =	vst.msk vm14, v14;
	(xrf0) =	vadd.scan.msk.s32 $0xffff, v13  }
0x26e: {  	v14 =	vld.idx.msk [tilespmem:v12+s2+$0x0], $0xffff;
	_ =	sdelay $0x4  }
0x26f: {  	vm15 =	vge.f32 v14, v11;
	v15, _, _ =	vpop (xrf0)  }
0x270: {  	v13 =	vsel vm15, $0x1, v3;
	(v2sf) =	vpush v15, $0xF  }
0x271: {  	(xrf0) =	vadd.scan.msk.s32 $0xffff, v13;
	_ =	sdelay $0x5  }
0x272: {  	v13, _, _ =	vpop (xrf0)  }
0x273: {  	(v2sf) =	vpush v13, $0xF;
	_ =	sdelay $0x6  }
0x274: {  	s6 =	spop (v2sf)  }
0x275: {  	v13 =	vmov s3;
	s4 =	sadd.s32 s4, s6  }
0x276: {  	p0 =	slt.s32 s4, $0x100;
	s3 =	smov.u32 s4  }
0x277: {  	p1 =	sne.s32 s1, $0x2;
	s3 =	simm.s32 @!p0 $0x100  }
.Ltmp10:
0x278: {  	[tilespmem:s3+$0x18B10] =	vst.msk vm15, v14;
	(pc) =	sbr.rel @!p1 .LBB2_16-.Ltmp10, $3  }
0x279: {  	[tilespmem:s3+$0x18C20] =	vst.msk vm15, v12  }
0x27a: {  	v12 =	vld.idx.msk [tilespmem:v13+s28+$0x0], $0xffff;
	_ =	sdelay $0x1  }
0x27b: {  	p0 =	por $0x1, $0x1;
	s3 =	simm.s32 $0x2;
	s5 =	spop (v2sf)  }
.LBB2_15:
0x27c: {  	s5 =	sadd.s32 s4, s5;
	s4 =	smov.u32 s3;
	s3 =	sadd.s32 $0x1, s3  }
0x27d: {  	p1 =	sne.s32 s1, s3;
	p2 =	slt.s32 s5, $0x100  }
0x27e: {  	v12 =	vshll.u32 v12, $0x7  }
0x27f: {  	v13 =	vor.u32 v1, v12;
	_ =	sdelay $0x4  }
0x280: {  	v14 =	vld.idx.msk [tilespmem:v13+s2+$0x0], $0xffff;
	_ =	sdelay $0x3  }
0x281: {  	v15 =	vor.u32 v4, v12  }
0x282: {  	s6 =	smov.u32 s5  }
0x283: {  	s6 =	simm.s32 @!p2 $0x100;
	vm0 =	vge.f32 v14, v11  }
0x284: {  	v16 =	vsel vm0, $0x1, v3;
	[tilespmem:s6+$0x18B10] =	vst.msk vm0, v14  }
0x285: {  	[tilespmem:s6+$0x18C20] =	vst.msk vm0, v13;
	(xrf0) =	vadd.scan.msk.s32 $0xffff, v16  }
0x286: {  	v13 =	vld.idx.msk [tilespmem:v15+s2+$0x0], $0xffff;
	_ =	sdelay $0x4  }
0x287: {  	v14, _, _ =	vpop (xrf0)  }
0x288: {  	vm0 =	vge.f32 v13, v11;
	(v2sf) =	vpush v14, $0xF  }
0x289: {  	v14 =	vsel vm0, $0x1, v3  }
0x28a: {  	(xrf0) =	vadd.scan.msk.s32 $0xffff, v14;
	_ =	sdelay $0x5  }
0x28b: {  	v14, _, _ =	vpop (xrf0)  }
0x28c: {  	(v2sf) =	vpush v14, $0xF;
	_ =	sdelay $0x5  }
0x28d: {  	s6 =	spop (v2sf)  }
0x28e: {  	v14 =	vor.u32 v5, v12;
	s5 =	sadd.s32 s5, s6  }
0x28f: {  	p2 =	slt.s32 s5, $0x100;
	s6 =	smov.u32 s5  }
0x290: {  	s6 =	simm.s32 @!p2 $0x100  }
0x291: {  	[tilespmem:s6+$0x18B10] =	vst.msk vm0, v13  }
0x292: {  	[tilespmem:s6+$0x18C20] =	vst.msk vm0, v15  }
0x293: {  	v13 =	vld.idx.msk [tilespmem:v14+s2+$0x0], $0xffff;
	_ =	sdelay $0x2  }
0x294: {  	s6 =	spop (v2sf)  }
0x295: {  	v15 =	vor.u32 v6, v12;
	s5 =	sadd.s32 s5, s6  }
0x296: {  	p2 =	slt.s32 s5, $0x100;
	s6 =	smov.u32 s5  }
0x297: {  	vm0 =	vge.f32 v13, v11;
	s6 =	simm.s32 @!p2 $0x100  }
0x298: {  	v16 =	vsel vm0, $0x1, v3;
	[tilespmem:s6+$0x18B10] =	vst.msk vm0, v13  }
0x299: {  	[tilespmem:s6+$0x18C20] =	vst.msk vm0, v14;
	(xrf0) =	vadd.scan.msk.s32 $0xffff, v16  }
0x29a: {  	v13 =	vld.idx.msk [tilespmem:v15+s2+$0x0], $0xffff;
	_ =	sdelay $0x4  }
0x29b: {  	v14, _, _ =	vpop (xrf0)  }
0x29c: {  	vm0 =	vge.f32 v13, v11;
	(v2sf) =	vpush v14, $0xF  }
0x29d: {  	v14 =	vsel vm0, $0x1, v3  }
0x29e: {  	(xrf0) =	vadd.scan.msk.s32 $0xffff, v14;
	_ =	sdelay $0x5  }
0x29f: {  	v14, _, _ =	vpop (xrf0)  }
0x2a0: {  	(v2sf) =	vpush v14, $0xF;
	_ =	sdelay $0x5  }
0x2a1: {  	s6 =	spop (v2sf)  }
0x2a2: {  	v14 =	vor.u32 v7, v12;
	s5 =	sadd.s32 s5, s6  }
0x2a3: {  	p2 =	slt.s32 s5, $0x100;
	s6 =	smov.u32 s5  }
0x2a4: {  	s6 =	simm.s32 @!p2 $0x100  }
0x2a5: {  	[tilespmem:s6+$0x18B10] =	vst.msk vm0, v13  }
0x2a6: {  	[tilespmem:s6+$0x18C20] =	vst.msk vm0, v15  }
0x2a7: {  	v13 =	vld.idx.msk [tilespmem:v14+s2+$0x0], $0xffff;
	_ =	sdelay $0x2  }
0x2a8: {  	s6 =	spop (v2sf)  }
0x2a9: {  	v15 =	vor.u32 v8, v12;
	s5 =	sadd.s32 s5, s6  }
0x2aa: {  	p2 =	slt.s32 s5, $0x100;
	s6 =	smov.u32 s5  }
0x2ab: {  	vm0 =	vge.f32 v13, v11;
	s6 =	simm.s32 @!p2 $0x100  }
0x2ac: {  	v16 =	vsel vm0, $0x1, v3;
	[tilespmem:s6+$0x18B10] =	vst.msk vm0, v13  }
0x2ad: {  	[tilespmem:s6+$0x18C20] =	vst.msk vm0, v14;
	(xrf0) =	vadd.scan.msk.s32 $0xffff, v16  }
0x2ae: {  	v13 =	vld.idx.msk [tilespmem:v15+s2+$0x0], $0xffff;
	_ =	sdelay $0x4  }
0x2af: {  	v14, _, _ =	vpop (xrf0)  }
0x2b0: {  	vm0 =	vge.f32 v13, v11;
	(v2sf) =	vpush v14, $0xF  }
0x2b1: {  	v14 =	vsel vm0, $0x1, v3  }
0x2b2: {  	(xrf0) =	vadd.scan.msk.s32 $0xffff, v14;
	_ =	sdelay $0x5  }
0x2b3: {  	v14, _, _ =	vpop (xrf0)  }
0x2b4: {  	(v2sf) =	vpush v14, $0xF;
	_ =	sdelay $0x5  }
0x2b5: {  	s6 =	spop (v2sf)  }
0x2b6: {  	v14 =	vor.u32 v9, v12;
	s5 =	sadd.s32 s5, s6  }
0x2b7: {  	p2 =	slt.s32 s5, $0x100;
	s6 =	smov.u32 s5  }
0x2b8: {  	s6 =	simm.s32 @!p2 $0x100  }
0x2b9: {  	[tilespmem:s6+$0x18B10] =	vst.msk vm0, v13  }
0x2ba: {  	[tilespmem:s6+$0x18C20] =	vst.msk vm0, v15  }
0x2bb: {  	v13 =	vld.idx.msk [tilespmem:v14+s2+$0x0], $0xffff;
	_ =	sdelay $0x2  }
0x2bc: {  	s6 =	spop (v2sf)  }
0x2bd: {  	v12 =	vor.u32 v10, v12;
	s5 =	sadd.s32 s5, s6  }
0x2be: {  	p2 =	slt.s32 s5, $0x100;
	s6 =	smov.u32 s5  }
0x2bf: {  	vm0 =	vge.f32 v13, v11;
	s6 =	simm.s32 @!p2 $0x100  }
0x2c0: {  	v15 =	vsel vm0, $0x1, v3;
	[tilespmem:s6+$0x18B10] =	vst.msk vm0, v13  }
0x2c1: {  	[tilespmem:s6+$0x18C20] =	vst.msk vm0, v14;
	(xrf0) =	vadd.scan.msk.s32 $0xffff, v15  }
0x2c2: {  	v13 =	vld.idx.msk [tilespmem:v12+s2+$0x0], $0xffff;
	_ =	sdelay $0x4  }
0x2c3: {  	v14, _, _ =	vpop (xrf0)  }
0x2c4: {  	vm0 =	vge.f32 v13, v11;
	(v2sf) =	vpush v14, $0xF  }
0x2c5: {  	v14 =	vsel vm0, $0x1, v3  }
0x2c6: {  	(xrf0) =	vadd.scan.msk.s32 $0xffff, v14;
	_ =	sdelay $0x5  }
0x2c7: {  	v14, _, _ =	vpop (xrf0)  }
0x2c8: {  	(v2sf) =	vpush v14, $0xF;
	_ =	sdelay $0x5  }
0x2c9: {  	s6 =	spop (v2sf)  }
0x2ca: {  	v14 =	vmov s4;
	s4 =	sadd.s32 s5, s6  }
0x2cb: {  	p2 =	slt.s32 s4, $0x100;
	s5 =	smov.u32 s4  }
0x2cc: {  	s5 =	simm.s32 @!p2 $0x100  }
0x2cd: {  	[tilespmem:s5+$0x18B10] =	vst.msk vm0, v13  }
.Ltmp11:
0x2ce: {  	[tilespmem:s5+$0x18C20] =	vst.msk vm0, v12;
	(pc) =	sbr.rel @p1 .LBB2_15-.Ltmp11, $2  }
0x2cf: {  	v12 =	vld.idx.msk [tilespmem:v14+s28+$0x0], $0xffff;
	_ =	sdelay $0x2  }
0x2d0: {  	s5 =	spop (v2sf)  }
.LBB2_16:
0x2d1: {  	_ =	sdelay $0x1  }
0x2d2: {  	v12 =	vshll.u32 v12, $0x7  }
0x2d3: {  	v13 =	vor.u32 v1, v12;
	_ =	sdelay $0x4  }
0x2d4: {  	v14 =	vld.idx.msk [tilespmem:v13+s2+$0x0], $0xffff;
	_ =	sdelay $0x1  }
0x2d5: {  	s1 =	sadd.s32 @p0 s4, s5  }
0x2d6: {  	s0 =	smov.u32 @p0 s1;
	v15 =	vor.u32 v4, v12  }
0x2d7: {  	p0 =	slt.s32 s0, $0x100;
	s1 =	smov.u32 s0  }
0x2d8: {  	s1 =	simm.s32 @!p0 $0x100;
	vm0 =	vge.f32 v14, v11  }
0x2d9: {  	v16 =	vsel vm0, $0x1, v3;
	[tilespmem:s1+$0x18B10] =	vst.msk vm0, v14  }
0x2da: {  	[tilespmem:s1+$0x18C20] =	vst.msk vm0, v13;
	(xrf0) =	vadd.scan.msk.s32 $0xffff, v16  }
0x2db: {  	v13 =	vld.idx.msk [tilespmem:v15+s2+$0x0], $0xffff;
	_ =	sdelay $0x4  }
0x2dc: {  	v50, _, _ =	vpop (xrf0);
	vm9 =	vge.f32 v13, v11  }
0x2dd: {  	(v2sf) =	vpush v50, $0xF;
	v51 =	vsel vm9, $0x1, v3  }
0x2de: {  	(xrf0) =	vadd.scan.msk.s32 $0xffff, v51;
	_ =	sdelay $0x5  }
0x2df: {  	v14, _, _ =	vpop (xrf0)  }
0x2e0: {  	(v2sf) =	vpush v14, $0xF;
	_ =	sdelay $0x6  }
0x2e1: {  	s3 =	spop (v2sf)  }
0x2e2: {  	v52 =	vor.u32 v5, v12;
	s0 =	sadd.s32 s0, s3  }
0x2e3: {  	p0 =	slt.s32 s0, $0x100;
	s1 =	smov.u32 s0  }
0x2e4: {  	s1 =	simm.s32 @!p0 $0x100  }
0x2e5: {  	[tilespmem:s1+$0x18B10] =	vst.msk vm9, v13  }
0x2e6: {  	[tilespmem:s1+$0x18C20] =	vst.msk vm9, v15  }
0x2e7: {  	v13 =	vld.idx.msk [tilespmem:v52+s2+$0x0], $0xffff;
	_ =	sdelay $0x1  }
0x2e8: {  	s4 =	spop (v2sf)  }
0x2e9: {  	v53 =	vor.u32 v6, v12;
	s0 =	sadd.s32 s0, s4  }
0x2ea: {  	p0 =	slt.s32 s0, $0x100;
	s1 =	smov.u32 s0  }
0x2eb: {  	vm10 =	vge.f32 v13, v11;
	s1 =	simm.s32 @!p0 $0x100  }
0x2ec: {  	v54 =	vsel vm10, $0x1, v3;
	[tilespmem:s1+$0x18B10] =	vst.msk vm10, v13  }
0x2ed: {  	[tilespmem:s1+$0x18C20] =	vst.msk vm10, v52;
	(xrf0) =	vadd.scan.msk.s32 $0xffff, v54  }
0x2ee: {  	v13 =	vld.idx.msk [tilespmem:v53+s2+$0x0], $0xffff;
	_ =	sdelay $0x4  }
0x2ef: {  	v55, _, _ =	vpop (xrf0);
	vm11 =	vge.f32 v13, v11  }
0x2f0: {  	(v2sf) =	vpush v55, $0xF;
	v56 =	vsel vm11, $0x1, v3  }
0x2f1: {  	(xrf0) =	vadd.scan.msk.s32 $0xffff, v56;
	_ =	sdelay $0x5  }
0x2f2: {  	v14, _, _ =	vpop (xrf0)  }
0x2f3: {  	(v2sf) =	vpush v14, $0xF;
	_ =	sdelay $0x6  }
0x2f4: {  	s5 =	spop (v2sf)  }
0x2f5: {  	v57 =	vor.u32 v7, v12;
	s0 =	sadd.s32 s0, s5  }
0x2f6: {  	p0 =	slt.s32 s0, $0x100;
	s1 =	smov.u32 s0  }
0x2f7: {  	s1 =	simm.s32 @!p0 $0x100  }
0x2f8: {  	[tilespmem:s1+$0x18B10] =	vst.msk vm11, v13  }
0x2f9: {  	[tilespmem:s1+$0x18C20] =	vst.msk vm11, v53  }
0x2fa: {  	v13 =	vld.idx.msk [tilespmem:v57+s2+$0x0], $0xffff;
	_ =	sdelay $0x1  }
0x2fb: {  	s6 =	spop (v2sf)  }
0x2fc: {  	v58 =	vor.u32 v8, v12;
	s0 =	sadd.s32 s0, s6  }
0x2fd: {  	p0 =	slt.s32 s0, $0x100;
	s1 =	smov.u32 s0  }
0x2fe: {  	vm12 =	vge.f32 v13, v11;
	s1 =	simm.s32 @!p0 $0x100  }
0x2ff: {  	v59 =	vsel vm12, $0x1, v3;
	[tilespmem:s1+$0x18B10] =	vst.msk vm12, v13  }
0x300: {  	[tilespmem:s1+$0x18C20] =	vst.msk vm12, v57;
	(xrf0) =	vadd.scan.msk.s32 $0xffff, v59  }
0x301: {  	v13 =	vld.idx.msk [tilespmem:v58+s2+$0x0], $0xffff;
	_ =	sdelay $0x4  }
0x302: {  	v60, _, _ =	vpop (xrf0);
	vm13 =	vge.f32 v13, v11  }
0x303: {  	(v2sf) =	vpush v60, $0xF;
	v61 =	vsel vm13, $0x1, v3  }
0x304: {  	(xrf0) =	vadd.scan.msk.s32 $0xffff, v61;
	_ =	sdelay $0x5  }
0x305: {  	v14, _, _ =	vpop (xrf0)  }
0x306: {  	(v2sf) =	vpush v14, $0xF;
	_ =	sdelay $0x6  }
0x307: {  	s3 =	spop (v2sf)  }
0x308: {  	v62 =	vor.u32 v9, v12;
	s0 =	sadd.s32 s0, s3  }
0x309: {  	p0 =	slt.s32 s0, $0x100;
	s1 =	smov.u32 s0  }
0x30a: {  	s1 =	simm.s32 @!p0 $0x100  }
0x30b: {  	[tilespmem:s1+$0x18B10] =	vst.msk vm13, v13  }
0x30c: {  	[tilespmem:s1+$0x18C20] =	vst.msk vm13, v58  }
0x30d: {  	v13 =	vld.idx.msk [tilespmem:v62+s2+$0x0], $0xffff;
	_ =	sdelay $0x1  }
0x30e: {  	s4 =	spop (v2sf)  }
0x30f: {  	v12 =	vor.u32 v10, v12;
	s0 =	sadd.s32 s0, s4  }
0x310: {  	p0 =	slt.s32 s0, $0x100;
	s1 =	smov.u32 s0  }
0x311: {  	vm14 =	vge.f32 v13, v11;
	s1 =	simm.s32 @!p0 $0x100  }
0x312: {  	[tilespmem:s1+$0x18B10] =	vst.msk vm14, v13  }
0x313: {  	[tilespmem:s1+$0x18C20] =	vst.msk vm14, v62  }
0x314: {  	v13 =	vld.idx.msk [tilespmem:v12+s2+$0x0], $0xffff;
	_ =	sdelay $0x1  }
0x315: {  	v63 =	vsel vm14, $0x1, v3  }
0x316: {  	(xrf0) =	vadd.scan.msk.s32 $0xffff, v63;
	_ =	sdelay $0x1  }
0x317: {  	vm15 =	vge.f32 v13, v11  }
0x318: {  	v11 =	vsel vm15, $0x1, v3;
	_ =	sdelay $0x1  }
0x319: {  	(xrf0) =	vadd.scan.msk.s32 $0xffff, v11  }
0x31a: {  	v11, _, _ =	vpop (xrf0)  }
0x31b: {  	(v2sf) =	vpush v11, $0xF;
	_ =	sdelay $0x3  }
0x31c: {  	v11, _, _ =	vpop (xrf0)  }
0x31d: {  	(v2sf) =	vpush v11, $0xF;
	_ =	sdelay $0x9  }
0x31e: {  	s5 =	spop (v2sf)  }
0x31f: {  	s0 =	sadd.s32 s0, s5  }
0x320: {  	p0 =	slt.s32 s0, $0x100  }
0x321: {  	s0 =	simm.s32 @!p0 $0x100  }
0x322: {  	[tilespmem:s0+$0x18B10] =	vst.msk vm15, v13  }
0x323: {  	s6 =	spop (v2sf);
	[tilespmem:s0+$0x18C20] =	vst.msk vm15, v12  }
.LBB2_17:
0x324: {  	s0 =	simm.s32 $0x0  }
0x325: {  	[hbm4b:s11+s0] =	stream.linear.scatter [tilespmem:s29], [sflag:$0x2], $0x100, $0x38;
	[tilespmem:$0x18D30] =	vst v63  }
0x326: {  	_ =	swait.ge [sflag:s25], $0x100  }
0x327: {  	[sflag:s25] =	ssyncset.done $0x0  }
0x328: {  	[sflag:s25] =	ssyncadd.s32 $0xFFFFFF00  }
0x329: {  	[hbm4b:s12+s0] =	stream.linear.scatter [tilespmem:s30], [sflag:$0x2], $0x100, $0x38;
	[tilespmem:$0x18D30] =	vst v63  }
0x32a: {  	_ =	swait.ge [sflag:s25], $0x100  }
0x32b: {  	[sflag:s25] =	ssyncset.done $0x0  }
0x32c: {  	[sflag:s25] =	ssyncadd.s32 $0xFFFFFF00  }
0x32d: {  	[tilespmem:s0], [sflag:$0x1] =	stream.linear.gather [hbm4b:s13+s0], $0x186A0, $0x38;
	[tilespmem:$0x18D30] =	vst v63  }
0x32e: {  	_ = 	snop  }
0x32f: {  	[tilespmem:s24], [sflag:$0x2] =	stream.linear.gather [hbm4b:s14+s0], $0x10, $0x38;
	[tilespmem:$0x18D30] =	vst v63  }
0x330: {  	_ =	swait.ge [sflag:s25], $0x10  }
0x331: {  	[sflag:s25] =	ssyncset.done $0x0  }
0x332: {  	s1 =	simm.s32 $0x18700;
	[sflag:s25] =	ssyncadd.s32 $0xFFFFFFF0  }
0x333: {  	[tilespmem:s1], [sflag:$0x2] =	stream.linear.gather [hbm4b:s15+s0], $0x380, $0x38;
	[tilespmem:$0x18D30] =	vst v63  }
0x334: {  	_ =	swait.ge [sflag:s25], $0x380  }
0x335: {  	[sflag:s25] =	ssyncset.done $0x0  }
0x336: {  	[sflag:s25] =	ssyncadd.s32 $0xFFFFFC80  }
0x337: {  	[tilespmem:$0x186A0] =	vst v0  }
0x338: {  	[tilespmem:$0x186B0] =	vst v0  }
0x339: {  	[tilespmem:$0x186C0] =	vst v0  }
0x33a: {  	[tilespmem:$0x186D0] =	vst v0  }
0x33b: {  	[tilespmem:$0x186E0] =	vst v0  }
0x33c: {  	[tilespmem:$0x186F0] =	vst v0  }
0x33d: {  	[tilespmem:$0x18B10] =	vst v2  }
0x33e: {  	[tilespmem:$0x18C20] =	vst v3  }
0x33f: {  	[tilespmem:$0x18B20] =	vst v2  }
0x340: {  	[tilespmem:$0x18C30] =	vst v3  }
0x341: {  	[tilespmem:$0x18B30] =	vst v2  }
0x342: {  	[tilespmem:$0x18C40] =	vst v3  }
0x343: {  	[tilespmem:$0x18B40] =	vst v2  }
0x344: {  	[tilespmem:$0x18C50] =	vst v3  }
0x345: {  	[tilespmem:$0x18B50] =	vst v2  }
0x346: {  	[tilespmem:$0x18C60] =	vst v3  }
0x347: {  	[tilespmem:$0x18B60] =	vst v2  }
0x348: {  	[tilespmem:$0x18C70] =	vst v3  }
0x349: {  	[tilespmem:$0x18B70] =	vst v2  }
0x34a: {  	[tilespmem:$0x18C80] =	vst v3  }
0x34b: {  	[tilespmem:$0x18B80] =	vst v2  }
0x34c: {  	[tilespmem:$0x18C90] =	vst v3  }
0x34d: {  	[tilespmem:$0x18B90] =	vst v2  }
0x34e: {  	[tilespmem:$0x18CA0] =	vst v3  }
0x34f: {  	[tilespmem:$0x18BA0] =	vst v2  }
0x350: {  	[tilespmem:$0x18CB0] =	vst v3  }
0x351: {  	[tilespmem:$0x18BB0] =	vst v2  }
0x352: {  	[tilespmem:$0x18CC0] =	vst v3  }
0x353: {  	[tilespmem:$0x18BC0] =	vst v2  }
0x354: {  	[tilespmem:$0x18CD0] =	vst v3  }
0x355: {  	[tilespmem:$0x18BD0] =	vst v2  }
0x356: {  	[tilespmem:$0x18CE0] =	vst v3  }
0x357: {  	[tilespmem:$0x18BE0] =	vst v2  }
0x358: {  	[tilespmem:$0x18CF0] =	vst v3  }
0x359: {  	[tilespmem:$0x18BF0] =	vst v2  }
0x35a: {  	[tilespmem:$0x18D00] =	vst v3  }
0x35b: {  	[tilespmem:$0x18C00] =	vst v2  }
0x35c: {  	[tilespmem:$0x18D10] =	vst v3  }
0x35d: {  	[tilespmem:$0x18C10] =	vst v2  }
0x35e: {  	v11 =	vld [tilespmem:$0x18A80];
	[tilespmem:$0x18D20] =	vst v3  }
0x35f: {  	v12 =	vld [tilespmem:s1+$0x0];
	_ =	sdelay $0x4  }
0x360: {  	vm0 =	vge.f32 v12, v11  }
0x361: {  	v12 =	vsel vm0, $0x1, v3  }
0x362: {  	(xrf0) =	vadd.scan.msk.s32 $0xffff, v12;
	_ =	sdelay $0x2  }
0x363: {  	v12 =	vor.u32 s0, v1  }
0x364: {  	p0 =	por $0x1, $0x1;
	s1 =	simm.s32 $0x0  }
0x365: {  	s1 =	simm.s32 @!p0 $0x70  }
0x366: {  	[tilespmem:s1+$0x18A90] =	vst.msk vm0, v12;
	v12, _, _ =	vpop (xrf0)  }
0x367: {  	(v2sf) =	vpush v12, $0xF;
	_ =	sdelay $0x1  }
0x368: {  	s3 =	simm.s32 $0x18710  }
0x369: {  	s4 =	simm.s32 $0x20;
	s1 =	simm.s32 $0x10;
	v12 =	vld [tilespmem:s3+$0x0]  }
.LBB2_18:
0x36a: {  	p0 =	sne.s32 s4, $0x370;
	_ =	sdelay $0x3  }
0x36b: {  	vm0 =	vge.f32 v12, v11  }
0x36c: {  	v12 =	vsel vm0, $0x1, v3  }
0x36d: {  	(xrf0) =	vadd.scan.msk.s32 $0xffff, v12;
	_ =	sdelay $0x4  }
0x36e: {  	s5 =	spop (v2sf)  }
.Ltmp12:
0x36f: {  	v12, _, _ =	vpop (xrf0);
	s0 =	sadd.s32 s0, s5;
	(pc) =	sbr.rel @p0 .LBB2_18-.Ltmp12, $4  }
0x370: {  	p1 =	slt.s32 s0, $0x70;
	(v2sf) =	vpush v12, $0xF;
	s5 =	smov.u32 s0  }
0x371: {  	v12 =	vor.u32 s1, v1;
	s1 =	smov.u32 s4;
	s5 =	simm.s32 @!p1 $0x70  }
0x372: {  	s3 =	sadd.s32 $0x10, s3;
	[tilespmem:s5+$0x18A90] =	vst.msk vm0, v12  }
0x373: {  	s4 =	sadd.s32 $0x10, s4;
	v12 =	vld [tilespmem:s3+$0x0]  }
0x374: {  	_ =	sdelay $0x3  }
0x375: {  	vm0 =	vge.f32 v12, v11  }
0x376: {  	v12 =	vsel vm0, $0x1, v3  }
0x377: {  	(xrf0) =	vadd.scan.msk.s32 $0xffff, v12;
	_ =	sdelay $0x5  }
0x378: {  	v12, _, _ =	vpop (xrf0)  }
0x379: {  	(v2sf) =	vpush v12, $0xF;
	_ =	sdelay $0xd  }
0x37a: {  	s3 =	spop (v2sf)  }
0x37b: {  	s0 =	sadd.s32 s0, s3;
	s6 =	spop (v2sf)  }
0x37c: {  	v63 =	vor.u32 s1, v1;
	p0 =	slt.s32 s0, $0x70;
	s3 =	smov.u32 s0;
	s1 =	sadd.s32 s0, s6  }
0x37d: {  	s3 =	simm.s32 @!p0 $0x70;
	p0 =	slt.s32 s1, $0x1  }
.Ltmp13:
0x37e: {  	_ = 	snop;
	(pc) =	sbr.rel @p0 .LBB2_25-.Ltmp13, $4  }
0x37f: {  	[tilespmem:s3+$0x18A90] =	vst.msk vm0, v63  }
0x380: {  	_ =	swait.ge [sflag:s26], $0x186A0  }
0x381: {  	[sflag:s26] =	ssyncset.done $0x0  }
0x382: {  	[sflag:s26] =	ssyncadd.s32 $0xFFFE7960  }
0x383: {  	s0 =	simm.s32 $0x0;
	s1 =	smin.u32 s1, $0x70  }
0x384: {  	v12 =	vmov s0;
	p1 =	sne.s32 s1, $0x1  }
.Ltmp14:
0x385: {  	_ = 	snop;
	(pc) =	sbr.rel @!p1 .LBB2_21-.Ltmp14, $2  }
0x386: {  	_ =	sdelay $0x2  }
0x387: {  	s3 =	simm.s32 $0x1;
	p0 =	por $0x0, $0x0;
	v12 =	vld.idx.msk [tilespmem:v12+s28+$0x0], $0xffff  }
0x388: {  	_ =	sdelay $0x3  }
0x389: {  	v12 =	vshll.u32 v12, $0x7  }
0x38a: {  	v13 =	vor.u32 v1, v12;
	_ =	sdelay $0x4  }
0x38b: {  	v14 =	vld.idx.msk [tilespmem:v13+s2+$0x0], $0xffff;
	_ =	sdelay $0x2  }
0x38c: {  	v15 =	vor.u32 v4, v12  }
0x38d: {  	p0 =	por $0x1, $0x1;
	s4 =	simm.s32 $0x0  }
0x38e: {  	s4 =	simm.s32 @!p0 $0x100;
	vm0 =	vge.f32 v14, v11  }
0x38f: {  	v16 =	vsel vm0, $0x1, v3;
	[tilespmem:s4+$0x18B10] =	vst.msk vm0, v14  }
0x390: {  	[tilespmem:s4+$0x18C20] =	vst.msk vm0, v13;
	(xrf0) =	vadd.scan.msk.s32 $0xffff, v16  }
0x391: {  	v13 =	vld.idx.msk [tilespmem:v15+s2+$0x0], $0xffff;
	_ =	sdelay $0x4  }
0x392: {  	v14, _, _ =	vpop (xrf0);
	vm9 =	vge.f32 v13, v11  }
0x393: {  	(v2sf) =	vpush v14, $0xF;
	v14 =	vsel vm9, $0x1, v3  }
0x394: {  	(xrf0) =	vadd.scan.msk.s32 $0xffff, v14;
	_ =	sdelay $0x5  }
0x395: {  	v14, _, _ =	vpop (xrf0)  }
0x396: {  	(v2sf) =	vpush v14, $0xF;
	_ =	sdelay $0x6  }
0x397: {  	s5 =	spop (v2sf)  }
0x398: {  	v14 =	vor.u32 v5, v12;
	s4 =	sadd.s32 $0x0, s5  }
0x399: {  	p0 =	slt.s32 s4, $0x100;
	s5 =	smov.u32 s4  }
0x39a: {  	s5 =	simm.s32 @!p0 $0x100  }
0x39b: {  	[tilespmem:s5+$0x18B10] =	vst.msk vm9, v13  }
0x39c: {  	[tilespmem:s5+$0x18C20] =	vst.msk vm9, v15  }
0x39d: {  	v13 =	vld.idx.msk [tilespmem:v14+s2+$0x0], $0xffff;
	_ =	sdelay $0x1  }
0x39e: {  	s6 =	spop (v2sf)  }
0x39f: {  	v15 =	vor.u32 v6, v12;
	s4 =	sadd.s32 s4, s6  }
0x3a0: {  	p0 =	slt.s32 s4, $0x100;
	s5 =	smov.u32 s4  }
0x3a1: {  	vm10 =	vge.f32 v13, v11;
	s5 =	simm.s32 @!p0 $0x100  }
0x3a2: {  	v62 =	vsel vm10, $0x1, v3;
	[tilespmem:s5+$0x18B10] =	vst.msk vm10, v13  }
0x3a3: {  	[tilespmem:s5+$0x18C20] =	vst.msk vm10, v14;
	(xrf0) =	vadd.scan.msk.s32 $0xffff, v62  }
0x3a4: {  	v13 =	vld.idx.msk [tilespmem:v15+s2+$0x0], $0xffff;
	_ =	sdelay $0x4  }
0x3a5: {  	v14, _, _ =	vpop (xrf0);
	vm11 =	vge.f32 v13, v11  }
0x3a6: {  	(v2sf) =	vpush v14, $0xF;
	v14 =	vsel vm11, $0x1, v3  }
0x3a7: {  	(xrf0) =	vadd.scan.msk.s32 $0xffff, v14;
	_ =	sdelay $0x5  }
0x3a8: {  	v14, _, _ =	vpop (xrf0)  }
0x3a9: {  	(v2sf) =	vpush v14, $0xF;
	_ =	sdelay $0x6  }
0x3aa: {  	s6 =	spop (v2sf)  }
0x3ab: {  	v14 =	vor.u32 v7, v12;
	s4 =	sadd.s32 s4, s6  }
0x3ac: {  	p0 =	slt.s32 s4, $0x100;
	s5 =	smov.u32 s4  }
0x3ad: {  	s5 =	simm.s32 @!p0 $0x100  }
0x3ae: {  	[tilespmem:s5+$0x18B10] =	vst.msk vm11, v13  }
0x3af: {  	[tilespmem:s5+$0x18C20] =	vst.msk vm11, v15  }
0x3b0: {  	v13 =	vld.idx.msk [tilespmem:v14+s2+$0x0], $0xffff;
	_ =	sdelay $0x1  }
0x3b1: {  	s6 =	spop (v2sf)  }
0x3b2: {  	v15 =	vor.u32 v8, v12;
	s4 =	sadd.s32 s4, s6  }
0x3b3: {  	p0 =	slt.s32 s4, $0x100;
	s5 =	smov.u32 s4  }
0x3b4: {  	vm12 =	vge.f32 v13, v11;
	s5 =	simm.s32 @!p0 $0x100  }
0x3b5: {  	v63 =	vsel vm12, $0x1, v3;
	[tilespmem:s5+$0x18B10] =	vst.msk vm12, v13  }
0x3b6: {  	[tilespmem:s5+$0x18C20] =	vst.msk vm12, v14;
	(xrf0) =	vadd.scan.msk.s32 $0xffff, v63  }
0x3b7: {  	v13 =	vld.idx.msk [tilespmem:v15+s2+$0x0], $0xffff;
	_ =	sdelay $0x4  }
0x3b8: {  	v14, _, _ =	vpop (xrf0);
	vm13 =	vge.f32 v13, v11  }
0x3b9: {  	(v2sf) =	vpush v14, $0xF;
	v14 =	vsel vm13, $0x1, v3  }
0x3ba: {  	(xrf0) =	vadd.scan.msk.s32 $0xffff, v14;
	_ =	sdelay $0x5  }
0x3bb: {  	v14, _, _ =	vpop (xrf0)  }
0x3bc: {  	(v2sf) =	vpush v14, $0xF;
	_ =	sdelay $0x6  }
0x3bd: {  	s6 =	spop (v2sf)  }
0x3be: {  	v14 =	vor.u32 v9, v12;
	s4 =	sadd.s32 s4, s6  }
0x3bf: {  	p0 =	slt.s32 s4, $0x100;
	s5 =	smov.u32 s4  }
0x3c0: {  	s5 =	simm.s32 @!p0 $0x100  }
0x3c1: {  	[tilespmem:s5+$0x18B10] =	vst.msk vm13, v13  }
0x3c2: {  	[tilespmem:s5+$0x18C20] =	vst.msk vm13, v15  }
0x3c3: {  	v13 =	vld.idx.msk [tilespmem:v14+s2+$0x0], $0xffff;
	_ =	sdelay $0x1  }
0x3c4: {  	s6 =	spop (v2sf)  }
0x3c5: {  	v12 =	vor.u32 v10, v12;
	s4 =	sadd.s32 s4, s6  }
0x3c6: {  	p0 =	slt.s32 s4, $0x100;
	s5 =	smov.u32 s4  }
0x3c7: {  	vm14 =	vge.f32 v13, v11;
	s5 =	simm.s32 @!p0 $0x100  }
0x3c8: {  	[tilespmem:s5+$0x18B10] =	vst.msk vm14, v13;
	v13 =	vsel vm14, $0x1, v3  }
0x3c9: {  	[tilespmem:s5+$0x18C20] =	vst.msk vm14, v14;
	(xrf0) =	vadd.scan.msk.s32 $0xffff, v13  }
0x3ca: {  	v14 =	vld.idx.msk [tilespmem:v12+s2+$0x0], $0xffff;
	_ =	sdelay $0x4  }
0x3cb: {  	vm15 =	vge.f32 v14, v11;
	v15, _, _ =	vpop (xrf0)  }
0x3cc: {  	v13 =	vsel vm15, $0x1, v3;
	(v2sf) =	vpush v15, $0xF  }
0x3cd: {  	(xrf0) =	vadd.scan.msk.s32 $0xffff, v13;
	_ =	sdelay $0x5  }
0x3ce: {  	v13, _, _ =	vpop (xrf0)  }
0x3cf: {  	(v2sf) =	vpush v13, $0xF;
	_ =	sdelay $0x6  }
0x3d0: {  	s6 =	spop (v2sf)  }
0x3d1: {  	v13 =	vmov s3;
	s4 =	sadd.s32 s4, s6  }
0x3d2: {  	p0 =	slt.s32 s4, $0x100;
	s3 =	smov.u32 s4  }
0x3d3: {  	p1 =	sne.s32 s1, $0x2;
	s3 =	simm.s32 @!p0 $0x100  }
.Ltmp15:
0x3d4: {  	[tilespmem:s3+$0x18B10] =	vst.msk vm15, v14;
	(pc) =	sbr.rel @!p1 .LBB2_24-.Ltmp15, $3  }
0x3d5: {  	[tilespmem:s3+$0x18C20] =	vst.msk vm15, v12  }
0x3d6: {  	v12 =	vld.idx.msk [tilespmem:v13+s28+$0x0], $0xffff;
	_ =	sdelay $0x1  }
0x3d7: {  	p0 =	por $0x1, $0x1;
	s3 =	simm.s32 $0x2;
	s5 =	spop (v2sf)  }
.LBB2_23:
0x3d8: {  	s5 =	sadd.s32 s4, s5;
	s4 =	smov.u32 s3;
	s3 =	sadd.s32 $0x1, s3  }
0x3d9: {  	p1 =	sne.s32 s1, s3;
	p2 =	slt.s32 s5, $0x100  }
0x3da: {  	v12 =	vshll.u32 v12, $0x7  }
0x3db: {  	v13 =	vor.u32 v1, v12;
	_ =	sdelay $0x4  }
0x3dc: {  	v14 =	vld.idx.msk [tilespmem:v13+s2+$0x0], $0xffff;
	_ =	sdelay $0x3  }
0x3dd: {  	v15 =	vor.u32 v4, v12  }
0x3de: {  	s6 =	smov.u32 s5  }
0x3df: {  	s6 =	simm.s32 @!p2 $0x100;
	vm0 =	vge.f32 v14, v11  }
0x3e0: {  	v16 =	vsel vm0, $0x1, v3;
	[tilespmem:s6+$0x18B10] =	vst.msk vm0, v14  }
0x3e1: {  	[tilespmem:s6+$0x18C20] =	vst.msk vm0, v13;
	(xrf0) =	vadd.scan.msk.s32 $0xffff, v16  }
0x3e2: {  	v13 =	vld.idx.msk [tilespmem:v15+s2+$0x0], $0xffff;
	_ =	sdelay $0x4  }
0x3e3: {  	v14, _, _ =	vpop (xrf0)  }
0x3e4: {  	vm0 =	vge.f32 v13, v11;
	(v2sf) =	vpush v14, $0xF  }
0x3e5: {  	v14 =	vsel vm0, $0x1, v3  }
0x3e6: {  	(xrf0) =	vadd.scan.msk.s32 $0xffff, v14;
	_ =	sdelay $0x5  }
0x3e7: {  	v14, _, _ =	vpop (xrf0)  }
0x3e8: {  	(v2sf) =	vpush v14, $0xF;
	_ =	sdelay $0x5  }
0x3e9: {  	s6 =	spop (v2sf)  }
0x3ea: {  	v14 =	vor.u32 v5, v12;
	s5 =	sadd.s32 s5, s6  }
0x3eb: {  	p2 =	slt.s32 s5, $0x100;
	s6 =	smov.u32 s5  }
0x3ec: {  	s6 =	simm.s32 @!p2 $0x100  }
0x3ed: {  	[tilespmem:s6+$0x18B10] =	vst.msk vm0, v13  }
0x3ee: {  	[tilespmem:s6+$0x18C20] =	vst.msk vm0, v15  }
0x3ef: {  	v13 =	vld.idx.msk [tilespmem:v14+s2+$0x0], $0xffff;
	_ =	sdelay $0x2  }
0x3f0: {  	s6 =	spop (v2sf)  }
0x3f1: {  	v15 =	vor.u32 v6, v12;
	s5 =	sadd.s32 s5, s6  }
0x3f2: {  	p2 =	slt.s32 s5, $0x100;
	s6 =	smov.u32 s5  }
0x3f3: {  	vm0 =	vge.f32 v13, v11;
	s6 =	simm.s32 @!p2 $0x100  }
0x3f4: {  	v16 =	vsel vm0, $0x1, v3;
	[tilespmem:s6+$0x18B10] =	vst.msk vm0, v13  }
0x3f5: {  	[tilespmem:s6+$0x18C20] =	vst.msk vm0, v14;
	(xrf0) =	vadd.scan.msk.s32 $0xffff, v16  }
0x3f6: {  	v13 =	vld.idx.msk [tilespmem:v15+s2+$0x0], $0xffff;
	_ =	sdelay $0x4  }
0x3f7: {  	v14, _, _ =	vpop (xrf0)  }
0x3f8: {  	vm0 =	vge.f32 v13, v11;
	(v2sf) =	vpush v14, $0xF  }
0x3f9: {  	v14 =	vsel vm0, $0x1, v3  }
0x3fa: {  	(xrf0) =	vadd.scan.msk.s32 $0xffff, v14;
	_ =	sdelay $0x5  }
0x3fb: {  	v14, _, _ =	vpop (xrf0)  }
0x3fc: {  	(v2sf) =	vpush v14, $0xF;
	_ =	sdelay $0x5  }
0x3fd: {  	s6 =	spop (v2sf)  }
0x3fe: {  	v14 =	vor.u32 v7, v12;
	s5 =	sadd.s32 s5, s6  }
0x3ff: {  	p2 =	slt.s32 s5, $0x100;
	s6 =	smov.u32 s5  }
0x400: {  	s6 =	simm.s32 @!p2 $0x100  }
0x401: {  	[tilespmem:s6+$0x18B10] =	vst.msk vm0, v13  }
0x402: {  	[tilespmem:s6+$0x18C20] =	vst.msk vm0, v15  }
0x403: {  	v13 =	vld.idx.msk [tilespmem:v14+s2+$0x0], $0xffff;
	_ =	sdelay $0x2  }
0x404: {  	s6 =	spop (v2sf)  }
0x405: {  	v15 =	vor.u32 v8, v12;
	s5 =	sadd.s32 s5, s6  }
0x406: {  	p2 =	slt.s32 s5, $0x100;
	s6 =	smov.u32 s5  }
0x407: {  	vm0 =	vge.f32 v13, v11;
	s6 =	simm.s32 @!p2 $0x100  }
0x408: {  	v16 =	vsel vm0, $0x1, v3;
	[tilespmem:s6+$0x18B10] =	vst.msk vm0, v13  }
0x409: {  	[tilespmem:s6+$0x18C20] =	vst.msk vm0, v14;
	(xrf0) =	vadd.scan.msk.s32 $0xffff, v16  }
0x40a: {  	v13 =	vld.idx.msk [tilespmem:v15+s2+$0x0], $0xffff;
	_ =	sdelay $0x4  }
0x40b: {  	v14, _, _ =	vpop (xrf0)  }
0x40c: {  	vm0 =	vge.f32 v13, v11;
	(v2sf) =	vpush v14, $0xF  }
0x40d: {  	v14 =	vsel vm0, $0x1, v3  }
0x40e: {  	(xrf0) =	vadd.scan.msk.s32 $0xffff, v14;
	_ =	sdelay $0x5  }
0x40f: {  	v14, _, _ =	vpop (xrf0)  }
0x410: {  	(v2sf) =	vpush v14, $0xF;
	_ =	sdelay $0x5  }
0x411: {  	s6 =	spop (v2sf)  }
0x412: {  	v14 =	vor.u32 v9, v12;
	s5 =	sadd.s32 s5, s6  }
0x413: {  	p2 =	slt.s32 s5, $0x100;
	s6 =	smov.u32 s5  }
0x414: {  	s6 =	simm.s32 @!p2 $0x100  }
0x415: {  	[tilespmem:s6+$0x18B10] =	vst.msk vm0, v13  }
0x416: {  	[tilespmem:s6+$0x18C20] =	vst.msk vm0, v15  }
0x417: {  	v13 =	vld.idx.msk [tilespmem:v14+s2+$0x0], $0xffff;
	_ =	sdelay $0x2  }
0x418: {  	s6 =	spop (v2sf)  }
0x419: {  	v12 =	vor.u32 v10, v12;
	s5 =	sadd.s32 s5, s6  }
0x41a: {  	p2 =	slt.s32 s5, $0x100;
	s6 =	smov.u32 s5  }
0x41b: {  	vm0 =	vge.f32 v13, v11;
	s6 =	simm.s32 @!p2 $0x100  }
0x41c: {  	v15 =	vsel vm0, $0x1, v3;
	[tilespmem:s6+$0x18B10] =	vst.msk vm0, v13  }
0x41d: {  	[tilespmem:s6+$0x18C20] =	vst.msk vm0, v14;
	(xrf0) =	vadd.scan.msk.s32 $0xffff, v15  }
0x41e: {  	v13 =	vld.idx.msk [tilespmem:v12+s2+$0x0], $0xffff;
	_ =	sdelay $0x4  }
0x41f: {  	v14, _, _ =	vpop (xrf0)  }
0x420: {  	vm0 =	vge.f32 v13, v11;
	(v2sf) =	vpush v14, $0xF  }
0x421: {  	v14 =	vsel vm0, $0x1, v3  }
0x422: {  	(xrf0) =	vadd.scan.msk.s32 $0xffff, v14;
	_ =	sdelay $0x5  }
0x423: {  	v14, _, _ =	vpop (xrf0)  }
0x424: {  	(v2sf) =	vpush v14, $0xF;
	_ =	sdelay $0x5  }
0x425: {  	s6 =	spop (v2sf)  }
0x426: {  	v14 =	vmov s4;
	s4 =	sadd.s32 s5, s6  }
0x427: {  	p2 =	slt.s32 s4, $0x100;
	s5 =	smov.u32 s4  }
0x428: {  	s5 =	simm.s32 @!p2 $0x100  }
0x429: {  	[tilespmem:s5+$0x18B10] =	vst.msk vm0, v13  }
.Ltmp16:
0x42a: {  	[tilespmem:s5+$0x18C20] =	vst.msk vm0, v12;
	(pc) =	sbr.rel @p1 .LBB2_23-.Ltmp16, $2  }
0x42b: {  	v12 =	vld.idx.msk [tilespmem:v14+s28+$0x0], $0xffff;
	_ =	sdelay $0x2  }
0x42c: {  	s5 =	spop (v2sf)  }
.LBB2_24:
0x42d: {  	_ =	sdelay $0x1  }
0x42e: {  	v12 =	vshll.u32 v12, $0x7  }
0x42f: {  	v13 =	vor.u32 v1, v12;
	_ =	sdelay $0x4  }
0x430: {  	v14 =	vld.idx.msk [tilespmem:v13+s2+$0x0], $0xffff;
	_ =	sdelay $0x1  }
0x431: {  	s1 =	sadd.s32 @p0 s4, s5  }
0x432: {  	s0 =	smov.u32 @p0 s1;
	v15 =	vor.u32 v4, v12  }
0x433: {  	p0 =	slt.s32 s0, $0x100;
	s1 =	smov.u32 s0  }
0x434: {  	s1 =	simm.s32 @!p0 $0x100;
	vm0 =	vge.f32 v14, v11  }
0x435: {  	v16 =	vsel vm0, $0x1, v3;
	[tilespmem:s1+$0x18B10] =	vst.msk vm0, v14  }
0x436: {  	[tilespmem:s1+$0x18C20] =	vst.msk vm0, v13;
	(xrf0) =	vadd.scan.msk.s32 $0xffff, v16  }
0x437: {  	v13 =	vld.idx.msk [tilespmem:v15+s2+$0x0], $0xffff;
	_ =	sdelay $0x4  }
0x438: {  	v50, _, _ =	vpop (xrf0);
	vm9 =	vge.f32 v13, v11  }
0x439: {  	(v2sf) =	vpush v50, $0xF;
	v51 =	vsel vm9, $0x1, v3  }
0x43a: {  	(xrf0) =	vadd.scan.msk.s32 $0xffff, v51;
	_ =	sdelay $0x5  }
0x43b: {  	v14, _, _ =	vpop (xrf0)  }
0x43c: {  	(v2sf) =	vpush v14, $0xF;
	_ =	sdelay $0x6  }
0x43d: {  	s3 =	spop (v2sf)  }
0x43e: {  	v52 =	vor.u32 v5, v12;
	s0 =	sadd.s32 s0, s3  }
0x43f: {  	p0 =	slt.s32 s0, $0x100;
	s1 =	smov.u32 s0  }
0x440: {  	s1 =	simm.s32 @!p0 $0x100  }
0x441: {  	[tilespmem:s1+$0x18B10] =	vst.msk vm9, v13  }
0x442: {  	[tilespmem:s1+$0x18C20] =	vst.msk vm9, v15  }
0x443: {  	v13 =	vld.idx.msk [tilespmem:v52+s2+$0x0], $0xffff;
	_ =	sdelay $0x1  }
0x444: {  	s4 =	spop (v2sf)  }
0x445: {  	v53 =	vor.u32 v6, v12;
	s0 =	sadd.s32 s0, s4  }
0x446: {  	p0 =	slt.s32 s0, $0x100;
	s1 =	smov.u32 s0  }
0x447: {  	vm10 =	vge.f32 v13, v11;
	s1 =	simm.s32 @!p0 $0x100  }
0x448: {  	v54 =	vsel vm10, $0x1, v3;
	[tilespmem:s1+$0x18B10] =	vst.msk vm10, v13  }
0x449: {  	[tilespmem:s1+$0x18C20] =	vst.msk vm10, v52;
	(xrf0) =	vadd.scan.msk.s32 $0xffff, v54  }
0x44a: {  	v13 =	vld.idx.msk [tilespmem:v53+s2+$0x0], $0xffff;
	_ =	sdelay $0x4  }
0x44b: {  	v55, _, _ =	vpop (xrf0);
	vm11 =	vge.f32 v13, v11  }
0x44c: {  	(v2sf) =	vpush v55, $0xF;
	v56 =	vsel vm11, $0x1, v3  }
0x44d: {  	(xrf0) =	vadd.scan.msk.s32 $0xffff, v56;
	_ =	sdelay $0x5  }
0x44e: {  	v14, _, _ =	vpop (xrf0)  }
0x44f: {  	(v2sf) =	vpush v14, $0xF;
	_ =	sdelay $0x6  }
0x450: {  	s5 =	spop (v2sf)  }
0x451: {  	v57 =	vor.u32 v7, v12;
	s0 =	sadd.s32 s0, s5  }
0x452: {  	p0 =	slt.s32 s0, $0x100;
	s1 =	smov.u32 s0  }
0x453: {  	s1 =	simm.s32 @!p0 $0x100  }
0x454: {  	[tilespmem:s1+$0x18B10] =	vst.msk vm11, v13  }
0x455: {  	[tilespmem:s1+$0x18C20] =	vst.msk vm11, v53  }
0x456: {  	v13 =	vld.idx.msk [tilespmem:v57+s2+$0x0], $0xffff;
	_ =	sdelay $0x1  }
0x457: {  	s6 =	spop (v2sf)  }
0x458: {  	v58 =	vor.u32 v8, v12;
	s0 =	sadd.s32 s0, s6  }
0x459: {  	p0 =	slt.s32 s0, $0x100;
	s1 =	smov.u32 s0  }
0x45a: {  	vm12 =	vge.f32 v13, v11;
	s1 =	simm.s32 @!p0 $0x100  }
0x45b: {  	v59 =	vsel vm12, $0x1, v3;
	[tilespmem:s1+$0x18B10] =	vst.msk vm12, v13  }
0x45c: {  	[tilespmem:s1+$0x18C20] =	vst.msk vm12, v57;
	(xrf0) =	vadd.scan.msk.s32 $0xffff, v59  }
0x45d: {  	v13 =	vld.idx.msk [tilespmem:v58+s2+$0x0], $0xffff;
	_ =	sdelay $0x4  }
0x45e: {  	v60, _, _ =	vpop (xrf0);
	vm13 =	vge.f32 v13, v11  }
0x45f: {  	(v2sf) =	vpush v60, $0xF;
	v61 =	vsel vm13, $0x1, v3  }
0x460: {  	(xrf0) =	vadd.scan.msk.s32 $0xffff, v61;
	_ =	sdelay $0x5  }
0x461: {  	v14, _, _ =	vpop (xrf0)  }
0x462: {  	(v2sf) =	vpush v14, $0xF;
	_ =	sdelay $0x6  }
0x463: {  	s3 =	spop (v2sf)  }
0x464: {  	v62 =	vor.u32 v9, v12;
	s0 =	sadd.s32 s0, s3  }
0x465: {  	p0 =	slt.s32 s0, $0x100;
	s1 =	smov.u32 s0  }
0x466: {  	s1 =	simm.s32 @!p0 $0x100  }
0x467: {  	[tilespmem:s1+$0x18B10] =	vst.msk vm13, v13  }
0x468: {  	[tilespmem:s1+$0x18C20] =	vst.msk vm13, v58  }
0x469: {  	v13 =	vld.idx.msk [tilespmem:v62+s2+$0x0], $0xffff;
	_ =	sdelay $0x1  }
0x46a: {  	s4 =	spop (v2sf)  }
0x46b: {  	v12 =	vor.u32 v10, v12;
	s0 =	sadd.s32 s0, s4  }
0x46c: {  	p0 =	slt.s32 s0, $0x100;
	s1 =	smov.u32 s0  }
0x46d: {  	vm14 =	vge.f32 v13, v11;
	s1 =	simm.s32 @!p0 $0x100  }
0x46e: {  	[tilespmem:s1+$0x18B10] =	vst.msk vm14, v13  }
0x46f: {  	[tilespmem:s1+$0x18C20] =	vst.msk vm14, v62  }
0x470: {  	v13 =	vld.idx.msk [tilespmem:v12+s2+$0x0], $0xffff;
	_ =	sdelay $0x1  }
0x471: {  	v63 =	vsel vm14, $0x1, v3  }
0x472: {  	(xrf0) =	vadd.scan.msk.s32 $0xffff, v63;
	_ =	sdelay $0x1  }
0x473: {  	vm15 =	vge.f32 v13, v11  }
0x474: {  	v11 =	vsel vm15, $0x1, v3;
	_ =	sdelay $0x1  }
0x475: {  	(xrf0) =	vadd.scan.msk.s32 $0xffff, v11  }
0x476: {  	v11, _, _ =	vpop (xrf0)  }
0x477: {  	(v2sf) =	vpush v11, $0xF;
	_ =	sdelay $0x3  }
0x478: {  	v11, _, _ =	vpop (xrf0)  }
0x479: {  	(v2sf) =	vpush v11, $0xF;
	_ =	sdelay $0x9  }
0x47a: {  	s5 =	spop (v2sf)  }
0x47b: {  	s0 =	sadd.s32 s0, s5  }
0x47c: {  	p0 =	slt.s32 s0, $0x100  }
0x47d: {  	s0 =	simm.s32 @!p0 $0x100  }
0x47e: {  	[tilespmem:s0+$0x18B10] =	vst.msk vm15, v13  }
0x47f: {  	s6 =	spop (v2sf);
	[tilespmem:s0+$0x18C20] =	vst.msk vm15, v12  }
.LBB2_25:
0x480: {  	s0 =	simm.s32 $0x0  }
0x481: {  	[hbm4b:s18+s0] =	stream.linear.scatter [tilespmem:s29], [sflag:$0x2], $0x100, $0x38;
	[tilespmem:$0x18D30] =	vst v63  }
0x482: {  	_ =	swait.ge [sflag:s25], $0x100  }
0x483: {  	[sflag:s25] =	ssyncset.done $0x0  }
0x484: {  	[sflag:s25] =	ssyncadd.s32 $0xFFFFFF00  }
0x485: {  	[hbm4b:s19+s0] =	stream.linear.scatter [tilespmem:s30], [sflag:$0x2], $0x100, $0x38;
	[tilespmem:$0x18D30] =	vst v63  }
0x486: {  	_ =	swait.ge [sflag:s25], $0x100  }
0x487: {  	[sflag:s25] =	ssyncset.done $0x0  }
0x488: {  	[sflag:s25] =	ssyncadd.s32 $0xFFFFFF00  }
0x489: {  	[tilespmem:s0], [sflag:$0x1] =	stream.linear.gather [hbm4b:s16+s0], $0x186A0, $0x38;
	[tilespmem:$0x18D30] =	vst v63  }
0x48a: {  	_ = 	snop  }
0x48b: {  	[tilespmem:s24], [sflag:$0x2] =	stream.linear.gather [hbm4b:s17+s0], $0x10, $0x38;
	[tilespmem:$0x18D30] =	vst v63  }
0x48c: {  	_ =	swait.ge [sflag:s25], $0x10  }
0x48d: {  	[sflag:s25] =	ssyncset.done $0x0  }
0x48e: {  	s1 =	simm.s32 $0x18700;
	[sflag:s25] =	ssyncadd.s32 $0xFFFFFFF0  }
0x48f: {  	[tilespmem:s1], [sflag:$0x2] =	stream.linear.gather [hbm4b:s20+s0], $0x380, $0x38;
	[tilespmem:$0x18D30] =	vst v63  }
0x490: {  	_ =	swait.ge [sflag:s25], $0x380  }
0x491: {  	[sflag:s25] =	ssyncset.done $0x0  }
0x492: {  	[sflag:s25] =	ssyncadd.s32 $0xFFFFFC80  }
0x493: {  	[tilespmem:$0x186A0] =	vst v0  }
0x494: {  	[tilespmem:$0x186B0] =	vst v0  }
0x495: {  	[tilespmem:$0x186C0] =	vst v0  }
0x496: {  	[tilespmem:$0x186D0] =	vst v0  }
0x497: {  	[tilespmem:$0x186E0] =	vst v0  }
0x498: {  	[tilespmem:$0x186F0] =	vst v0  }
0x499: {  	[tilespmem:$0x18B10] =	vst v2  }
0x49a: {  	[tilespmem:$0x18C20] =	vst v3  }
0x49b: {  	[tilespmem:$0x18B20] =	vst v2  }
0x49c: {  	[tilespmem:$0x18C30] =	vst v3  }
0x49d: {  	[tilespmem:$0x18B30] =	vst v2  }
0x49e: {  	[tilespmem:$0x18C40] =	vst v3  }
0x49f: {  	[tilespmem:$0x18B40] =	vst v2  }
0x4a0: {  	[tilespmem:$0x18C50] =	vst v3  }
0x4a1: {  	[tilespmem:$0x18B50] =	vst v2  }
0x4a2: {  	[tilespmem:$0x18C60] =	vst v3  }
0x4a3: {  	[tilespmem:$0x18B60] =	vst v2  }
0x4a4: {  	[tilespmem:$0x18C70] =	vst v3  }
0x4a5: {  	[tilespmem:$0x18B70] =	vst v2  }
0x4a6: {  	[tilespmem:$0x18C80] =	vst v3  }
0x4a7: {  	[tilespmem:$0x18B80] =	vst v2  }
0x4a8: {  	[tilespmem:$0x18C90] =	vst v3  }
0x4a9: {  	[tilespmem:$0x18B90] =	vst v2  }
0x4aa: {  	[tilespmem:$0x18CA0] =	vst v3  }
0x4ab: {  	[tilespmem:$0x18BA0] =	vst v2  }
0x4ac: {  	[tilespmem:$0x18CB0] =	vst v3  }
0x4ad: {  	[tilespmem:$0x18BB0] =	vst v2  }
0x4ae: {  	[tilespmem:$0x18CC0] =	vst v3  }
0x4af: {  	[tilespmem:$0x18BC0] =	vst v2  }
0x4b0: {  	[tilespmem:$0x18CD0] =	vst v3  }
0x4b1: {  	[tilespmem:$0x18BD0] =	vst v2  }
0x4b2: {  	[tilespmem:$0x18CE0] =	vst v3  }
0x4b3: {  	[tilespmem:$0x18BE0] =	vst v2  }
0x4b4: {  	[tilespmem:$0x18CF0] =	vst v3  }
0x4b5: {  	[tilespmem:$0x18BF0] =	vst v2  }
0x4b6: {  	[tilespmem:$0x18D00] =	vst v3  }
0x4b7: {  	[tilespmem:$0x18C00] =	vst v2  }
0x4b8: {  	[tilespmem:$0x18D10] =	vst v3  }
0x4b9: {  	[tilespmem:$0x18C10] =	vst v2  }
0x4ba: {  	v11 =	vld [tilespmem:$0x18A80];
	[tilespmem:$0x18D20] =	vst v3  }
0x4bb: {  	v12 =	vld [tilespmem:s1+$0x0];
	_ =	sdelay $0x4  }
0x4bc: {  	vm0 =	vge.f32 v12, v11  }
0x4bd: {  	v12 =	vsel vm0, $0x1, v3  }
0x4be: {  	(xrf0) =	vadd.scan.msk.s32 $0xffff, v12;
	_ =	sdelay $0x2  }
0x4bf: {  	v12 =	vor.u32 s0, v1  }
0x4c0: {  	p0 =	por $0x1, $0x1;
	s1 =	simm.s32 $0x0  }
0x4c1: {  	s1 =	simm.s32 @!p0 $0x70  }
0x4c2: {  	[tilespmem:s1+$0x18A90] =	vst.msk vm0, v12;
	v12, _, _ =	vpop (xrf0)  }
0x4c3: {  	(v2sf) =	vpush v12, $0xF;
	_ =	sdelay $0x1  }
0x4c4: {  	s3 =	simm.s32 $0x18710  }
0x4c5: {  	s4 =	simm.s32 $0x20;
	s1 =	simm.s32 $0x10;
	v12 =	vld [tilespmem:s3+$0x0]  }
.LBB2_26:
0x4c6: {  	p0 =	sne.s32 s4, $0x370;
	_ =	sdelay $0x3  }
0x4c7: {  	vm0 =	vge.f32 v12, v11  }
0x4c8: {  	v12 =	vsel vm0, $0x1, v3  }
0x4c9: {  	(xrf0) =	vadd.scan.msk.s32 $0xffff, v12;
	_ =	sdelay $0x4  }
0x4ca: {  	s5 =	spop (v2sf)  }
.Ltmp17:
0x4cb: {  	v12, _, _ =	vpop (xrf0);
	s0 =	sadd.s32 s0, s5;
	(pc) =	sbr.rel @p0 .LBB2_26-.Ltmp17, $4  }
0x4cc: {  	p1 =	slt.s32 s0, $0x70;
	(v2sf) =	vpush v12, $0xF;
	s5 =	smov.u32 s0  }
0x4cd: {  	v12 =	vor.u32 s1, v1;
	s1 =	smov.u32 s4;
	s5 =	simm.s32 @!p1 $0x70  }
0x4ce: {  	s3 =	sadd.s32 $0x10, s3;
	[tilespmem:s5+$0x18A90] =	vst.msk vm0, v12  }
0x4cf: {  	s4 =	sadd.s32 $0x10, s4;
	v12 =	vld [tilespmem:s3+$0x0]  }
0x4d0: {  	_ =	sdelay $0x3  }
0x4d1: {  	vm0 =	vge.f32 v12, v11  }
0x4d2: {  	v12 =	vsel vm0, $0x1, v3  }
0x4d3: {  	(xrf0) =	vadd.scan.msk.s32 $0xffff, v12;
	_ =	sdelay $0x5  }
0x4d4: {  	v12, _, _ =	vpop (xrf0)  }
0x4d5: {  	(v2sf) =	vpush v12, $0xF;
	_ =	sdelay $0xd  }
0x4d6: {  	s3 =	spop (v2sf)  }
0x4d7: {  	s0 =	sadd.s32 s0, s3;
	s6 =	spop (v2sf)  }
0x4d8: {  	v63 =	vor.u32 s1, v1;
	p0 =	slt.s32 s0, $0x70;
	s3 =	smov.u32 s0;
	s1 =	sadd.s32 s0, s6  }
0x4d9: {  	s3 =	simm.s32 @!p0 $0x70;
	p0 =	slt.s32 s1, $0x1  }
.Ltmp18:
0x4da: {  	_ = 	snop;
	(pc) =	sbr.rel @p0 .LBB2_33-.Ltmp18, $4  }
0x4db: {  	[tilespmem:s3+$0x18A90] =	vst.msk vm0, v63  }
0x4dc: {  	_ =	swait.ge [sflag:s26], $0x186A0  }
0x4dd: {  	[sflag:s26] =	ssyncset.done $0x0  }
0x4de: {  	[sflag:s26] =	ssyncadd.s32 $0xFFFE7960  }
0x4df: {  	s0 =	simm.s32 $0x0  }
0x4e0: {  	v12 =	vmov s0;
	_ =	sdelay $0x2  }
0x4e1: {  	s1 =	smin.u32 s1, $0x70  }
0x4e2: {  	p1 =	sne.s32 s1, $0x1  }
.Ltmp19:
0x4e3: {  	v12 =	vld.idx.msk [tilespmem:v12+s28+$0x0], $0xffff;
	(pc) =	sbr.rel @!p1 .LBB2_29-.Ltmp19, $2  }
0x4e4: {  	_ =	sdelay $0x2  }
0x4e5: {  	s3 =	simm.s32 $0x1;
	p0 =	por $0x0, $0x0  }
0x4e6: {  	v12 =	vshll.u32 v12, $0x7  }
0x4e7: {  	v13 =	vor.u32 v1, v12;
	_ =	sdelay $0x4  }
0x4e8: {  	v14 =	vld.idx.msk [tilespmem:v13+s2+$0x0], $0xffff;
	_ =	sdelay $0x2  }
0x4e9: {  	v15 =	vor.u32 v4, v12  }
0x4ea: {  	p0 =	por $0x1, $0x1;
	s4 =	simm.s32 $0x0  }
0x4eb: {  	s4 =	simm.s32 @!p0 $0x100;
	vm0 =	vge.f32 v14, v11  }
0x4ec: {  	v16 =	vsel vm0, $0x1, v3;
	[tilespmem:s4+$0x18B10] =	vst.msk vm0, v14  }
0x4ed: {  	[tilespmem:s4+$0x18C20] =	vst.msk vm0, v13;
	(xrf0) =	vadd.scan.msk.s32 $0xffff, v16  }
0x4ee: {  	v13 =	vld.idx.msk [tilespmem:v15+s2+$0x0], $0xffff;
	_ =	sdelay $0x4  }
0x4ef: {  	v14, _, _ =	vpop (xrf0);
	vm9 =	vge.f32 v13, v11  }
0x4f0: {  	(v2sf) =	vpush v14, $0xF;
	v14 =	vsel vm9, $0x1, v3  }
0x4f1: {  	(xrf0) =	vadd.scan.msk.s32 $0xffff, v14;
	_ =	sdelay $0x5  }
0x4f2: {  	v14, _, _ =	vpop (xrf0)  }
0x4f3: {  	(v2sf) =	vpush v14, $0xF;
	_ =	sdelay $0x6  }
0x4f4: {  	s5 =	spop (v2sf)  }
0x4f5: {  	v14 =	vor.u32 v5, v12;
	s4 =	sadd.s32 $0x0, s5  }
0x4f6: {  	p0 =	slt.s32 s4, $0x100;
	s5 =	smov.u32 s4  }
0x4f7: {  	s5 =	simm.s32 @!p0 $0x100  }
0x4f8: {  	[tilespmem:s5+$0x18B10] =	vst.msk vm9, v13  }
0x4f9: {  	[tilespmem:s5+$0x18C20] =	vst.msk vm9, v15  }
0x4fa: {  	v13 =	vld.idx.msk [tilespmem:v14+s2+$0x0], $0xffff;
	_ =	sdelay $0x1  }
0x4fb: {  	s6 =	spop (v2sf)  }
0x4fc: {  	v15 =	vor.u32 v6, v12;
	s4 =	sadd.s32 s4, s6  }
0x4fd: {  	p0 =	slt.s32 s4, $0x100;
	s5 =	smov.u32 s4  }
0x4fe: {  	vm10 =	vge.f32 v13, v11;
	s5 =	simm.s32 @!p0 $0x100  }
0x4ff: {  	v62 =	vsel vm10, $0x1, v3;
	[tilespmem:s5+$0x18B10] =	vst.msk vm10, v13  }
0x500: {  	[tilespmem:s5+$0x18C20] =	vst.msk vm10, v14;
	(xrf0) =	vadd.scan.msk.s32 $0xffff, v62  }
0x501: {  	v13 =	vld.idx.msk [tilespmem:v15+s2+$0x0], $0xffff;
	_ =	sdelay $0x4  }
0x502: {  	v14, _, _ =	vpop (xrf0);
	vm11 =	vge.f32 v13, v11  }
0x503: {  	(v2sf) =	vpush v14, $0xF;
	v14 =	vsel vm11, $0x1, v3  }
0x504: {  	(xrf0) =	vadd.scan.msk.s32 $0xffff, v14;
	_ =	sdelay $0x5  }
0x505: {  	v14, _, _ =	vpop (xrf0)  }
0x506: {  	(v2sf) =	vpush v14, $0xF;
	_ =	sdelay $0x6  }
0x507: {  	s6 =	spop (v2sf)  }
0x508: {  	v14 =	vor.u32 v7, v12;
	s4 =	sadd.s32 s4, s6  }
0x509: {  	p0 =	slt.s32 s4, $0x100;
	s5 =	smov.u32 s4  }
0x50a: {  	s5 =	simm.s32 @!p0 $0x100  }
0x50b: {  	[tilespmem:s5+$0x18B10] =	vst.msk vm11, v13  }
0x50c: {  	[tilespmem:s5+$0x18C20] =	vst.msk vm11, v15  }
0x50d: {  	v13 =	vld.idx.msk [tilespmem:v14+s2+$0x0], $0xffff;
	_ =	sdelay $0x1  }
0x50e: {  	s6 =	spop (v2sf)  }
0x50f: {  	v15 =	vor.u32 v8, v12;
	s4 =	sadd.s32 s4, s6  }
0x510: {  	p0 =	slt.s32 s4, $0x100;
	s5 =	smov.u32 s4  }
0x511: {  	vm12 =	vge.f32 v13, v11;
	s5 =	simm.s32 @!p0 $0x100  }
0x512: {  	v63 =	vsel vm12, $0x1, v3;
	[tilespmem:s5+$0x18B10] =	vst.msk vm12, v13  }
0x513: {  	[tilespmem:s5+$0x18C20] =	vst.msk vm12, v14;
	(xrf0) =	vadd.scan.msk.s32 $0xffff, v63  }
0x514: {  	v13 =	vld.idx.msk [tilespmem:v15+s2+$0x0], $0xffff;
	_ =	sdelay $0x4  }
0x515: {  	v14, _, _ =	vpop (xrf0);
	vm13 =	vge.f32 v13, v11  }
0x516: {  	(v2sf) =	vpush v14, $0xF;
	v14 =	vsel vm13, $0x1, v3  }
0x517: {  	(xrf0) =	vadd.scan.msk.s32 $0xffff, v14;
	_ =	sdelay $0x5  }
0x518: {  	v14, _, _ =	vpop (xrf0)  }
0x519: {  	(v2sf) =	vpush v14, $0xF;
	_ =	sdelay $0x6  }
0x51a: {  	s6 =	spop (v2sf)  }
0x51b: {  	v14 =	vor.u32 v9, v12;
	s4 =	sadd.s32 s4, s6  }
0x51c: {  	p0 =	slt.s32 s4, $0x100;
	s5 =	smov.u32 s4  }
0x51d: {  	s5 =	simm.s32 @!p0 $0x100  }
0x51e: {  	[tilespmem:s5+$0x18B10] =	vst.msk vm13, v13  }
0x51f: {  	[tilespmem:s5+$0x18C20] =	vst.msk vm13, v15  }
0x520: {  	v13 =	vld.idx.msk [tilespmem:v14+s2+$0x0], $0xffff;
	_ =	sdelay $0x1  }
0x521: {  	s6 =	spop (v2sf)  }
0x522: {  	s4 =	sadd.s32 s4, s6  }
0x523: {  	p0 =	slt.s32 s4, $0x100;
	s5 =	smov.u32 s4  }
0x524: {  	v12 =	vor.u32 v10, v12;
	vm14 =	vge.f32 v13, v11;
	s5 =	simm.s32 @!p0 $0x100  }
0x525: {  	[tilespmem:s5+$0x18B10] =	vst.msk vm14, v13;
	v13 =	vsel vm14, $0x1, v3  }
0x526: {  	(xrf0) =	vadd.scan.msk.s32 $0xffff, v13;
	_ =	sdelay $0x1  }
0x527: {  	[tilespmem:s5+$0x18C20] =	vst.msk vm14, v14  }
0x528: {  	v14 =	vld.idx.msk [tilespmem:v12+s2+$0x0], $0xffff;
	_ =	sdelay $0x2  }
0x529: {  	v15, _, _ =	vpop (xrf0)  }
0x52a: {  	(v2sf) =	vpush v15, $0xF  }
0x52b: {  	vm15 =	vge.f32 v14, v11  }
0x52c: {  	v13 =	vsel vm15, $0x1, v3  }
0x52d: {  	(xrf0) =	vadd.scan.msk.s32 $0xffff, v13;
	_ =	sdelay $0x5  }
0x52e: {  	v13, _, _ =	vpop (xrf0)  }
0x52f: {  	(v2sf) =	vpush v13, $0xF;
	_ =	sdelay $0x4  }
0x530: {  	s6 =	spop (v2sf)  }
0x531: {  	v13 =	vmov s3;
	s4 =	sadd.s32 s4, s6  }
0x532: {  	p0 =	slt.s32 s4, $0x100;
	s3 =	smov.u32 s4  }
0x533: {  	s3 =	simm.s32 @!p0 $0x100  }
0x534: {  	[tilespmem:s3+$0x18B10] =	vst.msk vm15, v14  }
0x535: {  	p1 =	sne.s32 s1, $0x2;
	[tilespmem:s3+$0x18C20] =	vst.msk vm15, v12  }
.Ltmp20:
0x536: {  	v12 =	vld.idx.msk [tilespmem:v13+s28+$0x0], $0xffff;
	(pc) =	sbr.rel @!p1 .LBB2_32-.Ltmp20, $2  }
0x537: {  	_ =	sdelay $0x2  }
0x538: {  	p0 =	por $0x1, $0x1;
	s3 =	simm.s32 $0x2;
	s5 =	spop (v2sf)  }
.LBB2_31:
0x539: {  	s5 =	sadd.s32 s4, s5;
	s4 =	smov.u32 s3;
	s3 =	sadd.s32 $0x1, s3  }
0x53a: {  	p1 =	sne.s32 s1, s3;
	p2 =	slt.s32 s5, $0x100  }
0x53b: {  	v12 =	vshll.u32 v12, $0x7  }
0x53c: {  	v13 =	vor.u32 v1, v12;
	_ =	sdelay $0x4  }
0x53d: {  	v14 =	vld.idx.msk [tilespmem:v13+s2+$0x0], $0xffff;
	_ =	sdelay $0x3  }
0x53e: {  	v15 =	vor.u32 v4, v12  }
0x53f: {  	s6 =	smov.u32 s5  }
0x540: {  	s6 =	simm.s32 @!p2 $0x100;
	vm0 =	vge.f32 v14, v11  }
0x541: {  	v16 =	vsel vm0, $0x1, v3;
	[tilespmem:s6+$0x18B10] =	vst.msk vm0, v14  }
0x542: {  	[tilespmem:s6+$0x18C20] =	vst.msk vm0, v13;
	(xrf0) =	vadd.scan.msk.s32 $0xffff, v16  }
0x543: {  	v13 =	vld.idx.msk [tilespmem:v15+s2+$0x0], $0xffff;
	_ =	sdelay $0x4  }
0x544: {  	v14, _, _ =	vpop (xrf0)  }
0x545: {  	vm0 =	vge.f32 v13, v11;
	(v2sf) =	vpush v14, $0xF  }
0x546: {  	v14 =	vsel vm0, $0x1, v3  }
0x547: {  	(xrf0) =	vadd.scan.msk.s32 $0xffff, v14;
	_ =	sdelay $0x5  }
0x548: {  	v14, _, _ =	vpop (xrf0)  }
0x549: {  	(v2sf) =	vpush v14, $0xF;
	_ =	sdelay $0x5  }
0x54a: {  	s6 =	spop (v2sf)  }
0x54b: {  	v14 =	vor.u32 v5, v12;
	s5 =	sadd.s32 s5, s6  }
0x54c: {  	p2 =	slt.s32 s5, $0x100;
	s6 =	smov.u32 s5  }
0x54d: {  	s6 =	simm.s32 @!p2 $0x100  }
0x54e: {  	[tilespmem:s6+$0x18B10] =	vst.msk vm0, v13  }
0x54f: {  	[tilespmem:s6+$0x18C20] =	vst.msk vm0, v15  }
0x550: {  	v13 =	vld.idx.msk [tilespmem:v14+s2+$0x0], $0xffff;
	_ =	sdelay $0x2  }
0x551: {  	s6 =	spop (v2sf)  }
0x552: {  	v15 =	vor.u32 v6, v12;
	s5 =	sadd.s32 s5, s6  }
0x553: {  	p2 =	slt.s32 s5, $0x100;
	s6 =	smov.u32 s5  }
0x554: {  	vm0 =	vge.f32 v13, v11;
	s6 =	simm.s32 @!p2 $0x100  }
0x555: {  	v16 =	vsel vm0, $0x1, v3;
	[tilespmem:s6+$0x18B10] =	vst.msk vm0, v13  }
0x556: {  	[tilespmem:s6+$0x18C20] =	vst.msk vm0, v14;
	(xrf0) =	vadd.scan.msk.s32 $0xffff, v16  }
0x557: {  	v13 =	vld.idx.msk [tilespmem:v15+s2+$0x0], $0xffff;
	_ =	sdelay $0x4  }
0x558: {  	v14, _, _ =	vpop (xrf0)  }
0x559: {  	vm0 =	vge.f32 v13, v11;
	(v2sf) =	vpush v14, $0xF  }
0x55a: {  	v14 =	vsel vm0, $0x1, v3  }
0x55b: {  	(xrf0) =	vadd.scan.msk.s32 $0xffff, v14;
	_ =	sdelay $0x5  }
0x55c: {  	v14, _, _ =	vpop (xrf0)  }
0x55d: {  	(v2sf) =	vpush v14, $0xF;
	_ =	sdelay $0x5  }
0x55e: {  	s6 =	spop (v2sf)  }
0x55f: {  	v14 =	vor.u32 v7, v12;
	s5 =	sadd.s32 s5, s6  }
0x560: {  	p2 =	slt.s32 s5, $0x100;
	s6 =	smov.u32 s5  }
0x561: {  	s6 =	simm.s32 @!p2 $0x100  }
0x562: {  	[tilespmem:s6+$0x18B10] =	vst.msk vm0, v13  }
0x563: {  	[tilespmem:s6+$0x18C20] =	vst.msk vm0, v15  }
0x564: {  	v13 =	vld.idx.msk [tilespmem:v14+s2+$0x0], $0xffff;
	_ =	sdelay $0x2  }
0x565: {  	s6 =	spop (v2sf)  }
0x566: {  	v15 =	vor.u32 v8, v12;
	s5 =	sadd.s32 s5, s6  }
0x567: {  	p2 =	slt.s32 s5, $0x100;
	s6 =	smov.u32 s5  }
0x568: {  	vm0 =	vge.f32 v13, v11;
	s6 =	simm.s32 @!p2 $0x100  }
0x569: {  	v16 =	vsel vm0, $0x1, v3;
	[tilespmem:s6+$0x18B10] =	vst.msk vm0, v13  }
0x56a: {  	[tilespmem:s6+$0x18C20] =	vst.msk vm0, v14;
	(xrf0) =	vadd.scan.msk.s32 $0xffff, v16  }
0x56b: {  	v13 =	vld.idx.msk [tilespmem:v15+s2+$0x0], $0xffff;
	_ =	sdelay $0x4  }
0x56c: {  	v14, _, _ =	vpop (xrf0)  }
0x56d: {  	vm0 =	vge.f32 v13, v11;
	(v2sf) =	vpush v14, $0xF  }
0x56e: {  	v14 =	vsel vm0, $0x1, v3  }
0x56f: {  	(xrf0) =	vadd.scan.msk.s32 $0xffff, v14;
	_ =	sdelay $0x5  }
0x570: {  	v14, _, _ =	vpop (xrf0)  }
0x571: {  	(v2sf) =	vpush v14, $0xF;
	_ =	sdelay $0x5  }
0x572: {  	s6 =	spop (v2sf)  }
0x573: {  	v14 =	vor.u32 v9, v12;
	s5 =	sadd.s32 s5, s6  }
0x574: {  	p2 =	slt.s32 s5, $0x100;
	s6 =	smov.u32 s5  }
0x575: {  	s6 =	simm.s32 @!p2 $0x100  }
0x576: {  	[tilespmem:s6+$0x18B10] =	vst.msk vm0, v13  }
0x577: {  	[tilespmem:s6+$0x18C20] =	vst.msk vm0, v15  }
0x578: {  	v13 =	vld.idx.msk [tilespmem:v14+s2+$0x0], $0xffff;
	_ =	sdelay $0x2  }
0x579: {  	s6 =	spop (v2sf)  }
0x57a: {  	v12 =	vor.u32 v10, v12;
	s5 =	sadd.s32 s5, s6  }
0x57b: {  	p2 =	slt.s32 s5, $0x100;
	s6 =	smov.u32 s5  }
0x57c: {  	vm0 =	vge.f32 v13, v11;
	s6 =	simm.s32 @!p2 $0x100  }
0x57d: {  	v15 =	vsel vm0, $0x1, v3;
	[tilespmem:s6+$0x18B10] =	vst.msk vm0, v13  }
0x57e: {  	[tilespmem:s6+$0x18C20] =	vst.msk vm0, v14;
	(xrf0) =	vadd.scan.msk.s32 $0xffff, v15  }
0x57f: {  	v13 =	vld.idx.msk [tilespmem:v12+s2+$0x0], $0xffff;
	_ =	sdelay $0x4  }
0x580: {  	v14, _, _ =	vpop (xrf0)  }
0x581: {  	vm0 =	vge.f32 v13, v11;
	(v2sf) =	vpush v14, $0xF  }
0x582: {  	v14 =	vsel vm0, $0x1, v3  }
0x583: {  	(xrf0) =	vadd.scan.msk.s32 $0xffff, v14;
	_ =	sdelay $0x5  }
0x584: {  	v14, _, _ =	vpop (xrf0)  }
0x585: {  	(v2sf) =	vpush v14, $0xF;
	_ =	sdelay $0x5  }
0x586: {  	s6 =	spop (v2sf)  }
0x587: {  	v14 =	vmov s4;
	s4 =	sadd.s32 s5, s6  }
0x588: {  	p2 =	slt.s32 s4, $0x100;
	s5 =	smov.u32 s4  }
0x589: {  	s5 =	simm.s32 @!p2 $0x100  }
0x58a: {  	[tilespmem:s5+$0x18B10] =	vst.msk vm0, v13  }
.Ltmp21:
0x58b: {  	[tilespmem:s5+$0x18C20] =	vst.msk vm0, v12;
	(pc) =	sbr.rel @p1 .LBB2_31-.Ltmp21, $2  }
0x58c: {  	v12 =	vld.idx.msk [tilespmem:v14+s28+$0x0], $0xffff;
	_ =	sdelay $0x2  }
0x58d: {  	s5 =	spop (v2sf)  }
.Ltmp22:
0x58e: {  	_ = 	snop;
	(pc) =	sbr.rel .LBB2_32-.Ltmp22, $1  }
0x58f: {  	_ =	sdelay $0x3  }
.LBB2_5:
.Ltmp23:
0x590: {  	(pc) =	sbr.rel .LBB2_8-.Ltmp23, $2  }
0x591: {  	_ =	sdelay $0x2  }
0x592: {  	_ = 	snop  }
.LBB2_13:
.Ltmp24:
0x593: {  	(pc) =	sbr.rel .LBB2_16-.Ltmp24, $2  }
0x594: {  	_ =	sdelay $0x2  }
0x595: {  	_ = 	snop  }
.LBB2_21:
.Ltmp25:
0x596: {  	(pc) =	sbr.rel .LBB2_24-.Ltmp25, $2  }
0x597: {  	_ =	sdelay $0x2  }
0x598: {  	_ = 	snop  }
.LBB2_34:
0x599: {  	_ =	sfence.sel $0x180000  }
0x59a: {  	[bflag:$0x0] =	sbarrier.arrive $0xFFFF  }
0x59b: {  	_ =	strace $0x90000047  }
0x59c: {  	s0 =	stileid.u32;
	[bflag:$0x2] =	sbarrier.arrive $0xFFFF  }
0x59d: {  	p0 =	sne.s32 s0, $0x0;
	s0 =	rddreg [dreg:$0x2]  }
0x59e: {  	s0 =	sadd.s32 @!p0 $0x100000, s0  }
0x59f: {  	[sflag:s0] =	ssyncadd.tile.s32 @!p0 $0x1;
	_ =	shalt  }
.Lfunc_end2:
_tile_overlayer_lowered:
.L_overlay_start_2:
0x5a0: {  	(tag) =	ssettag $0x2  }
0x5a1: {  	s0 =	rddreg [dreg:$0x0];
	s2 =	stileid.u32  }
0x5a2: {  	s1 =	rddreg [dreg:$0x1];
	p0 =	sne.s32 s2, $0x0  }
0x5a3: {  	s3 =	rddreg [dreg:$0x2];
	[bflag:$0x3] =	sbarrier.arrive $0xFFFF;
	s2 =	simm.s32 @!p0 $0x1C02  }
0x5a4: {  	[timem:s3], [sflag:s2] =	dma.local @!p0 [hbm:s0], s1  }
0x5a5: {  	s0 =	simm.s32 @!p0 $0x2  }
0x5a6: {  	_ =	swait.ge @!p0 [sflag:s0], s1  }
0x5a7: {  	s1 =	ssub.s32 @!p0 $0x0, s1;
	[sflag:s0] =	ssyncset.done @!p0 $0x0  }
0x5a8: {  	[sflag:s0] =	ssyncadd.s32 @!p0 s1  }
0x5a9: {  	[bflag:$0x3] =	sbarrier.arrive $0xFFFF  }
0x5aa: {  	_ =	shalt  }

</sc_bundles>
